<compile_context>
chip_gen: v7x
topology: tpu7x:2x2x1
jax: 0.10.2.dev20260603
libtpu: 0.0.44.dev20260713+nightly
codegen_flags: <defaults>
</compile_context>

<pallas_src>
import functools

import jax
import jax.numpy as jnp
from jax import lax
from jax.experimental import pallas as pl
from jax.experimental.pallas import tpu as pltpu
from jax.experimental.pallas import tpu_sc as plsc

N = 10000
E = 320000
D = 128

NC = 2
NS = 16
NW = NC * NS

CHUNK = 128
NCH = 79
EPT = NCH * CHUNK
EPAD = NW * EPT

NDEG = 10240
SLICE = NDEG // NS
PADROW = 10016

_mesh = plsc.VectorSubcoreMesh(core_axis_name="c", subcore_axis_name="s")


def _zero_vmem_1d(ref, n):
    z = jnp.zeros((16,), jnp.float32)

    def body(i, _):
        ref[pl.ds(i * 16, 16)] = z
        return 0

    lax.fori_loop(0, n // 16, body, 0)


@functools.partial(
    pl.kernel,
    out_type=jax.ShapeDtypeStruct((NC, NDEG), jnp.float32),
    mesh=_mesh,
    scratch_types=[
        pltpu.VMEM((CHUNK,), jnp.int32),
        pltpu.VMEM((CHUNK,), jnp.float32),
        pltpu.VMEM((SLICE,), jnp.float32),
        pltpu.VMEM_SHARED((NDEG,), jnp.float32),
    ],
)
def _sc_deg(dst_hbm, ew_hbm, out_hbm, idx_v, ew_v, z_v, shared_deg):
    c = lax.axis_index("c")
    s = lax.axis_index("s")
    wid = s * NC + c

    _zero_vmem_1d(z_v, SLICE)
    pltpu.sync_copy(z_v, shared_deg.at[pl.ds(s * SLICE, SLICE)])
    plsc.subcore_barrier()

    def chunk_body(j, _):
        base = wid * EPT + j * CHUNK
        pltpu.sync_copy(dst_hbm.at[pl.ds(base, CHUNK)], idx_v)
        pltpu.sync_copy(ew_hbm.at[pl.ds(base, CHUNK)], ew_v)
        pltpu.sync_copy(ew_v, shared_deg.at[idx_v], add=True)
        return 0

    lax.fori_loop(0, NCH, chunk_body, 0)
    plsc.subcore_barrier()

    pltpu.sync_copy(
        shared_deg.at[pl.ds(s * SLICE, SLICE)],
        out_hbm.at[c, pl.ds(s * SLICE, SLICE)],
    )


@functools.partial(
    pl.kernel,
    out_type=jax.ShapeDtypeStruct((NC, NDEG, D), jnp.float32),
    mesh=_mesh,
    scratch_types=[
        pltpu.VMEM((CHUNK,), jnp.int32),
        pltpu.VMEM((CHUNK,), jnp.int32),
        pltpu.VMEM((CHUNK,), jnp.float32),
        pltpu.VMEM((CHUNK, D), jnp.float32),
        pltpu.VMEM((64, D), jnp.float32),
        pltpu.VMEM_SHARED((NDEG, D), jnp.float32),
        pltpu.SemaphoreType.DMA,
    ],
)
def _sc_scatter(hn_hbm, src_hbm, dst_hbm, ew_hbm, out_hbm,
                sidx_v, didx_v, ew_v, rows_v, zrows_v, shared_acc, sem):
    c = lax.axis_index("c")
    s = lax.axis_index("s")
    wid = s * NC + c

    def zz(i, _):
        def zc(k, _):
            zrows_v[i, pl.ds(k * 16, 16)] = jnp.zeros((16,), jnp.float32)
            return 0
        lax.fori_loop(0, D // 16, zc, 0)
        return 0

    lax.fori_loop(0, 64, zz, 0)

    def zcopy(b, _):
        pltpu.sync_copy(
            zrows_v, shared_acc.at[pl.ds(s * SLICE + b * 64, 64), :]
        )
        return 0

    lax.fori_loop(0, SLICE // 64, zcopy, 0)
    plsc.subcore_barrier()

    def chunk_body(j, _):
        base = wid * EPT + j * CHUNK
        pltpu.sync_copy(src_hbm.at[pl.ds(base, CHUNK)], sidx_v)
        pltpu.sync_copy(dst_hbm.at[pl.ds(base, CHUNK)], didx_v)
        pltpu.sync_copy(ew_hbm.at[pl.ds(base, CHUNK)], ew_v)
        pltpu.async_copy(hn_hbm.at[sidx_v], rows_v, sem).wait()

        def scale(g, _):
            wv = ew_v[pl.ds(g * 16, 16)]
            for l in range(16):
                w = jnp.broadcast_to(wv[l], (16,))
                for k in range(D // 16):
                    sl = pl.ds(k * 16, 16)
                    rows_v[g * 16 + l, sl] = rows_v[g * 16 + l, sl] * w
            return 0

        lax.fori_loop(0, CHUNK // 16, scale, 0)
        pltpu.sync_copy(rows_v, shared_acc.at[didx_v], add=True)
        return 0

    lax.fori_loop(0, NCH, chunk_body, 0)
    plsc.subcore_barrier()

    pltpu.sync_copy(
        shared_acc.at[pl.ds(s * SLICE, SLICE), :],
        out_hbm.at[c, pl.ds(s * SLICE, SLICE), :],
    )


BN = 1024


def _dinv_from_degp(degp_ref):
    dp = degp_ref[:, pl.ds(pl.program_id(0) * BN, BN)]
    deg = dp[0] + dp[1] + 1.0
    return jnp.where(deg > 0, lax.rsqrt(deg), 0.0)


def _tc_first(x_ref, w_ref, degp_ref, hn_ref):
    h = jnp.dot(x_ref[...], w_ref[...], preferred_element_type=jnp.float32,
                precision=lax.Precision.HIGHEST)
    dinv = _dinv_from_degp(degp_ref)
    hn_ref[...] = h * dinv[:, None]


def _tc_mid(acc_ref, hn_ref, degp_ref, w_ref, b_ref, hn2_ref):
    dinv = _dinv_from_degp(degp_ref)
    total = acc_ref[0] + acc_ref[1] + hn_ref[...]
    out1 = jnp.maximum(dinv[:, None] * total + b_ref[...], 0.0)
    h2 = jnp.dot(out1, w_ref[...], preferred_element_type=jnp.float32,
                 precision=lax.Precision.HIGHEST)
    hn2_ref[...] = h2 * dinv[:, None]


def _tc_last(acc_ref, hn_ref, degp_ref, b_ref, out_ref):
    dinv = _dinv_from_degp(degp_ref)
    total = acc_ref[0] + acc_ref[1] + hn_ref[...]
    out_ref[...] = jnp.maximum(dinv[:, None] * total + b_ref[...], 0.0)


_node_spec = pl.BlockSpec((BN, D), lambda i: (i, 0))
_acc_spec = pl.BlockSpec((NC, BN, D), lambda i: (0, i, 0))
_degp_spec = pl.BlockSpec((NC, NDEG), lambda i: (0, 0))
_w_spec = pl.BlockSpec((D, D), lambda i: (0, 0))
_b_spec = pl.BlockSpec((1, D), lambda i: (0, 0))
_out_sds = jax.ShapeDtypeStruct((NDEG, D), jnp.float32)


def kernel(x, edge_index, edge_weight, batch, W1, b1, W2, b2):
    del batch
    src = edge_index[0].astype(jnp.int32)
    dst = edge_index[1].astype(jnp.int32)
    ew = edge_weight.astype(jnp.float32)

    pad = EPAD - E
    src_p = jnp.concatenate([src, jnp.zeros((pad,), jnp.int32)])
    dst_p = jnp.concatenate([dst, jnp.full((pad,), PADROW, jnp.int32)])
    ew_p = jnp.concatenate([ew, jnp.zeros((pad,), jnp.float32)])

    x_p = jnp.concatenate([x, jnp.zeros((NDEG - N, D), jnp.float32)])

    degp = _sc_deg(dst_p, ew_p)

    hn1 = pl.pallas_call(
        _tc_first,
        grid=(NDEG // BN,),
        in_specs=[_node_spec, _w_spec, _degp_spec],
        out_specs=_node_spec,
        out_shape=_out_sds,
    )(x_p, W1, degp)

    acc1 = _sc_scatter(hn1, src_p, dst_p, ew_p)

    hn2 = pl.pallas_call(
        _tc_mid,
        grid=(NDEG // BN,),
        in_specs=[_acc_spec, _node_spec, _degp_spec, _w_spec, _b_spec],
        out_specs=_node_spec,
        out_shape=_out_sds,
    )(acc1, hn1, degp, W2, b1.reshape(1, D))

    acc2 = _sc_scatter(hn2, src_p, dst_p, ew_p)

    out = pl.pallas_call(
        _tc_last,
        grid=(NDEG // BN,),
        in_specs=[_acc_spec, _node_spec, _degp_spec, _b_spec],
        out_specs=_node_spec,
        out_shape=_out_sds,
    )(acc2, hn2, degp, b2.reshape(1, D))

    return out[:N]

# --- scband reference (transcript-rebuilt; emitter-appended) ---
"""Pipeline reference for scband-gcnblock-2671469658280 (READ-ONLY COPY).

The authoritative reference and input builder live on the scoring server;
editing this copy changes nothing except your own understanding.
"""

import jax, jax.numpy as jnp
import numpy as np

N = 10000
E = 320000
D = 128


def setup_inputs(seed: int = 0) -> dict:
    key = jax.random.key(seed)
    ks = jax.random.split(key, 8)
    x = jax.random.normal(ks[0], (N, D), dtype=jnp.float32)
    edge_index = jax.random.randint(ks[1], (2, E), 0, N)
    edge_weight = jax.random.uniform(ks[2], (E,), dtype=jnp.float32)
    batch = jnp.sort(jax.random.randint(ks[3], (N,), 0, 16))
    scale = 1.0 / np.sqrt(D)
    W1 = jax.random.normal(ks[4], (D, D), dtype=jnp.float32) * scale
    b1 = jnp.zeros((D,), dtype=jnp.float32)
    W2 = jax.random.normal(ks[5], (D, D), dtype=jnp.float32) * scale
    b2 = jnp.zeros((D,), dtype=jnp.float32)
    return {"x": x, "edge_index": edge_index, "edge_weight": edge_weight, "batch": batch,
            "W1": W1, "b1": b1, "W2": W2, "b2": b2}


def _gcn_conv(x, src, dst, ew, W, b, n):
    # PyG GCNConv: h = X W; symmetric normalization with self-loops; scatter-add to dst; + bias
    h = x @ W
    deg = jnp.zeros((n,), dtype=x.dtype).at[dst].add(ew)
    dinv = jnp.where(deg > 0, deg ** -0.5, 0.0)
    norm = dinv[src] * ew * dinv[dst]
    msg = h[src] * norm[:, None]
    out = jnp.zeros_like(h).at[dst].add(msg)
    return out + b


def reference(x, edge_index, edge_weight, batch, W1, b1, W2, b2):
    n = x.shape[0]
    loop = jnp.arange(n)
    src = jnp.concatenate([edge_index[0], loop])
    dst = jnp.concatenate([edge_index[1], loop])
    ew = jnp.concatenate([edge_weight, jnp.ones((n,), dtype=x.dtype)])
    h = _gcn_conv(x, src, dst, ew, W1, b1, n)
    h = jax.nn.relu(h)  # dropout_rate=0.0 -> identity
    h = _gcn_conv(h, src, dst, ew, W2, b2, n)
    h = jax.nn.relu(h)
    return h

if __name__ == "__main__":
    import jax
    _d = setup_inputs()
    print(jax.jit(kernel)(*tuple(_d.values())))

</pallas_src>

<mosaic_0001>
#map = affine_map<(d0, d1) -> (0, 0)>
#map1 = affine_map<(d0, d1) -> (0)>
#map2 = affine_map<(d0, d1) -> (0, 0, 0)>
module attributes {stable_mosaic.version = 14 : i64} {
  func.func @_sc_scatter(%arg0: i32, %arg1: i32, %arg2: memref<10240x128xf32, #tpu.memory_space<hbm>>, %arg3: memref<323584xi32, #tpu.memory_space<hbm>>, %arg4: memref<323584xi32, #tpu.memory_space<hbm>>, %arg5: memref<323584xf32, #tpu.memory_space<hbm>>, %arg6: memref<2x10240x128xf32, #tpu.memory_space<hbm>>, %arg7: memref<128xi32, #tpu.memory_space<vmem>>, %arg8: memref<128xi32, #tpu.memory_space<vmem>>, %arg9: memref<128xf32, #tpu.memory_space<vmem>>, %arg10: memref<128x128xf32, #tpu.memory_space<vmem>>, %arg11: memref<64x128xf32, #tpu.memory_space<vmem>>, %arg12: memref<10240x128xf32, #tpu.memory_space<vmem_shared>>, %arg13: memref<!tpu.dma_semaphore, #tpu.memory_space<semaphore_mem>>) attributes {dimension_semantics = [#tpu.dimension_semantics<core_parallel>, #tpu.dimension_semantics<subcore_parallel>], iteration_bounds = array<i64: 2, 16>, scalar_prefetch = 0 : i64, scratch_operands = 7 : i64, tpu.core_type = #tpu.core_type<sc_vector_subcore>, window_params = [{transform_indices = #map}, {transform_indices = #map1}, {transform_indices = #map1}, {transform_indices = #map1}, {transform_indices = #map2}]} {
    %mul3A = arith.constant 2 : i32
    %mul3A_0 = arith.muli %arg1, %mul3A : i32
    %add3A = arith.addi %mul3A_0, %arg0 : i32
    %scan3A = arith.constant 0 : i32
    %scan3A_1 = arith.constant 0 : i32
    %scan3A_2 = arith.constant 64 : i32
    %scan3A_3 = arith.addi %scan3A_1, %scan3A_2 : i32
    %scan3A_4 = arith.constant 1 : i32
    %scan3A_5 = scf.for %scan3A_26 = %scan3A_1 to %scan3A_3 step %scan3A_4 iter_args(%scan3A_27 = %scan3A) -> (i32)  : i32 {
      %scan3A_28 = arith.constant 0 : i32
      %scan3A_29 = arith.constant 0 : i32
      %scan3A_30 = arith.constant 8 : i32
      %scan3A_31 = arith.addi %scan3A_29, %scan3A_30 : i32
      %scan3A_32 = arith.constant 1 : i32
      %scan3A_33 = scf.for %scan3A_36 = %scan3A_29 to %scan3A_31 step %scan3A_32 iter_args(%scan3A_37 = %scan3A_28) -> (i32)  : i32 {
        %broadcast_in_dim3A = arith.constant 0.000000e+00 : f32
        %broadcast_in_dim3A_38 = vector.broadcast %broadcast_in_dim3A : f32 to vector<16xf32>
        %mul3A_39 = arith.constant 16 : i32
        %mul3A_40 = arith.muli %scan3A_36, %mul3A_39 : i32
        %swap3A = arith.index_cast %scan3A_26 : i32 to index
        %swap3A_41 = arith.index_cast %mul3A_40 : i32 to index
        %swap3A_42 = tpu.vector_load %arg11[%swap3A, %swap3A_41] {strides = array<i32>} : memref<64x128xf32, #tpu.memory_space<vmem>>, vector<1x16xf32>,
        %swap3A_43 = vector.shape_cast %swap3A_42 : vector<1x16xf32> to vector<16xf32>
        %swap3A_44 = vector.shape_cast %broadcast_in_dim3A_38 : vector<16xf32> to vector<1x16xf32>
        tpu.vector_store %arg11[%swap3A, %swap3A_41], %swap3A_44 {strides = array<i32>} : memref<64x128xf32, #tpu.memory_space<vmem>>, vector<1x16xf32>,
        %scan3A_45 = arith.constant 0 : i32
        scf.yield %scan3A_45 : i32
      }
      %scan3A_34 = arith.constant 8 : i32
      %scan3A_35 = arith.constant 0 : i32
      scf.yield %scan3A_35 : i32
    }
    %scan3A_6 = arith.constant 64 : i32
    %scan3A_7 = arith.constant 0 : i32
    %scan3A_8 = arith.constant 0 : i32
    %scan3A_9 = arith.constant 10 : i32
    %scan3A_10 = arith.addi %scan3A_8, %scan3A_9 : i32
    %scan3A_11 = arith.constant 1 : i32
    %scan3A_12 = scf.for %scan3A_26 = %scan3A_8 to %scan3A_10 step %scan3A_11 iter_args(%scan3A_27 = %scan3A_7) -> (i32)  : i32 {
      %mul3A_28 = arith.constant 640 : i32
      %mul3A_29 = arith.muli %arg1, %mul3A_28 : i32
      %mul3A_30 = arith.constant 64 : i32
      %mul3A_31 = arith.muli %scan3A_26, %mul3A_30 : i32
      %add3A_32 = arith.addi %mul3A_29, %mul3A_31 : i32
      "tpu.region"() ({
        %run_scoped3A = tpu.sem_alloc : memref<!tpu.dma_semaphore, #tpu.memory_space<semaphore_mem>>
        %dma_start3A = arith.constant 0 : i32
        %dma_start3A_34 = tpu.memref_slice %arg12[%add3A_32, %dma_start3A] : memref<10240x128xf32, #tpu.memory_space<vmem_shared>> -> memref<64x128xf32, #tpu.memory_space<vmem_shared>>
        %dma_start3A_35 = arith.constant 0 : i32
        %dma_start3A_36 = tpu.memref_slice %arg12[%add3A_32, %dma_start3A_35] : memref<10240x128xf32, #tpu.memory_space<vmem_shared>> -> memref<64x128xf32, #tpu.memory_space<vmem_shared>>
        tpu.enqueue_dma source(%arg11 : memref<64x128xf32, #tpu.memory_space<vmem>>) target(%dma_start3A_36 : memref<64x128xf32, #tpu.memory_space<vmem_shared>>) target_semaphore(%run_scoped3A : memref<!tpu.dma_semaphore, #tpu.memory_space<semaphore_mem>>)
        %dma_wait3A = arith.constant 0 : i32
        %dma_wait3A_37 = tpu.memref_slice %arg12[%add3A_32, %dma_wait3A] : memref<10240x128xf32, #tpu.memory_space<vmem_shared>> -> memref<64x128xf32, #tpu.memory_space<vmem_shared>>
        %dma_wait3A_38 = arith.constant 0 : i32
        %dma_wait3A_39 = tpu.memref_slice %arg12[%add3A_32, %dma_wait3A_38] : memref<10240x128xf32, #tpu.memory_space<vmem_shared>> -> memref<64x128xf32, #tpu.memory_space<vmem_shared>>
        tpu.wait_dma2 semaphore(%run_scoped3A : memref<!tpu.dma_semaphore, #tpu.memory_space<semaphore_mem>>) src(%arg11 : memref<64x128xf32, #tpu.memory_space<vmem>>) dst(%dma_wait3A_39 : memref<64x128xf32, #tpu.memory_space<vmem_shared>>)
        tpu.yield
      }) : () -> ()
      %scan3A_33 = arith.constant 0 : i32
      scf.yield %scan3A_33 : i32
    }
    %scan3A_13 = arith.constant 10 : i32
    %barrier3A = arith.constant 0 : index
    tpu.barrier barrier_id(%barrier3A)
    %scan3A_14 = arith.constant 0 : i32
    %scan3A_15 = arith.constant 0 : i32
    %scan3A_16 = arith.constant 79 : i32
    %scan3A_17 = arith.addi %scan3A_15, %scan3A_16 : i32
    %scan3A_18 = arith.constant 1 : i32
    %scan3A_19 = scf.for %scan3A_26 = %scan3A_15 to %scan3A_17 step %scan3A_18 iter_args(%scan3A_27 = %scan3A_14) -> (i32)  : i32 {
      %mul3A_28 = arith.constant 10112 : i32
      %mul3A_29 = arith.muli %add3A, %mul3A_28 : i32
      %mul3A_30 = arith.constant 128 : i32
      %mul3A_31 = arith.muli %scan3A_26, %mul3A_30 : i32
      %add3A_32 = arith.addi %mul3A_29, %mul3A_31 : i32
      "tpu.region"() ({
        %run_scoped3A = tpu.sem_alloc : memref<!tpu.dma_semaphore, #tpu.memory_space<semaphore_mem>>
        %dma_start3A_45 = tpu.memref_slice %arg3[%add3A_32] : memref<323584xi32, #tpu.memory_space<hbm>> -> memref<128xi32, #tpu.memory_space<hbm>>
        %dma_start3A_46 = tpu.memref_slice %arg3[%add3A_32] : memref<323584xi32, #tpu.memory_space<hbm>> -> memref<128xi32, #tpu.memory_space<hbm>>
        tpu.enqueue_dma source(%dma_start3A_46 : memref<128xi32, #tpu.memory_space<hbm>>) target(%arg7 : memref<128xi32, #tpu.memory_space<vmem>>) target_semaphore(%run_scoped3A : memref<!tpu.dma_semaphore, #tpu.memory_space<semaphore_mem>>)
        %dma_wait3A_47 = tpu.memref_slice %arg3[%add3A_32] : memref<323584xi32, #tpu.memory_space<hbm>> -> memref<128xi32, #tpu.memory_space<hbm>>
        %dma_wait3A_48 = tpu.memref_slice %arg3[%add3A_32] : memref<323584xi32, #tpu.memory_space<hbm>> -> memref<128xi32, #tpu.memory_space<hbm>>
        tpu.wait_dma2 semaphore(%run_scoped3A : memref<!tpu.dma_semaphore, #tpu.memory_space<semaphore_mem>>) src(%dma_wait3A_48 : memref<128xi32, #tpu.memory_space<hbm>>) dst(%arg7 : memref<128xi32, #tpu.memory_space<vmem>>)
        tpu.yield
      }) : () -> ()
      "tpu.region"() ({
        %run_scoped3A = tpu.sem_alloc : memref<!tpu.dma_semaphore, #tpu.memory_space<semaphore_mem>>
        %dma_start3A_45 = tpu.memref_slice %arg4[%add3A_32] : memref<323584xi32, #tpu.memory_space<hbm>> -> memref<128xi32, #tpu.memory_space<hbm>>
        %dma_start3A_46 = tpu.memref_slice %arg4[%add3A_32] : memref<323584xi32, #tpu.memory_space<hbm>> -> memref<128xi32, #tpu.memory_space<hbm>>
        tpu.enqueue_dma source(%dma_start3A_46 : memref<128xi32, #tpu.memory_space<hbm>>) target(%arg8 : memref<128xi32, #tpu.memory_space<vmem>>) target_semaphore(%run_scoped3A : memref<!tpu.dma_semaphore, #tpu.memory_space<semaphore_mem>>)
        %dma_wait3A_47 = tpu.memref_slice %arg4[%add3A_32] : memref<323584xi32, #tpu.memory_space<hbm>> -> memref<128xi32, #tpu.memory_space<hbm>>
        %dma_wait3A_48 = tpu.memref_slice %arg4[%add3A_32] : memref<323584xi32, #tpu.memory_space<hbm>> -> memref<128xi32, #tpu.memory_space<hbm>>
        tpu.wait_dma2 semaphore(%run_scoped3A : memref<!tpu.dma_semaphore, #tpu.memory_space<semaphore_mem>>) src(%dma_wait3A_48 : memref<128xi32, #tpu.memory_space<hbm>>) dst(%arg8 : memref<128xi32, #tpu.memory_space<vmem>>)
        tpu.yield
      }) : () -> ()
      "tpu.region"() ({
        %run_scoped3A = tpu.sem_alloc : memref<!tpu.dma_semaphore, #tpu.memory_space<semaphore_mem>>
        %dma_start3A_45 = tpu.memref_slice %arg5[%add3A_32] : memref<323584xf32, #tpu.memory_space<hbm>> -> memref<128xf32, #tpu.memory_space<hbm>>
        %dma_start3A_46 = tpu.memref_slice %arg5[%add3A_32] : memref<323584xf32, #tpu.memory_space<hbm>> -> memref<128xf32, #tpu.memory_space<hbm>>
        tpu.enqueue_dma source(%dma_start3A_46 : memref<128xf32, #tpu.memory_space<hbm>>) target(%arg9 : memref<128xf32, #tpu.memory_space<vmem>>) target_semaphore(%run_scoped3A : memref<!tpu.dma_semaphore, #tpu.memory_space<semaphore_mem>>)
        %dma_wait3A_47 = tpu.memref_slice %arg5[%add3A_32] : memref<323584xf32, #tpu.memory_space<hbm>> -> memref<128xf32, #tpu.memory_space<hbm>>
        %dma_wait3A_48 = tpu.memref_slice %arg5[%add3A_32] : memref<323584xf32, #tpu.memory_space<hbm>> -> memref<128xf32, #tpu.memory_space<hbm>>
        tpu.wait_dma2 semaphore(%run_scoped3A : memref<!tpu.dma_semaphore, #tpu.memory_space<semaphore_mem>>) src(%dma_wait3A_48 : memref<128xf32, #tpu.memory_space<hbm>>) dst(%arg9 : memref<128xf32, #tpu.memory_space<vmem>>)
        tpu.yield
      }) : () -> ()
      %dma_start3A = arith.constant 0 : i32
      %dma_start3A_33 = arith.constant 0 : i32
      %dma_start3A_34 = tpu.memref_slice %arg2[%dma_start3A, %dma_start3A_33] : memref<10240x128xf32, #tpu.memory_space<hbm>> -> memref<10240x128xf32, #tpu.memory_space<hbm>>
      tpu.enqueue_indirect_dma source(%dma_start3A_34 : memref<10240x128xf32, #tpu.memory_space<hbm>>) target(%arg10 : memref<128x128xf32, #tpu.memory_space<vmem>>) offsets(%arg7 : memref<128xi32, #tpu.memory_space<vmem>>) semaphore(%arg13 : memref<!tpu.dma_semaphore, #tpu.memory_space<semaphore_mem>>)
      %dma_wait3A = arith.constant 0 : i32
      %dma_wait3A_35 = arith.constant 0 : i32
      %dma_wait3A_36 = tpu.memref_slice %arg2[%dma_wait3A, %dma_wait3A_35] : memref<10240x128xf32, #tpu.memory_space<hbm>> -> memref<10240x128xf32, #tpu.memory_space<hbm>>
      tpu.wait_indirect_dma semaphore(%arg13 : memref<!tpu.dma_semaphore, #tpu.memory_space<semaphore_mem>>) src(%dma_wait3A_36 : memref<10240x128xf32, #tpu.memory_space<hbm>>) dst(%arg10 : memref<128x128xf32, #tpu.memory_space<vmem>>)
      %scan3A_37 = arith.constant 0 : i32
      %scan3A_38 = arith.constant 0 : i32
      %scan3A_39 = arith.constant 8 : i32
      %scan3A_40 = arith.addi %scan3A_38, %scan3A_39 : i32
      %scan3A_41 = arith.constant 1 : i32
      %scan3A_42 = scf.for %scan3A_45 = %scan3A_38 to %scan3A_40 step %scan3A_41 iter_args(%scan3A_46 = %scan3A_37) -> (i32)  : i32 {
        %mul3A_47 = arith.constant 16 : i32
        %mul3A_48 = arith.muli %scan3A_45, %mul3A_47 : i32
        %get3A = arith.index_cast %mul3A_48 : i32 to index
        %get3A_49 = tpu.vector_load %arg9[%get3A] {strides = array<i32>} : memref<128xf32, #tpu.memory_space<vmem>>, vector<16xf32>,
        %get3A_50 = vector.shape_cast %get3A_49 : vector<16xf32> to vector<16xf32>
        %slice3A = vector.extract_strided_slice %get3A_50 {offsets = [0], sizes = [1], strides = [1]} : vector<16xf32> to vector<1xf32>
        %squeeze3A = vector.extract %slice3A[0] : f32 from vector<1xf32>
        %broadcast_in_dim3A = vector.broadcast %squeeze3A : f32 to vector<16xf32>
        %mul3A_51 = arith.constant 16 : i32
        %mul3A_52 = arith.muli %scan3A_45, %mul3A_51 : i32
        %add3A_53 = arith.constant 0 : i32
        %add3A_54 = arith.addi %mul3A_52, %add3A_53 : i32
        %get3A_55 = arith.index_cast %add3A_54 : i32 to index
        %get3A_56 = arith.constant 0 : index
        %get3A_57 = tpu.vector_load %arg10[%get3A_55, %get3A_56] {strides = array<i32>} : memref<128x128xf32, #tpu.memory_space<vmem>>, vector<1x16xf32>,
        %get3A_58 = vector.shape_cast %get3A_57 : vector<1x16xf32> to vector<16xf32>
        %mul3A_59 = arith.mulf %get3A_58, %broadcast_in_dim3A : vector<16xf32>
        %mul3A_60 = arith.constant 16 : i32
        %mul3A_61 = arith.muli %scan3A_45, %mul3A_60 : i32
        %add3A_62 = arith.constant 0 : i32
        %add3A_63 = arith.addi %mul3A_61, %add3A_62 : i32
        %swap3A = arith.index_cast %add3A_63 : i32 to index
        %swap3A_64 = arith.constant 0 : index
        %swap3A_65 = tpu.vector_load %arg10[%swap3A, %swap3A_64] {strides = array<i32>} : memref<128x128xf32, #tpu.memory_space<vmem>>, vector<1x16xf32>,
        %swap3A_66 = vector.shape_cast %swap3A_65 : vector<1x16xf32> to vector<16xf32>
        %swap3A_67 = vector.shape_cast %mul3A_59 : vector<16xf32> to vector<1x16xf32>
        tpu.vector_store %arg10[%swap3A, %swap3A_64], %swap3A_67 {strides = array<i32>} : memref<128x128xf32, #tpu.memory_space<vmem>>, vector<1x16xf32>,
        %mul3A_68 = arith.constant 16 : i32
        %mul3A_69 = arith.muli %scan3A_45, %mul3A_68 : i32
        %add3A_70 = arith.constant 0 : i32
        %add3A_71 = arith.addi %mul3A_69, %add3A_70 : i32
        %get3A_72 = arith.index_cast %add3A_71 : i32 to index
        %get3A_73 = arith.constant 16 : index
        %get3A_74 = tpu.vector_load %arg10[%get3A_72, %get3A_73] {strides = array<i32>} : memref<128x128xf32, #tpu.memory_space<vmem>>, vector<1x16xf32>,
        %get3A_75 = vector.shape_cast %get3A_74 : vector<1x16xf32> to vector<16xf32>
        %mul3A_76 = arith.mulf %get3A_75, %broadcast_in_dim3A : vector<16xf32>
        %mul3A_77 = arith.constant 16 : i32
        %mul3A_78 = arith.muli %scan3A_45, %mul3A_77 : i32
        %add3A_79 = arith.constant 0 : i32
        %add3A_80 = arith.addi %mul3A_78, %add3A_79 : i32
        %swap3A_81 = arith.index_cast %add3A_80 : i32 to index
        %swap3A_82 = arith.constant 16 : index
        %swap3A_83 = tpu.vector_load %arg10[%swap3A_81, %swap3A_82] {strides = array<i32>} : memref<128x128xf32, #tpu.memory_space<vmem>>, vector<1x16xf32>,
        %swap3A_84 = vector.shape_cast %swap3A_83 : vector<1x16xf32> to vector<16xf32>
        %swap3A_85 = vector.shape_cast %mul3A_76 : vector<16xf32> to vector<1x16xf32>
        tpu.vector_store %arg10[%swap3A_81, %swap3A_82], %swap3A_85 {strides = array<i32>} : memref<128x128xf32, #tpu.memory_space<vmem>>, vector<1x16xf32>,
        %mul3A_86 = arith.constant 16 : i32
        %mul3A_87 = arith.muli %scan3A_45, %mul3A_86 : i32
        %add3A_88 = arith.constant 0 : i32
        %add3A_89 = arith.addi %mul3A_87, %add3A_88 : i32
        %get3A_90 = arith.index_cast %add3A_89 : i32 to index
        %get3A_91 = arith.constant 32 : index
        %get3A_92 = tpu.vector_load %arg10[%get3A_90, %get3A_91] {strides = array<i32>} : memref<128x128xf32, #tpu.memory_space<vmem>>, vector<1x16xf32>,
        %get3A_93 = vector.shape_cast %get3A_92 : vector<1x16xf32> to vector<16xf32>
        %mul3A_94 = arith.mulf %get3A_93, %broadcast_in_dim3A : vector<16xf32>
        %mul3A_95 = arith.constant 16 : i32
        %mul3A_96 = arith.muli %scan3A_45, %mul3A_95 : i32
        %add3A_97 = arith.constant 0 : i32
        %add3A_98 = arith.addi %mul3A_96, %add3A_97 : i32
        %swap3A_99 = arith.index_cast %add3A_98 : i32 to index
        %swap3A_100 = arith.constant 32 : index
        %swap3A_101 = tpu.vector_load %arg10[%swap3A_99, %swap3A_100] {strides = array<i32>} : memref<128x128xf32, #tpu.memory_space<vmem>>, vector<1x16xf32>,
        %swap3A_102 = vector.shape_cast %swap3A_101 : vector<1x16xf32> to vector<16xf32>
        %swap3A_103 = vector.shape_cast %mul3A_94 : vector<16xf32> to vector<1x16xf32>
        tpu.vector_store %arg10[%swap3A_99, %swap3A_100], %swap3A_103 {strides = array<i32>} : memref<128x128xf32, #tpu.memory_space<vmem>>, vector<1x16xf32>,
        %mul3A_104 = arith.constant 16 : i32
        %mul3A_105 = arith.muli %scan3A_45, %mul3A_104 : i32
        %add3A_106 = arith.constant 0 : i32
        %add3A_107 = arith.addi %mul3A_105, %add3A_106 : i32
        %get3A_108 = arith.index_cast %add3A_107 : i32 to index
        %get3A_109 = arith.constant 48 : index
        %get3A_110 = tpu.vector_load %arg10[%get3A_108, %get3A_109] {strides = array<i32>} : memref<128x128xf32, #tpu.memory_space<vmem>>, vector<1x16xf32>,
        %get3A_111 = vector.shape_cast %get3A_110 : vector<1x16xf32> to vector<16xf32>
        %mul3A_112 = arith.mulf %get3A_111, %broadcast_in_dim3A : vector<16xf32>
        %mul3A_113 = arith.constant 16 : i32
        %mul3A_114 = arith.muli %scan3A_45, %mul3A_113 : i32
        %add3A_115 = arith.constant 0 : i32
        %add3A_116 = arith.addi %mul3A_114, %add3A_115 : i32
        %swap3A_117 = arith.index_cast %add3A_116 : i32 to index
        %swap3A_118 = arith.constant 48 : index
        %swap3A_119 = tpu.vector_load %arg10[%swap3A_117, %swap3A_118] {strides = array<i32>} : memref<128x128xf32, #tpu.memory_space<vmem>>, vector<1x16xf32>,
        %swap3A_120 = vector.shape_cast %swap3A_119 : vector<1x16xf32> to vector<16xf32>
        %swap3A_121 = vector.shape_cast %mul3A_112 : vector<16xf32> to vector<1x16xf32>
        tpu.vector_store %arg10[%swap3A_117, %swap3A_118], %swap3A_121 {strides = array<i32>} : memref<128x128xf32, #tpu.memory_space<vmem>>, vector<1x16xf32>,
        %mul3A_122 = arith.constant 16 : i32
        %mul3A_123 = arith.muli %scan3A_45, %mul3A_122 : i32
        %add3A_124 = arith.constant 0 : i32
        %add3A_125 = arith.addi %mul3A_123, %add3A_124 : i32
        %get3A_126 = arith.index_cast %add3A_125 : i32 to index
        %get3A_127 = arith.constant 64 : index
        %get3A_128 = tpu.vector_load %arg10[%get3A_126, %get3A_127] {strides = array<i32>} : memref<128x128xf32, #tpu.memory_space<vmem>>, vector<1x16xf32>,
        %get3A_129 = vector.shape_cast %get3A_128 : vector<1x16xf32> to vector<16xf32>
        %mul3A_130 = arith.mulf %get3A_129, %broadcast_in_dim3A : vector<16xf32>
        %mul3A_131 = arith.constant 16 : i32
        %mul3A_132 = arith.muli %scan3A_45, %mul3A_131 : i32
        %add3A_133 = arith.constant 0 : i32
        %add3A_134 = arith.addi %mul3A_132, %add3A_133 : i32
        %swap3A_135 = arith.index_cast %add3A_134 : i32 to index
        %swap3A_136 = arith.constant 64 : index
        %swap3A_137 = tpu.vector_load %arg10[%swap3A_135, %swap3A_136] {strides = array<i32>} : memref<128x128xf32, #tpu.memory_space<vmem>>, vector<1x16xf32>,
        %swap3A_138 = vector.shape_cast %swap3A_137 : vector<1x16xf32> to vector<16xf32>
        %swap3A_139 = vector.shape_cast %mul3A_130 : vector<16xf32> to vector<1x16xf32>
        tpu.vector_store %arg10[%swap3A_135, %swap3A_136], %swap3A_139 {strides = array<i32>} : memref<128x128xf32, #tpu.memory_space<vmem>>, vector<1x16xf32>,
        %mul3A_140 = arith.constant 16 : i32
        %mul3A_141 = arith.muli %scan3A_45, %mul3A_140 : i32
        %add3A_142 = arith.constant 0 : i32
        %add3A_143 = arith.addi %mul3A_141, %add3A_142 : i32
        %get3A_144 = arith.index_cast %add3A_143 : i32 to index
        %get3A_145 = arith.constant 80 : index
        %get3A_146 = tpu.vector_load %arg10[%get3A_144, %get3A_145] {strides = array<i32>} : memref<128x128xf32, #tpu.memory_space<vmem>>, vector<1x16xf32>,
        %get3A_147 = vector.shape_cast %get3A_146 : vector<1x16xf32> to vector<16xf32>
        %mul3A_148 = arith.mulf %get3A_147, %broadcast_in_dim3A : vector<16xf32>
        %mul3A_149 = arith.constant 16 : i32
        %mul3A_150 = arith.muli %scan3A_45, %mul3A_149 : i32
        %add3A_151 = arith.constant 0 : i32
        %add3A_152 = arith.addi %mul3A_150, %add3A_151 : i32
        %swap3A_153 = arith.index_cast %add3A_152 : i32 to index
        %swap3A_154 = arith.constant 80 : index
        %swap3A_155 = tpu.vector_load %arg10[%swap3A_153, %swap3A_154] {strides = array<i32>} : memref<128x128xf32, #tpu.memory_space<vmem>>, vector<1x16xf32>,
        %swap3A_156 = vector.shape_cast %swap3A_155 : vector<1x16xf32> to vector<16xf32>
        %swap3A_157 = vector.shape_cast %mul3A_148 : vector<16xf32> to vector<1x16xf32>
        tpu.vector_store %arg10[%swap3A_153, %swap3A_154], %swap3A_157 {strides = array<i32>} : memref<128x128xf32, #tpu.memory_space<vmem>>, vector<1x16xf32>,
        %mul3A_158 = arith.constant 16 : i32
        %mul3A_159 = arith.muli %scan3A_45, %mul3A_158 : i32
        %add3A_160 = arith.constant 0 : i32
        %add3A_161 = arith.addi %mul3A_159, %add3A_160 : i32
        %get3A_162 = arith.index_cast %add3A_161 : i32 to index
        %get3A_163 = arith.constant 96 : index
        %get3A_164 = tpu.vector_load %arg10[%get3A_162, %get3A_163] {strides = array<i32>} : memref<128x128xf32, #tpu.memory_space<vmem>>, vector<1x16xf32>,
        %get3A_165 = vector.shape_cast %get3A_164 : vector<1x16xf32> to vector<16xf32>
        %mul3A_166 = arith.mulf %get3A_165, %broadcast_in_dim3A : vector<16xf32>
        %mul3A_167 = arith.constant 16 : i32
        %mul3A_168 = arith.muli %scan3A_45, %mul3A_167 : i32
        %add3A_169 = arith.constant 0 : i32
        %add3A_170 = arith.addi %mul3A_168, %add3A_169 : i32
        %swap3A_171 = arith.index_cast %add3A_170 : i32 to index
        %swap3A_172 = arith.constant 96 : index
        %swap3A_173 = tpu.vector_load %arg10[%swap3A_171, %swap3A_172] {strides = array<i32>} : memref<128x128xf32, #tpu.memory_space<vmem>>, vector<1x16xf32>,
        %swap3A_174 = vector.shape_cast %swap3A_173 : vector<1x16xf32> to vector<16xf32>
        %swap3A_175 = vector.shape_cast %mul3A_166 : vector<16xf32> to vector<1x16xf32>
        tpu.vector_store %arg10[%swap3A_171, %swap3A_172], %swap3A_175 {strides = array<i32>} : memref<128x128xf32, #tpu.memory_space<vmem>>, vector<1x16xf32>,
        %mul3A_176 = arith.constant 16 : i32
        %mul3A_177 = arith.muli %scan3A_45, %mul3A_176 : i32
        %add3A_178 = arith.constant 0 : i32
        %add3A_179 = arith.addi %mul3A_177, %add3A_178 : i32
        %get3A_180 = arith.index_cast %add3A_179 : i32 to index
        %get3A_181 = arith.constant 112 : index
        %get3A_182 = tpu.vector_load %arg10[%get3A_180, %get3A_181] {strides = array<i32>} : memref<128x128xf32, #tpu.memory_space<vmem>>, vector<1x16xf32>,
        %get3A_183 = vector.shape_cast %get3A_182 : vector<1x16xf32> to vector<16xf32>
        %mul3A_184 = arith.mulf %get3A_183, %broadcast_in_dim3A : vector<16xf32>
        %mul3A_185 = arith.constant 16 : i32
        %mul3A_186 = arith.muli %scan3A_45, %mul3A_185 : i32
        %add3A_187 = arith.constant 0 : i32
        %add3A_188 = arith.addi %mul3A_186, %add3A_187 : i32
        %swap3A_189 = arith.index_cast %add3A_188 : i32 to index
        %swap3A_190 = arith.constant 112 : index
        %swap3A_191 = tpu.vector_load %arg10[%swap3A_189, %swap3A_190] {strides = array<i32>} : memref<128x128xf32, #tpu.memory_space<vmem>>, vector<1x16xf32>,
        %swap3A_192 = vector.shape_cast %swap3A_191 : vector<1x16xf32> to vector<16xf32>
        %swap3A_193 = vector.shape_cast %mul3A_184 : vector<16xf32> to vector<1x16xf32>
        tpu.vector_store %arg10[%swap3A_189, %swap3A_190], %swap3A_193 {strides = array<i32>} : memref<128x128xf32, #tpu.memory_space<vmem>>, vector<1x16xf32>,
        %slice3A_194 = vector.extract_strided_slice %get3A_50 {offsets = [1], sizes = [1], strides = [1]} : vector<16xf32> to vector<1xf32>
        %squeeze3A_195 = vector.extract %slice3A_194[0] : f32 from vector<1xf32>
        %broadcast_in_dim3A_196 = vector.broadcast %squeeze3A_195 : f32 to vector<16xf32>
        %mul3A_197 = arith.constant 16 : i32
        %mul3A_198 = arith.muli %scan3A_45, %mul3A_197 : i32
        %add3A_199 = arith.constant 1 : i32
        %add3A_200 = arith.addi %mul3A_198, %add3A_199 : i32
        %get3A_201 = arith.index_cast %add3A_200 : i32 to index
        %get3A_202 = arith.constant 0 : index
        %get3A_203 = tpu.vector_load %arg10[%get3A_201, %get3A_202] {strides = array<i32>} : memref<128x128xf32, #tpu.memory_space<vmem>>, vector<1x16xf32>,
        %get3A_204 = vector.shape_cast %get3A_203 : vector<1x16xf32> to vector<16xf32>
        %mul3A_205 = arith.mulf %get3A_204, %broadcast_in_dim3A_196 : vector<16xf32>
        %mul3A_206 = arith.constant 16 : i32
        %mul3A_207 = arith.muli %scan3A_45, %mul3A_206 : i32
        %add3A_208 = arith.constant 1 : i32
        %add3A_209 = arith.addi %mul3A_207, %add3A_208 : i32
        %swap3A_210 = arith.index_cast %add3A_209 : i32 to index
        %swap3A_211 = arith.constant 0 : index
        %swap3A_212 = tpu.vector_load %arg10[%swap3A_210, %swap3A_211] {strides = array<i32>} : memref<128x128xf32, #tpu.memory_space<vmem>>, vector<1x16xf32>,
        %swap3A_213 = vector.shape_cast %swap3A_212 : vector<1x16xf32> to vector<16xf32>
        %swap3A_214 = vector.shape_cast %mul3A_205 : vector<16xf32> to vector<1x16xf32>
        tpu.vector_store %arg10[%swap3A_210, %swap3A_211], %swap3A_214 {strides = array<i32>} : memref<128x128xf32, #tpu.memory_space<vmem>>, vector<1x16xf32>,
        %mul3A_215 = arith.constant 16 : i32
        %mul3A_216 = arith.muli %scan3A_45, %mul3A_215 : i32
        %add3A_217 = arith.constant 1 : i32
        %add3A_218 = arith.addi %mul3A_216, %add3A_217 : i32
        %get3A_219 = arith.index_cast %add3A_218 : i32 to index
        %get3A_220 = arith.constant 16 : index
        %get3A_221 = tpu.vector_load %arg10[%get3A_219, %get3A_220] {strides = array<i32>} : memref<128x128xf32, #tpu.memory_space<vmem>>, vector<1x16xf32>,
        %get3A_222 = vector.shape_cast %get3A_221 : vector<1x16xf32> to vector<16xf32>
        %mul3A_223 = arith.mulf %get3A_222, %broadcast_in_dim3A_196 : vector<16xf32>
        %mul3A_224 = arith.constant 16 : i32
        %mul3A_225 = arith.muli %scan3A_45, %mul3A_224 : i32
        %add3A_226 = arith.constant 1 : i32
        %add3A_227 = arith.addi %mul3A_225, %add3A_226 : i32
        %swap3A_228 = arith.index_cast %add3A_227 : i32 to index
        %swap3A_229 = arith.constant 16 : index
        %swap3A_230 = tpu.vector_load %arg10[%swap3A_228, %swap3A_229] {strides = array<i32>} : memref<128x128xf32, #tpu.memory_space<vmem>>, vector<1x16xf32>,
        %swap3A_231 = vector.shape_cast %swap3A_230 : vector<1x16xf32> to vector<16xf32>
        %swap3A_232 = vector.shape_cast %mul3A_223 : vector<16xf32> to vector<1x16xf32>
        tpu.vector_store %arg10[%swap3A_228, %swap3A_229], %swap3A_232 {strides = array<i32>} : memref<128x128xf32, #tpu.memory_space<vmem>>, vector<1x16xf32>,
        %mul3A_233 = arith.constant 16 : i32
        %mul3A_234 = arith.muli %scan3A_45, %mul3A_233 : i32
        %add3A_235 = arith.constant 1 : i32
        %add3A_236 = arith.addi %mul3A_234, %add3A_235 : i32
        %get3A_237 = arith.index_cast %add3A_236 : i32 to index
        %get3A_238 = arith.constant 32 : index
        %get3A_239 = tpu.vector_load %arg10[%get3A_237, %get3A_238] {strides = array<i32>} : memref<128x128xf32, #tpu.memory_space<vmem>>, vector<1x16xf32>,
        %get3A_240 = vector.shape_cast %get3A_239 : vector<1x16xf32> to vector<16xf32>
        %mul3A_241 = arith.mulf %get3A_240, %broadcast_in_dim3A_196 : vector<16xf32>
        %mul3A_242 = arith.constant 16 : i32
        %mul3A_243 = arith.muli %scan3A_45, %mul3A_242 : i32
        %add3A_244 = arith.constant 1 : i32
        %add3A_245 = arith.addi %mul3A_243, %add3A_244 : i32
        %swap3A_246 = arith.index_cast %add3A_245 : i32 to index
        %swap3A_247 = arith.constant 32 : index
        %swap3A_248 = tpu.vector_load %arg10[%swap3A_246, %swap3A_247] {strides = array<i32>} : memref<128x128xf32, #tpu.memory_space<vmem>>, vector<1x16xf32>,
        %swap3A_249 = vector.shape_cast %swap3A_248 : vector<1x16xf32> to vector<16xf32>
        %swap3A_250 = vector.shape_cast %mul3A_241 : vector<16xf32> to vector<1x16xf32>
        tpu.vector_store %arg10[%swap3A_246, %swap3A_247], %swap3A_250 {strides = array<i32>} : memref<128x128xf32, #tpu.memory_space<vmem>>, vector<1x16xf32>,
        %mul3A_251 = arith.constant 16 : i32
        %mul3A_252 = arith.muli %scan3A_45, %mul3A_251 : i32
        %add3A_253 = arith.constant 1 : i32
        %add3A_254 = arith.addi %mul3A_252, %add3A_253 : i32
        %get3A_255 = arith.index_cast %add3A_254 : i32 to index
        %get3A_256 = arith.constant 48 : index
        %get3A_257 = tpu.vector_load %arg10[%get3A_255, %get3A_256] {strides = array<i32>} : memref<128x128xf32, #tpu.memory_space<vmem>>, vector<1x16xf32>,
        %get3A_258 = vector.shape_cast %get3A_257 : vector<1x16xf32> to vector<16xf32>
        %mul3A_259 = arith.mulf %get3A_258, %broadcast_in_dim3A_196 : vector<16xf32>
        %mul3A_260 = arith.constant 16 : i32
        %mul3A_261 = arith.muli %scan3A_45, %mul3A_260 : i32
        %add3A_262 = arith.constant 1 : i32
        %add3A_263 = arith.addi %mul3A_261, %add3A_262 : i32
        %swap3A_264 = arith.index_cast %add3A_263 : i32 to index
        %swap3A_265 = arith.constant 48 : index
        %swap3A_266 = tpu.vector_load %arg10[%swap3A_264, %swap3A_265] {strides = array<i32>} : memref<128x128xf32, #tpu.memory_space<vmem>>, vector<1x16xf32>,
        %swap3A_267 = vector.shape_cast %swap3A_266 : vector<1x16xf32> to vector<16xf32>
        %swap3A_268 = vector.shape_cast %mul3A_259 : vector<16xf32> to vector<1x16xf32>
        tpu.vector_store %arg10[%swap3A_264, %swap3A_265], %swap3A_268 {strides = array<i32>} : memref<128x128xf32, #tpu.memory_space<vmem>>, vector<1x16xf32>,
        %mul3A_269 = arith.constant 16 : i32
        %mul3A_270 = arith.muli %scan3A_45, %mul3A_269 : i32
        %add3A_271 = arith.constant 1 : i32
        %add3A_272 = arith.addi %mul3A_270, %add3A_271 : i32
        %get3A_273 = arith.index_cast %add3A_272 : i32 to index
        %get3A_274 = arith.constant 64 : index
        %get3A_275 = tpu.vector_load %arg10[%get3A_273, %get3A_274] {strides = array<i32>} : memref<128x128xf32, #tpu.memory_space<vmem>>, vector<1x16xf32>,
        %get3A_276 = vector.shape_cast %get3A_275 : vector<1x16xf32> to vector<16xf32>
        %mul3A_277 = arith.mulf %get3A_276, %broadcast_in_dim3A_196 : vector<16xf32>
        %mul3A_278 = arith.constant 16 : i32
        %mul3A_279 = arith.muli %scan3A_45, %mul3A_278 : i32
        %add3A_280 = arith.constant 1 : i32
        %add3A_281 = arith.addi %mul3A_279, %add3A_280 : i32
        %swap3A_282 = arith.index_cast %add3A_281 : i32 to index
        %swap3A_283 = arith.constant 64 : index
        %swap3A_284 = tpu.vector_load %arg10[%swap3A_282, %swap3A_283] {strides = array<i32>} : memref<128x128xf32, #tpu.memory_space<vmem>>, vector<1x16xf32>,
        %swap3A_285 = vector.shape_cast %swap3A_284 : vector<1x16xf32> to vector<16xf32>
        %swap3A_286 = vector.shape_cast %mul3A_277 : vector<16xf32> to vector<1x16xf32>
        tpu.vector_store %arg10[%swap3A_282, %swap3A_283], %swap3A_286 {strides = array<i32>} : memref<128x128xf32, #tpu.memory_space<vmem>>, vector<1x16xf32>,
        %mul3A_287 = arith.constant 16 : i32
        %mul3A_288 = arith.muli %scan3A_45, %mul3A_287 : i32
        %add3A_289 = arith.constant 1 : i32
        %add3A_290 = arith.addi %mul3A_288, %add3A_289 : i32
        %get3A_291 = arith.index_cast %add3A_290 : i32 to index
        %get3A_292 = arith.constant 80 : index
        %get3A_293 = tpu.vector_load %arg10[%get3A_291, %get3A_292] {strides = array<i32>} : memref<128x128xf32, #tpu.memory_space<vmem>>, vector<1x16xf32>,
        %get3A_294 = vector.shape_cast %get3A_293 : vector<1x16xf32> to vector<16xf32>
        %mul3A_295 = arith.mulf %get3A_294, %broadcast_in_dim3A_196 : vector<16xf32>
        %mul3A_296 = arith.constant 16 : i32
        %mul3A_297 = arith.muli %scan3A_45, %mul3A_296 : i32
        %add3A_298 = arith.constant 1 : i32
        %add3A_299 = arith.addi %mul3A_297, %add3A_298 : i32
        %swap3A_300 = arith.index_cast %add3A_299 : i32 to index
        %swap3A_301 = arith.constant 80 : index
        %swap3A_302 = tpu.vector_load %arg10[%swap3A_300, %swap3A_301] {strides = array<i32>} : memref<128x128xf32, #tpu.memory_space<vmem>>, vector<1x16xf32>,
        %swap3A_303 = vector.shape_cast %swap3A_302 : vector<1x16xf32> to vector<16xf32>
        %swap3A_304 = vector.shape_cast %mul3A_295 : vector<16xf32> to vector<1x16xf32>
        tpu.vector_store %arg10[%swap3A_300, %swap3A_301], %swap3A_304 {strides = array<i32>} : memref<128x128xf32, #tpu.memory_space<vmem>>, vector<1x16xf32>,
        %mul3A_305 = arith.constant 16 : i32
        %mul3A_306 = arith.muli %scan3A_45, %mul3A_305 : i32
        %add3A_307 = arith.constant 1 : i32
        %add3A_308 = arith.addi %mul3A_306, %add3A_307 : i32
        %get3A_309 = arith.index_cast %add3A_308 : i32 to index
        %get3A_310 = arith.constant 96 : index
        %get3A_311 = tpu.vector_load %arg10[%get3A_309, %get3A_310] {strides = array<i32>} : memref<128x128xf32, #tpu.memory_space<vmem>>, vector<1x16xf32>,
        %get3A_312 = vector.shape_cast %get3A_311 : vector<1x16xf32> to vector<16xf32>
        %mul3A_313 = arith.mulf %get3A_312, %broadcast_in_dim3A_196 : vector<16xf32>
        %mul3A_314 = arith.constant 16 : i32
        %mul3A_315 = arith.muli %scan3A_45, %mul3A_314 : i32
        %add3A_316 = arith.constant 1 : i32
        %add3A_317 = arith.addi %mul3A_315, %add3A_316 : i32
        %swap3A_318 = arith.index_cast %add3A_317 : i32 to index
        %swap3A_319 = arith.constant 96 : index
        %swap3A_320 = tpu.vector_load %arg10[%swap3A_318, %swap3A_319] {strides = array<i32>} : memref<128x128xf32, #tpu.memory_space<vmem>>, vector<1x16xf32>,
        %swap3A_321 = vector.shape_cast %swap3A_320 : vector<1x16xf32> to vector<16xf32>
        %swap3A_322 = vector.shape_cast %mul3A_313 : vector<16xf32> to vector<1x16xf32>
        tpu.vector_store %arg10[%swap3A_318, %swap3A_319], %swap3A_322 {strides = array<i32>} : memref<128x128xf32, #tpu.memory_space<vmem>>, vector<1x16xf32>,
        %mul3A_323 = arith.constant 16 : i32
        %mul3A_324 = arith.muli %scan3A_45, %mul3A_323 : i32
        %add3A_325 = arith.constant 1 : i32
        %add3A_326 = arith.addi %mul3A_324, %add3A_325 : i32
        %get3A_327 = arith.index_cast %add3A_326 : i32 to index
        %get3A_328 = arith.constant 112 : index
        %get3A_329 = tpu.vector_load %arg10[%get3A_327, %get3A_328] {strides = array<i32>} : memref<128x128xf32, #tpu.memory_space<vmem>>, vector<1x16xf32>,
        %get3A_330 = vector.shape_cast %get3A_329 : vector<1x16xf32> to vector<16xf32>
        %mul3A_331 = arith.mulf %get3A_330, %broadcast_in_dim3A_196 : vector<16xf32>
        %mul3A_332 = arith.constant 16 : i32
        %mul3A_333 = arith.muli %scan3A_45, %mul3A_332 : i32
        %add3A_334 = arith.constant 1 : i32
        %add3A_335 = arith.addi %mul3A_333, %add3A_334 : i32
        %swap3A_336 = arith.index_cast %add3A_335 : i32 to index
        %swap3A_337 = arith.constant 112 : index
        %swap3A_338 = tpu.vector_load %arg10[%swap3A_336, %swap3A_337] {strides = array<i32>} : memref<128x128xf32, #tpu.memory_space<vmem>>, vector<1x16xf32>,
        %swap3A_339 = vector.shape_cast %swap3A_338 : vector<1x16xf32> to vector<16xf32>
        %swap3A_340 = vector.shape_cast %mul3A_331 : vector<16xf32> to vector<1x16xf32>
        tpu.vector_store %arg10[%swap3A_336, %swap3A_337], %swap3A_340 {strides = array<i32>} : memref<128x128xf32, #tpu.memory_space<vmem>>, vector<1x16xf32>,
        %slice3A_341 = vector.extract_strided_slice %get3A_50 {offsets = [2], sizes = [1], strides = [1]} : vector<16xf32> to vector<1xf32>
        %squeeze3A_342 = vector.extract %slice3A_341[0] : f32 from vector<1xf32>
        %broadcast_in_dim3A_343 = vector.broadcast %squeeze3A_342 : f32 to vector<16xf32>
        %mul3A_344 = arith.constant 16 : i32
        %mul3A_345 = arith.muli %scan3A_45, %mul3A_344 : i32
        %add3A_346 = arith.constant 2 : i32
        %add3A_347 = arith.addi %mul3A_345, %add3A_346 : i32
        %get3A_348 = arith.index_cast %add3A_347 : i32 to index
        %get3A_349 = arith.constant 0 : index
        %get3A_350 = tpu.vector_load %arg10[%get3A_348, %get3A_349] {strides = array<i32>} : memref<128x128xf32, #tpu.memory_space<vmem>>, vector<1x16xf32>,
        %get3A_351 = vector.shape_cast %get3A_350 : vector<1x16xf32> to vector<16xf32>
        %mul3A_352 = arith.mulf %get3A_351, %broadcast_in_dim3A_343 : vector<16xf32>
        %mul3A_353 = arith.constant 16 : i32
        %mul3A_354 = arith.muli %scan3A_45, %mul3A_353 : i32
        %add3A_355 = arith.constant 2 : i32
        %add3A_356 = arith.addi %mul3A_354, %add3A_355 : i32
        %swap3A_357 = arith.index_cast %add3A_356 : i32 to index
        %swap3A_358 = arith.constant 0 : index
        %swap3A_359 = tpu.vector_load %arg10[%swap3A_357, %swap3A_358] {strides = array<i32>} : memref<128x128xf32, #tpu.memory_space<vmem>>, vector<1x16xf32>,
        %swap3A_360 = vector.shape_cast %swap3A_359 : vector<1x16xf32> to vector<16xf32>
        %swap3A_361 = vector.shape_cast %mul3A_352 : vector<16xf32> to vector<1x16xf32>
        tpu.vector_store %arg10[%swap3A_357, %swap3A_358], %swap3A_361 {strides = array<i32>} : memref<128x128xf32, #tpu.memory_space<vmem>>, vector<1x16xf32>,
        %mul3A_362 = arith.constant 16 : i32
        %mul3A_363 = arith.muli %scan3A_45, %mul3A_362 : i32
        %add3A_364 = arith.constant 2 : i32
        %add3A_365 = arith.addi %mul3A_363, %add3A_364 : i32
        %get3A_366 = arith.index_cast %add3A_365 : i32 to index
        %get3A_367 = arith.constant 16 : index
        %get3A_368 = tpu.vector_load %arg10[%get3A_366, %get3A_367] {strides = array<i32>} : memref<128x128xf32, #tpu.memory_space<vmem>>, vector<1x16xf32>,
        %get3A_369 = vector.shape_cast %get3A_368 : vector<1x16xf32> to vector<16xf32>
        %mul3A_370 = arith.mulf %get3A_369, %broadcast_in_dim3A_343 : vector<16xf32>
        %mul3A_371 = arith.constant 16 : i32
        %mul3A_372 = arith.muli %scan3A_45, %mul3A_371 : i32
        %add3A_373 = arith.constant 2 : i32
        %add3A_374 = arith.addi %mul3A_372, %add3A_373 : i32
        %swap3A_375 = arith.index_cast %add3A_374 : i32 to index
        %swap3A_376 = arith.constant 16 : index
        %swap3A_377 = tpu.vector_load %arg10[%swap3A_375, %swap3A_376] {strides = array<i32>} : memref<128x128xf32, #tpu.memory_space<vmem>>, vector<1x16xf32>,
        %swap3A_378 = vector.shape_cast %swap3A_377 : vector<1x16xf32> to vector<16xf32>
        %swap3A_379 = vector.shape_cast %mul3A_370 : vector<16xf32> to vector<1x16xf32>
        tpu.vector_store %arg10[%swap3A_375, %swap3A_376], %swap3A_379 {strides = array<i32>} : memref<128x128xf32, #tpu.memory_space<vmem>>, vector<1x16xf32>,
        %mul3A_380 = arith.constant 16 : i32
        %mul3A_381 = arith.muli %scan3A_45, %mul3A_380 : i32
        %add3A_382 = arith.constant 2 : i32
        %add3A_383 = arith.addi %mul3A_381, %add3A_382 : i32
        %get3A_384 = arith.index_cast %add3A_383 : i32 to index
        %get3A_385 = arith.constant 32 : index
        %get3A_386 = tpu.vector_load %arg10[%get3A_384, %get3A_385] {strides = array<i32>} : memref<128x128xf32, #tpu.memory_space<vmem>>, vector<1x16xf32>,
        %get3A_387 = vector.shape_cast %get3A_386 : vector<1x16xf32> to vector<16xf32>
        %mul3A_388 = arith.mulf %get3A_387, %broadcast_in_dim3A_343 : vector<16xf32>
        %mul3A_389 = arith.constant 16 : i32
        %mul3A_390 = arith.muli %scan3A_45, %mul3A_389 : i32
        %add3A_391 = arith.constant 2 : i32
        %add3A_392 = arith.addi %mul3A_390, %add3A_391 : i32
        %swap3A_393 = arith.index_cast %add3A_392 : i32 to index
        %swap3A_394 = arith.constant 32 : index
        %swap3A_395 = tpu.vector_load %arg10[%swap3A_393, %swap3A_394] {strides = array<i32>} : memref<128x128xf32, #tpu.memory_space<vmem>>, vector<1x16xf32>,
        %swap3A_396 = vector.shape_cast %swap3A_395 : vector<1x16xf32> to vector<16xf32>
        %swap3A_397 = vector.shape_cast %mul3A_388 : vector<16xf32> to vector<1x16xf32>
        tpu.vector_store %arg10[%swap3A_393, %swap3A_394], %swap3A_397 {strides = array<i32>} : memref<128x128xf32, #tpu.memory_space<vmem>>, vector<1x16xf32>,
        %mul3A_398 = arith.constant 16 : i32
        %mul3A_399 = arith.muli %scan3A_45, %mul3A_398 : i32
        %add3A_400 = arith.constant 2 : i32
        %add3A_401 = arith.addi %mul3A_399, %add3A_400 : i32
        %get3A_402 = arith.index_cast %add3A_401 : i32 to index
        %get3A_403 = arith.constant 48 : index
        %get3A_404 = tpu.vector_load %arg10[%get3A_402, %get3A_403] {strides = array<i32>} : memref<128x128xf32, #tpu.memory_space<vmem>>, vector<1x16xf32>,
        %get3A_405 = vector.shape_cast %get3A_404 : vector<1x16xf32> to vector<16xf32>
        %mul3A_406 = arith.mulf %get3A_405, %broadcast_in_dim3A_343 : vector<16xf32>
        %mul3A_407 = arith.constant 16 : i32
        %mul3A_408 = arith.muli %scan3A_45, %mul3A_407 : i32
        %add3A_409 = arith.constant 2 : i32
        %add3A_410 = arith.addi %mul3A_408, %add3A_409 : i32
        %swap3A_411 = arith.index_cast %add3A_410 : i32 to index
        %swap3A_412 = arith.constant 48 : index
        %swap3A_413 = tpu.vector_load %arg10[%swap3A_411, %swap3A_412] {strides = array<i32>} : memref<128x128xf32, #tpu.memory_space<vmem>>, vector<1x16xf32>,
        %swap3A_414 = vector.shape_cast %swap3A_413 : vector<1x16xf32> to vector<16xf32>
        %swap3A_415 = vector.shape_cast %mul3A_406 : vector<16xf32> to vector<1x16xf32>
        tpu.vector_store %arg10[%swap3A_411, %swap3A_412], %swap3A_415 {strides = array<i32>} : memref<128x128xf32, #tpu.memory_space<vmem>>, vector<1x16xf32>,
        %mul3A_416 = arith.constant 16 : i32
        %mul3A_417 = arith.muli %scan3A_45, %mul3A_416 : i32
        %add3A_418 = arith.constant 2 : i32
        %add3A_419 = arith.addi %mul3A_417, %add3A_418 : i32
        %get3A_420 = arith.index_cast %add3A_419 : i32 to index
        %get3A_421 = arith.constant 64 : index
        %get3A_422 = tpu.vector_load %arg10[%get3A_420, %get3A_421] {strides = array<i32>} : memref<128x128xf32, #tpu.memory_space<vmem>>, vector<1x16xf32>,
        %get3A_423 = vector.shape_cast %get3A_422 : vector<1x16xf32> to vector<16xf32>
        %mul3A_424 = arith.mulf %get3A_423, %broadcast_in_dim3A_343 : vector<16xf32>
        %mul3A_425 = arith.constant 16 : i32
        %mul3A_426 = arith.muli %scan3A_45, %mul3A_425 : i32
        %add3A_427 = arith.constant 2 : i32
        %add3A_428 = arith.addi %mul3A_426, %add3A_427 : i32
        %swap3A_429 = arith.index_cast %add3A_428 : i32 to index
        %swap3A_430 = arith.constant 64 : index
        %swap3A_431 = tpu.vector_load %arg10[%swap3A_429, %swap3A_430] {strides = array<i32>} : memref<128x128xf32, #tpu.memory_space<vmem>>, vector<1x16xf32>,
        %swap3A_432 = vector.shape_cast %swap3A_431 : vector<1x16xf32> to vector<16xf32>
        %swap3A_433 = vector.shape_cast %mul3A_424 : vector<16xf32> to vector<1x16xf32>
        tpu.vector_store %arg10[%swap3A_429, %swap3A_430], %swap3A_433 {strides = array<i32>} : memref<128x128xf32, #tpu.memory_space<vmem>>, vector<1x16xf32>,
        %mul3A_434 = arith.constant 16 : i32
        %mul3A_435 = arith.muli %scan3A_45, %mul3A_434 : i32
        %add3A_436 = arith.constant 2 : i32
        %add3A_437 = arith.addi %mul3A_435, %add3A_436 : i32
        %get3A_438 = arith.index_cast %add3A_437 : i32 to index
        %get3A_439 = arith.constant 80 : index
        %get3A_440 = tpu.vector_load %arg10[%get3A_438, %get3A_439] {strides = array<i32>} : memref<128x128xf32, #tpu.memory_space<vmem>>, vector<1x16xf32>,
        %get3A_441 = vector.shape_cast %get3A_440 : vector<1x16xf32> to vector<16xf32>
        %mul3A_442 = arith.mulf %get3A_441, %broadcast_in_dim3A_343 : vector<16xf32>
        %mul3A_443 = arith.constant 16 : i32
        %mul3A_444 = arith.muli %scan3A_45, %mul3A_443 : i32
        %add3A_445 = arith.constant 2 : i32
        %add3A_446 = arith.addi %mul3A_444, %add3A_445 : i32
        %swap3A_447 = arith.index_cast %add3A_446 : i32 to index
        %swap3A_448 = arith.constant 80 : index
        %swap3A_449 = tpu.vector_load %arg10[%swap3A_447, %swap3A_448] {strides = array<i32>} : memref<128x128xf32, #tpu.memory_space<vmem>>, vector<1x16xf32>,
        %swap3A_450 = vector.shape_cast %swap3A_449 : vector<1x16xf32> to vector<16xf32>
        %swap3A_451 = vector.shape_cast %mul3A_442 : vector<16xf32> to vector<1x16xf32>
        tpu.vector_store %arg10[%swap3A_447, %swap3A_448], %swap3A_451 {strides = array<i32>} : memref<128x128xf32, #tpu.memory_space<vmem>>, vector<1x16xf32>,
        %mul3A_452 = arith.constant 16 : i32
        %mul3A_453 = arith.muli %scan3A_45, %mul3A_452 : i32
        %add3A_454 = arith.constant 2 : i32
        %add3A_455 = arith.addi %mul3A_453, %add3A_454 : i32
        %get3A_456 = arith.index_cast %add3A_455 : i32 to index
        %get3A_457 = arith.constant 96 : index
        %get3A_458 = tpu.vector_load %arg10[%get3A_456, %get3A_457] {strides = array<i32>} : memref<128x128xf32, #tpu.memory_space<vmem>>, vector<1x16xf32>,
        %get3A_459 = vector.shape_cast %get3A_458 : vector<1x16xf32> to vector<16xf32>
        %mul3A_460 = arith.mulf %get3A_459, %broadcast_in_dim3A_343 : vector<16xf32>
        %mul3A_461 = arith.constant 16 : i32
        %mul3A_462 = arith.muli %scan3A_45, %mul3A_461 : i32
        %add3A_463 = arith.constant 2 : i32
        %add3A_464 = arith.addi %mul3A_462, %add3A_463 : i32
        %swap3A_465 = arith.index_cast %add3A_464 : i32 to index
        %swap3A_466 = arith.constant 96 : index
        %swap3A_467 = tpu.vector_load %arg10[%swap3A_465, %swap3A_466] {strides = array<i32>} : memref<128x128xf32, #tpu.memory_space<vmem>>, vector<1x16xf32>,
        %swap3A_468 = vector.shape_cast %swap3A_467 : vector<1x16xf32> to vector<16xf32>
        %swap3A_469 = vector.shape_cast %mul3A_460 : vector<16xf32> to vector<1x16xf32>
        tpu.vector_store %arg10[%swap3A_465, %swap3A_466], %swap3A_469 {strides = array<i32>} : memref<128x128xf32, #tpu.memory_space<vmem>>, vector<1x16xf32>,
        %mul3A_470 = arith.constant 16 : i32
        %mul3A_471 = arith.muli %scan3A_45, %mul3A_470 : i32
        %add3A_472 = arith.constant 2 : i32
        %add3A_473 = arith.addi %mul3A_471, %add3A_472 : i32
        %get3A_474 = arith.index_cast %add3A_473 : i32 to index
        %get3A_475 = arith.constant 112 : index
        %get3A_476 = tpu.vector_load %arg10[%get3A_474, %get3A_475] {strides = array<i32>} : memref<128x128xf32, #tpu.memory_space<vmem>>, vector<1x16xf32>,
        %get3A_477 = vector.shape_cast %get3A_476 : vector<1x16xf32> to vector<16xf32>
        %mul3A_478 = arith.mulf %get3A_477, %broadcast_in_dim3A_343 : vector<16xf32>
        %mul3A_479 = arith.constant 16 : i32
        %mul3A_480 = arith.muli %scan3A_45, %mul3A_479 : i32
        %add3A_481 = arith.constant 2 : i32
        %add3A_482 = arith.addi %mul3A_480, %add3A_481 : i32
        %swap3A_483 = arith.index_cast %add3A_482 : i32 to index
        %swap3A_484 = arith.constant 112 : index
        %swap3A_485 = tpu.vector_load %arg10[%swap3A_483, %swap3A_484] {strides = array<i32>} : memref<128x128xf32, #tpu.memory_space<vmem>>, vector<1x16xf32>,
        %swap3A_486 = vector.shape_cast %swap3A_485 : vector<1x16xf32> to vector<16xf32>
        %swap3A_487 = vector.shape_cast %mul3A_478 : vector<16xf32> to vector<1x16xf32>
        tpu.vector_store %arg10[%swap3A_483, %swap3A_484], %swap3A_487 {strides = array<i32>} : memref<128x128xf32, #tpu.memory_space<vmem>>, vector<1x16xf32>,
        %slice3A_488 = vector.extract_strided_slice %get3A_50 {offsets = [3], sizes = [1], strides = [1]} : vector<16xf32> to vector<1xf32>
        %squeeze3A_489 = vector.extract %slice3A_488[0] : f32 from vector<1xf32>
        %broadcast_in_dim3A_490 = vector.broadcast %squeeze3A_489 : f32 to vector<16xf32>
        %mul3A_491 = arith.constant 16 : i32
        %mul3A_492 = arith.muli %scan3A_45, %mul3A_491 : i32
        %add3A_493 = arith.constant 3 : i32
        %add3A_494 = arith.addi %mul3A_492, %add3A_493 : i32
        %get3A_495 = arith.index_cast %add3A_494 : i32 to index
        %get3A_496 = arith.constant 0 : index
        %get3A_497 = tpu.vector_load %arg10[%get3A_495, %get3A_496] {strides = array<i32>} : memref<128x128xf32, #tpu.memory_space<vmem>>, vector<1x16xf32>,
        %get3A_498 = vector.shape_cast %get3A_497 : vector<1x16xf32> to vector<16xf32>
        %mul3A_499 = arith.mulf %get3A_498, %broadcast_in_dim3A_490 : vector<16xf32>
        %mul3A_500 = arith.constant 16 : i32
        %mul3A_501 = arith.muli %scan3A_45, %mul3A_500 : i32
        %add3A_502 = arith.constant 3 : i32
        %add3A_503 = arith.addi %mul3A_501, %add3A_502 : i32
        %swap3A_504 = arith.index_cast %add3A_503 : i32 to index
        %swap3A_505 = arith.constant 0 : index
        %swap3A_506 = tpu.vector_load %arg10[%swap3A_504, %swap3A_505] {strides = array<i32>} : memref<128x128xf32, #tpu.memory_space<vmem>>, vector<1x16xf32>,
        %swap3A_507 = vector.shape_cast %swap3A_506 : vector<1x16xf32> to vector<16xf32>
        %swap3A_508 = vector.shape_cast %mul3A_499 : vector<16xf32> to vector<1x16xf32>
        tpu.vector_store %arg10[%swap3A_504, %swap3A_505], %swap3A_508 {strides = array<i32>} : memref<128x128xf32, #tpu.memory_space<vmem>>, vector<1x16xf32>,
        %mul3A_509 = arith.constant 16 : i32
        %mul3A_510 = arith.muli %scan3A_45, %mul3A_509 : i32
        %add3A_511 = arith.constant 3 : i32
        %add3A_512 = arith.addi %mul3A_510, %add3A_511 : i32
        %get3A_513 = arith.index_cast %add3A_512 : i32 to index
        %get3A_514 = arith.constant 16 : index
        %get3A_515 = tpu.vector_load %arg10[%get3A_513, %get3A_514] {strides = array<i32>} : memref<128x128xf32, #tpu.memory_space<vmem>>, vector<1x16xf32>,
        %get3A_516 = vector.shape_cast %get3A_515 : vector<1x16xf32> to vector<16xf32>
        %mul3A_517 = arith.mulf %get3A_516, %broadcast_in_dim3A_490 : vector<16xf32>
        %mul3A_518 = arith.constant 16 : i32
        %mul3A_519 = arith.muli %scan3A_45, %mul3A_518 : i32
        %add3A_520 = arith.constant 3 : i32
        %add3A_521 = arith.addi %mul3A_519, %add3A_520 : i32
        %swap3A_522 = arith.index_cast %add3A_521 : i32 to index
        %swap3A_523 = arith.constant 16 : index
        %swap3A_524 = tpu.vector_load %arg10[%swap3A_522, %swap3A_523] {strides = array<i32>} : memref<128x128xf32, #tpu.memory_space<vmem>>, vector<1x16xf32>,
        %swap3A_525 = vector.shape_cast %swap3A_524 : vector<1x16xf32> to vector<16xf32>
        %swap3A_526 = vector.shape_cast %mul3A_517 : vector<16xf32> to vector<1x16xf32>
        tpu.vector_store %arg10[%swap3A_522, %swap3A_523], %swap3A_526 {strides = array<i32>} : memref<128x128xf32, #tpu.memory_space<vmem>>, vector<1x16xf32>,
        %mul3A_527 = arith.constant 16 : i32
        %mul3A_528 = arith.muli %scan3A_45, %mul3A_527 : i32
        %add3A_529 = arith.constant 3 : i32
        %add3A_530 = arith.addi %mul3A_528, %add3A_529 : i32
        %get3A_531 = arith.index_cast %add3A_530 : i32 to index
        %get3A_532 = arith.constant 32 : index
        %get3A_533 = tpu.vector_load %arg10[%get3A_531, %get3A_532] {strides = array<i32>} : memref<128x128xf32, #tpu.memory_space<vmem>>, vector<1x16xf32>,
        %get3A_534 = vector.shape_cast %get3A_533 : vector<1x16xf32> to vector<16xf32>
        %mul3A_535 = arith.mulf %get3A_534, %broadcast_in_dim3A_490 : vector<16xf32>
        %mul3A_536 = arith.constant 16 : i32
        %mul3A_537 = arith.muli %scan3A_45, %mul3A_536 : i32
        %add3A_538 = arith.constant 3 : i32
        %add3A_539 = arith.addi %mul3A_537, %add3A_538 : i32
        %swap3A_540 = arith.index_cast %add3A_539 : i32 to index
        %swap3A_541 = arith.constant 32 : index
        %swap3A_542 = tpu.vector_load %arg10[%swap3A_540, %swap3A_541] {strides = array<i32>} : memref<128x128xf32, #tpu.memory_space<vmem>>, vector<1x16xf32>,
        %swap3A_543 = vector.shape_cast %swap3A_542 : vector<1x16xf32> to vector<16xf32>
        %swap3A_544 = vector.shape_cast %mul3A_535 : vector<16xf32> to vector<1x16xf32>
        tpu.vector_store %arg10[%swap3A_540, %swap3A_541], %swap3A_544 {strides = array<i32>} : memref<128x128xf32, #tpu.memory_space<vmem>>, vector<1x16xf32>,
        %mul3A_545 = arith.constant 16 : i32
        %mul3A_546 = arith.muli %scan3A_45, %mul3A_545 : i32
        %add3A_547 = arith.constant 3 : i32
        %add3A_548 = arith.addi %mul3A_546, %add3A_547 : i32
        %get3A_549 = arith.index_cast %add3A_548 : i32 to index
        %get3A_550 = arith.constant 48 : index
        %get3A_551 = tpu.vector_load %arg10[%get3A_549, %get3A_550] {strides = array<i32>} : memref<128x128xf32, #tpu.memory_space<vmem>>, vector<1x16xf32>,
        %get3A_552 = vector.shape_cast %get3A_551 : vector<1x16xf32> to vector<16xf32>
        %mul3A_553 = arith.mulf %get3A_552, %broadcast_in_dim3A_490 : vector<16xf32>
        %mul3A_554 = arith.constant 16 : i32
        %mul3A_555 = arith.muli %scan3A_45, %mul3A_554 : i32
        %add3A_556 = arith.constant 3 : i32
        %add3A_557 = arith.addi %mul3A_555, %add3A_556 : i32
        %swap3A_558 = arith.index_cast %add3A_557 : i32 to index
        %swap3A_559 = arith.constant 48 : index
        %swap3A_560 = tpu.vector_load %arg10[%swap3A_558, %swap3A_559] {strides = array<i32>} : memref<128x128xf32, #tpu.memory_space<vmem>>, vector<1x16xf32>,
        %swap3A_561 = vector.shape_cast %swap3A_560 : vector<1x16xf32> to vector<16xf32>
        %swap3A_562 = vector.shape_cast %mul3A_553 : vector<16xf32> to vector<1x16xf32>
        tpu.vector_store %arg10[%swap3A_558, %swap3A_559], %swap3A_562 {strides = array<i32>} : memref<128x128xf32, #tpu.memory_space<vmem>>, vector<1x16xf32>,
        %mul3A_563 = arith.constant 16 : i32
        %mul3A_564 = arith.muli %scan3A_45, %mul3A_563 : i32
        %add3A_565 = arith.constant 3 : i32
        %add3A_566 = arith.addi %mul3A_564, %add3A_565 : i32
        %get3A_567 = arith.index_cast %add3A_566 : i32 to index
        %get3A_568 = arith.constant 64 : index
        %get3A_569 = tpu.vector_load %arg10[%get3A_567, %get3A_568] {strides = array<i32>} : memref<128x128xf32, #tpu.memory_space<vmem>>, vector<1x16xf32>,
        %get3A_570 = vector.shape_cast %get3A_569 : vector<1x16xf32> to vector<16xf32>
        %mul3A_571 = arith.mulf %get3A_570, %broadcast_in_dim3A_490 : vector<16xf32>
        %mul3A_572 = arith.constant 16 : i32
        %mul3A_573 = arith.muli %scan3A_45, %mul3A_572 : i32
        %add3A_574 = arith.constant 3 : i32
        %add3A_575 = arith.addi %mul3A_573, %add3A_574 : i32
        %swap3A_576 = arith.index_cast %add3A_575 : i32 to index
        %swap3A_577 = arith.constant 64 : index
        %swap3A_578 = tpu.vector_load %arg10[%swap3A_576, %swap3A_577] {strides = array<i32>} : memref<128x128xf32, #tpu.memory_space<vmem>>, vector<1x16xf32>,
        %swap3A_579 = vector.shape_cast %swap3A_578 : vector<1x16xf32> to vector<16xf32>
        %swap3A_580 = vector.shape_cast %mul3A_571 : vector<16xf32> to vector<1x16xf32>
        tpu.vector_store %arg10[%swap3A_576, %swap3A_577], %swap3A_580 {strides = array<i32>} : memref<128x128xf32, #tpu.memory_space<vmem>>, vector<1x16xf32>,
        %mul3A_581 = arith.constant 16 : i32
        %mul3A_582 = arith.muli %scan3A_45, %mul3A_581 : i32
        %add3A_583 = arith.constant 3 : i32
        %add3A_584 = arith.addi %mul3A_582, %add3A_583 : i32
        %get3A_585 = arith.index_cast %add3A_584 : i32 to index
        %get3A_586 = arith.constant 80 : index
        %get3A_587 = tpu.vector_load %arg10[%get3A_585, %get3A_586] {strides = array<i32>} : memref<128x128xf32, #tpu.memory_space<vmem>>, vector<1x16xf32>,
        %get3A_588 = vector.shape_cast %get3A_587 : vector<1x16xf32> to vector<16xf32>
        %mul3A_589 = arith.mulf %get3A_588, %broadcast_in_dim3A_490 : vector<16xf32>
        %mul3A_590 = arith.constant 16 : i32
        %mul3A_591 = arith.muli %scan3A_45, %mul3A_590 : i32
        %add3A_592 = arith.constant 3 : i32
        %add3A_593 = arith.addi %mul3A_591, %add3A_592 : i32
        %swap3A_594 = arith.index_cast %add3A_593 : i32 to index
        %swap3A_595 = arith.constant 80 : index
        %swap3A_596 = tpu.vector_load %arg10[%swap3A_594, %swap3A_595] {strides = array<i32>} : memref<128x128xf32, #tpu.memory_space<vmem>>, vector<1x16xf32>,
        %swap3A_597 = vector.shape_cast %swap3A_596 : vector<1x16xf32> to vector<16xf32>
        %swap3A_598 = vector.shape_cast %mul3A_589 : vector<16xf32> to vector<1x16xf32>
        tpu.vector_store %arg10[%swap3A_594, %swap3A_595], %swap3A_598 {strides = array<i32>} : memref<128x128xf32, #tpu.memory_space<vmem>>, vector<1x16xf32>,
        %mul3A_599 = arith.constant 16 : i32
        %mul3A_600 = arith.muli %scan3A_45, %mul3A_599 : i32
        %add3A_601 = arith.constant 3 : i32
        %add3A_602 = arith.addi %mul3A_600, %add3A_601 : i32
        %get3A_603 = arith.index_cast %add3A_602 : i32 to index
        %get3A_604 = arith.constant 96 : index
        %get3A_605 = tpu.vector_load %arg10[%get3A_603, %get3A_604] {strides = array<i32>} : memref<128x128xf32, #tpu.memory_space<vmem>>, vector<1x16xf32>,
        %get3A_606 = vector.shape_cast %get3A_605 : vector<1x16xf32> to vector<16xf32>
        %mul3A_607 = arith.mulf %get3A_606, %broadcast_in_dim3A_490 : vector<16xf32>
        %mul3A_608 = arith.constant 16 : i32
        %mul3A_609 = arith.muli %scan3A_45, %mul3A_608 : i32
        %add3A_610 = arith.constant 3 : i32
        %add3A_611 = arith.addi %mul3A_609, %add3A_610 : i32
        %swap3A_612 = arith.index_cast %add3A_611 : i32 to index
        %swap3A_613 = arith.constant 96 : index
        %swap3A_614 = tpu.vector_load %arg10[%swap3A_612, %swap3A_613] {strides = array<i32>} : memref<128x128xf32, #tpu.memory_space<vmem>>, vector<1x16xf32>,
        %swap3A_615 = vector.shape_cast %swap3A_614 : vector<1x16xf32> to vector<16xf32>
        %swap3A_616 = vector.shape_cast %mul3A_607 : vector<16xf32> to vector<1x16xf32>
        tpu.vector_store %arg10[%swap3A_612, %swap3A_613], %swap3A_616 {strides = array<i32>} : memref<128x128xf32, #tpu.memory_space<vmem>>, vector<1x16xf32>,
        %mul3A_617 = arith.constant 16 : i32
        %mul3A_618 = arith.muli %scan3A_45, %mul3A_617 : i32
        %add3A_619 = arith.constant 3 : i32
        %add3A_620 = arith.addi %mul3A_618, %add3A_619 : i32
        %get3A_621 = arith.index_cast %add3A_620 : i32 to index
        %get3A_622 = arith.constant 112 : index
        %get3A_623 = tpu.vector_load %arg10[%get3A_621, %get3A_622] {strides = array<i32>} : memref<128x128xf32, #tpu.memory_space<vmem>>, vector<1x16xf32>,
        %get3A_624 = vector.shape_cast %get3A_623 : vector<1x16xf32> to vector<16xf32>
        %mul3A_625 = arith.mulf %get3A_624, %broadcast_in_dim3A_490 : vector<16xf32>
        %mul3A_626 = arith.constant 16 : i32
        %mul3A_627 = arith.muli %scan3A_45, %mul3A_626 : i32
        %add3A_628 = arith.constant 3 : i32
        %add3A_629 = arith.addi %mul3A_627, %add3A_628 : i32
        %swap3A_630 = arith.index_cast %add3A_629 : i32 to index
        %swap3A_631 = arith.constant 112 : index
        %swap3A_632 = tpu.vector_load %arg10[%swap3A_630, %swap3A_631] {strides = array<i32>} : memref<128x128xf32, #tpu.memory_space<vmem>>, vector<1x16xf32>,
        %swap3A_633 = vector.shape_cast %swap3A_632 : vector<1x16xf32> to vector<16xf32>
        %swap3A_634 = vector.shape_cast %mul3A_625 : vector<16xf32> to vector<1x16xf32>
        tpu.vector_store %arg10[%swap3A_630, %swap3A_631], %swap3A_634 {strides = array<i32>} : memref<128x128xf32, #tpu.memory_space<vmem>>, vector<1x16xf32>,
        %slice3A_635 = vector.extract_strided_slice %get3A_50 {offsets = [4], sizes = [1], strides = [1]} : vector<16xf32> to vector<1xf32>
        %squeeze3A_636 = vector.extract %slice3A_635[0] : f32 from vector<1xf32>
        %broadcast_in_dim3A_637 = vector.broadcast %squeeze3A_636 : f32 to vector<16xf32>
        %mul3A_638 = arith.constant 16 : i32
        %mul3A_639 = arith.muli %scan3A_45, %mul3A_638 : i32
        %add3A_640 = arith.constant 4 : i32
        %add3A_641 = arith.addi %mul3A_639, %add3A_640 : i32
        %get3A_642 = arith.index_cast %add3A_641 : i32 to index
        %get3A_643 = arith.constant 0 : index
        %get3A_644 = tpu.vector_load %arg10[%get3A_642, %get3A_643] {strides = array<i32>} : memref<128x128xf32, #tpu.memory_space<vmem>>, vector<1x16xf32>,
        %get3A_645 = vector.shape_cast %get3A_644 : vector<1x16xf32> to vector<16xf32>
        %mul3A_646 = arith.mulf %get3A_645, %broadcast_in_dim3A_637 : vector<16xf32>
        %mul3A_647 = arith.constant 16 : i32
        %mul3A_648 = arith.muli %scan3A_45, %mul3A_647 : i32
        %add3A_649 = arith.constant 4 : i32
        %add3A_650 = arith.addi %mul3A_648, %add3A_649 : i32
        %swap3A_651 = arith.index_cast %add3A_650 : i32 to index
        %swap3A_652 = arith.constant 0 : index
        %swap3A_653 = tpu.vector_load %arg10[%swap3A_651, %swap3A_652] {strides = array<i32>} : memref<128x128xf32, #tpu.memory_space<vmem>>, vector<1x16xf32>,
        %swap3A_654 = vector.shape_cast %swap3A_653 : vector<1x16xf32> to vector<16xf32>
        %swap3A_655 = vector.shape_cast %mul3A_646 : vector<16xf32> to vector<1x16xf32>
        tpu.vector_store %arg10[%swap3A_651, %swap3A_652], %swap3A_655 {strides = array<i32>} : memref<128x128xf32, #tpu.memory_space<vmem>>, vector<1x16xf32>,
        %mul3A_656 = arith.constant 16 : i32
        %mul3A_657 = arith.muli %scan3A_45, %mul3A_656 : i32
        %add3A_658 = arith.constant 4 : i32
        %add3A_659 = arith.addi %mul3A_657, %add3A_658 : i32
        %get3A_660 = arith.index_cast %add3A_659 : i32 to index
        %get3A_661 = arith.constant 16 : index
        %get3A_662 = tpu.vector_load %arg10[%get3A_660, %get3A_661] {strides = array<i32>} : memref<128x128xf32, #tpu.memory_space<vmem>>, vector<1x16xf32>,
        %get3A_663 = vector.shape_cast %get3A_662 : vector<1x16xf32> to vector<16xf32>
        %mul3A_664 = arith.mulf %get3A_663, %broadcast_in_dim3A_637 : vector<16xf32>
        %mul3A_665 = arith.constant 16 : i32
        %mul3A_666 = arith.muli %scan3A_45, %mul3A_665 : i32
        %add3A_667 = arith.constant 4 : i32
        %add3A_668 = arith.addi %mul3A_666, %add3A_667 : i32
        %swap3A_669 = arith.index_cast %add3A_668 : i32 to index
        %swap3A_670 = arith.constant 16 : index
        %swap3A_671 = tpu.vector_load %arg10[%swap3A_669, %swap3A_670] {strides = array<i32>} : memref<128x128xf32, #tpu.memory_space<vmem>>, vector<1x16xf32>,
        %swap3A_672 = vector.shape_cast %swap3A_671 : vector<1x16xf32> to vector<16xf32>
        %swap3A_673 = vector.shape_cast %mul3A_664 : vector<16xf32> to vector<1x16xf32>
        tpu.vector_store %arg10[%swap3A_669, %swap3A_670], %swap3A_673 {strides = array<i32>} : memref<128x128xf32, #tpu.memory_space<vmem>>, vector<1x16xf32>,
        %mul3A_674 = arith.constant 16 : i32
        %mul3A_675 = arith.muli %scan3A_45, %mul3A_674 : i32
        %add3A_676 = arith.constant 4 : i32
        %add3A_677 = arith.addi %mul3A_675, %add3A_676 : i32
        %get3A_678 = arith.index_cast %add3A_677 : i32 to index
        %get3A_679 = arith.constant 32 : index
        %get3A_680 = tpu.vector_load %arg10[%get3A_678, %get3A_679] {strides = array<i32>} : memref<128x128xf32, #tpu.memory_space<vmem>>, vector<1x16xf32>,
        %get3A_681 = vector.shape_cast %get3A_680 : vector<1x16xf32> to vector<16xf32>
        %mul3A_682 = arith.mulf %get3A_681, %broadcast_in_dim3A_637 : vector<16xf32>
        %mul3A_683 = arith.constant 16 : i32
        %mul3A_684 = arith.muli %scan3A_45, %mul3A_683 : i32
        %add3A_685 = arith.constant 4 : i32
        %add3A_686 = arith.addi %mul3A_684, %add3A_685 : i32
        %swap3A_687 = arith.index_cast %add3A_686 : i32 to index
        %swap3A_688 = arith.constant 32 : index
        %swap3A_689 = tpu.vector_load %arg10[%swap3A_687, %swap3A_688] {strides = array<i32>} : memref<128x128xf32, #tpu.memory_space<vmem>>, vector<1x16xf32>,
        %swap3A_690 = vector.shape_cast %swap3A_689 : vector<1x16xf32> to vector<16xf32>
        %swap3A_691 = vector.shape_cast %mul3A_682 : vector<16xf32> to vector<1x16xf32>
        tpu.vector_store %arg10[%swap3A_687, %swap3A_688], %swap3A_691 {strides = array<i32>} : memref<128x128xf32, #tpu.memory_space<vmem>>, vector<1x16xf32>,
        %mul3A_692 = arith.constant 16 : i32
        %mul3A_693 = arith.muli %scan3A_45, %mul3A_692 : i32
        %add3A_694 = arith.constant 4 : i32
        %add3A_695 = arith.addi %mul3A_693, %add3A_694 : i32
        %get3A_696 = arith.index_cast %add3A_695 : i32 to index
        %get3A_697 = arith.constant 48 : index
        %get3A_698 = tpu.vector_load %arg10[%get3A_696, %get3A_697] {strides = array<i32>} : memref<128x128xf32, #tpu.memory_space<vmem>>, vector<1x16xf32>,
        %get3A_699 = vector.shape_cast %get3A_698 : vector<1x16xf32> to vector<16xf32>
        %mul3A_700 = arith.mulf %get3A_699, %broadcast_in_dim3A_637 : vector<16xf32>
        %mul3A_701 = arith.constant 16 : i32
        %mul3A_702 = arith.muli %scan3A_45, %mul3A_701 : i32
        %add3A_703 = arith.constant 4 : i32
        %add3A_704 = arith.addi %mul3A_702, %add3A_703 : i32
        %swap3A_705 = arith.index_cast %add3A_704 : i32 to index
        %swap3A_706 = arith.constant 48 : index
        %swap3A_707 = tpu.vector_load %arg10[%swap3A_705, %swap3A_706] {strides = array<i32>} : memref<128x128xf32, #tpu.memory_space<vmem>>, vector<1x16xf32>,
        %swap3A_708 = vector.shape_cast %swap3A_707 : vector<1x16xf32> to vector<16xf32>
        %swap3A_709 = vector.shape_cast %mul3A_700 : vector<16xf32> to vector<1x16xf32>
        tpu.vector_store %arg10[%swap3A_705, %swap3A_706], %swap3A_709 {strides = array<i32>} : memref<128x128xf32, #tpu.memory_space<vmem>>, vector<1x16xf32>,
        %mul3A_710 = arith.constant 16 : i32
        %mul3A_711 = arith.muli %scan3A_45, %mul3A_710 : i32
        %add3A_712 = arith.constant 4 : i32
        %add3A_713 = arith.addi %mul3A_711, %add3A_712 : i32
        %get3A_714 = arith.index_cast %add3A_713 : i32 to index
        %get3A_715 = arith.constant 64 : index
        %get3A_716 = tpu.vector_load %arg10[%get3A_714, %get3A_715] {strides = array<i32>} : memref<128x128xf32, #tpu.memory_space<vmem>>, vector<1x16xf32>,
        %get3A_717 = vector.shape_cast %get3A_716 : vector<1x16xf32> to vector<16xf32>
        %mul3A_718 = arith.mulf %get3A_717, %broadcast_in_dim3A_637 : vector<16xf32>
        %mul3A_719 = arith.constant 16 : i32
        %mul3A_720 = arith.muli %scan3A_45, %mul3A_719 : i32
        %add3A_721 = arith.constant 4 : i32
        %add3A_722 = arith.addi %mul3A_720, %add3A_721 : i32
        %swap3A_723 = arith.index_cast %add3A_722 : i32 to index
        %swap3A_724 = arith.constant 64 : index
        %swap3A_725 = tpu.vector_load %arg10[%swap3A_723, %swap3A_724] {strides = array<i32>} : memref<128x128xf32, #tpu.memory_space<vmem>>, vector<1x16xf32>,
        %swap3A_726 = vector.shape_cast %swap3A_725 : vector<1x16xf32> to vector<16xf32>
        %swap3A_727 = vector.shape_cast %mul3A_718 : vector<16xf32> to vector<1x16xf32>
        tpu.vector_store %arg10[%swap3A_723, %swap3A_724], %swap3A_727 {strides = array<i32>} : memref<128x128xf32, #tpu.memory_space<vmem>>, vector<1x16xf32>,
        %mul3A_728 = arith.constant 16 : i32
        %mul3A_729 = arith.muli %scan3A_45, %mul3A_728 : i32
        %add3A_730 = arith.constant 4 : i32
        %add3A_731 = arith.addi %mul3A_729, %add3A_730 : i32
        %get3A_732 = arith.index_cast %add3A_731 : i32 to index
        %get3A_733 = arith.constant 80 : index
        %get3A_734 = tpu.vector_load %arg10[%get3A_732, %get3A_733] {strides = array<i32>} : memref<128x128xf32, #tpu.memory_space<vmem>>, vector<1x16xf32>,
        %get3A_735 = vector.shape_cast %get3A_734 : vector<1x16xf32> to vector<16xf32>
        %mul3A_736 = arith.mulf %get3A_735, %broadcast_in_dim3A_637 : vector<16xf32>
        %mul3A_737 = arith.constant 16 : i32
        %mul3A_738 = arith.muli %scan3A_45, %mul3A_737 : i32
        %add3A_739 = arith.constant 4 : i32
        %add3A_740 = arith.addi %mul3A_738, %add3A_739 : i32
        %swap3A_741 = arith.index_cast %add3A_740 : i32 to index
        %swap3A_742 = arith.constant 80 : index
        %swap3A_743 = tpu.vector_load %arg10[%swap3A_741, %swap3A_742] {strides = array<i32>} : memref<128x128xf32, #tpu.memory_space<vmem>>, vector<1x16xf32>,
        %swap3A_744 = vector.shape_cast %swap3A_743 : vector<1x16xf32> to vector<16xf32>
        %swap3A_745 = vector.shape_cast %mul3A_736 : vector<16xf32> to vector<1x16xf32>
        tpu.vector_store %arg10[%swap3A_741, %swap3A_742], %swap3A_745 {strides = array<i32>} : memref<128x128xf32, #tpu.memory_space<vmem>>, vector<1x16xf32>,
        %mul3A_746 = arith.constant 16 : i32
        %mul3A_747 = arith.muli %scan3A_45, %mul3A_746 : i32
        %add3A_748 = arith.constant 4 : i32
        %add3A_749 = arith.addi %mul3A_747, %add3A_748 : i32
        %get3A_750 = arith.index_cast %add3A_749 : i32 to index
        %get3A_751 = arith.constant 96 : index
        %get3A_752 = tpu.vector_load %arg10[%get3A_750, %get3A_751] {strides = array<i32>} : memref<128x128xf32, #tpu.memory_space<vmem>>, vector<1x16xf32>,
        %get3A_753 = vector.shape_cast %get3A_752 : vector<1x16xf32> to vector<16xf32>
        %mul3A_754 = arith.mulf %get3A_753, %broadcast_in_dim3A_637 : vector<16xf32>
        %mul3A_755 = arith.constant 16 : i32
        %mul3A_756 = arith.muli %scan3A_45, %mul3A_755 : i32
        %add3A_757 = arith.constant 4 : i32
        %add3A_758 = arith.addi %mul3A_756, %add3A_757 : i32
        %swap3A_759 = arith.index_cast %add3A_758 : i32 to index
        %swap3A_760 = arith.constant 96 : index
        %swap3A_761 = tpu.vector_load %arg10[%swap3A_759, %swap3A_760] {strides = array<i32>} : memref<128x128xf32, #tpu.memory_space<vmem>>, vector<1x16xf32>,
        %swap3A_762 = vector.shape_cast %swap3A_761 : vector<1x16xf32> to vector<16xf32>
        %swap3A_763 = vector.shape_cast %mul3A_754 : vector<16xf32> to vector<1x16xf32>
        tpu.vector_store %arg10[%swap3A_759, %swap3A_760], %swap3A_763 {strides = array<i32>} : memref<128x128xf32, #tpu.memory_space<vmem>>, vector<1x16xf32>,
        %mul3A_764 = arith.constant 16 : i32
        %mul3A_765 = arith.muli %scan3A_45, %mul3A_764 : i32
        %add3A_766 = arith.constant 4 : i32
        %add3A_767 = arith.addi %mul3A_765, %add3A_766 : i32
        %get3A_768 = arith.index_cast %add3A_767 : i32 to index
        %get3A_769 = arith.constant 112 : index
        %get3A_770 = tpu.vector_load %arg10[%get3A_768, %get3A_769] {strides = array<i32>} : memref<128x128xf32, #tpu.memory_space<vmem>>, vector<1x16xf32>,
        %get3A_771 = vector.shape_cast %get3A_770 : vector<1x16xf32> to vector<16xf32>
        %mul3A_772 = arith.mulf %get3A_771, %broadcast_in_dim3A_637 : vector<16xf32>
        %mul3A_773 = arith.constant 16 : i32
        %mul3A_774 = arith.muli %scan3A_45, %mul3A_773 : i32
        %add3A_775 = arith.constant 4 : i32
        %add3A_776 = arith.addi %mul3A_774, %add3A_775 : i32
        %swap3A_777 = arith.index_cast %add3A_776 : i32 to index
        %swap3A_778 = arith.constant 112 : index
        %swap3A_779 = tpu.vector_load %arg10[%swap3A_777, %swap3A_778] {strides = array<i32>} : memref<128x128xf32, #tpu.memory_space<vmem>>, vector<1x16xf32>,
        %swap3A_780 = vector.shape_cast %swap3A_779 : vector<1x16xf32> to vector<16xf32>
        %swap3A_781 = vector.shape_cast %mul3A_772 : vector<16xf32> to vector<1x16xf32>
        tpu.vector_store %arg10[%swap3A_777, %swap3A_778], %swap3A_781 {strides = array<i32>} : memref<128x128xf32, #tpu.memory_space<vmem>>, vector<1x16xf32>,
        %slice3A_782 = vector.extract_strided_slice %get3A_50 {offsets = [5], sizes = [1], strides = [1]} : vector<16xf32> to vector<1xf32>
        %squeeze3A_783 = vector.extract %slice3A_782[0] : f32 from vector<1xf32>
        %broadcast_in_dim3A_784 = vector.broadcast %squeeze3A_783 : f32 to vector<16xf32>
        %mul3A_785 = arith.constant 16 : i32
        %mul3A_786 = arith.muli %scan3A_45, %mul3A_785 : i32
        %add3A_787 = arith.constant 5 : i32
        %add3A_788 = arith.addi %mul3A_786, %add3A_787 : i32
        %get3A_789 = arith.index_cast %add3A_788 : i32 to index
        %get3A_790 = arith.constant 0 : index
        %get3A_791 = tpu.vector_load %arg10[%get3A_789, %get3A_790] {strides = array<i32>} : memref<128x128xf32, #tpu.memory_space<vmem>>, vector<1x16xf32>,
        %get3A_792 = vector.shape_cast %get3A_791 : vector<1x16xf32> to vector<16xf32>
        %mul3A_793 = arith.mulf %get3A_792, %broadcast_in_dim3A_784 : vector<16xf32>
        %mul3A_794 = arith.constant 16 : i32
        %mul3A_795 = arith.muli %scan3A_45, %mul3A_794 : i32
        %add3A_796 = arith.constant 5 : i32
        %add3A_797 = arith.addi %mul3A_795, %add3A_796 : i32
        %swap3A_798 = arith.index_cast %add3A_797 : i32 to index
        %swap3A_799 = arith.constant 0 : index
        %swap3A_800 = tpu.vector_load %arg10[%swap3A_798, %swap3A_799] {strides = array<i32>} : memref<128x128xf32, #tpu.memory_space<vmem>>, vector<1x16xf32>,
        %swap3A_801 = vector.shape_cast %swap3A_800 : vector<1x16xf32> to vector<16xf32>
        %swap3A_802 = vector.shape_cast %mul3A_793 : vector<16xf32> to vector<1x16xf32>
        tpu.vector_store %arg10[%swap3A_798, %swap3A_799], %swap3A_802 {strides = array<i32>} : memref<128x128xf32, #tpu.memory_space<vmem>>, vector<1x16xf32>,
        %mul3A_803 = arith.constant 16 : i32
        %mul3A_804 = arith.muli %scan3A_45, %mul3A_803 : i32
        %add3A_805 = arith.constant 5 : i32
        %add3A_806 = arith.addi %mul3A_804, %add3A_805 : i32
        %get3A_807 = arith.index_cast %add3A_806 : i32 to index
        %get3A_808 = arith.constant 16 : index
        %get3A_809 = tpu.vector_load %arg10[%get3A_807, %get3A_808] {strides = array<i32>} : memref<128x128xf32, #tpu.memory_space<vmem>>, vector<1x16xf32>,
        %get3A_810 = vector.shape_cast %get3A_809 : vector<1x16xf32> to vector<16xf32>
        %mul3A_811 = arith.mulf %get3A_810, %broadcast_in_dim3A_784 : vector<16xf32>
        %mul3A_812 = arith.constant 16 : i32
        %mul3A_813 = arith.muli %scan3A_45, %mul3A_812 : i32
        %add3A_814 = arith.constant 5 : i32
        %add3A_815 = arith.addi %mul3A_813, %add3A_814 : i32
        %swap3A_816 = arith.index_cast %add3A_815 : i32 to index
        %swap3A_817 = arith.constant 16 : index
        %swap3A_818 = tpu.vector_load %arg10[%swap3A_816, %swap3A_817] {strides = array<i32>} : memref<128x128xf32, #tpu.memory_space<vmem>>, vector<1x16xf32>,
        %swap3A_819 = vector.shape_cast %swap3A_818 : vector<1x16xf32> to vector<16xf32>
        %swap3A_820 = vector.shape_cast %mul3A_811 : vector<16xf32> to vector<1x16xf32>
        tpu.vector_store %arg10[%swap3A_816, %swap3A_817], %swap3A_820 {strides = array<i32>} : memref<128x128xf32, #tpu.memory_space<vmem>>, vector<1x16xf32>,
        %mul3A_821 = arith.constant 16 : i32
        %mul3A_822 = arith.muli %scan3A_45, %mul3A_821 : i32
        %add3A_823 = arith.constant 5 : i32
        %add3A_824 = arith.addi %mul3A_822, %add3A_823 : i32
        %get3A_825 = arith.index_cast %add3A_824 : i32 to index
        %get3A_826 = arith.constant 32 : index
        %get3A_827 = tpu.vector_load %arg10[%get3A_825, %get3A_826] {strides = array<i32>} : memref<128x128xf32, #tpu.memory_space<vmem>>, vector<1x16xf32>,
        %get3A_828 = vector.shape_cast %get3A_827 : vector<1x16xf32> to vector<16xf32>
        %mul3A_829 = arith.mulf %get3A_828, %broadcast_in_dim3A_784 : vector<16xf32>
        %mul3A_830 = arith.constant 16 : i32
        %mul3A_831 = arith.muli %scan3A_45, %mul3A_830 : i32
        %add3A_832 = arith.constant 5 : i32
        %add3A_833 = arith.addi %mul3A_831, %add3A_832 : i32
        %swap3A_834 = arith.index_cast %add3A_833 : i32 to index
        %swap3A_835 = arith.constant 32 : index
        %swap3A_836 = tpu.vector_load %arg10[%swap3A_834, %swap3A_835] {strides = array<i32>} : memref<128x128xf32, #tpu.memory_space<vmem>>, vector<1x16xf32>,
        %swap3A_837 = vector.shape_cast %swap3A_836 : vector<1x16xf32> to vector<16xf32>
        %swap3A_838 = vector.shape_cast %mul3A_829 : vector<16xf32> to vector<1x16xf32>
        tpu.vector_store %arg10[%swap3A_834, %swap3A_835], %swap3A_838 {strides = array<i32>} : memref<128x128xf32, #tpu.memory_space<vmem>>, vector<1x16xf32>,
        %mul3A_839 = arith.constant 16 : i32
        %mul3A_840 = arith.muli %scan3A_45, %mul3A_839 : i32
        %add3A_841 = arith.constant 5 : i32
        %add3A_842 = arith.addi %mul3A_840, %add3A_841 : i32
        %get3A_843 = arith.index_cast %add3A_842 : i32 to index
        %get3A_844 = arith.constant 48 : index
        %get3A_845 = tpu.vector_load %arg10[%get3A_843, %get3A_844] {strides = array<i32>} : memref<128x128xf32, #tpu.memory_space<vmem>>, vector<1x16xf32>,
        %get3A_846 = vector.shape_cast %get3A_845 : vector<1x16xf32> to vector<16xf32>
        %mul3A_847 = arith.mulf %get3A_846, %broadcast_in_dim3A_784 : vector<16xf32>
        %mul3A_848 = arith.constant 16 : i32
        %mul3A_849 = arith.muli %scan3A_45, %mul3A_848 : i32
        %add3A_850 = arith.constant 5 : i32
        %add3A_851 = arith.addi %mul3A_849, %add3A_850 : i32
        %swap3A_852 = arith.index_cast %add3A_851 : i32 to index
        %swap3A_853 = arith.constant 48 : index
        %swap3A_854 = tpu.vector_load %arg10[%swap3A_852, %swap3A_853] {strides = array<i32>} : memref<128x128xf32, #tpu.memory_space<vmem>>, vector<1x16xf32>,
        %swap3A_855 = vector.shape_cast %swap3A_854 : vector<1x16xf32> to vector<16xf32>
        %swap3A_856 = vector.shape_cast %mul3A_847 : vector<16xf32> to vector<1x16xf32>
        tpu.vector_store %arg10[%swap3A_852, %swap3A_853], %swap3A_856 {strides = array<i32>} : memref<128x128xf32, #tpu.memory_space<vmem>>, vector<1x16xf32>,
        %mul3A_857 = arith.constant 16 : i32
        %mul3A_858 = arith.muli %scan3A_45, %mul3A_857 : i32
        %add3A_859 = arith.constant 5 : i32
        %add3A_860 = arith.addi %mul3A_858, %add3A_859 : i32
        %get3A_861 = arith.index_cast %add3A_860 : i32 to index
        %get3A_862 = arith.constant 64 : index
        %get3A_863 = tpu.vector_load %arg10[%get3A_861, %get3A_862] {strides = array<i32>} : memref<128x128xf32, #tpu.memory_space<vmem>>, vector<1x16xf32>,
        %get3A_864 = vector.shape_cast %get3A_863 : vector<1x16xf32> to vector<16xf32>
        %mul3A_865 = arith.mulf %get3A_864, %broadcast_in_dim3A_784 : vector<16xf32>
        %mul3A_866 = arith.constant 16 : i32
        %mul3A_867 = arith.muli %scan3A_45, %mul3A_866 : i32
        %add3A_868 = arith.constant 5 : i32
        %add3A_869 = arith.addi %mul3A_867, %add3A_868 : i32
        %swap3A_870 = arith.index_cast %add3A_869 : i32 to index
        %swap3A_871 = arith.constant 64 : index
        %swap3A_872 = tpu.vector_load %arg10[%swap3A_870, %swap3A_871] {strides = array<i32>} : memref<128x128xf32, #tpu.memory_space<vmem>>, vector<1x16xf32>,
        %swap3A_873 = vector.shape_cast %swap3A_872 : vector<1x16xf32> to vector<16xf32>
        %swap3A_874 = vector.shape_cast %mul3A_865 : vector<16xf32> to vector<1x16xf32>
        tpu.vector_store %arg10[%swap3A_870, %swap3A_871], %swap3A_874 {strides = array<i32>} : memref<128x128xf32, #tpu.memory_space<vmem>>, vector<1x16xf32>,
        %mul3A_875 = arith.constant 16 : i32
        %mul3A_876 = arith.muli %scan3A_45, %mul3A_875 : i32
        %add3A_877 = arith.constant 5 : i32
        %add3A_878 = arith.addi %mul3A_876, %add3A_877 : i32
        %get3A_879 = arith.index_cast %add3A_878 : i32 to index
        %get3A_880 = arith.constant 80 : index
        %get3A_881 = tpu.vector_load %arg10[%get3A_879, %get3A_880] {strides = array<i32>} : memref<128x128xf32, #tpu.memory_space<vmem>>, vector<1x16xf32>,
        %get3A_882 = vector.shape_cast %get3A_881 : vector<1x16xf32> to vector<16xf32>
        %mul3A_883 = arith.mulf %get3A_882, %broadcast_in_dim3A_784 : vector<16xf32>
        %mul3A_884 = arith.constant 16 : i32
        %mul3A_885 = arith.muli %scan3A_45, %mul3A_884 : i32
        %add3A_886 = arith.constant 5 : i32
        %add3A_887 = arith.addi %mul3A_885, %add3A_886 : i32
        %swap3A_888 = arith.index_cast %add3A_887 : i32 to index
        %swap3A_889 = arith.constant 80 : index
        %swap3A_890 = tpu.vector_load %arg10[%swap3A_888, %swap3A_889] {strides = array<i32>} : memref<128x128xf32, #tpu.memory_space<vmem>>, vector<1x16xf32>,
        %swap3A_891 = vector.shape_cast %swap3A_890 : vector<1x16xf32> to vector<16xf32>
        %swap3A_892 = vector.shape_cast %mul3A_883 : vector<16xf32> to vector<1x16xf32>
        tpu.vector_store %arg10[%swap3A_888, %swap3A_889], %swap3A_892 {strides = array<i32>} : memref<128x128xf32, #tpu.memory_space<vmem>>, vector<1x16xf32>,
        %mul3A_893 = arith.constant 16 : i32
        %mul3A_894 = arith.muli %scan3A_45, %mul3A_893 : i32
        %add3A_895 = arith.constant 5 : i32
        %add3A_896 = arith.addi %mul3A_894, %add3A_895 : i32
        %get3A_897 = arith.index_cast %add3A_896 : i32 to index
        %get3A_898 = arith.constant 96 : index
        %get3A_899 = tpu.vector_load %arg10[%get3A_897, %get3A_898] {strides = array<i32>} : memref<128x128xf32, #tpu.memory_space<vmem>>, vector<1x16xf32>,
        %get3A_900 = vector.shape_cast %get3A_899 : vector<1x16xf32> to vector<16xf32>
        %mul3A_901 = arith.mulf %get3A_900, %broadcast_in_dim3A_784 : vector<16xf32>
        %mul3A_902 = arith.constant 16 : i32
        %mul3A_903 = arith.muli %scan3A_45, %mul3A_902 : i32
        %add3A_904 = arith.constant 5 : i32
        %add3A_905 = arith.addi %mul3A_903, %add3A_904 : i32
        %swap3A_906 = arith.index_cast %add3A_905 : i32 to index
        %swap3A_907 = arith.constant 96 : index
        %swap3A_908 = tpu.vector_load %arg10[%swap3A_906, %swap3A_907] {strides = array<i32>} : memref<128x128xf32, #tpu.memory_space<vmem>>, vector<1x16xf32>,
        %swap3A_909 = vector.shape_cast %swap3A_908 : vector<1x16xf32> to vector<16xf32>
        %swap3A_910 = vector.shape_cast %mul3A_901 : vector<16xf32> to vector<1x16xf32>
        tpu.vector_store %arg10[%swap3A_906, %swap3A_907], %swap3A_910 {strides = array<i32>} : memref<128x128xf32, #tpu.memory_space<vmem>>, vector<1x16xf32>,
        %mul3A_911 = arith.constant 16 : i32
        %mul3A_912 = arith.muli %scan3A_45, %mul3A_911 : i32
        %add3A_913 = arith.constant 5 : i32
        %add3A_914 = arith.addi %mul3A_912, %add3A_913 : i32
        %get3A_915 = arith.index_cast %add3A_914 : i32 to index
        %get3A_916 = arith.constant 112 : index
        %get3A_917 = tpu.vector_load %arg10[%get3A_915, %get3A_916] {strides = array<i32>} : memref<128x128xf32, #tpu.memory_space<vmem>>, vector<1x16xf32>,
        %get3A_918 = vector.shape_cast %get3A_917 : vector<1x16xf32> to vector<16xf32>
        %mul3A_919 = arith.mulf %get3A_918, %broadcast_in_dim3A_784 : vector<16xf32>
        %mul3A_920 = arith.constant 16 : i32
        %mul3A_921 = arith.muli %scan3A_45, %mul3A_920 : i32
        %add3A_922 = arith.constant 5 : i32
        %add3A_923 = arith.addi %mul3A_921, %add3A_922 : i32
        %swap3A_924 = arith.index_cast %add3A_923 : i32 to index
        %swap3A_925 = arith.constant 112 : index
        %swap3A_926 = tpu.vector_load %arg10[%swap3A_924, %swap3A_925] {strides = array<i32>} : memref<128x128xf32, #tpu.memory_space<vmem>>, vector<1x16xf32>,
        %swap3A_927 = vector.shape_cast %swap3A_926 : vector<1x16xf32> to vector<16xf32>
        %swap3A_928 = vector.shape_cast %mul3A_919 : vector<16xf32> to vector<1x16xf32>
        tpu.vector_store %arg10[%swap3A_924, %swap3A_925], %swap3A_928 {strides = array<i32>} : memref<128x128xf32, #tpu.memory_space<vmem>>, vector<1x16xf32>,
        %slice3A_929 = vector.extract_strided_slice %get3A_50 {offsets = [6], sizes = [1], strides = [1]} : vector<16xf32> to vector<1xf32>
        %squeeze3A_930 = vector.extract %slice3A_929[0] : f32 from vector<1xf32>
        %broadcast_in_dim3A_931 = vector.broadcast %squeeze3A_930 : f32 to vector<16xf32>
        %mul3A_932 = arith.constant 16 : i32
        %mul3A_933 = arith.muli %scan3A_45, %mul3A_932 : i32
        %add3A_934 = arith.constant 6 : i32
        %add3A_935 = arith.addi %mul3A_933, %add3A_934 : i32
        %get3A_936 = arith.index_cast %add3A_935 : i32 to index
        %get3A_937 = arith.constant 0 : index
        %get3A_938 = tpu.vector_load %arg10[%get3A_936, %get3A_937] {strides = array<i32>} : memref<128x128xf32, #tpu.memory_space<vmem>>, vector<1x16xf32>,
        %get3A_939 = vector.shape_cast %get3A_938 : vector<1x16xf32> to vector<16xf32>
        %mul3A_940 = arith.mulf %get3A_939, %broadcast_in_dim3A_931 : vector<16xf32>
        %mul3A_941 = arith.constant 16 : i32
        %mul3A_942 = arith.muli %scan3A_45, %mul3A_941 : i32
        %add3A_943 = arith.constant 6 : i32
        %add3A_944 = arith.addi %mul3A_942, %add3A_943 : i32
        %swap3A_945 = arith.index_cast %add3A_944 : i32 to index
        %swap3A_946 = arith.constant 0 : index
        %swap3A_947 = tpu.vector_load %arg10[%swap3A_945, %swap3A_946] {strides = array<i32>} : memref<128x128xf32, #tpu.memory_space<vmem>>, vector<1x16xf32>,
        %swap3A_948 = vector.shape_cast %swap3A_947 : vector<1x16xf32> to vector<16xf32>
        %swap3A_949 = vector.shape_cast %mul3A_940 : vector<16xf32> to vector<1x16xf32>
        tpu.vector_store %arg10[%swap3A_945, %swap3A_946], %swap3A_949 {strides = array<i32>} : memref<128x128xf32, #tpu.memory_space<vmem>>, vector<1x16xf32>,
        %mul3A_950 = arith.constant 16 : i32
        %mul3A_951 = arith.muli %scan3A_45, %mul3A_950 : i32
        %add3A_952 = arith.constant 6 : i32
        %add3A_953 = arith.addi %mul3A_951, %add3A_952 : i32
        %get3A_954 = arith.index_cast %add3A_953 : i32 to index
        %get3A_955 = arith.constant 16 : index
        %get3A_956 = tpu.vector_load %arg10[%get3A_954, %get3A_955] {strides = array<i32>} : memref<128x128xf32, #tpu.memory_space<vmem>>, vector<1x16xf32>,
        %get3A_957 = vector.shape_cast %get3A_956 : vector<1x16xf32> to vector<16xf32>
        %mul3A_958 = arith.mulf %get3A_957, %broadcast_in_dim3A_931 : vector<16xf32>
        %mul3A_959 = arith.constant 16 : i32
        %mul3A_960 = arith.muli %scan3A_45, %mul3A_959 : i32
        %add3A_961 = arith.constant 6 : i32
        %add3A_962 = arith.addi %mul3A_960, %add3A_961 : i32
        %swap3A_963 = arith.index_cast %add3A_962 : i32 to index
        %swap3A_964 = arith.constant 16 : index
        %swap3A_965 = tpu.vector_load %arg10[%swap3A_963, %swap3A_964] {strides = array<i32>} : memref<128x128xf32, #tpu.memory_space<vmem>>, vector<1x16xf32>,
        %swap3A_966 = vector.shape_cast %swap3A_965 : vector<1x16xf32> to vector<16xf32>
        %swap3A_967 = vector.shape_cast %mul3A_958 : vector<16xf32> to vector<1x16xf32>
        tpu.vector_store %arg10[%swap3A_963, %swap3A_964], %swap3A_967 {strides = array<i32>} : memref<128x128xf32, #tpu.memory_space<vmem>>, vector<1x16xf32>,
        %mul3A_968 = arith.constant 16 : i32
        %mul3A_969 = arith.muli %scan3A_45, %mul3A_968 : i32
        %add3A_970 = arith.constant 6 : i32
        %add3A_971 = arith.addi %mul3A_969, %add3A_970 : i32
        %get3A_972 = arith.index_cast %add3A_971 : i32 to index
        %get3A_973 = arith.constant 32 : index
        %get3A_974 = tpu.vector_load %arg10[%get3A_972, %get3A_973] {strides = array<i32>} : memref<128x128xf32, #tpu.memory_space<vmem>>, vector<1x16xf32>,
        %get3A_975 = vector.shape_cast %get3A_974 : vector<1x16xf32> to vector<16xf32>
        %mul3A_976 = arith.mulf %get3A_975, %broadcast_in_dim3A_931 : vector<16xf32>
        %mul3A_977 = arith.constant 16 : i32
        %mul3A_978 = arith.muli %scan3A_45, %mul3A_977 : i32
        %add3A_979 = arith.constant 6 : i32
        %add3A_980 = arith.addi %mul3A_978, %add3A_979 : i32
        %swap3A_981 = arith.index_cast %add3A_980 : i32 to index
        %swap3A_982 = arith.constant 32 : index
        %swap3A_983 = tpu.vector_load %arg10[%swap3A_981, %swap3A_982] {strides = array<i32>} : memref<128x128xf32, #tpu.memory_space<vmem>>, vector<1x16xf32>,
        %swap3A_984 = vector.shape_cast %swap3A_983 : vector<1x16xf32> to vector<16xf32>
        %swap3A_985 = vector.shape_cast %mul3A_976 : vector<16xf32> to vector<1x16xf32>
        tpu.vector_store %arg10[%swap3A_981, %swap3A_982], %swap3A_985 {strides = array<i32>} : memref<128x128xf32, #tpu.memory_space<vmem>>, vector<1x16xf32>,
        %mul3A_986 = arith.constant 16 : i32
        %mul3A_987 = arith.muli %scan3A_45, %mul3A_986 : i32
        %add3A_988 = arith.constant 6 : i32
        %add3A_989 = arith.addi %mul3A_987, %add3A_988 : i32
        %get3A_990 = arith.index_cast %add3A_989 : i32 to index
        %get3A_991 = arith.constant 48 : index
        %get3A_992 = tpu.vector_load %arg10[%get3A_990, %get3A_991] {strides = array<i32>} : memref<128x128xf32, #tpu.memory_space<vmem>>, vector<1x16xf32>,
        %get3A_993 = vector.shape_cast %get3A_992 : vector<1x16xf32> to vector<16xf32>
        %mul3A_994 = arith.mulf %get3A_993, %broadcast_in_dim3A_931 : vector<16xf32>
        %mul3A_995 = arith.constant 16 : i32
        %mul3A_996 = arith.muli %scan3A_45, %mul3A_995 : i32
        %add3A_997 = arith.constant 6 : i32
        %add3A_998 = arith.addi %mul3A_996, %add3A_997 : i32
        %swap3A_999 = arith.index_cast %add3A_998 : i32 to index
        %swap3A_1000 = arith.constant 48 : index
        %swap3A_1001 = tpu.vector_load %arg10[%swap3A_999, %swap3A_1000] {strides = array<i32>} : memref<128x128xf32, #tpu.memory_space<vmem>>, vector<1x16xf32>,
        %swap3A_1002 = vector.shape_cast %swap3A_1001 : vector<1x16xf32> to vector<16xf32>
        %swap3A_1003 = vector.shape_cast %mul3A_994 : vector<16xf32> to vector<1x16xf32>
        tpu.vector_store %arg10[%swap3A_999, %swap3A_1000], %swap3A_1003 {strides = array<i32>} : memref<128x128xf32, #tpu.memory_space<vmem>>, vector<1x16xf32>,
        %mul3A_1004 = arith.constant 16 : i32
        %mul3A_1005 = arith.muli %scan3A_45, %mul3A_1004 : i32
        %add3A_1006 = arith.constant 6 : i32
        %add3A_1007 = arith.addi %mul3A_1005, %add3A_1006 : i32
        %get3A_1008 = arith.index_cast %add3A_1007 : i32 to index
        %get3A_1009 = arith.constant 64 : index
        %get3A_1010 = tpu.vector_load %arg10[%get3A_1008, %get3A_1009] {strides = array<i32>} : memref<128x128xf32, #tpu.memory_space<vmem>>, vector<1x16xf32>,
        %get3A_1011 = vector.shape_cast %get3A_1010 : vector<1x16xf32> to vector<16xf32>
        %mul3A_1012 = arith.mulf %get3A_1011, %broadcast_in_dim3A_931 : vector<16xf32>
        %mul3A_1013 = arith.constant 16 : i32
        %mul3A_1014 = arith.muli %scan3A_45, %mul3A_1013 : i32
        %add3A_1015 = arith.constant 6 : i32
        %add3A_1016 = arith.addi %mul3A_1014, %add3A_1015 : i32
        %swap3A_1017 = arith.index_cast %add3A_1016 : i32 to index
        %swap3A_1018 = arith.constant 64 : index
        %swap3A_1019 = tpu.vector_load %arg10[%swap3A_1017, %swap3A_1018] {strides = array<i32>} : memref<128x128xf32, #tpu.memory_space<vmem>>, vector<1x16xf32>,
        %swap3A_1020 = vector.shape_cast %swap3A_1019 : vector<1x16xf32> to vector<16xf32>
        %swap3A_1021 = vector.shape_cast %mul3A_1012 : vector<16xf32> to vector<1x16xf32>
        tpu.vector_store %arg10[%swap3A_1017, %swap3A_1018], %swap3A_1021 {strides = array<i32>} : memref<128x128xf32, #tpu.memory_space<vmem>>, vector<1x16xf32>,
        %mul3A_1022 = arith.constant 16 : i32
        %mul3A_1023 = arith.muli %scan3A_45, %mul3A_1022 : i32
        %add3A_1024 = arith.constant 6 : i32
        %add3A_1025 = arith.addi %mul3A_1023, %add3A_1024 : i32
        %get3A_1026 = arith.index_cast %add3A_1025 : i32 to index
        %get3A_1027 = arith.constant 80 : index
        %get3A_1028 = tpu.vector_load %arg10[%get3A_1026, %get3A_1027] {strides = array<i32>} : memref<128x128xf32, #tpu.memory_space<vmem>>, vector<1x16xf32>,
        %get3A_1029 = vector.shape_cast %get3A_1028 : vector<1x16xf32> to vector<16xf32>
        %mul3A_1030 = arith.mulf %get3A_1029, %broadcast_in_dim3A_931 : vector<16xf32>
        %mul3A_1031 = arith.constant 16 : i32
        %mul3A_1032 = arith.muli %scan3A_45, %mul3A_1031 : i32
        %add3A_1033 = arith.constant 6 : i32
        %add3A_1034 = arith.addi %mul3A_1032, %add3A_1033 : i32
        %swap3A_1035 = arith.index_cast %add3A_1034 : i32 to index
        %swap3A_1036 = arith.constant 80 : index
        %swap3A_1037 = tpu.vector_load %arg10[%swap3A_1035, %swap3A_1036] {strides = array<i32>} : memref<128x128xf32, #tpu.memory_space<vmem>>, vector<1x16xf32>,
        %swap3A_1038 = vector.shape_cast %swap3A_1037 : vector<1x16xf32> to vector<16xf32>
        %swap3A_1039 = vector.shape_cast %mul3A_1030 : vector<16xf32> to vector<1x16xf32>
        tpu.vector_store %arg10[%swap3A_1035, %swap3A_1036], %swap3A_1039 {strides = array<i32>} : memref<128x128xf32, #tpu.memory_space<vmem>>, vector<1x16xf32>,
        %mul3A_1040 = arith.constant 16 : i32
        %mul3A_1041 = arith.muli %scan3A_45, %mul3A_1040 : i32
        %add3A_1042 = arith.constant 6 : i32
        %add3A_1043 = arith.addi %mul3A_1041, %add3A_1042 : i32
        %get3A_1044 = arith.index_cast %add3A_1043 : i32 to index
        %get3A_1045 = arith.constant 96 : index
        %get3A_1046 = tpu.vector_load %arg10[%get3A_1044, %get3A_1045] {strides = array<i32>} : memref<128x128xf32, #tpu.memory_space<vmem>>, vector<1x16xf32>,
        %get3A_1047 = vector.shape_cast %get3A_1046 : vector<1x16xf32> to vector<16xf32>
        %mul3A_1048 = arith.mulf %get3A_1047, %broadcast_in_dim3A_931 : vector<16xf32>
        %mul3A_1049 = arith.constant 16 : i32
        %mul3A_1050 = arith.muli %scan3A_45, %mul3A_1049 : i32
        %add3A_1051 = arith.constant 6 : i32
        %add3A_1052 = arith.addi %mul3A_1050, %add3A_1051 : i32
        %swap3A_1053 = arith.index_cast %add3A_1052 : i32 to index
        %swap3A_1054 = arith.constant 96 : index
        %swap3A_1055 = tpu.vector_load %arg10[%swap3A_1053, %swap3A_1054] {strides = array<i32>} : memref<128x128xf32, #tpu.memory_space<vmem>>, vector<1x16xf32>,
        %swap3A_1056 = vector.shape_cast %swap3A_1055 : vector<1x16xf32> to vector<16xf32>
        %swap3A_1057 = vector.shape_cast %mul3A_1048 : vector<16xf32> to vector<1x16xf32>
        tpu.vector_store %arg10[%swap3A_1053, %swap3A_1054], %swap3A_1057 {strides = array<i32>} : memref<128x128xf32, #tpu.memory_space<vmem>>, vector<1x16xf32>,
        %mul3A_1058 = arith.constant 16 : i32
        %mul3A_1059 = arith.muli %scan3A_45, %mul3A_1058 : i32
        %add3A_1060 = arith.constant 6 : i32
        %add3A_1061 = arith.addi %mul3A_1059, %add3A_1060 : i32
        %get3A_1062 = arith.index_cast %add3A_1061 : i32 to index
        %get3A_1063 = arith.constant 112 : index
        %get3A_1064 = tpu.vector_load %arg10[%get3A_1062, %get3A_1063] {strides = array<i32>} : memref<128x128xf32, #tpu.memory_space<vmem>>, vector<1x16xf32>,
        %get3A_1065 = vector.shape_cast %get3A_1064 : vector<1x16xf32> to vector<16xf32>
        %mul3A_1066 = arith.mulf %get3A_1065, %broadcast_in_dim3A_931 : vector<16xf32>
        %mul3A_1067 = arith.constant 16 : i32
        %mul3A_1068 = arith.muli %scan3A_45, %mul3A_1067 : i32
        %add3A_1069 = arith.constant 6 : i32
        %add3A_1070 = arith.addi %mul3A_1068, %add3A_1069 : i32
        %swap3A_1071 = arith.index_cast %add3A_1070 : i32 to index
        %swap3A_1072 = arith.constant 112 : index
        %swap3A_1073 = tpu.vector_load %arg10[%swap3A_1071, %swap3A_1072] {strides = array<i32>} : memref<128x128xf32, #tpu.memory_space<vmem>>, vector<1x16xf32>,
        %swap3A_1074 = vector.shape_cast %swap3A_1073 : vector<1x16xf32> to vector<16xf32>
        %swap3A_1075 = vector.shape_cast %mul3A_1066 : vector<16xf32> to vector<1x16xf32>
        tpu.vector_store %arg10[%swap3A_1071, %swap3A_1072], %swap3A_1075 {strides = array<i32>} : memref<128x128xf32, #tpu.memory_space<vmem>>, vector<1x16xf32>,
        %slice3A_1076 = vector.extract_strided_slice %get3A_50 {offsets = [7], sizes = [1], strides = [1]} : vector<16xf32> to vector<1xf32>
        %squeeze3A_1077 = vector.extract %slice3A_1076[0] : f32 from vector<1xf32>
        %broadcast_in_dim3A_1078 = vector.broadcast %squeeze3A_1077 : f32 to vector<16xf32>
        %mul3A_1079 = arith.constant 16 : i32
        %mul3A_1080 = arith.muli %scan3A_45, %mul3A_1079 : i32
        %add3A_1081 = arith.constant 7 : i32
        %add3A_1082 = arith.addi %mul3A_1080, %add3A_1081 : i32
        %get3A_1083 = arith.index_cast %add3A_1082 : i32 to index
        %get3A_1084 = arith.constant 0 : index
        %get3A_1085 = tpu.vector_load %arg10[%get3A_1083, %get3A_1084] {strides = array<i32>} : memref<128x128xf32, #tpu.memory_space<vmem>>, vector<1x16xf32>,
        %get3A_1086 = vector.shape_cast %get3A_1085 : vector<1x16xf32> to vector<16xf32>
        %mul3A_1087 = arith.mulf %get3A_1086, %broadcast_in_dim3A_1078 : vector<16xf32>
        %mul3A_1088 = arith.constant 16 : i32
        %mul3A_1089 = arith.muli %scan3A_45, %mul3A_1088 : i32
        %add3A_1090 = arith.constant 7 : i32
        %add3A_1091 = arith.addi %mul3A_1089, %add3A_1090 : i32
        %swap3A_1092 = arith.index_cast %add3A_1091 : i32 to index
        %swap3A_1093 = arith.constant 0 : index
        %swap3A_1094 = tpu.vector_load %arg10[%swap3A_1092, %swap3A_1093] {strides = array<i32>} : memref<128x128xf32, #tpu.memory_space<vmem>>, vector<1x16xf32>,
        %swap3A_1095 = vector.shape_cast %swap3A_1094 : vector<1x16xf32> to vector<16xf32>
        %swap3A_1096 = vector.shape_cast %mul3A_1087 : vector<16xf32> to vector<1x16xf32>
        tpu.vector_store %arg10[%swap3A_1092, %swap3A_1093], %swap3A_1096 {strides = array<i32>} : memref<128x128xf32, #tpu.memory_space<vmem>>, vector<1x16xf32>,
        %mul3A_1097 = arith.constant 16 : i32
        %mul3A_1098 = arith.muli %scan3A_45, %mul3A_1097 : i32
        %add3A_1099 = arith.constant 7 : i32
        %add3A_1100 = arith.addi %mul3A_1098, %add3A_1099 : i32
        %get3A_1101 = arith.index_cast %add3A_1100 : i32 to index
        %get3A_1102 = arith.constant 16 : index
        %get3A_1103 = tpu.vector_load %arg10[%get3A_1101, %get3A_1102] {strides = array<i32>} : memref<128x128xf32, #tpu.memory_space<vmem>>, vector<1x16xf32>,
        %get3A_1104 = vector.shape_cast %get3A_1103 : vector<1x16xf32> to vector<16xf32>
        %mul3A_1105 = arith.mulf %get3A_1104, %broadcast_in_dim3A_1078 : vector<16xf32>
        %mul3A_1106 = arith.constant 16 : i32
        %mul3A_1107 = arith.muli %scan3A_45, %mul3A_1106 : i32
        %add3A_1108 = arith.constant 7 : i32
        %add3A_1109 = arith.addi %mul3A_1107, %add3A_1108 : i32
        %swap3A_1110 = arith.index_cast %add3A_1109 : i32 to index
        %swap3A_1111 = arith.constant 16 : index
        %swap3A_1112 = tpu.vector_load %arg10[%swap3A_1110, %swap3A_1111] {strides = array<i32>} : memref<128x128xf32, #tpu.memory_space<vmem>>, vector<1x16xf32>,
        %swap3A_1113 = vector.shape_cast %swap3A_1112 : vector<1x16xf32> to vector<16xf32>
        %swap3A_1114 = vector.shape_cast %mul3A_1105 : vector<16xf32> to vector<1x16xf32>
        tpu.vector_store %arg10[%swap3A_1110, %swap3A_1111], %swap3A_1114 {strides = array<i32>} : memref<128x128xf32, #tpu.memory_space<vmem>>, vector<1x16xf32>,
        %mul3A_1115 = arith.constant 16 : i32
        %mul3A_1116 = arith.muli %scan3A_45, %mul3A_1115 : i32
        %add3A_1117 = arith.constant 7 : i32
        %add3A_1118 = arith.addi %mul3A_1116, %add3A_1117 : i32
        %get3A_1119 = arith.index_cast %add3A_1118 : i32 to index
        %get3A_1120 = arith.constant 32 : index
        %get3A_1121 = tpu.vector_load %arg10[%get3A_1119, %get3A_1120] {strides = array<i32>} : memref<128x128xf32, #tpu.memory_space<vmem>>, vector<1x16xf32>,
        %get3A_1122 = vector.shape_cast %get3A_1121 : vector<1x16xf32> to vector<16xf32>
        %mul3A_1123 = arith.mulf %get3A_1122, %broadcast_in_dim3A_1078 : vector<16xf32>
        %mul3A_1124 = arith.constant 16 : i32
        %mul3A_1125 = arith.muli %scan3A_45, %mul3A_1124 : i32
        %add3A_1126 = arith.constant 7 : i32
        %add3A_1127 = arith.addi %mul3A_1125, %add3A_1126 : i32
        %swap3A_1128 = arith.index_cast %add3A_1127 : i32 to index
        %swap3A_1129 = arith.constant 32 : index
        %swap3A_1130 = tpu.vector_load %arg10[%swap3A_1128, %swap3A_1129] {strides = array<i32>} : memref<128x128xf32, #tpu.memory_space<vmem>>, vector<1x16xf32>,
        %swap3A_1131 = vector.shape_cast %swap3A_1130 : vector<1x16xf32> to vector<16xf32>
        %swap3A_1132 = vector.shape_cast %mul3A_1123 : vector<16xf32> to vector<1x16xf32>
        tpu.vector_store %arg10[%swap3A_1128, %swap3A_1129], %swap3A_1132 {strides = array<i32>} : memref<128x128xf32, #tpu.memory_space<vmem>>, vector<1x16xf32>,
        %mul3A_1133 = arith.constant 16 : i32
        %mul3A_1134 = arith.muli %scan3A_45, %mul3A_1133 : i32
        %add3A_1135 = arith.constant 7 : i32
        %add3A_1136 = arith.addi %mul3A_1134, %add3A_1135 : i32
        %get3A_1137 = arith.index_cast %add3A_1136 : i32 to index
        %get3A_1138 = arith.constant 48 : index
        %get3A_1139 = tpu.vector_load %arg10[%get3A_1137, %get3A_1138] {strides = array<i32>} : memref<128x128xf32, #tpu.memory_space<vmem>>, vector<1x16xf32>,
        %get3A_1140 = vector.shape_cast %get3A_1139 : vector<1x16xf32> to vector<16xf32>
        %mul3A_1141 = arith.mulf %get3A_1140, %broadcast_in_dim3A_1078 : vector<16xf32>
        %mul3A_1142 = arith.constant 16 : i32
        %mul3A_1143 = arith.muli %scan3A_45, %mul3A_1142 : i32
        %add3A_1144 = arith.constant 7 : i32
        %add3A_1145 = arith.addi %mul3A_1143, %add3A_1144 : i32
        %swap3A_1146 = arith.index_cast %add3A_1145 : i32 to index
        %swap3A_1147 = arith.constant 48 : index
        %swap3A_1148 = tpu.vector_load %arg10[%swap3A_1146, %swap3A_1147] {strides = array<i32>} : memref<128x128xf32, #tpu.memory_space<vmem>>, vector<1x16xf32>,
        %swap3A_1149 = vector.shape_cast %swap3A_1148 : vector<1x16xf32> to vector<16xf32>
        %swap3A_1150 = vector.shape_cast %mul3A_1141 : vector<16xf32> to vector<1x16xf32>
        tpu.vector_store %arg10[%swap3A_1146, %swap3A_1147], %swap3A_1150 {strides = array<i32>} : memref<128x128xf32, #tpu.memory_space<vmem>>, vector<1x16xf32>,
        %mul3A_1151 = arith.constant 16 : i32
        %mul3A_1152 = arith.muli %scan3A_45, %mul3A_1151 : i32
        %add3A_1153 = arith.constant 7 : i32
        %add3A_1154 = arith.addi %mul3A_1152, %add3A_1153 : i32
        %get3A_1155 = arith.index_cast %add3A_1154 : i32 to index
        %get3A_1156 = arith.constant 64 : index
        %get3A_1157 = tpu.vector_load %arg10[%get3A_1155, %get3A_1156] {strides = array<i32>} : memref<128x128xf32, #tpu.memory_space<vmem>>, vector<1x16xf32>,
        %get3A_1158 = vector.shape_cast %get3A_1157 : vector<1x16xf32> to vector<16xf32>
        %mul3A_1159 = arith.mulf %get3A_1158, %broadcast_in_dim3A_1078 : vector<16xf32>
        %mul3A_1160 = arith.constant 16 : i32
        %mul3A_1161 = arith.muli %scan3A_45, %mul3A_1160 : i32
        %add3A_1162 = arith.constant 7 : i32
        %add3A_1163 = arith.addi %mul3A_1161, %add3A_1162 : i32
        %swap3A_1164 = arith.index_cast %add3A_1163 : i32 to index
        %swap3A_1165 = arith.constant 64 : index
        %swap3A_1166 = tpu.vector_load %arg10[%swap3A_1164, %swap3A_1165] {strides = array<i32>} : memref<128x128xf32, #tpu.memory_space<vmem>>, vector<1x16xf32>,
        %swap3A_1167 = vector.shape_cast %swap3A_1166 : vector<1x16xf32> to vector<16xf32>
        %swap3A_1168 = vector.shape_cast %mul3A_1159 : vector<16xf32> to vector<1x16xf32>
        tpu.vector_store %arg10[%swap3A_1164, %swap3A_1165], %swap3A_1168 {strides = array<i32>} : memref<128x128xf32, #tpu.memory_space<vmem>>, vector<1x16xf32>,
        %mul3A_1169 = arith.constant 16 : i32
        %mul3A_1170 = arith.muli %scan3A_45, %mul3A_1169 : i32
        %add3A_1171 = arith.constant 7 : i32
        %add3A_1172 = arith.addi %mul3A_1170, %add3A_1171 : i32
        %get3A_1173 = arith.index_cast %add3A_1172 : i32 to index
        %get3A_1174 = arith.constant 80 : index
        %get3A_1175 = tpu.vector_load %arg10[%get3A_1173, %get3A_1174] {strides = array<i32>} : memref<128x128xf32, #tpu.memory_space<vmem>>, vector<1x16xf32>,
        %get3A_1176 = vector.shape_cast %get3A_1175 : vector<1x16xf32> to vector<16xf32>
        %mul3A_1177 = arith.mulf %get3A_1176, %broadcast_in_dim3A_1078 : vector<16xf32>
        %mul3A_1178 = arith.constant 16 : i32
        %mul3A_1179 = arith.muli %scan3A_45, %mul3A_1178 : i32
        %add3A_1180 = arith.constant 7 : i32
        %add3A_1181 = arith.addi %mul3A_1179, %add3A_1180 : i32
        %swap3A_1182 = arith.index_cast %add3A_1181 : i32 to index
        %swap3A_1183 = arith.constant 80 : index
        %swap3A_1184 = tpu.vector_load %arg10[%swap3A_1182, %swap3A_1183] {strides = array<i32>} : memref<128x128xf32, #tpu.memory_space<vmem>>, vector<1x16xf32>,
        %swap3A_1185 = vector.shape_cast %swap3A_1184 : vector<1x16xf32> to vector<16xf32>
        %swap3A_1186 = vector.shape_cast %mul3A_1177 : vector<16xf32> to vector<1x16xf32>
        tpu.vector_store %arg10[%swap3A_1182, %swap3A_1183], %swap3A_1186 {strides = array<i32>} : memref<128x128xf32, #tpu.memory_space<vmem>>, vector<1x16xf32>,
        %mul3A_1187 = arith.constant 16 : i32
        %mul3A_1188 = arith.muli %scan3A_45, %mul3A_1187 : i32
        %add3A_1189 = arith.constant 7 : i32
        %add3A_1190 = arith.addi %mul3A_1188, %add3A_1189 : i32
        %get3A_1191 = arith.index_cast %add3A_1190 : i32 to index
        %get3A_1192 = arith.constant 96 : index
        %get3A_1193 = tpu.vector_load %arg10[%get3A_1191, %get3A_1192] {strides = array<i32>} : memref<128x128xf32, #tpu.memory_space<vmem>>, vector<1x16xf32>,
        %get3A_1194 = vector.shape_cast %get3A_1193 : vector<1x16xf32> to vector<16xf32>
        %mul3A_1195 = arith.mulf %get3A_1194, %broadcast_in_dim3A_1078 : vector<16xf32>
        %mul3A_1196 = arith.constant 16 : i32
        %mul3A_1197 = arith.muli %scan3A_45, %mul3A_1196 : i32
        %add3A_1198 = arith.constant 7 : i32
        %add3A_1199 = arith.addi %mul3A_1197, %add3A_1198 : i32
        %swap3A_1200 = arith.index_cast %add3A_1199 : i32 to index
        %swap3A_1201 = arith.constant 96 : index
        %swap3A_1202 = tpu.vector_load %arg10[%swap3A_1200, %swap3A_1201] {strides = array<i32>} : memref<128x128xf32, #tpu.memory_space<vmem>>, vector<1x16xf32>,
        %swap3A_1203 = vector.shape_cast %swap3A_1202 : vector<1x16xf32> to vector<16xf32>
        %swap3A_1204 = vector.shape_cast %mul3A_1195 : vector<16xf32> to vector<1x16xf32>
        tpu.vector_store %arg10[%swap3A_1200, %swap3A_1201], %swap3A_1204 {strides = array<i32>} : memref<128x128xf32, #tpu.memory_space<vmem>>, vector<1x16xf32>,
        %mul3A_1205 = arith.constant 16 : i32
        %mul3A_1206 = arith.muli %scan3A_45, %mul3A_1205 : i32
        %add3A_1207 = arith.constant 7 : i32
        %add3A_1208 = arith.addi %mul3A_1206, %add3A_1207 : i32
        %get3A_1209 = arith.index_cast %add3A_1208 : i32 to index
        %get3A_1210 = arith.constant 112 : index
        %get3A_1211 = tpu.vector_load %arg10[%get3A_1209, %get3A_1210] {strides = array<i32>} : memref<128x128xf32, #tpu.memory_space<vmem>>, vector<1x16xf32>,
        %get3A_1212 = vector.shape_cast %get3A_1211 : vector<1x16xf32> to vector<16xf32>
        %mul3A_1213 = arith.mulf %get3A_1212, %broadcast_in_dim3A_1078 : vector<16xf32>
        %mul3A_1214 = arith.constant 16 : i32
        %mul3A_1215 = arith.muli %scan3A_45, %mul3A_1214 : i32
        %add3A_1216 = arith.constant 7 : i32
        %add3A_1217 = arith.addi %mul3A_1215, %add3A_1216 : i32
        %swap3A_1218 = arith.index_cast %add3A_1217 : i32 to index
        %swap3A_1219 = arith.constant 112 : index
        %swap3A_1220 = tpu.vector_load %arg10[%swap3A_1218, %swap3A_1219] {strides = array<i32>} : memref<128x128xf32, #tpu.memory_space<vmem>>, vector<1x16xf32>,
        %swap3A_1221 = vector.shape_cast %swap3A_1220 : vector<1x16xf32> to vector<16xf32>
        %swap3A_1222 = vector.shape_cast %mul3A_1213 : vector<16xf32> to vector<1x16xf32>
        tpu.vector_store %arg10[%swap3A_1218, %swap3A_1219], %swap3A_1222 {strides = array<i32>} : memref<128x128xf32, #tpu.memory_space<vmem>>, vector<1x16xf32>,
        %slice3A_1223 = vector.extract_strided_slice %get3A_50 {offsets = [8], sizes = [1], strides = [1]} : vector<16xf32> to vector<1xf32>
        %squeeze3A_1224 = vector.extract %slice3A_1223[0] : f32 from vector<1xf32>
        %broadcast_in_dim3A_1225 = vector.broadcast %squeeze3A_1224 : f32 to vector<16xf32>
        %mul3A_1226 = arith.constant 16 : i32
        %mul3A_1227 = arith.muli %scan3A_45, %mul3A_1226 : i32
        %add3A_1228 = arith.constant 8 : i32
        %add3A_1229 = arith.addi %mul3A_1227, %add3A_1228 : i32
        %get3A_1230 = arith.index_cast %add3A_1229 : i32 to index
        %get3A_1231 = arith.constant 0 : index
        %get3A_1232 = tpu.vector_load %arg10[%get3A_1230, %get3A_1231] {strides = array<i32>} : memref<128x128xf32, #tpu.memory_space<vmem>>, vector<1x16xf32>,
        %get3A_1233 = vector.shape_cast %get3A_1232 : vector<1x16xf32> to vector<16xf32>
        %mul3A_1234 = arith.mulf %get3A_1233, %broadcast_in_dim3A_1225 : vector<16xf32>
        %mul3A_1235 = arith.constant 16 : i32
        %mul3A_1236 = arith.muli %scan3A_45, %mul3A_1235 : i32
        %add3A_1237 = arith.constant 8 : i32
        %add3A_1238 = arith.addi %mul3A_1236, %add3A_1237 : i32
        %swap3A_1239 = arith.index_cast %add3A_1238 : i32 to index
        %swap3A_1240 = arith.constant 0 : index
        %swap3A_1241 = tpu.vector_load %arg10[%swap3A_1239, %swap3A_1240] {strides = array<i32>} : memref<128x128xf32, #tpu.memory_space<vmem>>, vector<1x16xf32>,
        %swap3A_1242 = vector.shape_cast %swap3A_1241 : vector<1x16xf32> to vector<16xf32>
        %swap3A_1243 = vector.shape_cast %mul3A_1234 : vector<16xf32> to vector<1x16xf32>
        tpu.vector_store %arg10[%swap3A_1239, %swap3A_1240], %swap3A_1243 {strides = array<i32>} : memref<128x128xf32, #tpu.memory_space<vmem>>, vector<1x16xf32>,
        %mul3A_1244 = arith.constant 16 : i32
        %mul3A_1245 = arith.muli %scan3A_45, %mul3A_1244 : i32
        %add3A_1246 = arith.constant 8 : i32
        %add3A_1247 = arith.addi %mul3A_1245, %add3A_1246 : i32
        %get3A_1248 = arith.index_cast %add3A_1247 : i32 to index
        %get3A_1249 = arith.constant 16 : index
        %get3A_1250 = tpu.vector_load %arg10[%get3A_1248, %get3A_1249] {strides = array<i32>} : memref<128x128xf32, #tpu.memory_space<vmem>>, vector<1x16xf32>,
        %get3A_1251 = vector.shape_cast %get3A_1250 : vector<1x16xf32> to vector<16xf32>
        %mul3A_1252 = arith.mulf %get3A_1251, %broadcast_in_dim3A_1225 : vector<16xf32>
        %mul3A_1253 = arith.constant 16 : i32
        %mul3A_1254 = arith.muli %scan3A_45, %mul3A_1253 : i32
        %add3A_1255 = arith.constant 8 : i32
        %add3A_1256 = arith.addi %mul3A_1254, %add3A_1255 : i32
        %swap3A_1257 = arith.index_cast %add3A_1256 : i32 to index
        %swap3A_1258 = arith.constant 16 : index
        %swap3A_1259 = tpu.vector_load %arg10[%swap3A_1257, %swap3A_1258] {strides = array<i32>} : memref<128x128xf32, #tpu.memory_space<vmem>>, vector<1x16xf32>,
        %swap3A_1260 = vector.shape_cast %swap3A_1259 : vector<1x16xf32> to vector<16xf32>
        %swap3A_1261 = vector.shape_cast %mul3A_1252 : vector<16xf32> to vector<1x16xf32>
        tpu.vector_store %arg10[%swap3A_1257, %swap3A_1258], %swap3A_1261 {strides = array<i32>} : memref<128x128xf32, #tpu.memory_space<vmem>>, vector<1x16xf32>,
        %mul3A_1262 = arith.constant 16 : i32
        %mul3A_1263 = arith.muli %scan3A_45, %mul3A_1262 : i32
        %add3A_1264 = arith.constant 8 : i32
        %add3A_1265 = arith.addi %mul3A_1263, %add3A_1264 : i32
        %get3A_1266 = arith.index_cast %add3A_1265 : i32 to index
        %get3A_1267 = arith.constant 32 : index
        %get3A_1268 = tpu.vector_load %arg10[%get3A_1266, %get3A_1267] {strides = array<i32>} : memref<128x128xf32, #tpu.memory_space<vmem>>, vector<1x16xf32>,
        %get3A_1269 = vector.shape_cast %get3A_1268 : vector<1x16xf32> to vector<16xf32>
        %mul3A_1270 = arith.mulf %get3A_1269, %broadcast_in_dim3A_1225 : vector<16xf32>
        %mul3A_1271 = arith.constant 16 : i32
        %mul3A_1272 = arith.muli %scan3A_45, %mul3A_1271 : i32
        %add3A_1273 = arith.constant 8 : i32
        %add3A_1274 = arith.addi %mul3A_1272, %add3A_1273 : i32
        %swap3A_1275 = arith.index_cast %add3A_1274 : i32 to index
        %swap3A_1276 = arith.constant 32 : index
        %swap3A_1277 = tpu.vector_load %arg10[%swap3A_1275, %swap3A_1276] {strides = array<i32>} : memref<128x128xf32, #tpu.memory_space<vmem>>, vector<1x16xf32>,
        %swap3A_1278 = vector.shape_cast %swap3A_1277 : vector<1x16xf32> to vector<16xf32>
        %swap3A_1279 = vector.shape_cast %mul3A_1270 : vector<16xf32> to vector<1x16xf32>
        tpu.vector_store %arg10[%swap3A_1275, %swap3A_1276], %swap3A_1279 {strides = array<i32>} : memref<128x128xf32, #tpu.memory_space<vmem>>, vector<1x16xf32>,
        %mul3A_1280 = arith.constant 16 : i32
        %mul3A_1281 = arith.muli %scan3A_45, %mul3A_1280 : i32
        %add3A_1282 = arith.constant 8 : i32
        %add3A_1283 = arith.addi %mul3A_1281, %add3A_1282 : i32
        %get3A_1284 = arith.index_cast %add3A_1283 : i32 to index
        %get3A_1285 = arith.constant 48 : index
        %get3A_1286 = tpu.vector_load %arg10[%get3A_1284, %get3A_1285] {strides = array<i32>} : memref<128x128xf32, #tpu.memory_space<vmem>>, vector<1x16xf32>,
        %get3A_1287 = vector.shape_cast %get3A_1286 : vector<1x16xf32> to vector<16xf32>
        %mul3A_1288 = arith.mulf %get3A_1287, %broadcast_in_dim3A_1225 : vector<16xf32>
        %mul3A_1289 = arith.constant 16 : i32
        %mul3A_1290 = arith.muli %scan3A_45, %mul3A_1289 : i32
        %add3A_1291 = arith.constant 8 : i32
        %add3A_1292 = arith.addi %mul3A_1290, %add3A_1291 : i32
        %swap3A_1293 = arith.index_cast %add3A_1292 : i32 to index
        %swap3A_1294 = arith.constant 48 : index
        %swap3A_1295 = tpu.vector_load %arg10[%swap3A_1293, %swap3A_1294] {strides = array<i32>} : memref<128x128xf32, #tpu.memory_space<vmem>>, vector<1x16xf32>,
        %swap3A_1296 = vector.shape_cast %swap3A_1295 : vector<1x16xf32> to vector<16xf32>
        %swap3A_1297 = vector.shape_cast %mul3A_1288 : vector<16xf32> to vector<1x16xf32>
        tpu.vector_store %arg10[%swap3A_1293, %swap3A_1294], %swap3A_1297 {strides = array<i32>} : memref<128x128xf32, #tpu.memory_space<vmem>>, vector<1x16xf32>,
        %mul3A_1298 = arith.constant 16 : i32
        %mul3A_1299 = arith.muli %scan3A_45, %mul3A_1298 : i32
        %add3A_1300 = arith.constant 8 : i32
        %add3A_1301 = arith.addi %mul3A_1299, %add3A_1300 : i32
        %get3A_1302 = arith.index_cast %add3A_1301 : i32 to index
        %get3A_1303 = arith.constant 64 : index
        %get3A_1304 = tpu.vector_load %arg10[%get3A_1302, %get3A_1303] {strides = array<i32>} : memref<128x128xf32, #tpu.memory_space<vmem>>, vector<1x16xf32>,
        %get3A_1305 = vector.shape_cast %get3A_1304 : vector<1x16xf32> to vector<16xf32>
        %mul3A_1306 = arith.mulf %get3A_1305, %broadcast_in_dim3A_1225 : vector<16xf32>
        %mul3A_1307 = arith.constant 16 : i32
        %mul3A_1308 = arith.muli %scan3A_45, %mul3A_1307 : i32
        %add3A_1309 = arith.constant 8 : i32
        %add3A_1310 = arith.addi %mul3A_1308, %add3A_1309 : i32
        %swap3A_1311 = arith.index_cast %add3A_1310 : i32 to index
        %swap3A_1312 = arith.constant 64 : index
        %swap3A_1313 = tpu.vector_load %arg10[%swap3A_1311, %swap3A_1312] {strides = array<i32>} : memref<128x128xf32, #tpu.memory_space<vmem>>, vector<1x16xf32>,
        %swap3A_1314 = vector.shape_cast %swap3A_1313 : vector<1x16xf32> to vector<16xf32>
        %swap3A_1315 = vector.shape_cast %mul3A_1306 : vector<16xf32> to vector<1x16xf32>
        tpu.vector_store %arg10[%swap3A_1311, %swap3A_1312], %swap3A_1315 {strides = array<i32>} : memref<128x128xf32, #tpu.memory_space<vmem>>, vector<1x16xf32>,
        %mul3A_1316 = arith.constant 16 : i32
        %mul3A_1317 = arith.muli %scan3A_45, %mul3A_1316 : i32
        %add3A_1318 = arith.constant 8 : i32
        %add3A_1319 = arith.addi %mul3A_1317, %add3A_1318 : i32
        %get3A_1320 = arith.index_cast %add3A_1319 : i32 to index
        %get3A_1321 = arith.constant 80 : index
        %get3A_1322 = tpu.vector_load %arg10[%get3A_1320, %get3A_1321] {strides = array<i32>} : memref<128x128xf32, #tpu.memory_space<vmem>>, vector<1x16xf32>,
        %get3A_1323 = vector.shape_cast %get3A_1322 : vector<1x16xf32> to vector<16xf32>
        %mul3A_1324 = arith.mulf %get3A_1323, %broadcast_in_dim3A_1225 : vector<16xf32>
        %mul3A_1325 = arith.constant 16 : i32
        %mul3A_1326 = arith.muli %scan3A_45, %mul3A_1325 : i32
        %add3A_1327 = arith.constant 8 : i32
        %add3A_1328 = arith.addi %mul3A_1326, %add3A_1327 : i32
        %swap3A_1329 = arith.index_cast %add3A_1328 : i32 to index
        %swap3A_1330 = arith.constant 80 : index
        %swap3A_1331 = tpu.vector_load %arg10[%swap3A_1329, %swap3A_1330] {strides = array<i32>} : memref<128x128xf32, #tpu.memory_space<vmem>>, vector<1x16xf32>,
        %swap3A_1332 = vector.shape_cast %swap3A_1331 : vector<1x16xf32> to vector<16xf32>
        %swap3A_1333 = vector.shape_cast %mul3A_1324 : vector<16xf32> to vector<1x16xf32>
        tpu.vector_store %arg10[%swap3A_1329, %swap3A_1330], %swap3A_1333 {strides = array<i32>} : memref<128x128xf32, #tpu.memory_space<vmem>>, vector<1x16xf32>,
        %mul3A_1334 = arith.constant 16 : i32
        %mul3A_1335 = arith.muli %scan3A_45, %mul3A_1334 : i32
        %add3A_1336 = arith.constant 8 : i32
        %add3A_1337 = arith.addi %mul3A_1335, %add3A_1336 : i32
        %get3A_1338 = arith.index_cast %add3A_1337 : i32 to index
        %get3A_1339 = arith.constant 96 : index
        %get3A_1340 = tpu.vector_load %arg10[%get3A_1338, %get3A_1339] {strides = array<i32>} : memref<128x128xf32, #tpu.memory_space<vmem>>, vector<1x16xf32>,
        %get3A_1341 = vector.shape_cast %get3A_1340 : vector<1x16xf32> to vector<16xf32>
        %mul3A_1342 = arith.mulf %get3A_1341, %broadcast_in_dim3A_1225 : vector<16xf32>
        %mul3A_1343 = arith.constant 16 : i32
        %mul3A_1344 = arith.muli %scan3A_45, %mul3A_1343 : i32
        %add3A_1345 = arith.constant 8 : i32
        %add3A_1346 = arith.addi %mul3A_1344, %add3A_1345 : i32
        %swap3A_1347 = arith.index_cast %add3A_1346 : i32 to index
        %swap3A_1348 = arith.constant 96 : index
        %swap3A_1349 = tpu.vector_load %arg10[%swap3A_1347, %swap3A_1348] {strides = array<i32>} : memref<128x128xf32, #tpu.memory_space<vmem>>, vector<1x16xf32>,
        %swap3A_1350 = vector.shape_cast %swap3A_1349 : vector<1x16xf32> to vector<16xf32>
        %swap3A_1351 = vector.shape_cast %mul3A_1342 : vector<16xf32> to vector<1x16xf32>
        tpu.vector_store %arg10[%swap3A_1347, %swap3A_1348], %swap3A_1351 {strides = array<i32>} : memref<128x128xf32, #tpu.memory_space<vmem>>, vector<1x16xf32>,
        %mul3A_1352 = arith.constant 16 : i32
        %mul3A_1353 = arith.muli %scan3A_45, %mul3A_1352 : i32
        %add3A_1354 = arith.constant 8 : i32
        %add3A_1355 = arith.addi %mul3A_1353, %add3A_1354 : i32
        %get3A_1356 = arith.index_cast %add3A_1355 : i32 to index
        %get3A_1357 = arith.constant 112 : index
        %get3A_1358 = tpu.vector_load %arg10[%get3A_1356, %get3A_1357] {strides = array<i32>} : memref<128x128xf32, #tpu.memory_space<vmem>>, vector<1x16xf32>,
        %get3A_1359 = vector.shape_cast %get3A_1358 : vector<1x16xf32> to vector<16xf32>
        %mul3A_1360 = arith.mulf %get3A_1359, %broadcast_in_dim3A_1225 : vector<16xf32>
        %mul3A_1361 = arith.constant 16 : i32
        %mul3A_1362 = arith.muli %scan3A_45, %mul3A_1361 : i32
        %add3A_1363 = arith.constant 8 : i32
        %add3A_1364 = arith.addi %mul3A_1362, %add3A_1363 : i32
        %swap3A_1365 = arith.index_cast %add3A_1364 : i32 to index
        %swap3A_1366 = arith.constant 112 : index
        %swap3A_1367 = tpu.vector_load %arg10[%swap3A_1365, %swap3A_1366] {strides = array<i32>} : memref<128x128xf32, #tpu.memory_space<vmem>>, vector<1x16xf32>,
        %swap3A_1368 = vector.shape_cast %swap3A_1367 : vector<1x16xf32> to vector<16xf32>
        %swap3A_1369 = vector.shape_cast %mul3A_1360 : vector<16xf32> to vector<1x16xf32>
        tpu.vector_store %arg10[%swap3A_1365, %swap3A_1366], %swap3A_1369 {strides = array<i32>} : memref<128x128xf32, #tpu.memory_space<vmem>>, vector<1x16xf32>,
        %slice3A_1370 = vector.extract_strided_slice %get3A_50 {offsets = [9], sizes = [1], strides = [1]} : vector<16xf32> to vector<1xf32>
        %squeeze3A_1371 = vector.extract %slice3A_1370[0] : f32 from vector<1xf32>
        %broadcast_in_dim3A_1372 = vector.broadcast %squeeze3A_1371 : f32 to vector<16xf32>
        %mul3A_1373 = arith.constant 16 : i32
        %mul3A_1374 = arith.muli %scan3A_45, %mul3A_1373 : i32
        %add3A_1375 = arith.constant 9 : i32
        %add3A_1376 = arith.addi %mul3A_1374, %add3A_1375 : i32
        %get3A_1377 = arith.index_cast %add3A_1376 : i32 to index
        %get3A_1378 = arith.constant 0 : index
        %get3A_1379 = tpu.vector_load %arg10[%get3A_1377, %get3A_1378] {strides = array<i32>} : memref<128x128xf32, #tpu.memory_space<vmem>>, vector<1x16xf32>,
        %get3A_1380 = vector.shape_cast %get3A_1379 : vector<1x16xf32> to vector<16xf32>
        %mul3A_1381 = arith.mulf %get3A_1380, %broadcast_in_dim3A_1372 : vector<16xf32>
        %mul3A_1382 = arith.constant 16 : i32
        %mul3A_1383 = arith.muli %scan3A_45, %mul3A_1382 : i32
        %add3A_1384 = arith.constant 9 : i32
        %add3A_1385 = arith.addi %mul3A_1383, %add3A_1384 : i32
        %swap3A_1386 = arith.index_cast %add3A_1385 : i32 to index
        %swap3A_1387 = arith.constant 0 : index
        %swap3A_1388 = tpu.vector_load %arg10[%swap3A_1386, %swap3A_1387] {strides = array<i32>} : memref<128x128xf32, #tpu.memory_space<vmem>>, vector<1x16xf32>,
        %swap3A_1389 = vector.shape_cast %swap3A_1388 : vector<1x16xf32> to vector<16xf32>
        %swap3A_1390 = vector.shape_cast %mul3A_1381 : vector<16xf32> to vector<1x16xf32>
        tpu.vector_store %arg10[%swap3A_1386, %swap3A_1387], %swap3A_1390 {strides = array<i32>} : memref<128x128xf32, #tpu.memory_space<vmem>>, vector<1x16xf32>,
        %mul3A_1391 = arith.constant 16 : i32
        %mul3A_1392 = arith.muli %scan3A_45, %mul3A_1391 : i32
        %add3A_1393 = arith.constant 9 : i32
        %add3A_1394 = arith.addi %mul3A_1392, %add3A_1393 : i32
        %get3A_1395 = arith.index_cast %add3A_1394 : i32 to index
        %get3A_1396 = arith.constant 16 : index
        %get3A_1397 = tpu.vector_load %arg10[%get3A_1395, %get3A_1396] {strides = array<i32>} : memref<128x128xf32, #tpu.memory_space<vmem>>, vector<1x16xf32>,
        %get3A_1398 = vector.shape_cast %get3A_1397 : vector<1x16xf32> to vector<16xf32>
        %mul3A_1399 = arith.mulf %get3A_1398, %broadcast_in_dim3A_1372 : vector<16xf32>
        %mul3A_1400 = arith.constant 16 : i32
        %mul3A_1401 = arith.muli %scan3A_45, %mul3A_1400 : i32
        %add3A_1402 = arith.constant 9 : i32
        %add3A_1403 = arith.addi %mul3A_1401, %add3A_1402 : i32
        %swap3A_1404 = arith.index_cast %add3A_1403 : i32 to index
        %swap3A_1405 = arith.constant 16 : index
        %swap3A_1406 = tpu.vector_load %arg10[%swap3A_1404, %swap3A_1405] {strides = array<i32>} : memref<128x128xf32, #tpu.memory_space<vmem>>, vector<1x16xf32>,
        %swap3A_1407 = vector.shape_cast %swap3A_1406 : vector<1x16xf32> to vector<16xf32>
        %swap3A_1408 = vector.shape_cast %mul3A_1399 : vector<16xf32> to vector<1x16xf32>
        tpu.vector_store %arg10[%swap3A_1404, %swap3A_1405], %swap3A_1408 {strides = array<i32>} : memref<128x128xf32, #tpu.memory_space<vmem>>, vector<1x16xf32>,
        %mul3A_1409 = arith.constant 16 : i32
        %mul3A_1410 = arith.muli %scan3A_45, %mul3A_1409 : i32
        %add3A_1411 = arith.constant 9 : i32
        %add3A_1412 = arith.addi %mul3A_1410, %add3A_1411 : i32
        %get3A_1413 = arith.index_cast %add3A_1412 : i32 to index
        %get3A_1414 = arith.constant 32 : index
        %get3A_1415 = tpu.vector_load %arg10[%get3A_1413, %get3A_1414] {strides = array<i32>} : memref<128x128xf32, #tpu.memory_space<vmem>>, vector<1x16xf32>,
        %get3A_1416 = vector.shape_cast %get3A_1415 : vector<1x16xf32> to vector<16xf32>
        %mul3A_1417 = arith.mulf %get3A_1416, %broadcast_in_dim3A_1372 : vector<16xf32>
        %mul3A_1418 = arith.constant 16 : i32
        %mul3A_1419 = arith.muli %scan3A_45, %mul3A_1418 : i32
        %add3A_1420 = arith.constant 9 : i32
        %add3A_1421 = arith.addi %mul3A_1419, %add3A_1420 : i32
        %swap3A_1422 = arith.index_cast %add3A_1421 : i32 to index
        %swap3A_1423 = arith.constant 32 : index
        %swap3A_1424 = tpu.vector_load %arg10[%swap3A_1422, %swap3A_1423] {strides = array<i32>} : memref<128x128xf32, #tpu.memory_space<vmem>>, vector<1x16xf32>,
        %swap3A_1425 = vector.shape_cast %swap3A_1424 : vector<1x16xf32> to vector<16xf32>
        %swap3A_1426 = vector.shape_cast %mul3A_1417 : vector<16xf32> to vector<1x16xf32>
        tpu.vector_store %arg10[%swap3A_1422, %swap3A_1423], %swap3A_1426 {strides = array<i32>} : memref<128x128xf32, #tpu.memory_space<vmem>>, vector<1x16xf32>,
        %mul3A_1427 = arith.constant 16 : i32
        %mul3A_1428 = arith.muli %scan3A_45, %mul3A_1427 : i32
        %add3A_1429 = arith.constant 9 : i32
        %add3A_1430 = arith.addi %mul3A_1428, %add3A_1429 : i32
        %get3A_1431 = arith.index_cast %add3A_1430 : i32 to index
        %get3A_1432 = arith.constant 48 : index
        %get3A_1433 = tpu.vector_load %arg10[%get3A_1431, %get3A_1432] {strides = array<i32>} : memref<128x128xf32, #tpu.memory_space<vmem>>, vector<1x16xf32>,
        %get3A_1434 = vector.shape_cast %get3A_1433 : vector<1x16xf32> to vector<16xf32>
        %mul3A_1435 = arith.mulf %get3A_1434, %broadcast_in_dim3A_1372 : vector<16xf32>
        %mul3A_1436 = arith.constant 16 : i32
        %mul3A_1437 = arith.muli %scan3A_45, %mul3A_1436 : i32
        %add3A_1438 = arith.constant 9 : i32
        %add3A_1439 = arith.addi %mul3A_1437, %add3A_1438 : i32
        %swap3A_1440 = arith.index_cast %add3A_1439 : i32 to index
        %swap3A_1441 = arith.constant 48 : index
        %swap3A_1442 = tpu.vector_load %arg10[%swap3A_1440, %swap3A_1441] {strides = array<i32>} : memref<128x128xf32, #tpu.memory_space<vmem>>, vector<1x16xf32>,
        %swap3A_1443 = vector.shape_cast %swap3A_1442 : vector<1x16xf32> to vector<16xf32>
        %swap3A_1444 = vector.shape_cast %mul3A_1435 : vector<16xf32> to vector<1x16xf32>
        tpu.vector_store %arg10[%swap3A_1440, %swap3A_1441], %swap3A_1444 {strides = array<i32>} : memref<128x128xf32, #tpu.memory_space<vmem>>, vector<1x16xf32>,
        %mul3A_1445 = arith.constant 16 : i32
        %mul3A_1446 = arith.muli %scan3A_45, %mul3A_1445 : i32
        %add3A_1447 = arith.constant 9 : i32
        %add3A_1448 = arith.addi %mul3A_1446, %add3A_1447 : i32
        %get3A_1449 = arith.index_cast %add3A_1448 : i32 to index
        %get3A_1450 = arith.constant 64 : index
        %get3A_1451 = tpu.vector_load %arg10[%get3A_1449, %get3A_1450] {strides = array<i32>} : memref<128x128xf32, #tpu.memory_space<vmem>>, vector<1x16xf32>,
        %get3A_1452 = vector.shape_cast %get3A_1451 : vector<1x16xf32> to vector<16xf32>
        %mul3A_1453 = arith.mulf %get3A_1452, %broadcast_in_dim3A_1372 : vector<16xf32>
        %mul3A_1454 = arith.constant 16 : i32
        %mul3A_1455 = arith.muli %scan3A_45, %mul3A_1454 : i32
        %add3A_1456 = arith.constant 9 : i32
        %add3A_1457 = arith.addi %mul3A_1455, %add3A_1456 : i32
        %swap3A_1458 = arith.index_cast %add3A_1457 : i32 to index
        %swap3A_1459 = arith.constant 64 : index
        %swap3A_1460 = tpu.vector_load %arg10[%swap3A_1458, %swap3A_1459] {strides = array<i32>} : memref<128x128xf32, #tpu.memory_space<vmem>>, vector<1x16xf32>,
        %swap3A_1461 = vector.shape_cast %swap3A_1460 : vector<1x16xf32> to vector<16xf32>
        %swap3A_1462 = vector.shape_cast %mul3A_1453 : vector<16xf32> to vector<1x16xf32>
        tpu.vector_store %arg10[%swap3A_1458, %swap3A_1459], %swap3A_1462 {strides = array<i32>} : memref<128x128xf32, #tpu.memory_space<vmem>>, vector<1x16xf32>,
        %mul3A_1463 = arith.constant 16 : i32
        %mul3A_1464 = arith.muli %scan3A_45, %mul3A_1463 : i32
        %add3A_1465 = arith.constant 9 : i32
        %add3A_1466 = arith.addi %mul3A_1464, %add3A_1465 : i32
        %get3A_1467 = arith.index_cast %add3A_1466 : i32 to index
        %get3A_1468 = arith.constant 80 : index
        %get3A_1469 = tpu.vector_load %arg10[%get3A_1467, %get3A_1468] {strides = array<i32>} : memref<128x128xf32, #tpu.memory_space<vmem>>, vector<1x16xf32>,
        %get3A_1470 = vector.shape_cast %get3A_1469 : vector<1x16xf32> to vector<16xf32>
        %mul3A_1471 = arith.mulf %get3A_1470, %broadcast_in_dim3A_1372 : vector<16xf32>
        %mul3A_1472 = arith.constant 16 : i32
        %mul3A_1473 = arith.muli %scan3A_45, %mul3A_1472 : i32
        %add3A_1474 = arith.constant 9 : i32
        %add3A_1475 = arith.addi %mul3A_1473, %add3A_1474 : i32
        %swap3A_1476 = arith.index_cast %add3A_1475 : i32 to index
        %swap3A_1477 = arith.constant 80 : index
        %swap3A_1478 = tpu.vector_load %arg10[%swap3A_1476, %swap3A_1477] {strides = array<i32>} : memref<128x128xf32, #tpu.memory_space<vmem>>, vector<1x16xf32>,
        %swap3A_1479 = vector.shape_cast %swap3A_1478 : vector<1x16xf32> to vector<16xf32>
        %swap3A_1480 = vector.shape_cast %mul3A_1471 : vector<16xf32> to vector<1x16xf32>
        tpu.vector_store %arg10[%swap3A_1476, %swap3A_1477], %swap3A_1480 {strides = array<i32>} : memref<128x128xf32, #tpu.memory_space<vmem>>, vector<1x16xf32>,
        %mul3A_1481 = arith.constant 16 : i32
        %mul3A_1482 = arith.muli %scan3A_45, %mul3A_1481 : i32
        %add3A_1483 = arith.constant 9 : i32
        %add3A_1484 = arith.addi %mul3A_1482, %add3A_1483 : i32
        %get3A_1485 = arith.index_cast %add3A_1484 : i32 to index
        %get3A_1486 = arith.constant 96 : index
        %get3A_1487 = tpu.vector_load %arg10[%get3A_1485, %get3A_1486] {strides = array<i32>} : memref<128x128xf32, #tpu.memory_space<vmem>>, vector<1x16xf32>,
        %get3A_1488 = vector.shape_cast %get3A_1487 : vector<1x16xf32> to vector<16xf32>
        %mul3A_1489 = arith.mulf %get3A_1488, %broadcast_in_dim3A_1372 : vector<16xf32>
        %mul3A_1490 = arith.constant 16 : i32
        %mul3A_1491 = arith.muli %scan3A_45, %mul3A_1490 : i32
        %add3A_1492 = arith.constant 9 : i32
        %add3A_1493 = arith.addi %mul3A_1491, %add3A_1492 : i32
        %swap3A_1494 = arith.index_cast %add3A_1493 : i32 to index
        %swap3A_1495 = arith.constant 96 : index
        %swap3A_1496 = tpu.vector_load %arg10[%swap3A_1494, %swap3A_1495] {strides = array<i32>} : memref<128x128xf32, #tpu.memory_space<vmem>>, vector<1x16xf32>,
        %swap3A_1497 = vector.shape_cast %swap3A_1496 : vector<1x16xf32> to vector<16xf32>
        %swap3A_1498 = vector.shape_cast %mul3A_1489 : vector<16xf32> to vector<1x16xf32>
        tpu.vector_store %arg10[%swap3A_1494, %swap3A_1495], %swap3A_1498 {strides = array<i32>} : memref<128x128xf32, #tpu.memory_space<vmem>>, vector<1x16xf32>,
        %mul3A_1499 = arith.constant 16 : i32
        %mul3A_1500 = arith.muli %scan3A_45, %mul3A_1499 : i32
        %add3A_1501 = arith.constant 9 : i32
        %add3A_1502 = arith.addi %mul3A_1500, %add3A_1501 : i32
        %get3A_1503 = arith.index_cast %add3A_1502 : i32 to index
        %get3A_1504 = arith.constant 112 : index
        %get3A_1505 = tpu.vector_load %arg10[%get3A_1503, %get3A_1504] {strides = array<i32>} : memref<128x128xf32, #tpu.memory_space<vmem>>, vector<1x16xf32>,
        %get3A_1506 = vector.shape_cast %get3A_1505 : vector<1x16xf32> to vector<16xf32>
        %mul3A_1507 = arith.mulf %get3A_1506, %broadcast_in_dim3A_1372 : vector<16xf32>
        %mul3A_1508 = arith.constant 16 : i32
        %mul3A_1509 = arith.muli %scan3A_45, %mul3A_1508 : i32
        %add3A_1510 = arith.constant 9 : i32
        %add3A_1511 = arith.addi %mul3A_1509, %add3A_1510 : i32
        %swap3A_1512 = arith.index_cast %add3A_1511 : i32 to index
        %swap3A_1513 = arith.constant 112 : index
        %swap3A_1514 = tpu.vector_load %arg10[%swap3A_1512, %swap3A_1513] {strides = array<i32>} : memref<128x128xf32, #tpu.memory_space<vmem>>, vector<1x16xf32>,
        %swap3A_1515 = vector.shape_cast %swap3A_1514 : vector<1x16xf32> to vector<16xf32>
        %swap3A_1516 = vector.shape_cast %mul3A_1507 : vector<16xf32> to vector<1x16xf32>
        tpu.vector_store %arg10[%swap3A_1512, %swap3A_1513], %swap3A_1516 {strides = array<i32>} : memref<128x128xf32, #tpu.memory_space<vmem>>, vector<1x16xf32>,
        %slice3A_1517 = vector.extract_strided_slice %get3A_50 {offsets = [10], sizes = [1], strides = [1]} : vector<16xf32> to vector<1xf32>
        %squeeze3A_1518 = vector.extract %slice3A_1517[0] : f32 from vector<1xf32>
        %broadcast_in_dim3A_1519 = vector.broadcast %squeeze3A_1518 : f32 to vector<16xf32>
        %mul3A_1520 = arith.constant 16 : i32
        %mul3A_1521 = arith.muli %scan3A_45, %mul3A_1520 : i32
        %add3A_1522 = arith.constant 10 : i32
        %add3A_1523 = arith.addi %mul3A_1521, %add3A_1522 : i32
        %get3A_1524 = arith.index_cast %add3A_1523 : i32 to index
        %get3A_1525 = arith.constant 0 : index
        %get3A_1526 = tpu.vector_load %arg10[%get3A_1524, %get3A_1525] {strides = array<i32>} : memref<128x128xf32, #tpu.memory_space<vmem>>, vector<1x16xf32>,
        %get3A_1527 = vector.shape_cast %get3A_1526 : vector<1x16xf32> to vector<16xf32>
        %mul3A_1528 = arith.mulf %get3A_1527, %broadcast_in_dim3A_1519 : vector<16xf32>
        %mul3A_1529 = arith.constant 16 : i32
        %mul3A_1530 = arith.muli %scan3A_45, %mul3A_1529 : i32
        %add3A_1531 = arith.constant 10 : i32
        %add3A_1532 = arith.addi %mul3A_1530, %add3A_1531 : i32
        %swap3A_1533 = arith.index_cast %add3A_1532 : i32 to index
        %swap3A_1534 = arith.constant 0 : index
        %swap3A_1535 = tpu.vector_load %arg10[%swap3A_1533, %swap3A_1534] {strides = array<i32>} : memref<128x128xf32, #tpu.memory_space<vmem>>, vector<1x16xf32>,
        %swap3A_1536 = vector.shape_cast %swap3A_1535 : vector<1x16xf32> to vector<16xf32>
        %swap3A_1537 = vector.shape_cast %mul3A_1528 : vector<16xf32> to vector<1x16xf32>
        tpu.vector_store %arg10[%swap3A_1533, %swap3A_1534], %swap3A_1537 {strides = array<i32>} : memref<128x128xf32, #tpu.memory_space<vmem>>, vector<1x16xf32>,
        %mul3A_1538 = arith.constant 16 : i32
        %mul3A_1539 = arith.muli %scan3A_45, %mul3A_1538 : i32
        %add3A_1540 = arith.constant 10 : i32
        %add3A_1541 = arith.addi %mul3A_1539, %add3A_1540 : i32
        %get3A_1542 = arith.index_cast %add3A_1541 : i32 to index
        %get3A_1543 = arith.constant 16 : index
        %get3A_1544 = tpu.vector_load %arg10[%get3A_1542, %get3A_1543] {strides = array<i32>} : memref<128x128xf32, #tpu.memory_space<vmem>>, vector<1x16xf32>,
        %get3A_1545 = vector.shape_cast %get3A_1544 : vector<1x16xf32> to vector<16xf32>
        %mul3A_1546 = arith.mulf %get3A_1545, %broadcast_in_dim3A_1519 : vector<16xf32>
        %mul3A_1547 = arith.constant 16 : i32
        %mul3A_1548 = arith.muli %scan3A_45, %mul3A_1547 : i32
        %add3A_1549 = arith.constant 10 : i32
        %add3A_1550 = arith.addi %mul3A_1548, %add3A_1549 : i32
        %swap3A_1551 = arith.index_cast %add3A_1550 : i32 to index
        %swap3A_1552 = arith.constant 16 : index
        %swap3A_1553 = tpu.vector_load %arg10[%swap3A_1551, %swap3A_1552] {strides = array<i32>} : memref<128x128xf32, #tpu.memory_space<vmem>>, vector<1x16xf32>,
        %swap3A_1554 = vector.shape_cast %swap3A_1553 : vector<1x16xf32> to vector<16xf32>
        %swap3A_1555 = vector.shape_cast %mul3A_1546 : vector<16xf32> to vector<1x16xf32>
        tpu.vector_store %arg10[%swap3A_1551, %swap3A_1552], %swap3A_1555 {strides = array<i32>} : memref<128x128xf32, #tpu.memory_space<vmem>>, vector<1x16xf32>,
        %mul3A_1556 = arith.constant 16 : i32
        %mul3A_1557 = arith.muli %scan3A_45, %mul3A_1556 : i32
        %add3A_1558 = arith.constant 10 : i32
        %add3A_1559 = arith.addi %mul3A_1557, %add3A_1558 : i32
        %get3A_1560 = arith.index_cast %add3A_1559 : i32 to index
        %get3A_1561 = arith.constant 32 : index
        %get3A_1562 = tpu.vector_load %arg10[%get3A_1560, %get3A_1561] {strides = array<i32>} : memref<128x128xf32, #tpu.memory_space<vmem>>, vector<1x16xf32>,
        %get3A_1563 = vector.shape_cast %get3A_1562 : vector<1x16xf32> to vector<16xf32>
        %mul3A_1564 = arith.mulf %get3A_1563, %broadcast_in_dim3A_1519 : vector<16xf32>
        %mul3A_1565 = arith.constant 16 : i32
        %mul3A_1566 = arith.muli %scan3A_45, %mul3A_1565 : i32
        %add3A_1567 = arith.constant 10 : i32
        %add3A_1568 = arith.addi %mul3A_1566, %add3A_1567 : i32
        %swap3A_1569 = arith.index_cast %add3A_1568 : i32 to index
        %swap3A_1570 = arith.constant 32 : index
        %swap3A_1571 = tpu.vector_load %arg10[%swap3A_1569, %swap3A_1570] {strides = array<i32>} : memref<128x128xf32, #tpu.memory_space<vmem>>, vector<1x16xf32>,
        %swap3A_1572 = vector.shape_cast %swap3A_1571 : vector<1x16xf32> to vector<16xf32>
        %swap3A_1573 = vector.shape_cast %mul3A_1564 : vector<16xf32> to vector<1x16xf32>
        tpu.vector_store %arg10[%swap3A_1569, %swap3A_1570], %swap3A_1573 {strides = array<i32>} : memref<128x128xf32, #tpu.memory_space<vmem>>, vector<1x16xf32>,
        %mul3A_1574 = arith.constant 16 : i32
        %mul3A_1575 = arith.muli %scan3A_45, %mul3A_1574 : i32
        %add3A_1576 = arith.constant 10 : i32
        %add3A_1577 = arith.addi %mul3A_1575, %add3A_1576 : i32
        %get3A_1578 = arith.index_cast %add3A_1577 : i32 to index
        %get3A_1579 = arith.constant 48 : index
        %get3A_1580 = tpu.vector_load %arg10[%get3A_1578, %get3A_1579] {strides = array<i32>} : memref<128x128xf32, #tpu.memory_space<vmem>>, vector<1x16xf32>,
        %get3A_1581 = vector.shape_cast %get3A_1580 : vector<1x16xf32> to vector<16xf32>
        %mul3A_1582 = arith.mulf %get3A_1581, %broadcast_in_dim3A_1519 : vector<16xf32>
        %mul3A_1583 = arith.constant 16 : i32
        %mul3A_1584 = arith.muli %scan3A_45, %mul3A_1583 : i32
        %add3A_1585 = arith.constant 10 : i32
        %add3A_1586 = arith.addi %mul3A_1584, %add3A_1585 : i32
        %swap3A_1587 = arith.index_cast %add3A_1586 : i32 to index
        %swap3A_1588 = arith.constant 48 : index
        %swap3A_1589 = tpu.vector_load %arg10[%swap3A_1587, %swap3A_1588] {strides = array<i32>} : memref<128x128xf32, #tpu.memory_space<vmem>>, vector<1x16xf32>,
        %swap3A_1590 = vector.shape_cast %swap3A_1589 : vector<1x16xf32> to vector<16xf32>
        %swap3A_1591 = vector.shape_cast %mul3A_1582 : vector<16xf32> to vector<1x16xf32>
        tpu.vector_store %arg10[%swap3A_1587, %swap3A_1588], %swap3A_1591 {strides = array<i32>} : memref<128x128xf32, #tpu.memory_space<vmem>>, vector<1x16xf32>,
        %mul3A_1592 = arith.constant 16 : i32
        %mul3A_1593 = arith.muli %scan3A_45, %mul3A_1592 : i32
        %add3A_1594 = arith.constant 10 : i32
        %add3A_1595 = arith.addi %mul3A_1593, %add3A_1594 : i32
        %get3A_1596 = arith.index_cast %add3A_1595 : i32 to index
        %get3A_1597 = arith.constant 64 : index
        %get3A_1598 = tpu.vector_load %arg10[%get3A_1596, %get3A_1597] {strides = array<i32>} : memref<128x128xf32, #tpu.memory_space<vmem>>, vector<1x16xf32>,
        %get3A_1599 = vector.shape_cast %get3A_1598 : vector<1x16xf32> to vector<16xf32>
        %mul3A_1600 = arith.mulf %get3A_1599, %broadcast_in_dim3A_1519 : vector<16xf32>
        %mul3A_1601 = arith.constant 16 : i32
        %mul3A_1602 = arith.muli %scan3A_45, %mul3A_1601 : i32
        %add3A_1603 = arith.constant 10 : i32
        %add3A_1604 = arith.addi %mul3A_1602, %add3A_1603 : i32
        %swap3A_1605 = arith.index_cast %add3A_1604 : i32 to index
        %swap3A_1606 = arith.constant 64 : index
        %swap3A_1607 = tpu.vector_load %arg10[%swap3A_1605, %swap3A_1606] {strides = array<i32>} : memref<128x128xf32, #tpu.memory_space<vmem>>, vector<1x16xf32>,
        %swap3A_1608 = vector.shape_cast %swap3A_1607 : vector<1x16xf32> to vector<16xf32>
        %swap3A_1609 = vector.shape_cast %mul3A_1600 : vector<16xf32> to vector<1x16xf32>
        tpu.vector_store %arg10[%swap3A_1605, %swap3A_1606], %swap3A_1609 {strides = array<i32>} : memref<128x128xf32, #tpu.memory_space<vmem>>, vector<1x16xf32>,
        %mul3A_1610 = arith.constant 16 : i32
        %mul3A_1611 = arith.muli %scan3A_45, %mul3A_1610 : i32
        %add3A_1612 = arith.constant 10 : i32
        %add3A_1613 = arith.addi %mul3A_1611, %add3A_1612 : i32
        %get3A_1614 = arith.index_cast %add3A_1613 : i32 to index
        %get3A_1615 = arith.constant 80 : index
        %get3A_1616 = tpu.vector_load %arg10[%get3A_1614, %get3A_1615] {strides = array<i32>} : memref<128x128xf32, #tpu.memory_space<vmem>>, vector<1x16xf32>,
        %get3A_1617 = vector.shape_cast %get3A_1616 : vector<1x16xf32> to vector<16xf32>
        %mul3A_1618 = arith.mulf %get3A_1617, %broadcast_in_dim3A_1519 : vector<16xf32>
        %mul3A_1619 = arith.constant 16 : i32
        %mul3A_1620 = arith.muli %scan3A_45, %mul3A_1619 : i32
        %add3A_1621 = arith.constant 10 : i32
        %add3A_1622 = arith.addi %mul3A_1620, %add3A_1621 : i32
        %swap3A_1623 = arith.index_cast %add3A_1622 : i32 to index
        %swap3A_1624 = arith.constant 80 : index
        %swap3A_1625 = tpu.vector_load %arg10[%swap3A_1623, %swap3A_1624] {strides = array<i32>} : memref<128x128xf32, #tpu.memory_space<vmem>>, vector<1x16xf32>,
        %swap3A_1626 = vector.shape_cast %swap3A_1625 : vector<1x16xf32> to vector<16xf32>
        %swap3A_1627 = vector.shape_cast %mul3A_1618 : vector<16xf32> to vector<1x16xf32>
        tpu.vector_store %arg10[%swap3A_1623, %swap3A_1624], %swap3A_1627 {strides = array<i32>} : memref<128x128xf32, #tpu.memory_space<vmem>>, vector<1x16xf32>,
        %mul3A_1628 = arith.constant 16 : i32
        %mul3A_1629 = arith.muli %scan3A_45, %mul3A_1628 : i32
        %add3A_1630 = arith.constant 10 : i32
        %add3A_1631 = arith.addi %mul3A_1629, %add3A_1630 : i32
        %get3A_1632 = arith.index_cast %add3A_1631 : i32 to index
        %get3A_1633 = arith.constant 96 : index
        %get3A_1634 = tpu.vector_load %arg10[%get3A_1632, %get3A_1633] {strides = array<i32>} : memref<128x128xf32, #tpu.memory_space<vmem>>, vector<1x16xf32>,
        %get3A_1635 = vector.shape_cast %get3A_1634 : vector<1x16xf32> to vector<16xf32>
        %mul3A_1636 = arith.mulf %get3A_1635, %broadcast_in_dim3A_1519 : vector<16xf32>
        %mul3A_1637 = arith.constant 16 : i32
        %mul3A_1638 = arith.muli %scan3A_45, %mul3A_1637 : i32
        %add3A_1639 = arith.constant 10 : i32
        %add3A_1640 = arith.addi %mul3A_1638, %add3A_1639 : i32
        %swap3A_1641 = arith.index_cast %add3A_1640 : i32 to index
        %swap3A_1642 = arith.constant 96 : index
        %swap3A_1643 = tpu.vector_load %arg10[%swap3A_1641, %swap3A_1642] {strides = array<i32>} : memref<128x128xf32, #tpu.memory_space<vmem>>, vector<1x16xf32>,
        %swap3A_1644 = vector.shape_cast %swap3A_1643 : vector<1x16xf32> to vector<16xf32>
        %swap3A_1645 = vector.shape_cast %mul3A_1636 : vector<16xf32> to vector<1x16xf32>
        tpu.vector_store %arg10[%swap3A_1641, %swap3A_1642], %swap3A_1645 {strides = array<i32>} : memref<128x128xf32, #tpu.memory_space<vmem>>, vector<1x16xf32>,
        %mul3A_1646 = arith.constant 16 : i32
        %mul3A_1647 = arith.muli %scan3A_45, %mul3A_1646 : i32
        %add3A_1648 = arith.constant 10 : i32
        %add3A_1649 = arith.addi %mul3A_1647, %add3A_1648 : i32
        %get3A_1650 = arith.index_cast %add3A_1649 : i32 to index
        %get3A_1651 = arith.constant 112 : index
        %get3A_1652 = tpu.vector_load %arg10[%get3A_1650, %get3A_1651] {strides = array<i32>} : memref<128x128xf32, #tpu.memory_space<vmem>>, vector<1x16xf32>,
        %get3A_1653 = vector.shape_cast %get3A_1652 : vector<1x16xf32> to vector<16xf32>
        %mul3A_1654 = arith.mulf %get3A_1653, %broadcast_in_dim3A_1519 : vector<16xf32>
        %mul3A_1655 = arith.constant 16 : i32
        %mul3A_1656 = arith.muli %scan3A_45, %mul3A_1655 : i32
        %add3A_1657 = arith.constant 10 : i32
        %add3A_1658 = arith.addi %mul3A_1656, %add3A_1657 : i32
        %swap3A_1659 = arith.index_cast %add3A_1658 : i32 to index
        %swap3A_1660 = arith.constant 112 : index
        %swap3A_1661 = tpu.vector_load %arg10[%swap3A_1659, %swap3A_1660] {strides = array<i32>} : memref<128x128xf32, #tpu.memory_space<vmem>>, vector<1x16xf32>,
        %swap3A_1662 = vector.shape_cast %swap3A_1661 : vector<1x16xf32> to vector<16xf32>
        %swap3A_1663 = vector.shape_cast %mul3A_1654 : vector<16xf32> to vector<1x16xf32>
        tpu.vector_store %arg10[%swap3A_1659, %swap3A_1660], %swap3A_1663 {strides = array<i32>} : memref<128x128xf32, #tpu.memory_space<vmem>>, vector<1x16xf32>,
        %slice3A_1664 = vector.extract_strided_slice %get3A_50 {offsets = [11], sizes = [1], strides = [1]} : vector<16xf32> to vector<1xf32>
        %squeeze3A_1665 = vector.extract %slice3A_1664[0] : f32 from vector<1xf32>
        %broadcast_in_dim3A_1666 = vector.broadcast %squeeze3A_1665 : f32 to vector<16xf32>
        %mul3A_1667 = arith.constant 16 : i32
        %mul3A_1668 = arith.muli %scan3A_45, %mul3A_1667 : i32
        %add3A_1669 = arith.constant 11 : i32
        %add3A_1670 = arith.addi %mul3A_1668, %add3A_1669 : i32
        %get3A_1671 = arith.index_cast %add3A_1670 : i32 to index
        %get3A_1672 = arith.constant 0 : index
        %get3A_1673 = tpu.vector_load %arg10[%get3A_1671, %get3A_1672] {strides = array<i32>} : memref<128x128xf32, #tpu.memory_space<vmem>>, vector<1x16xf32>,
        %get3A_1674 = vector.shape_cast %get3A_1673 : vector<1x16xf32> to vector<16xf32>
        %mul3A_1675 = arith.mulf %get3A_1674, %broadcast_in_dim3A_1666 : vector<16xf32>
        %mul3A_1676 = arith.constant 16 : i32
        %mul3A_1677 = arith.muli %scan3A_45, %mul3A_1676 : i32
        %add3A_1678 = arith.constant 11 : i32
        %add3A_1679 = arith.addi %mul3A_1677, %add3A_1678 : i32
        %swap3A_1680 = arith.index_cast %add3A_1679 : i32 to index
        %swap3A_1681 = arith.constant 0 : index
        %swap3A_1682 = tpu.vector_load %arg10[%swap3A_1680, %swap3A_1681] {strides = array<i32>} : memref<128x128xf32, #tpu.memory_space<vmem>>, vector<1x16xf32>,
        %swap3A_1683 = vector.shape_cast %swap3A_1682 : vector<1x16xf32> to vector<16xf32>
        %swap3A_1684 = vector.shape_cast %mul3A_1675 : vector<16xf32> to vector<1x16xf32>
        tpu.vector_store %arg10[%swap3A_1680, %swap3A_1681], %swap3A_1684 {strides = array<i32>} : memref<128x128xf32, #tpu.memory_space<vmem>>, vector<1x16xf32>,
        %mul3A_1685 = arith.constant 16 : i32
        %mul3A_1686 = arith.muli %scan3A_45, %mul3A_1685 : i32
        %add3A_1687 = arith.constant 11 : i32
        %add3A_1688 = arith.addi %mul3A_1686, %add3A_1687 : i32
        %get3A_1689 = arith.index_cast %add3A_1688 : i32 to index
        %get3A_1690 = arith.constant 16 : index
        %get3A_1691 = tpu.vector_load %arg10[%get3A_1689, %get3A_1690] {strides = array<i32>} : memref<128x128xf32, #tpu.memory_space<vmem>>, vector<1x16xf32>,
        %get3A_1692 = vector.shape_cast %get3A_1691 : vector<1x16xf32> to vector<16xf32>
        %mul3A_1693 = arith.mulf %get3A_1692, %broadcast_in_dim3A_1666 : vector<16xf32>
        %mul3A_1694 = arith.constant 16 : i32
        %mul3A_1695 = arith.muli %scan3A_45, %mul3A_1694 : i32
        %add3A_1696 = arith.constant 11 : i32
        %add3A_1697 = arith.addi %mul3A_1695, %add3A_1696 : i32
        %swap3A_1698 = arith.index_cast %add3A_1697 : i32 to index
        %swap3A_1699 = arith.constant 16 : index
        %swap3A_1700 = tpu.vector_load %arg10[%swap3A_1698, %swap3A_1699] {strides = array<i32>} : memref<128x128xf32, #tpu.memory_space<vmem>>, vector<1x16xf32>,
        %swap3A_1701 = vector.shape_cast %swap3A_1700 : vector<1x16xf32> to vector<16xf32>
        %swap3A_1702 = vector.shape_cast %mul3A_1693 : vector<16xf32> to vector<1x16xf32>
        tpu.vector_store %arg10[%swap3A_1698, %swap3A_1699], %swap3A_1702 {strides = array<i32>} : memref<128x128xf32, #tpu.memory_space<vmem>>, vector<1x16xf32>,
        %mul3A_1703 = arith.constant 16 : i32
        %mul3A_1704 = arith.muli %scan3A_45, %mul3A_1703 : i32
        %add3A_1705 = arith.constant 11 : i32
        %add3A_1706 = arith.addi %mul3A_1704, %add3A_1705 : i32
        %get3A_1707 = arith.index_cast %add3A_1706 : i32 to index
        %get3A_1708 = arith.constant 32 : index
        %get3A_1709 = tpu.vector_load %arg10[%get3A_1707, %get3A_1708] {strides = array<i32>} : memref<128x128xf32, #tpu.memory_space<vmem>>, vector<1x16xf32>,
        %get3A_1710 = vector.shape_cast %get3A_1709 : vector<1x16xf32> to vector<16xf32>
        %mul3A_1711 = arith.mulf %get3A_1710, %broadcast_in_dim3A_1666 : vector<16xf32>
        %mul3A_1712 = arith.constant 16 : i32
        %mul3A_1713 = arith.muli %scan3A_45, %mul3A_1712 : i32
        %add3A_1714 = arith.constant 11 : i32
        %add3A_1715 = arith.addi %mul3A_1713, %add3A_1714 : i32
        %swap3A_1716 = arith.index_cast %add3A_1715 : i32 to index
        %swap3A_1717 = arith.constant 32 : index
        %swap3A_1718 = tpu.vector_load %arg10[%swap3A_1716, %swap3A_1717] {strides = array<i32>} : memref<128x128xf32, #tpu.memory_space<vmem>>, vector<1x16xf32>,
        %swap3A_1719 = vector.shape_cast %swap3A_1718 : vector<1x16xf32> to vector<16xf32>
        %swap3A_1720 = vector.shape_cast %mul3A_1711 : vector<16xf32> to vector<1x16xf32>
        tpu.vector_store %arg10[%swap3A_1716, %swap3A_1717], %swap3A_1720 {strides = array<i32>} : memref<128x128xf32, #tpu.memory_space<vmem>>, vector<1x16xf32>,
        %mul3A_1721 = arith.constant 16 : i32
        %mul3A_1722 = arith.muli %scan3A_45, %mul3A_1721 : i32
        %add3A_1723 = arith.constant 11 : i32
        %add3A_1724 = arith.addi %mul3A_1722, %add3A_1723 : i32
        %get3A_1725 = arith.index_cast %add3A_1724 : i32 to index
        %get3A_1726 = arith.constant 48 : index
        %get3A_1727 = tpu.vector_load %arg10[%get3A_1725, %get3A_1726] {strides = array<i32>} : memref<128x128xf32, #tpu.memory_space<vmem>>, vector<1x16xf32>,
        %get3A_1728 = vector.shape_cast %get3A_1727 : vector<1x16xf32> to vector<16xf32>
        %mul3A_1729 = arith.mulf %get3A_1728, %broadcast_in_dim3A_1666 : vector<16xf32>
        %mul3A_1730 = arith.constant 16 : i32
        %mul3A_1731 = arith.muli %scan3A_45, %mul3A_1730 : i32
        %add3A_1732 = arith.constant 11 : i32
        %add3A_1733 = arith.addi %mul3A_1731, %add3A_1732 : i32
        %swap3A_1734 = arith.index_cast %add3A_1733 : i32 to index
        %swap3A_1735 = arith.constant 48 : index
        %swap3A_1736 = tpu.vector_load %arg10[%swap3A_1734, %swap3A_1735] {strides = array<i32>} : memref<128x128xf32, #tpu.memory_space<vmem>>, vector<1x16xf32>,
        %swap3A_1737 = vector.shape_cast %swap3A_1736 : vector<1x16xf32> to vector<16xf32>
        %swap3A_1738 = vector.shape_cast %mul3A_1729 : vector<16xf32> to vector<1x16xf32>
        tpu.vector_store %arg10[%swap3A_1734, %swap3A_1735], %swap3A_1738 {strides = array<i32>} : memref<128x128xf32, #tpu.memory_space<vmem>>, vector<1x16xf32>,
        %mul3A_1739 = arith.constant 16 : i32
        %mul3A_1740 = arith.muli %scan3A_45, %mul3A_1739 : i32
        %add3A_1741 = arith.constant 11 : i32
        %add3A_1742 = arith.addi %mul3A_1740, %add3A_1741 : i32
        %get3A_1743 = arith.index_cast %add3A_1742 : i32 to index
        %get3A_1744 = arith.constant 64 : index
        %get3A_1745 = tpu.vector_load %arg10[%get3A_1743, %get3A_1744] {strides = array<i32>} : memref<128x128xf32, #tpu.memory_space<vmem>>, vector<1x16xf32>,
        %get3A_1746 = vector.shape_cast %get3A_1745 : vector<1x16xf32> to vector<16xf32>
        %mul3A_1747 = arith.mulf %get3A_1746, %broadcast_in_dim3A_1666 : vector<16xf32>
        %mul3A_1748 = arith.constant 16 : i32
        %mul3A_1749 = arith.muli %scan3A_45, %mul3A_1748 : i32
        %add3A_1750 = arith.constant 11 : i32
        %add3A_1751 = arith.addi %mul3A_1749, %add3A_1750 : i32
        %swap3A_1752 = arith.index_cast %add3A_1751 : i32 to index
        %swap3A_1753 = arith.constant 64 : index
        %swap3A_1754 = tpu.vector_load %arg10[%swap3A_1752, %swap3A_1753] {strides = array<i32>} : memref<128x128xf32, #tpu.memory_space<vmem>>, vector<1x16xf32>,
        %swap3A_1755 = vector.shape_cast %swap3A_1754 : vector<1x16xf32> to vector<16xf32>
        %swap3A_1756 = vector.shape_cast %mul3A_1747 : vector<16xf32> to vector<1x16xf32>
        tpu.vector_store %arg10[%swap3A_1752, %swap3A_1753], %swap3A_1756 {strides = array<i32>} : memref<128x128xf32, #tpu.memory_space<vmem>>, vector<1x16xf32>,
        %mul3A_1757 = arith.constant 16 : i32
        %mul3A_1758 = arith.muli %scan3A_45, %mul3A_1757 : i32
        %add3A_1759 = arith.constant 11 : i32
        %add3A_1760 = arith.addi %mul3A_1758, %add3A_1759 : i32
        %get3A_1761 = arith.index_cast %add3A_1760 : i32 to index
        %get3A_1762 = arith.constant 80 : index
        %get3A_1763 = tpu.vector_load %arg10[%get3A_1761, %get3A_1762] {strides = array<i32>} : memref<128x128xf32, #tpu.memory_space<vmem>>, vector<1x16xf32>,
        %get3A_1764 = vector.shape_cast %get3A_1763 : vector<1x16xf32> to vector<16xf32>
        %mul3A_1765 = arith.mulf %get3A_1764, %broadcast_in_dim3A_1666 : vector<16xf32>
        %mul3A_1766 = arith.constant 16 : i32
        %mul3A_1767 = arith.muli %scan3A_45, %mul3A_1766 : i32
        %add3A_1768 = arith.constant 11 : i32
        %add3A_1769 = arith.addi %mul3A_1767, %add3A_1768 : i32
        %swap3A_1770 = arith.index_cast %add3A_1769 : i32 to index
        %swap3A_1771 = arith.constant 80 : index
        %swap3A_1772 = tpu.vector_load %arg10[%swap3A_1770, %swap3A_1771] {strides = array<i32>} : memref<128x128xf32, #tpu.memory_space<vmem>>, vector<1x16xf32>,
        %swap3A_1773 = vector.shape_cast %swap3A_1772 : vector<1x16xf32> to vector<16xf32>
        %swap3A_1774 = vector.shape_cast %mul3A_1765 : vector<16xf32> to vector<1x16xf32>
        tpu.vector_store %arg10[%swap3A_1770, %swap3A_1771], %swap3A_1774 {strides = array<i32>} : memref<128x128xf32, #tpu.memory_space<vmem>>, vector<1x16xf32>,
        %mul3A_1775 = arith.constant 16 : i32
        %mul3A_1776 = arith.muli %scan3A_45, %mul3A_1775 : i32
        %add3A_1777 = arith.constant 11 : i32
        %add3A_1778 = arith.addi %mul3A_1776, %add3A_1777 : i32
        %get3A_1779 = arith.index_cast %add3A_1778 : i32 to index
        %get3A_1780 = arith.constant 96 : index
        %get3A_1781 = tpu.vector_load %arg10[%get3A_1779, %get3A_1780] {strides = array<i32>} : memref<128x128xf32, #tpu.memory_space<vmem>>, vector<1x16xf32>,
        %get3A_1782 = vector.shape_cast %get3A_1781 : vector<1x16xf32> to vector<16xf32>
        %mul3A_1783 = arith.mulf %get3A_1782, %broadcast_in_dim3A_1666 : vector<16xf32>
        %mul3A_1784 = arith.constant 16 : i32
        %mul3A_1785 = arith.muli %scan3A_45, %mul3A_1784 : i32
        %add3A_1786 = arith.constant 11 : i32
        %add3A_1787 = arith.addi %mul3A_1785, %add3A_1786 : i32
        %swap3A_1788 = arith.index_cast %add3A_1787 : i32 to index
        %swap3A_1789 = arith.constant 96 : index
        %swap3A_1790 = tpu.vector_load %arg10[%swap3A_1788, %swap3A_1789] {strides = array<i32>} : memref<128x128xf32, #tpu.memory_space<vmem>>, vector<1x16xf32>,
        %swap3A_1791 = vector.shape_cast %swap3A_1790 : vector<1x16xf32> to vector<16xf32>
        %swap3A_1792 = vector.shape_cast %mul3A_1783 : vector<16xf32> to vector<1x16xf32>
        tpu.vector_store %arg10[%swap3A_1788, %swap3A_1789], %swap3A_1792 {strides = array<i32>} : memref<128x128xf32, #tpu.memory_space<vmem>>, vector<1x16xf32>,
        %mul3A_1793 = arith.constant 16 : i32
        %mul3A_1794 = arith.muli %scan3A_45, %mul3A_1793 : i32
        %add3A_1795 = arith.constant 11 : i32
        %add3A_1796 = arith.addi %mul3A_1794, %add3A_1795 : i32
        %get3A_1797 = arith.index_cast %add3A_1796 : i32 to index
        %get3A_1798 = arith.constant 112 : index
        %get3A_1799 = tpu.vector_load %arg10[%get3A_1797, %get3A_1798] {strides = array<i32>} : memref<128x128xf32, #tpu.memory_space<vmem>>, vector<1x16xf32>,
        %get3A_1800 = vector.shape_cast %get3A_1799 : vector<1x16xf32> to vector<16xf32>
        %mul3A_1801 = arith.mulf %get3A_1800, %broadcast_in_dim3A_1666 : vector<16xf32>
        %mul3A_1802 = arith.constant 16 : i32
        %mul3A_1803 = arith.muli %scan3A_45, %mul3A_1802 : i32
        %add3A_1804 = arith.constant 11 : i32
        %add3A_1805 = arith.addi %mul3A_1803, %add3A_1804 : i32
        %swap3A_1806 = arith.index_cast %add3A_1805 : i32 to index
        %swap3A_1807 = arith.constant 112 : index
        %swap3A_1808 = tpu.vector_load %arg10[%swap3A_1806, %swap3A_1807] {strides = array<i32>} : memref<128x128xf32, #tpu.memory_space<vmem>>, vector<1x16xf32>,
        %swap3A_1809 = vector.shape_cast %swap3A_1808 : vector<1x16xf32> to vector<16xf32>
        %swap3A_1810 = vector.shape_cast %mul3A_1801 : vector<16xf32> to vector<1x16xf32>
        tpu.vector_store %arg10[%swap3A_1806, %swap3A_1807], %swap3A_1810 {strides = array<i32>} : memref<128x128xf32, #tpu.memory_space<vmem>>, vector<1x16xf32>,
        %slice3A_1811 = vector.extract_strided_slice %get3A_50 {offsets = [12], sizes = [1], strides = [1]} : vector<16xf32> to vector<1xf32>
        %squeeze3A_1812 = vector.extract %slice3A_1811[0] : f32 from vector<1xf32>
        %broadcast_in_dim3A_1813 = vector.broadcast %squeeze3A_1812 : f32 to vector<16xf32>
        %mul3A_1814 = arith.constant 16 : i32
        %mul3A_1815 = arith.muli %scan3A_45, %mul3A_1814 : i32
        %add3A_1816 = arith.constant 12 : i32
        %add3A_1817 = arith.addi %mul3A_1815, %add3A_1816 : i32
        %get3A_1818 = arith.index_cast %add3A_1817 : i32 to index
        %get3A_1819 = arith.constant 0 : index
        %get3A_1820 = tpu.vector_load %arg10[%get3A_1818, %get3A_1819] {strides = array<i32>} : memref<128x128xf32, #tpu.memory_space<vmem>>, vector<1x16xf32>,
        %get3A_1821 = vector.shape_cast %get3A_1820 : vector<1x16xf32> to vector<16xf32>
        %mul3A_1822 = arith.mulf %get3A_1821, %broadcast_in_dim3A_1813 : vector<16xf32>
        %mul3A_1823 = arith.constant 16 : i32
        %mul3A_1824 = arith.muli %scan3A_45, %mul3A_1823 : i32
        %add3A_1825 = arith.constant 12 : i32
        %add3A_1826 = arith.addi %mul3A_1824, %add3A_1825 : i32
        %swap3A_1827 = arith.index_cast %add3A_1826 : i32 to index
        %swap3A_1828 = arith.constant 0 : index
        %swap3A_1829 = tpu.vector_load %arg10[%swap3A_1827, %swap3A_1828] {strides = array<i32>} : memref<128x128xf32, #tpu.memory_space<vmem>>, vector<1x16xf32>,
        %swap3A_1830 = vector.shape_cast %swap3A_1829 : vector<1x16xf32> to vector<16xf32>
        %swap3A_1831 = vector.shape_cast %mul3A_1822 : vector<16xf32> to vector<1x16xf32>
        tpu.vector_store %arg10[%swap3A_1827, %swap3A_1828], %swap3A_1831 {strides = array<i32>} : memref<128x128xf32, #tpu.memory_space<vmem>>, vector<1x16xf32>,
        %mul3A_1832 = arith.constant 16 : i32
        %mul3A_1833 = arith.muli %scan3A_45, %mul3A_1832 : i32
        %add3A_1834 = arith.constant 12 : i32
        %add3A_1835 = arith.addi %mul3A_1833, %add3A_1834 : i32
        %get3A_1836 = arith.index_cast %add3A_1835 : i32 to index
        %get3A_1837 = arith.constant 16 : index
        %get3A_1838 = tpu.vector_load %arg10[%get3A_1836, %get3A_1837] {strides = array<i32>} : memref<128x128xf32, #tpu.memory_space<vmem>>, vector<1x16xf32>,
        %get3A_1839 = vector.shape_cast %get3A_1838 : vector<1x16xf32> to vector<16xf32>
        %mul3A_1840 = arith.mulf %get3A_1839, %broadcast_in_dim3A_1813 : vector<16xf32>
        %mul3A_1841 = arith.constant 16 : i32
        %mul3A_1842 = arith.muli %scan3A_45, %mul3A_1841 : i32
        %add3A_1843 = arith.constant 12 : i32
        %add3A_1844 = arith.addi %mul3A_1842, %add3A_1843 : i32
        %swap3A_1845 = arith.index_cast %add3A_1844 : i32 to index
        %swap3A_1846 = arith.constant 16 : index
        %swap3A_1847 = tpu.vector_load %arg10[%swap3A_1845, %swap3A_1846] {strides = array<i32>} : memref<128x128xf32, #tpu.memory_space<vmem>>, vector<1x16xf32>,
        %swap3A_1848 = vector.shape_cast %swap3A_1847 : vector<1x16xf32> to vector<16xf32>
        %swap3A_1849 = vector.shape_cast %mul3A_1840 : vector<16xf32> to vector<1x16xf32>
        tpu.vector_store %arg10[%swap3A_1845, %swap3A_1846], %swap3A_1849 {strides = array<i32>} : memref<128x128xf32, #tpu.memory_space<vmem>>, vector<1x16xf32>,
        %mul3A_1850 = arith.constant 16 : i32
        %mul3A_1851 = arith.muli %scan3A_45, %mul3A_1850 : i32
        %add3A_1852 = arith.constant 12 : i32
        %add3A_1853 = arith.addi %mul3A_1851, %add3A_1852 : i32
        %get3A_1854 = arith.index_cast %add3A_1853 : i32 to index
        %get3A_1855 = arith.constant 32 : index
        %get3A_1856 = tpu.vector_load %arg10[%get3A_1854, %get3A_1855] {strides = array<i32>} : memref<128x128xf32, #tpu.memory_space<vmem>>, vector<1x16xf32>,
        %get3A_1857 = vector.shape_cast %get3A_1856 : vector<1x16xf32> to vector<16xf32>
        %mul3A_1858 = arith.mulf %get3A_1857, %broadcast_in_dim3A_1813 : vector<16xf32>
        %mul3A_1859 = arith.constant 16 : i32
        %mul3A_1860 = arith.muli %scan3A_45, %mul3A_1859 : i32
        %add3A_1861 = arith.constant 12 : i32
        %add3A_1862 = arith.addi %mul3A_1860, %add3A_1861 : i32
        %swap3A_1863 = arith.index_cast %add3A_1862 : i32 to index
        %swap3A_1864 = arith.constant 32 : index
        %swap3A_1865 = tpu.vector_load %arg10[%swap3A_1863, %swap3A_1864] {strides = array<i32>} : memref<128x128xf32, #tpu.memory_space<vmem>>, vector<1x16xf32>,
        %swap3A_1866 = vector.shape_cast %swap3A_1865 : vector<1x16xf32> to vector<16xf32>
        %swap3A_1867 = vector.shape_cast %mul3A_1858 : vector<16xf32> to vector<1x16xf32>
        tpu.vector_store %arg10[%swap3A_1863, %swap3A_1864], %swap3A_1867 {strides = array<i32>} : memref<128x128xf32, #tpu.memory_space<vmem>>, vector<1x16xf32>,
        %mul3A_1868 = arith.constant 16 : i32
        %mul3A_1869 = arith.muli %scan3A_45, %mul3A_1868 : i32
        %add3A_1870 = arith.constant 12 : i32
        %add3A_1871 = arith.addi %mul3A_1869, %add3A_1870 : i32
        %get3A_1872 = arith.index_cast %add3A_1871 : i32 to index
        %get3A_1873 = arith.constant 48 : index
        %get3A_1874 = tpu.vector_load %arg10[%get3A_1872, %get3A_1873] {strides = array<i32>} : memref<128x128xf32, #tpu.memory_space<vmem>>, vector<1x16xf32>,
        %get3A_1875 = vector.shape_cast %get3A_1874 : vector<1x16xf32> to vector<16xf32>
        %mul3A_1876 = arith.mulf %get3A_1875, %broadcast_in_dim3A_1813 : vector<16xf32>
        %mul3A_1877 = arith.constant 16 : i32
        %mul3A_1878 = arith.muli %scan3A_45, %mul3A_1877 : i32
        %add3A_1879 = arith.constant 12 : i32
        %add3A_1880 = arith.addi %mul3A_1878, %add3A_1879 : i32
        %swap3A_1881 = arith.index_cast %add3A_1880 : i32 to index
        %swap3A_1882 = arith.constant 48 : index
        %swap3A_1883 = tpu.vector_load %arg10[%swap3A_1881, %swap3A_1882] {strides = array<i32>} : memref<128x128xf32, #tpu.memory_space<vmem>>, vector<1x16xf32>,
        %swap3A_1884 = vector.shape_cast %swap3A_1883 : vector<1x16xf32> to vector<16xf32>
        %swap3A_1885 = vector.shape_cast %mul3A_1876 : vector<16xf32> to vector<1x16xf32>
        tpu.vector_store %arg10[%swap3A_1881, %swap3A_1882], %swap3A_1885 {strides = array<i32>} : memref<128x128xf32, #tpu.memory_space<vmem>>, vector<1x16xf32>,
        %mul3A_1886 = arith.constant 16 : i32
        %mul3A_1887 = arith.muli %scan3A_45, %mul3A_1886 : i32
        %add3A_1888 = arith.constant 12 : i32
        %add3A_1889 = arith.addi %mul3A_1887, %add3A_1888 : i32
        %get3A_1890 = arith.index_cast %add3A_1889 : i32 to index
        %get3A_1891 = arith.constant 64 : index
        %get3A_1892 = tpu.vector_load %arg10[%get3A_1890, %get3A_1891] {strides = array<i32>} : memref<128x128xf32, #tpu.memory_space<vmem>>, vector<1x16xf32>,
        %get3A_1893 = vector.shape_cast %get3A_1892 : vector<1x16xf32> to vector<16xf32>
        %mul3A_1894 = arith.mulf %get3A_1893, %broadcast_in_dim3A_1813 : vector<16xf32>
        %mul3A_1895 = arith.constant 16 : i32
        %mul3A_1896 = arith.muli %scan3A_45, %mul3A_1895 : i32
        %add3A_1897 = arith.constant 12 : i32
        %add3A_1898 = arith.addi %mul3A_1896, %add3A_1897 : i32
        %swap3A_1899 = arith.index_cast %add3A_1898 : i32 to index
        %swap3A_1900 = arith.constant 64 : index
        %swap3A_1901 = tpu.vector_load %arg10[%swap3A_1899, %swap3A_1900] {strides = array<i32>} : memref<128x128xf32, #tpu.memory_space<vmem>>, vector<1x16xf32>,
        %swap3A_1902 = vector.shape_cast %swap3A_1901 : vector<1x16xf32> to vector<16xf32>
        %swap3A_1903 = vector.shape_cast %mul3A_1894 : vector<16xf32> to vector<1x16xf32>
        tpu.vector_store %arg10[%swap3A_1899, %swap3A_1900], %swap3A_1903 {strides = array<i32>} : memref<128x128xf32, #tpu.memory_space<vmem>>, vector<1x16xf32>,
        %mul3A_1904 = arith.constant 16 : i32
        %mul3A_1905 = arith.muli %scan3A_45, %mul3A_1904 : i32
        %add3A_1906 = arith.constant 12 : i32
        %add3A_1907 = arith.addi %mul3A_1905, %add3A_1906 : i32
        %get3A_1908 = arith.index_cast %add3A_1907 : i32 to index
        %get3A_1909 = arith.constant 80 : index
        %get3A_1910 = tpu.vector_load %arg10[%get3A_1908, %get3A_1909] {strides = array<i32>} : memref<128x128xf32, #tpu.memory_space<vmem>>, vector<1x16xf32>,
        %get3A_1911 = vector.shape_cast %get3A_1910 : vector<1x16xf32> to vector<16xf32>
        %mul3A_1912 = arith.mulf %get3A_1911, %broadcast_in_dim3A_1813 : vector<16xf32>
        %mul3A_1913 = arith.constant 16 : i32
        %mul3A_1914 = arith.muli %scan3A_45, %mul3A_1913 : i32
        %add3A_1915 = arith.constant 12 : i32
        %add3A_1916 = arith.addi %mul3A_1914, %add3A_1915 : i32
        %swap3A_1917 = arith.index_cast %add3A_1916 : i32 to index
        %swap3A_1918 = arith.constant 80 : index
        %swap3A_1919 = tpu.vector_load %arg10[%swap3A_1917, %swap3A_1918] {strides = array<i32>} : memref<128x128xf32, #tpu.memory_space<vmem>>, vector<1x16xf32>,
        %swap3A_1920 = vector.shape_cast %swap3A_1919 : vector<1x16xf32> to vector<16xf32>
        %swap3A_1921 = vector.shape_cast %mul3A_1912 : vector<16xf32> to vector<1x16xf32>
        tpu.vector_store %arg10[%swap3A_1917, %swap3A_1918], %swap3A_1921 {strides = array<i32>} : memref<128x128xf32, #tpu.memory_space<vmem>>, vector<1x16xf32>,
        %mul3A_1922 = arith.constant 16 : i32
        %mul3A_1923 = arith.muli %scan3A_45, %mul3A_1922 : i32
        %add3A_1924 = arith.constant 12 : i32
        %add3A_1925 = arith.addi %mul3A_1923, %add3A_1924 : i32
        %get3A_1926 = arith.index_cast %add3A_1925 : i32 to index
        %get3A_1927 = arith.constant 96 : index
        %get3A_1928 = tpu.vector_load %arg10[%get3A_1926, %get3A_1927] {strides = array<i32>} : memref<128x128xf32, #tpu.memory_space<vmem>>, vector<1x16xf32>,
        %get3A_1929 = vector.shape_cast %get3A_1928 : vector<1x16xf32> to vector<16xf32>
        %mul3A_1930 = arith.mulf %get3A_1929, %broadcast_in_dim3A_1813 : vector<16xf32>
        %mul3A_1931 = arith.constant 16 : i32
        %mul3A_1932 = arith.muli %scan3A_45, %mul3A_1931 : i32
        %add3A_1933 = arith.constant 12 : i32
        %add3A_1934 = arith.addi %mul3A_1932, %add3A_1933 : i32
        %swap3A_1935 = arith.index_cast %add3A_1934 : i32 to index
        %swap3A_1936 = arith.constant 96 : index
        %swap3A_1937 = tpu.vector_load %arg10[%swap3A_1935, %swap3A_1936] {strides = array<i32>} : memref<128x128xf32, #tpu.memory_space<vmem>>, vector<1x16xf32>,
        %swap3A_1938 = vector.shape_cast %swap3A_1937 : vector<1x16xf32> to vector<16xf32>
        %swap3A_1939 = vector.shape_cast %mul3A_1930 : vector<16xf32> to vector<1x16xf32>
        tpu.vector_store %arg10[%swap3A_1935, %swap3A_1936], %swap3A_1939 {strides = array<i32>} : memref<128x128xf32, #tpu.memory_space<vmem>>, vector<1x16xf32>,
        %mul3A_1940 = arith.constant 16 : i32
        %mul3A_1941 = arith.muli %scan3A_45, %mul3A_1940 : i32
        %add3A_1942 = arith.constant 12 : i32
        %add3A_1943 = arith.addi %mul3A_1941, %add3A_1942 : i32
        %get3A_1944 = arith.index_cast %add3A_1943 : i32 to index
        %get3A_1945 = arith.constant 112 : index
        %get3A_1946 = tpu.vector_load %arg10[%get3A_1944, %get3A_1945] {strides = array<i32>} : memref<128x128xf32, #tpu.memory_space<vmem>>, vector<1x16xf32>,
        %get3A_1947 = vector.shape_cast %get3A_1946 : vector<1x16xf32> to vector<16xf32>
        %mul3A_1948 = arith.mulf %get3A_1947, %broadcast_in_dim3A_1813 : vector<16xf32>
        %mul3A_1949 = arith.constant 16 : i32
        %mul3A_1950 = arith.muli %scan3A_45, %mul3A_1949 : i32
        %add3A_1951 = arith.constant 12 : i32
        %add3A_1952 = arith.addi %mul3A_1950, %add3A_1951 : i32
        %swap3A_1953 = arith.index_cast %add3A_1952 : i32 to index
        %swap3A_1954 = arith.constant 112 : index
        %swap3A_1955 = tpu.vector_load %arg10[%swap3A_1953, %swap3A_1954] {strides = array<i32>} : memref<128x128xf32, #tpu.memory_space<vmem>>, vector<1x16xf32>,
        %swap3A_1956 = vector.shape_cast %swap3A_1955 : vector<1x16xf32> to vector<16xf32>
        %swap3A_1957 = vector.shape_cast %mul3A_1948 : vector<16xf32> to vector<1x16xf32>
        tpu.vector_store %arg10[%swap3A_1953, %swap3A_1954], %swap3A_1957 {strides = array<i32>} : memref<128x128xf32, #tpu.memory_space<vmem>>, vector<1x16xf32>,
        %slice3A_1958 = vector.extract_strided_slice %get3A_50 {offsets = [13], sizes = [1], strides = [1]} : vector<16xf32> to vector<1xf32>
        %squeeze3A_1959 = vector.extract %slice3A_1958[0] : f32 from vector<1xf32>
        %broadcast_in_dim3A_1960 = vector.broadcast %squeeze3A_1959 : f32 to vector<16xf32>
        %mul3A_1961 = arith.constant 16 : i32
        %mul3A_1962 = arith.muli %scan3A_45, %mul3A_1961 : i32
        %add3A_1963 = arith.constant 13 : i32
        %add3A_1964 = arith.addi %mul3A_1962, %add3A_1963 : i32
        %get3A_1965 = arith.index_cast %add3A_1964 : i32 to index
        %get3A_1966 = arith.constant 0 : index
        %get3A_1967 = tpu.vector_load %arg10[%get3A_1965, %get3A_1966] {strides = array<i32>} : memref<128x128xf32, #tpu.memory_space<vmem>>, vector<1x16xf32>,
        %get3A_1968 = vector.shape_cast %get3A_1967 : vector<1x16xf32> to vector<16xf32>
        %mul3A_1969 = arith.mulf %get3A_1968, %broadcast_in_dim3A_1960 : vector<16xf32>
        %mul3A_1970 = arith.constant 16 : i32
        %mul3A_1971 = arith.muli %scan3A_45, %mul3A_1970 : i32
        %add3A_1972 = arith.constant 13 : i32
        %add3A_1973 = arith.addi %mul3A_1971, %add3A_1972 : i32
        %swap3A_1974 = arith.index_cast %add3A_1973 : i32 to index
        %swap3A_1975 = arith.constant 0 : index
        %swap3A_1976 = tpu.vector_load %arg10[%swap3A_1974, %swap3A_1975] {strides = array<i32>} : memref<128x128xf32, #tpu.memory_space<vmem>>, vector<1x16xf32>,
        %swap3A_1977 = vector.shape_cast %swap3A_1976 : vector<1x16xf32> to vector<16xf32>
        %swap3A_1978 = vector.shape_cast %mul3A_1969 : vector<16xf32> to vector<1x16xf32>
        tpu.vector_store %arg10[%swap3A_1974, %swap3A_1975], %swap3A_1978 {strides = array<i32>} : memref<128x128xf32, #tpu.memory_space<vmem>>, vector<1x16xf32>,
        %mul3A_1979 = arith.constant 16 : i32
        %mul3A_1980 = arith.muli %scan3A_45, %mul3A_1979 : i32
        %add3A_1981 = arith.constant 13 : i32
        %add3A_1982 = arith.addi %mul3A_1980, %add3A_1981 : i32
        %get3A_1983 = arith.index_cast %add3A_1982 : i32 to index
        %get3A_1984 = arith.constant 16 : index
        %get3A_1985 = tpu.vector_load %arg10[%get3A_1983, %get3A_1984] {strides = array<i32>} : memref<128x128xf32, #tpu.memory_space<vmem>>, vector<1x16xf32>,
        %get3A_1986 = vector.shape_cast %get3A_1985 : vector<1x16xf32> to vector<16xf32>
        %mul3A_1987 = arith.mulf %get3A_1986, %broadcast_in_dim3A_1960 : vector<16xf32>
        %mul3A_1988 = arith.constant 16 : i32
        %mul3A_1989 = arith.muli %scan3A_45, %mul3A_1988 : i32
        %add3A_1990 = arith.constant 13 : i32
        %add3A_1991 = arith.addi %mul3A_1989, %add3A_1990 : i32
        %swap3A_1992 = arith.index_cast %add3A_1991 : i32 to index
        %swap3A_1993 = arith.constant 16 : index
        %swap3A_1994 = tpu.vector_load %arg10[%swap3A_1992, %swap3A_1993] {strides = array<i32>} : memref<128x128xf32, #tpu.memory_space<vmem>>, vector<1x16xf32>,
        %swap3A_1995 = vector.shape_cast %swap3A_1994 : vector<1x16xf32> to vector<16xf32>
        %swap3A_1996 = vector.shape_cast %mul3A_1987 : vector<16xf32> to vector<1x16xf32>
        tpu.vector_store %arg10[%swap3A_1992, %swap3A_1993], %swap3A_1996 {strides = array<i32>} : memref<128x128xf32, #tpu.memory_space<vmem>>, vector<1x16xf32>,
        %mul3A_1997 = arith.constant 16 : i32
        %mul3A_1998 = arith.muli %scan3A_45, %mul3A_1997 : i32
        %add3A_1999 = arith.constant 13 : i32
        %add3A_2000 = arith.addi %mul3A_1998, %add3A_1999 : i32
        %get3A_2001 = arith.index_cast %add3A_2000 : i32 to index
        %get3A_2002 = arith.constant 32 : index
        %get3A_2003 = tpu.vector_load %arg10[%get3A_2001, %get3A_2002] {strides = array<i32>} : memref<128x128xf32, #tpu.memory_space<vmem>>, vector<1x16xf32>,
        %get3A_2004 = vector.shape_cast %get3A_2003 : vector<1x16xf32> to vector<16xf32>
        %mul3A_2005 = arith.mulf %get3A_2004, %broadcast_in_dim3A_1960 : vector<16xf32>
        %mul3A_2006 = arith.constant 16 : i32
        %mul3A_2007 = arith.muli %scan3A_45, %mul3A_2006 : i32
        %add3A_2008 = arith.constant 13 : i32
        %add3A_2009 = arith.addi %mul3A_2007, %add3A_2008 : i32
        %swap3A_2010 = arith.index_cast %add3A_2009 : i32 to index
        %swap3A_2011 = arith.constant 32 : index
        %swap3A_2012 = tpu.vector_load %arg10[%swap3A_2010, %swap3A_2011] {strides = array<i32>} : memref<128x128xf32, #tpu.memory_space<vmem>>, vector<1x16xf32>,
        %swap3A_2013 = vector.shape_cast %swap3A_2012 : vector<1x16xf32> to vector<16xf32>
        %swap3A_2014 = vector.shape_cast %mul3A_2005 : vector<16xf32> to vector<1x16xf32>
        tpu.vector_store %arg10[%swap3A_2010, %swap3A_2011], %swap3A_2014 {strides = array<i32>} : memref<128x128xf32, #tpu.memory_space<vmem>>, vector<1x16xf32>,
        %mul3A_2015 = arith.constant 16 : i32
        %mul3A_2016 = arith.muli %scan3A_45, %mul3A_2015 : i32
        %add3A_2017 = arith.constant 13 : i32
        %add3A_2018 = arith.addi %mul3A_2016, %add3A_2017 : i32
        %get3A_2019 = arith.index_cast %add3A_2018 : i32 to index
        %get3A_2020 = arith.constant 48 : index
        %get3A_2021 = tpu.vector_load %arg10[%get3A_2019, %get3A_2020] {strides = array<i32>} : memref<128x128xf32, #tpu.memory_space<vmem>>, vector<1x16xf32>,
        %get3A_2022 = vector.shape_cast %get3A_2021 : vector<1x16xf32> to vector<16xf32>
        %mul3A_2023 = arith.mulf %get3A_2022, %broadcast_in_dim3A_1960 : vector<16xf32>
        %mul3A_2024 = arith.constant 16 : i32
        %mul3A_2025 = arith.muli %scan3A_45, %mul3A_2024 : i32
        %add3A_2026 = arith.constant 13 : i32
        %add3A_2027 = arith.addi %mul3A_2025, %add3A_2026 : i32
        %swap3A_2028 = arith.index_cast %add3A_2027 : i32 to index
        %swap3A_2029 = arith.constant 48 : index
        %swap3A_2030 = tpu.vector_load %arg10[%swap3A_2028, %swap3A_2029] {strides = array<i32>} : memref<128x128xf32, #tpu.memory_space<vmem>>, vector<1x16xf32>,
        %swap3A_2031 = vector.shape_cast %swap3A_2030 : vector<1x16xf32> to vector<16xf32>
        %swap3A_2032 = vector.shape_cast %mul3A_2023 : vector<16xf32> to vector<1x16xf32>
        tpu.vector_store %arg10[%swap3A_2028, %swap3A_2029], %swap3A_2032 {strides = array<i32>} : memref<128x128xf32, #tpu.memory_space<vmem>>, vector<1x16xf32>,
        %mul3A_2033 = arith.constant 16 : i32
        %mul3A_2034 = arith.muli %scan3A_45, %mul3A_2033 : i32
        %add3A_2035 = arith.constant 13 : i32
        %add3A_2036 = arith.addi %mul3A_2034, %add3A_2035 : i32
        %get3A_2037 = arith.index_cast %add3A_2036 : i32 to index
        %get3A_2038 = arith.constant 64 : index
        %get3A_2039 = tpu.vector_load %arg10[%get3A_2037, %get3A_2038] {strides = array<i32>} : memref<128x128xf32, #tpu.memory_space<vmem>>, vector<1x16xf32>,
        %get3A_2040 = vector.shape_cast %get3A_2039 : vector<1x16xf32> to vector<16xf32>
        %mul3A_2041 = arith.mulf %get3A_2040, %broadcast_in_dim3A_1960 : vector<16xf32>
        %mul3A_2042 = arith.constant 16 : i32
        %mul3A_2043 = arith.muli %scan3A_45, %mul3A_2042 : i32
        %add3A_2044 = arith.constant 13 : i32
        %add3A_2045 = arith.addi %mul3A_2043, %add3A_2044 : i32
        %swap3A_2046 = arith.index_cast %add3A_2045 : i32 to index
        %swap3A_2047 = arith.constant 64 : index
        %swap3A_2048 = tpu.vector_load %arg10[%swap3A_2046, %swap3A_2047] {strides = array<i32>} : memref<128x128xf32, #tpu.memory_space<vmem>>, vector<1x16xf32>,
        %swap3A_2049 = vector.shape_cast %swap3A_2048 : vector<1x16xf32> to vector<16xf32>
        %swap3A_2050 = vector.shape_cast %mul3A_2041 : vector<16xf32> to vector<1x16xf32>
        tpu.vector_store %arg10[%swap3A_2046, %swap3A_2047], %swap3A_2050 {strides = array<i32>} : memref<128x128xf32, #tpu.memory_space<vmem>>, vector<1x16xf32>,
        %mul3A_2051 = arith.constant 16 : i32
        %mul3A_2052 = arith.muli %scan3A_45, %mul3A_2051 : i32
        %add3A_2053 = arith.constant 13 : i32
        %add3A_2054 = arith.addi %mul3A_2052, %add3A_2053 : i32
        %get3A_2055 = arith.index_cast %add3A_2054 : i32 to index
        %get3A_2056 = arith.constant 80 : index
        %get3A_2057 = tpu.vector_load %arg10[%get3A_2055, %get3A_2056] {strides = array<i32>} : memref<128x128xf32, #tpu.memory_space<vmem>>, vector<1x16xf32>,
        %get3A_2058 = vector.shape_cast %get3A_2057 : vector<1x16xf32> to vector<16xf32>
        %mul3A_2059 = arith.mulf %get3A_2058, %broadcast_in_dim3A_1960 : vector<16xf32>
        %mul3A_2060 = arith.constant 16 : i32
        %mul3A_2061 = arith.muli %scan3A_45, %mul3A_2060 : i32
        %add3A_2062 = arith.constant 13 : i32
        %add3A_2063 = arith.addi %mul3A_2061, %add3A_2062 : i32
        %swap3A_2064 = arith.index_cast %add3A_2063 : i32 to index
        %swap3A_2065 = arith.constant 80 : index
        %swap3A_2066 = tpu.vector_load %arg10[%swap3A_2064, %swap3A_2065] {strides = array<i32>} : memref<128x128xf32, #tpu.memory_space<vmem>>, vector<1x16xf32>,
        %swap3A_2067 = vector.shape_cast %swap3A_2066 : vector<1x16xf32> to vector<16xf32>
        %swap3A_2068 = vector.shape_cast %mul3A_2059 : vector<16xf32> to vector<1x16xf32>
        tpu.vector_store %arg10[%swap3A_2064, %swap3A_2065], %swap3A_2068 {strides = array<i32>} : memref<128x128xf32, #tpu.memory_space<vmem>>, vector<1x16xf32>,
        %mul3A_2069 = arith.constant 16 : i32
        %mul3A_2070 = arith.muli %scan3A_45, %mul3A_2069 : i32
        %add3A_2071 = arith.constant 13 : i32
        %add3A_2072 = arith.addi %mul3A_2070, %add3A_2071 : i32
        %get3A_2073 = arith.index_cast %add3A_2072 : i32 to index
        %get3A_2074 = arith.constant 96 : index
        %get3A_2075 = tpu.vector_load %arg10[%get3A_2073, %get3A_2074] {strides = array<i32>} : memref<128x128xf32, #tpu.memory_space<vmem>>, vector<1x16xf32>,
        %get3A_2076 = vector.shape_cast %get3A_2075 : vector<1x16xf32> to vector<16xf32>
        %mul3A_2077 = arith.mulf %get3A_2076, %broadcast_in_dim3A_1960 : vector<16xf32>
        %mul3A_2078 = arith.constant 16 : i32
        %mul3A_2079 = arith.muli %scan3A_45, %mul3A_2078 : i32
        %add3A_2080 = arith.constant 13 : i32
        %add3A_2081 = arith.addi %mul3A_2079, %add3A_2080 : i32
        %swap3A_2082 = arith.index_cast %add3A_2081 : i32 to index
        %swap3A_2083 = arith.constant 96 : index
        %swap3A_2084 = tpu.vector_load %arg10[%swap3A_2082, %swap3A_2083] {strides = array<i32>} : memref<128x128xf32, #tpu.memory_space<vmem>>, vector<1x16xf32>,
        %swap3A_2085 = vector.shape_cast %swap3A_2084 : vector<1x16xf32> to vector<16xf32>
        %swap3A_2086 = vector.shape_cast %mul3A_2077 : vector<16xf32> to vector<1x16xf32>
        tpu.vector_store %arg10[%swap3A_2082, %swap3A_2083], %swap3A_2086 {strides = array<i32>} : memref<128x128xf32, #tpu.memory_space<vmem>>, vector<1x16xf32>,
        %mul3A_2087 = arith.constant 16 : i32
        %mul3A_2088 = arith.muli %scan3A_45, %mul3A_2087 : i32
        %add3A_2089 = arith.constant 13 : i32
        %add3A_2090 = arith.addi %mul3A_2088, %add3A_2089 : i32
        %get3A_2091 = arith.index_cast %add3A_2090 : i32 to index
        %get3A_2092 = arith.constant 112 : index
        %get3A_2093 = tpu.vector_load %arg10[%get3A_2091, %get3A_2092] {strides = array<i32>} : memref<128x128xf32, #tpu.memory_space<vmem>>, vector<1x16xf32>,
        %get3A_2094 = vector.shape_cast %get3A_2093 : vector<1x16xf32> to vector<16xf32>
        %mul3A_2095 = arith.mulf %get3A_2094, %broadcast_in_dim3A_1960 : vector<16xf32>
        %mul3A_2096 = arith.constant 16 : i32
        %mul3A_2097 = arith.muli %scan3A_45, %mul3A_2096 : i32
        %add3A_2098 = arith.constant 13 : i32
        %add3A_2099 = arith.addi %mul3A_2097, %add3A_2098 : i32
        %swap3A_2100 = arith.index_cast %add3A_2099 : i32 to index
        %swap3A_2101 = arith.constant 112 : index
        %swap3A_2102 = tpu.vector_load %arg10[%swap3A_2100, %swap3A_2101] {strides = array<i32>} : memref<128x128xf32, #tpu.memory_space<vmem>>, vector<1x16xf32>,
        %swap3A_2103 = vector.shape_cast %swap3A_2102 : vector<1x16xf32> to vector<16xf32>
        %swap3A_2104 = vector.shape_cast %mul3A_2095 : vector<16xf32> to vector<1x16xf32>
        tpu.vector_store %arg10[%swap3A_2100, %swap3A_2101], %swap3A_2104 {strides = array<i32>} : memref<128x128xf32, #tpu.memory_space<vmem>>, vector<1x16xf32>,
        %slice3A_2105 = vector.extract_strided_slice %get3A_50 {offsets = [14], sizes = [1], strides = [1]} : vector<16xf32> to vector<1xf32>
        %squeeze3A_2106 = vector.extract %slice3A_2105[0] : f32 from vector<1xf32>
        %broadcast_in_dim3A_2107 = vector.broadcast %squeeze3A_2106 : f32 to vector<16xf32>
        %mul3A_2108 = arith.constant 16 : i32
        %mul3A_2109 = arith.muli %scan3A_45, %mul3A_2108 : i32
        %add3A_2110 = arith.constant 14 : i32
        %add3A_2111 = arith.addi %mul3A_2109, %add3A_2110 : i32
        %get3A_2112 = arith.index_cast %add3A_2111 : i32 to index
        %get3A_2113 = arith.constant 0 : index
        %get3A_2114 = tpu.vector_load %arg10[%get3A_2112, %get3A_2113] {strides = array<i32>} : memref<128x128xf32, #tpu.memory_space<vmem>>, vector<1x16xf32>,
        %get3A_2115 = vector.shape_cast %get3A_2114 : vector<1x16xf32> to vector<16xf32>
        %mul3A_2116 = arith.mulf %get3A_2115, %broadcast_in_dim3A_2107 : vector<16xf32>
        %mul3A_2117 = arith.constant 16 : i32
        %mul3A_2118 = arith.muli %scan3A_45, %mul3A_2117 : i32
        %add3A_2119 = arith.constant 14 : i32
        %add3A_2120 = arith.addi %mul3A_2118, %add3A_2119 : i32
        %swap3A_2121 = arith.index_cast %add3A_2120 : i32 to index
        %swap3A_2122 = arith.constant 0 : index
        %swap3A_2123 = tpu.vector_load %arg10[%swap3A_2121, %swap3A_2122] {strides = array<i32>} : memref<128x128xf32, #tpu.memory_space<vmem>>, vector<1x16xf32>,
        %swap3A_2124 = vector.shape_cast %swap3A_2123 : vector<1x16xf32> to vector<16xf32>
        %swap3A_2125 = vector.shape_cast %mul3A_2116 : vector<16xf32> to vector<1x16xf32>
        tpu.vector_store %arg10[%swap3A_2121, %swap3A_2122], %swap3A_2125 {strides = array<i32>} : memref<128x128xf32, #tpu.memory_space<vmem>>, vector<1x16xf32>,
        %mul3A_2126 = arith.constant 16 : i32
        %mul3A_2127 = arith.muli %scan3A_45, %mul3A_2126 : i32
        %add3A_2128 = arith.constant 14 : i32
        %add3A_2129 = arith.addi %mul3A_2127, %add3A_2128 : i32
        %get3A_2130 = arith.index_cast %add3A_2129 : i32 to index
        %get3A_2131 = arith.constant 16 : index
        %get3A_2132 = tpu.vector_load %arg10[%get3A_2130, %get3A_2131] {strides = array<i32>} : memref<128x128xf32, #tpu.memory_space<vmem>>, vector<1x16xf32>,
        %get3A_2133 = vector.shape_cast %get3A_2132 : vector<1x16xf32> to vector<16xf32>
        %mul3A_2134 = arith.mulf %get3A_2133, %broadcast_in_dim3A_2107 : vector<16xf32>
        %mul3A_2135 = arith.constant 16 : i32
        %mul3A_2136 = arith.muli %scan3A_45, %mul3A_2135 : i32
        %add3A_2137 = arith.constant 14 : i32
        %add3A_2138 = arith.addi %mul3A_2136, %add3A_2137 : i32
        %swap3A_2139 = arith.index_cast %add3A_2138 : i32 to index
        %swap3A_2140 = arith.constant 16 : index
        %swap3A_2141 = tpu.vector_load %arg10[%swap3A_2139, %swap3A_2140] {strides = array<i32>} : memref<128x128xf32, #tpu.memory_space<vmem>>, vector<1x16xf32>,
        %swap3A_2142 = vector.shape_cast %swap3A_2141 : vector<1x16xf32> to vector<16xf32>
        %swap3A_2143 = vector.shape_cast %mul3A_2134 : vector<16xf32> to vector<1x16xf32>
        tpu.vector_store %arg10[%swap3A_2139, %swap3A_2140], %swap3A_2143 {strides = array<i32>} : memref<128x128xf32, #tpu.memory_space<vmem>>, vector<1x16xf32>,
        %mul3A_2144 = arith.constant 16 : i32
        %mul3A_2145 = arith.muli %scan3A_45, %mul3A_2144 : i32
        %add3A_2146 = arith.constant 14 : i32
        %add3A_2147 = arith.addi %mul3A_2145, %add3A_2146 : i32
        %get3A_2148 = arith.index_cast %add3A_2147 : i32 to index
        %get3A_2149 = arith.constant 32 : index
        %get3A_2150 = tpu.vector_load %arg10[%get3A_2148, %get3A_2149] {strides = array<i32>} : memref<128x128xf32, #tpu.memory_space<vmem>>, vector<1x16xf32>,
        %get3A_2151 = vector.shape_cast %get3A_2150 : vector<1x16xf32> to vector<16xf32>
        %mul3A_2152 = arith.mulf %get3A_2151, %broadcast_in_dim3A_2107 : vector<16xf32>
        %mul3A_2153 = arith.constant 16 : i32
        %mul3A_2154 = arith.muli %scan3A_45, %mul3A_2153 : i32
        %add3A_2155 = arith.constant 14 : i32
        %add3A_2156 = arith.addi %mul3A_2154, %add3A_2155 : i32
        %swap3A_2157 = arith.index_cast %add3A_2156 : i32 to index
        %swap3A_2158 = arith.constant 32 : index
        %swap3A_2159 = tpu.vector_load %arg10[%swap3A_2157, %swap3A_2158] {strides = array<i32>} : memref<128x128xf32, #tpu.memory_space<vmem>>, vector<1x16xf32>,
        %swap3A_2160 = vector.shape_cast %swap3A_2159 : vector<1x16xf32> to vector<16xf32>
        %swap3A_2161 = vector.shape_cast %mul3A_2152 : vector<16xf32> to vector<1x16xf32>
        tpu.vector_store %arg10[%swap3A_2157, %swap3A_2158], %swap3A_2161 {strides = array<i32>} : memref<128x128xf32, #tpu.memory_space<vmem>>, vector<1x16xf32>,
        %mul3A_2162 = arith.constant 16 : i32
        %mul3A_2163 = arith.muli %scan3A_45, %mul3A_2162 : i32
        %add3A_2164 = arith.constant 14 : i32
        %add3A_2165 = arith.addi %mul3A_2163, %add3A_2164 : i32
        %get3A_2166 = arith.index_cast %add3A_2165 : i32 to index
        %get3A_2167 = arith.constant 48 : index
        %get3A_2168 = tpu.vector_load %arg10[%get3A_2166, %get3A_2167] {strides = array<i32>} : memref<128x128xf32, #tpu.memory_space<vmem>>, vector<1x16xf32>,
        %get3A_2169 = vector.shape_cast %get3A_2168 : vector<1x16xf32> to vector<16xf32>
        %mul3A_2170 = arith.mulf %get3A_2169, %broadcast_in_dim3A_2107 : vector<16xf32>
        %mul3A_2171 = arith.constant 16 : i32
        %mul3A_2172 = arith.muli %scan3A_45, %mul3A_2171 : i32
        %add3A_2173 = arith.constant 14 : i32
        %add3A_2174 = arith.addi %mul3A_2172, %add3A_2173 : i32
        %swap3A_2175 = arith.index_cast %add3A_2174 : i32 to index
        %swap3A_2176 = arith.constant 48 : index
        %swap3A_2177 = tpu.vector_load %arg10[%swap3A_2175, %swap3A_2176] {strides = array<i32>} : memref<128x128xf32, #tpu.memory_space<vmem>>, vector<1x16xf32>,
        %swap3A_2178 = vector.shape_cast %swap3A_2177 : vector<1x16xf32> to vector<16xf32>
        %swap3A_2179 = vector.shape_cast %mul3A_2170 : vector<16xf32> to vector<1x16xf32>
        tpu.vector_store %arg10[%swap3A_2175, %swap3A_2176], %swap3A_2179 {strides = array<i32>} : memref<128x128xf32, #tpu.memory_space<vmem>>, vector<1x16xf32>,
        %mul3A_2180 = arith.constant 16 : i32
        %mul3A_2181 = arith.muli %scan3A_45, %mul3A_2180 : i32
        %add3A_2182 = arith.constant 14 : i32
        %add3A_2183 = arith.addi %mul3A_2181, %add3A_2182 : i32
        %get3A_2184 = arith.index_cast %add3A_2183 : i32 to index
        %get3A_2185 = arith.constant 64 : index
        %get3A_2186 = tpu.vector_load %arg10[%get3A_2184, %get3A_2185] {strides = array<i32>} : memref<128x128xf32, #tpu.memory_space<vmem>>, vector<1x16xf32>,
        %get3A_2187 = vector.shape_cast %get3A_2186 : vector<1x16xf32> to vector<16xf32>
        %mul3A_2188 = arith.mulf %get3A_2187, %broadcast_in_dim3A_2107 : vector<16xf32>
        %mul3A_2189 = arith.constant 16 : i32
        %mul3A_2190 = arith.muli %scan3A_45, %mul3A_2189 : i32
        %add3A_2191 = arith.constant 14 : i32
        %add3A_2192 = arith.addi %mul3A_2190, %add3A_2191 : i32
        %swap3A_2193 = arith.index_cast %add3A_2192 : i32 to index
        %swap3A_2194 = arith.constant 64 : index
        %swap3A_2195 = tpu.vector_load %arg10[%swap3A_2193, %swap3A_2194] {strides = array<i32>} : memref<128x128xf32, #tpu.memory_space<vmem>>, vector<1x16xf32>,
        %swap3A_2196 = vector.shape_cast %swap3A_2195 : vector<1x16xf32> to vector<16xf32>
        %swap3A_2197 = vector.shape_cast %mul3A_2188 : vector<16xf32> to vector<1x16xf32>
        tpu.vector_store %arg10[%swap3A_2193, %swap3A_2194], %swap3A_2197 {strides = array<i32>} : memref<128x128xf32, #tpu.memory_space<vmem>>, vector<1x16xf32>,
        %mul3A_2198 = arith.constant 16 : i32
        %mul3A_2199 = arith.muli %scan3A_45, %mul3A_2198 : i32
        %add3A_2200 = arith.constant 14 : i32
        %add3A_2201 = arith.addi %mul3A_2199, %add3A_2200 : i32
        %get3A_2202 = arith.index_cast %add3A_2201 : i32 to index
        %get3A_2203 = arith.constant 80 : index
        %get3A_2204 = tpu.vector_load %arg10[%get3A_2202, %get3A_2203] {strides = array<i32>} : memref<128x128xf32, #tpu.memory_space<vmem>>, vector<1x16xf32>,
        %get3A_2205 = vector.shape_cast %get3A_2204 : vector<1x16xf32> to vector<16xf32>
        %mul3A_2206 = arith.mulf %get3A_2205, %broadcast_in_dim3A_2107 : vector<16xf32>
        %mul3A_2207 = arith.constant 16 : i32
        %mul3A_2208 = arith.muli %scan3A_45, %mul3A_2207 : i32
        %add3A_2209 = arith.constant 14 : i32
        %add3A_2210 = arith.addi %mul3A_2208, %add3A_2209 : i32
        %swap3A_2211 = arith.index_cast %add3A_2210 : i32 to index
        %swap3A_2212 = arith.constant 80 : index
        %swap3A_2213 = tpu.vector_load %arg10[%swap3A_2211, %swap3A_2212] {strides = array<i32>} : memref<128x128xf32, #tpu.memory_space<vmem>>, vector<1x16xf32>,
        %swap3A_2214 = vector.shape_cast %swap3A_2213 : vector<1x16xf32> to vector<16xf32>
        %swap3A_2215 = vector.shape_cast %mul3A_2206 : vector<16xf32> to vector<1x16xf32>
        tpu.vector_store %arg10[%swap3A_2211, %swap3A_2212], %swap3A_2215 {strides = array<i32>} : memref<128x128xf32, #tpu.memory_space<vmem>>, vector<1x16xf32>,
        %mul3A_2216 = arith.constant 16 : i32
        %mul3A_2217 = arith.muli %scan3A_45, %mul3A_2216 : i32
        %add3A_2218 = arith.constant 14 : i32
        %add3A_2219 = arith.addi %mul3A_2217, %add3A_2218 : i32
        %get3A_2220 = arith.index_cast %add3A_2219 : i32 to index
        %get3A_2221 = arith.constant 96 : index
        %get3A_2222 = tpu.vector_load %arg10[%get3A_2220, %get3A_2221] {strides = array<i32>} : memref<128x128xf32, #tpu.memory_space<vmem>>, vector<1x16xf32>,
        %get3A_2223 = vector.shape_cast %get3A_2222 : vector<1x16xf32> to vector<16xf32>
        %mul3A_2224 = arith.mulf %get3A_2223, %broadcast_in_dim3A_2107 : vector<16xf32>
        %mul3A_2225 = arith.constant 16 : i32
        %mul3A_2226 = arith.muli %scan3A_45, %mul3A_2225 : i32
        %add3A_2227 = arith.constant 14 : i32
        %add3A_2228 = arith.addi %mul3A_2226, %add3A_2227 : i32
        %swap3A_2229 = arith.index_cast %add3A_2228 : i32 to index
        %swap3A_2230 = arith.constant 96 : index
        %swap3A_2231 = tpu.vector_load %arg10[%swap3A_2229, %swap3A_2230] {strides = array<i32>} : memref<128x128xf32, #tpu.memory_space<vmem>>, vector<1x16xf32>,
        %swap3A_2232 = vector.shape_cast %swap3A_2231 : vector<1x16xf32> to vector<16xf32>
        %swap3A_2233 = vector.shape_cast %mul3A_2224 : vector<16xf32> to vector<1x16xf32>
        tpu.vector_store %arg10[%swap3A_2229, %swap3A_2230], %swap3A_2233 {strides = array<i32>} : memref<128x128xf32, #tpu.memory_space<vmem>>, vector<1x16xf32>,
        %mul3A_2234 = arith.constant 16 : i32
        %mul3A_2235 = arith.muli %scan3A_45, %mul3A_2234 : i32
        %add3A_2236 = arith.constant 14 : i32
        %add3A_2237 = arith.addi %mul3A_2235, %add3A_2236 : i32
        %get3A_2238 = arith.index_cast %add3A_2237 : i32 to index
        %get3A_2239 = arith.constant 112 : index
        %get3A_2240 = tpu.vector_load %arg10[%get3A_2238, %get3A_2239] {strides = array<i32>} : memref<128x128xf32, #tpu.memory_space<vmem>>, vector<1x16xf32>,
        %get3A_2241 = vector.shape_cast %get3A_2240 : vector<1x16xf32> to vector<16xf32>
        %mul3A_2242 = arith.mulf %get3A_2241, %broadcast_in_dim3A_2107 : vector<16xf32>
        %mul3A_2243 = arith.constant 16 : i32
        %mul3A_2244 = arith.muli %scan3A_45, %mul3A_2243 : i32
        %add3A_2245 = arith.constant 14 : i32
        %add3A_2246 = arith.addi %mul3A_2244, %add3A_2245 : i32
        %swap3A_2247 = arith.index_cast %add3A_2246 : i32 to index
        %swap3A_2248 = arith.constant 112 : index
        %swap3A_2249 = tpu.vector_load %arg10[%swap3A_2247, %swap3A_2248] {strides = array<i32>} : memref<128x128xf32, #tpu.memory_space<vmem>>, vector<1x16xf32>,
        %swap3A_2250 = vector.shape_cast %swap3A_2249 : vector<1x16xf32> to vector<16xf32>
        %swap3A_2251 = vector.shape_cast %mul3A_2242 : vector<16xf32> to vector<1x16xf32>
        tpu.vector_store %arg10[%swap3A_2247, %swap3A_2248], %swap3A_2251 {strides = array<i32>} : memref<128x128xf32, #tpu.memory_space<vmem>>, vector<1x16xf32>,
        %slice3A_2252 = vector.extract_strided_slice %get3A_50 {offsets = [15], sizes = [1], strides = [1]} : vector<16xf32> to vector<1xf32>
        %squeeze3A_2253 = vector.extract %slice3A_2252[0] : f32 from vector<1xf32>
        %broadcast_in_dim3A_2254 = vector.broadcast %squeeze3A_2253 : f32 to vector<16xf32>
        %mul3A_2255 = arith.constant 16 : i32
        %mul3A_2256 = arith.muli %scan3A_45, %mul3A_2255 : i32
        %add3A_2257 = arith.constant 15 : i32
        %add3A_2258 = arith.addi %mul3A_2256, %add3A_2257 : i32
        %get3A_2259 = arith.index_cast %add3A_2258 : i32 to index
        %get3A_2260 = arith.constant 0 : index
        %get3A_2261 = tpu.vector_load %arg10[%get3A_2259, %get3A_2260] {strides = array<i32>} : memref<128x128xf32, #tpu.memory_space<vmem>>, vector<1x16xf32>,
        %get3A_2262 = vector.shape_cast %get3A_2261 : vector<1x16xf32> to vector<16xf32>
        %mul3A_2263 = arith.mulf %get3A_2262, %broadcast_in_dim3A_2254 : vector<16xf32>
        %mul3A_2264 = arith.constant 16 : i32
        %mul3A_2265 = arith.muli %scan3A_45, %mul3A_2264 : i32
        %add3A_2266 = arith.constant 15 : i32
        %add3A_2267 = arith.addi %mul3A_2265, %add3A_2266 : i32
        %swap3A_2268 = arith.index_cast %add3A_2267 : i32 to index
        %swap3A_2269 = arith.constant 0 : index
        %swap3A_2270 = tpu.vector_load %arg10[%swap3A_2268, %swap3A_2269] {strides = array<i32>} : memref<128x128xf32, #tpu.memory_space<vmem>>, vector<1x16xf32>,
        %swap3A_2271 = vector.shape_cast %swap3A_2270 : vector<1x16xf32> to vector<16xf32>
        %swap3A_2272 = vector.shape_cast %mul3A_2263 : vector<16xf32> to vector<1x16xf32>
        tpu.vector_store %arg10[%swap3A_2268, %swap3A_2269], %swap3A_2272 {strides = array<i32>} : memref<128x128xf32, #tpu.memory_space<vmem>>, vector<1x16xf32>,
        %mul3A_2273 = arith.constant 16 : i32
        %mul3A_2274 = arith.muli %scan3A_45, %mul3A_2273 : i32
        %add3A_2275 = arith.constant 15 : i32
        %add3A_2276 = arith.addi %mul3A_2274, %add3A_2275 : i32
        %get3A_2277 = arith.index_cast %add3A_2276 : i32 to index
        %get3A_2278 = arith.constant 16 : index
        %get3A_2279 = tpu.vector_load %arg10[%get3A_2277, %get3A_2278] {strides = array<i32>} : memref<128x128xf32, #tpu.memory_space<vmem>>, vector<1x16xf32>,
        %get3A_2280 = vector.shape_cast %get3A_2279 : vector<1x16xf32> to vector<16xf32>
        %mul3A_2281 = arith.mulf %get3A_2280, %broadcast_in_dim3A_2254 : vector<16xf32>
        %mul3A_2282 = arith.constant 16 : i32
        %mul3A_2283 = arith.muli %scan3A_45, %mul3A_2282 : i32
        %add3A_2284 = arith.constant 15 : i32
        %add3A_2285 = arith.addi %mul3A_2283, %add3A_2284 : i32
        %swap3A_2286 = arith.index_cast %add3A_2285 : i32 to index
        %swap3A_2287 = arith.constant 16 : index
        %swap3A_2288 = tpu.vector_load %arg10[%swap3A_2286, %swap3A_2287] {strides = array<i32>} : memref<128x128xf32, #tpu.memory_space<vmem>>, vector<1x16xf32>,
        %swap3A_2289 = vector.shape_cast %swap3A_2288 : vector<1x16xf32> to vector<16xf32>
        %swap3A_2290 = vector.shape_cast %mul3A_2281 : vector<16xf32> to vector<1x16xf32>
        tpu.vector_store %arg10[%swap3A_2286, %swap3A_2287], %swap3A_2290 {strides = array<i32>} : memref<128x128xf32, #tpu.memory_space<vmem>>, vector<1x16xf32>,
        %mul3A_2291 = arith.constant 16 : i32
        %mul3A_2292 = arith.muli %scan3A_45, %mul3A_2291 : i32
        %add3A_2293 = arith.constant 15 : i32
        %add3A_2294 = arith.addi %mul3A_2292, %add3A_2293 : i32
        %get3A_2295 = arith.index_cast %add3A_2294 : i32 to index
        %get3A_2296 = arith.constant 32 : index
        %get3A_2297 = tpu.vector_load %arg10[%get3A_2295, %get3A_2296] {strides = array<i32>} : memref<128x128xf32, #tpu.memory_space<vmem>>, vector<1x16xf32>,
        %get3A_2298 = vector.shape_cast %get3A_2297 : vector<1x16xf32> to vector<16xf32>
        %mul3A_2299 = arith.mulf %get3A_2298, %broadcast_in_dim3A_2254 : vector<16xf32>
        %mul3A_2300 = arith.constant 16 : i32
        %mul3A_2301 = arith.muli %scan3A_45, %mul3A_2300 : i32
        %add3A_2302 = arith.constant 15 : i32
        %add3A_2303 = arith.addi %mul3A_2301, %add3A_2302 : i32
        %swap3A_2304 = arith.index_cast %add3A_2303 : i32 to index
        %swap3A_2305 = arith.constant 32 : index
        %swap3A_2306 = tpu.vector_load %arg10[%swap3A_2304, %swap3A_2305] {strides = array<i32>} : memref<128x128xf32, #tpu.memory_space<vmem>>, vector<1x16xf32>,
        %swap3A_2307 = vector.shape_cast %swap3A_2306 : vector<1x16xf32> to vector<16xf32>
        %swap3A_2308 = vector.shape_cast %mul3A_2299 : vector<16xf32> to vector<1x16xf32>
        tpu.vector_store %arg10[%swap3A_2304, %swap3A_2305], %swap3A_2308 {strides = array<i32>} : memref<128x128xf32, #tpu.memory_space<vmem>>, vector<1x16xf32>,
        %mul3A_2309 = arith.constant 16 : i32
        %mul3A_2310 = arith.muli %scan3A_45, %mul3A_2309 : i32
        %add3A_2311 = arith.constant 15 : i32
        %add3A_2312 = arith.addi %mul3A_2310, %add3A_2311 : i32
        %get3A_2313 = arith.index_cast %add3A_2312 : i32 to index
        %get3A_2314 = arith.constant 48 : index
        %get3A_2315 = tpu.vector_load %arg10[%get3A_2313, %get3A_2314] {strides = array<i32>} : memref<128x128xf32, #tpu.memory_space<vmem>>, vector<1x16xf32>,
        %get3A_2316 = vector.shape_cast %get3A_2315 : vector<1x16xf32> to vector<16xf32>
        %mul3A_2317 = arith.mulf %get3A_2316, %broadcast_in_dim3A_2254 : vector<16xf32>
        %mul3A_2318 = arith.constant 16 : i32
        %mul3A_2319 = arith.muli %scan3A_45, %mul3A_2318 : i32
        %add3A_2320 = arith.constant 15 : i32
        %add3A_2321 = arith.addi %mul3A_2319, %add3A_2320 : i32
        %swap3A_2322 = arith.index_cast %add3A_2321 : i32 to index
        %swap3A_2323 = arith.constant 48 : index
        %swap3A_2324 = tpu.vector_load %arg10[%swap3A_2322, %swap3A_2323] {strides = array<i32>} : memref<128x128xf32, #tpu.memory_space<vmem>>, vector<1x16xf32>,
        %swap3A_2325 = vector.shape_cast %swap3A_2324 : vector<1x16xf32> to vector<16xf32>
        %swap3A_2326 = vector.shape_cast %mul3A_2317 : vector<16xf32> to vector<1x16xf32>
        tpu.vector_store %arg10[%swap3A_2322, %swap3A_2323], %swap3A_2326 {strides = array<i32>} : memref<128x128xf32, #tpu.memory_space<vmem>>, vector<1x16xf32>,
        %mul3A_2327 = arith.constant 16 : i32
        %mul3A_2328 = arith.muli %scan3A_45, %mul3A_2327 : i32
        %add3A_2329 = arith.constant 15 : i32
        %add3A_2330 = arith.addi %mul3A_2328, %add3A_2329 : i32
        %get3A_2331 = arith.index_cast %add3A_2330 : i32 to index
        %get3A_2332 = arith.constant 64 : index
        %get3A_2333 = tpu.vector_load %arg10[%get3A_2331, %get3A_2332] {strides = array<i32>} : memref<128x128xf32, #tpu.memory_space<vmem>>, vector<1x16xf32>,
        %get3A_2334 = vector.shape_cast %get3A_2333 : vector<1x16xf32> to vector<16xf32>
        %mul3A_2335 = arith.mulf %get3A_2334, %broadcast_in_dim3A_2254 : vector<16xf32>
        %mul3A_2336 = arith.constant 16 : i32
        %mul3A_2337 = arith.muli %scan3A_45, %mul3A_2336 : i32
        %add3A_2338 = arith.constant 15 : i32
        %add3A_2339 = arith.addi %mul3A_2337, %add3A_2338 : i32
        %swap3A_2340 = arith.index_cast %add3A_2339 : i32 to index
        %swap3A_2341 = arith.constant 64 : index
        %swap3A_2342 = tpu.vector_load %arg10[%swap3A_2340, %swap3A_2341] {strides = array<i32>} : memref<128x128xf32, #tpu.memory_space<vmem>>, vector<1x16xf32>,
        %swap3A_2343 = vector.shape_cast %swap3A_2342 : vector<1x16xf32> to vector<16xf32>
        %swap3A_2344 = vector.shape_cast %mul3A_2335 : vector<16xf32> to vector<1x16xf32>
        tpu.vector_store %arg10[%swap3A_2340, %swap3A_2341], %swap3A_2344 {strides = array<i32>} : memref<128x128xf32, #tpu.memory_space<vmem>>, vector<1x16xf32>,
        %mul3A_2345 = arith.constant 16 : i32
        %mul3A_2346 = arith.muli %scan3A_45, %mul3A_2345 : i32
        %add3A_2347 = arith.constant 15 : i32
        %add3A_2348 = arith.addi %mul3A_2346, %add3A_2347 : i32
        %get3A_2349 = arith.index_cast %add3A_2348 : i32 to index
        %get3A_2350 = arith.constant 80 : index
        %get3A_2351 = tpu.vector_load %arg10[%get3A_2349, %get3A_2350] {strides = array<i32>} : memref<128x128xf32, #tpu.memory_space<vmem>>, vector<1x16xf32>,
        %get3A_2352 = vector.shape_cast %get3A_2351 : vector<1x16xf32> to vector<16xf32>
        %mul3A_2353 = arith.mulf %get3A_2352, %broadcast_in_dim3A_2254 : vector<16xf32>
        %mul3A_2354 = arith.constant 16 : i32
        %mul3A_2355 = arith.muli %scan3A_45, %mul3A_2354 : i32
        %add3A_2356 = arith.constant 15 : i32
        %add3A_2357 = arith.addi %mul3A_2355, %add3A_2356 : i32
        %swap3A_2358 = arith.index_cast %add3A_2357 : i32 to index
        %swap3A_2359 = arith.constant 80 : index
        %swap3A_2360 = tpu.vector_load %arg10[%swap3A_2358, %swap3A_2359] {strides = array<i32>} : memref<128x128xf32, #tpu.memory_space<vmem>>, vector<1x16xf32>,
        %swap3A_2361 = vector.shape_cast %swap3A_2360 : vector<1x16xf32> to vector<16xf32>
        %swap3A_2362 = vector.shape_cast %mul3A_2353 : vector<16xf32> to vector<1x16xf32>
        tpu.vector_store %arg10[%swap3A_2358, %swap3A_2359], %swap3A_2362 {strides = array<i32>} : memref<128x128xf32, #tpu.memory_space<vmem>>, vector<1x16xf32>,
        %mul3A_2363 = arith.constant 16 : i32
        %mul3A_2364 = arith.muli %scan3A_45, %mul3A_2363 : i32
        %add3A_2365 = arith.constant 15 : i32
        %add3A_2366 = arith.addi %mul3A_2364, %add3A_2365 : i32
        %get3A_2367 = arith.index_cast %add3A_2366 : i32 to index
        %get3A_2368 = arith.constant 96 : index
        %get3A_2369 = tpu.vector_load %arg10[%get3A_2367, %get3A_2368] {strides = array<i32>} : memref<128x128xf32, #tpu.memory_space<vmem>>, vector<1x16xf32>,
        %get3A_2370 = vector.shape_cast %get3A_2369 : vector<1x16xf32> to vector<16xf32>
        %mul3A_2371 = arith.mulf %get3A_2370, %broadcast_in_dim3A_2254 : vector<16xf32>
        %mul3A_2372 = arith.constant 16 : i32
        %mul3A_2373 = arith.muli %scan3A_45, %mul3A_2372 : i32
        %add3A_2374 = arith.constant 15 : i32
        %add3A_2375 = arith.addi %mul3A_2373, %add3A_2374 : i32
        %swap3A_2376 = arith.index_cast %add3A_2375 : i32 to index
        %swap3A_2377 = arith.constant 96 : index
        %swap3A_2378 = tpu.vector_load %arg10[%swap3A_2376, %swap3A_2377] {strides = array<i32>} : memref<128x128xf32, #tpu.memory_space<vmem>>, vector<1x16xf32>,
        %swap3A_2379 = vector.shape_cast %swap3A_2378 : vector<1x16xf32> to vector<16xf32>
        %swap3A_2380 = vector.shape_cast %mul3A_2371 : vector<16xf32> to vector<1x16xf32>
        tpu.vector_store %arg10[%swap3A_2376, %swap3A_2377], %swap3A_2380 {strides = array<i32>} : memref<128x128xf32, #tpu.memory_space<vmem>>, vector<1x16xf32>,
        %mul3A_2381 = arith.constant 16 : i32
        %mul3A_2382 = arith.muli %scan3A_45, %mul3A_2381 : i32
        %add3A_2383 = arith.constant 15 : i32
        %add3A_2384 = arith.addi %mul3A_2382, %add3A_2383 : i32
        %get3A_2385 = arith.index_cast %add3A_2384 : i32 to index
        %get3A_2386 = arith.constant 112 : index
        %get3A_2387 = tpu.vector_load %arg10[%get3A_2385, %get3A_2386] {strides = array<i32>} : memref<128x128xf32, #tpu.memory_space<vmem>>, vector<1x16xf32>,
        %get3A_2388 = vector.shape_cast %get3A_2387 : vector<1x16xf32> to vector<16xf32>
        %mul3A_2389 = arith.mulf %get3A_2388, %broadcast_in_dim3A_2254 : vector<16xf32>
        %mul3A_2390 = arith.constant 16 : i32
        %mul3A_2391 = arith.muli %scan3A_45, %mul3A_2390 : i32
        %add3A_2392 = arith.constant 15 : i32
        %add3A_2393 = arith.addi %mul3A_2391, %add3A_2392 : i32
        %swap3A_2394 = arith.index_cast %add3A_2393 : i32 to index
        %swap3A_2395 = arith.constant 112 : index
        %swap3A_2396 = tpu.vector_load %arg10[%swap3A_2394, %swap3A_2395] {strides = array<i32>} : memref<128x128xf32, #tpu.memory_space<vmem>>, vector<1x16xf32>,
        %swap3A_2397 = vector.shape_cast %swap3A_2396 : vector<1x16xf32> to vector<16xf32>
        %swap3A_2398 = vector.shape_cast %mul3A_2389 : vector<16xf32> to vector<1x16xf32>
        tpu.vector_store %arg10[%swap3A_2394, %swap3A_2395], %swap3A_2398 {strides = array<i32>} : memref<128x128xf32, #tpu.memory_space<vmem>>, vector<1x16xf32>,
        %scan3A_2399 = arith.constant 0 : i32
        scf.yield %scan3A_2399 : i32
      }
      %scan3A_43 = arith.constant 8 : i32
      "tpu.region"() ({
        %run_scoped3A = tpu.sem_alloc : memref<!tpu.dma_semaphore, #tpu.memory_space<semaphore_mem>>
        %dma_start3A_45 = arith.constant 0 : i32
        %dma_start3A_46 = arith.constant 0 : i32
        %dma_start3A_47 = tpu.memref_slice %arg12[%dma_start3A_45, %dma_start3A_46] : memref<10240x128xf32, #tpu.memory_space<vmem_shared>> -> memref<10240x128xf32, #tpu.memory_space<vmem_shared>>
        tpu.enqueue_indirect_dma source(%arg10 : memref<128x128xf32, #tpu.memory_space<vmem>>) target(%dma_start3A_47 : memref<10240x128xf32, #tpu.memory_space<vmem_shared>>) offsets(%arg8 : memref<128xi32, #tpu.memory_space<vmem>>) semaphore(%run_scoped3A : memref<!tpu.dma_semaphore, #tpu.memory_space<semaphore_mem>>) {add = true}
        %dma_wait3A_48 = arith.constant 0 : i32
        %dma_wait3A_49 = arith.constant 0 : i32
        %dma_wait3A_50 = tpu.memref_slice %arg12[%dma_wait3A_48, %dma_wait3A_49] : memref<10240x128xf32, #tpu.memory_space<vmem_shared>> -> memref<10240x128xf32, #tpu.memory_space<vmem_shared>>
        tpu.wait_indirect_dma semaphore(%run_scoped3A : memref<!tpu.dma_semaphore, #tpu.memory_space<semaphore_mem>>) src(%arg10 : memref<128x128xf32, #tpu.memory_space<vmem>>) dst(%dma_wait3A_50 : memref<10240x128xf32, #tpu.memory_space<vmem_shared>>)
        tpu.yield
      }) : () -> ()
      %scan3A_44 = arith.constant 0 : i32
      scf.yield %scan3A_44 : i32
    }
    %scan3A_20 = arith.constant 79 : i32
    %barrier3A_21 = arith.constant 0 : index
    tpu.barrier barrier_id(%barrier3A_21)
    %mul3A_22 = arith.constant 640 : i32
    %mul3A_23 = arith.muli %arg1, %mul3A_22 : i32
    %mul3A_24 = arith.constant 640 : i32
    %mul3A_25 = arith.muli %arg1, %mul3A_24 : i32
    "tpu.region"() ({
      %run_scoped3A = tpu.sem_alloc : memref<!tpu.dma_semaphore, #tpu.memory_space<semaphore_mem>>
      %dma_start3A = arith.constant 0 : i32
      %dma_start3A_26 = tpu.memref_slice %arg6[%arg0, %mul3A_25, %dma_start3A] : memref<2x10240x128xf32, #tpu.memory_space<hbm>> -> memref<1x640x128xf32, #tpu.memory_space<hbm>>
      %dma_start3A_27 = tpu.memref_squeeze %dma_start3A_26 : memref<1x640x128xf32, #tpu.memory_space<hbm>> -> memref<640x128xf32, #tpu.memory_space<hbm>>
      %dma_start3A_28 = arith.constant 0 : i32
      %dma_start3A_29 = tpu.memref_slice %arg12[%mul3A_23, %dma_start3A_28] : memref<10240x128xf32, #tpu.memory_space<vmem_shared>> -> memref<640x128xf32, #tpu.memory_space<vmem_shared>>
      tpu.enqueue_dma source(%dma_start3A_29 : memref<640x128xf32, #tpu.memory_space<vmem_shared>>) target(%dma_start3A_27 : memref<640x128xf32, #tpu.memory_space<hbm>>) target_semaphore(%run_scoped3A : memref<!tpu.dma_semaphore, #tpu.memory_space<semaphore_mem>>)
      %dma_wait3A = arith.constant 0 : i32
      %dma_wait3A_30 = tpu.memref_slice %arg6[%arg0, %mul3A_25, %dma_wait3A] : memref<2x10240x128xf32, #tpu.memory_space<hbm>> -> memref<1x640x128xf32, #tpu.memory_space<hbm>>
      %dma_wait3A_31 = tpu.memref_squeeze %dma_wait3A_30 : memref<1x640x128xf32, #tpu.memory_space<hbm>> -> memref<640x128xf32, #tpu.memory_space<hbm>>
      %dma_wait3A_32 = arith.constant 0 : i32
      %dma_wait3A_33 = tpu.memref_slice %arg12[%mul3A_23, %dma_wait3A_32] : memref<10240x128xf32, #tpu.memory_space<vmem_shared>> -> memref<640x128xf32, #tpu.memory_space<vmem_shared>>
      tpu.wait_dma2 semaphore(%run_scoped3A : memref<!tpu.dma_semaphore, #tpu.memory_space<semaphore_mem>>) src(%dma_wait3A_33 : memref<640x128xf32, #tpu.memory_space<vmem_shared>>) dst(%dma_wait3A_31 : memref<640x128xf32, #tpu.memory_space<hbm>>)
      tpu.yield
    }) : () -> ()
    return
  }
}

#map = affine_map<(d0, d1) -> (0)>
#map1 = affine_map<(d0, d1) -> (0, 0)>
module attributes {stable_mosaic.version = 14 : i64} {
  func.func @_sc_deg(%arg0: i32, %arg1: i32, %arg2: memref<323584xi32, #tpu.memory_space<hbm>>, %arg3: memref<323584xf32, #tpu.memory_space<hbm>>, %arg4: memref<2x10240xf32, #tpu.memory_space<hbm>>, %arg5: memref<128xi32, #tpu.memory_space<vmem>>, %arg6: memref<128xf32, #tpu.memory_space<vmem>>, %arg7: memref<640xf32, #tpu.memory_space<vmem>>, %arg8: memref<10240xf32, #tpu.memory_space<vmem_shared>>) attributes {dimension_semantics = [#tpu.dimension_semantics<core_parallel>, #tpu.dimension_semantics<subcore_parallel>], iteration_bounds = array<i64: 2, 16>, scalar_prefetch = 0 : i64, scratch_operands = 4 : i64, tpu.core_type = #tpu.core_type<sc_vector_subcore>, window_params = [{transform_indices = #map}, {transform_indices = #map}, {transform_indices = #map1}]} {
    %mul3A = arith.constant 2 : i32
    %mul3A_0 = arith.muli %arg1, %mul3A : i32
    %add3A = arith.addi %mul3A_0, %arg0 : i32
    %broadcast_in_dim3A = arith.constant 0.000000e+00 : f32
    %broadcast_in_dim3A_1 = vector.broadcast %broadcast_in_dim3A : f32 to vector<16xf32>
    %scan3A = arith.constant 0 : i32
    %scan3A_2 = arith.constant 0 : i32
    %scan3A_3 = arith.constant 40 : i32
    %scan3A_4 = arith.addi %scan3A_2, %scan3A_3 : i32
    %scan3A_5 = arith.constant 1 : i32
    %scan3A_6 = scf.for %scan3A_22 = %scan3A_2 to %scan3A_4 step %scan3A_5 iter_args(%scan3A_23 = %scan3A) -> (i32)  : i32 {
      %mul3A_24 = arith.constant 16 : i32
      %mul3A_25 = arith.muli %scan3A_22, %mul3A_24 : i32
      %swap3A = arith.index_cast %mul3A_25 : i32 to index
      %swap3A_26 = tpu.vector_load %arg7[%swap3A] {strides = array<i32>} : memref<640xf32, #tpu.memory_space<vmem>>, vector<16xf32>,
      %swap3A_27 = vector.shape_cast %swap3A_26 : vector<16xf32> to vector<16xf32>
      %swap3A_28 = vector.shape_cast %broadcast_in_dim3A_1 : vector<16xf32> to vector<16xf32>
      tpu.vector_store %arg7[%swap3A], %swap3A_28 {strides = array<i32>} : memref<640xf32, #tpu.memory_space<vmem>>, vector<16xf32>,
      %scan3A_29 = arith.constant 0 : i32
      scf.yield %scan3A_29 : i32
    }
    %scan3A_7 = arith.constant 40 : i32
    %mul3A_8 = arith.constant 640 : i32
    %mul3A_9 = arith.muli %arg1, %mul3A_8 : i32
    "tpu.region"() ({
      %run_scoped3A = tpu.sem_alloc : memref<!tpu.dma_semaphore, #tpu.memory_space<semaphore_mem>>
      %dma_start3A = tpu.memref_slice %arg8[%mul3A_9] : memref<10240xf32, #tpu.memory_space<vmem_shared>> -> memref<640xf32, #tpu.memory_space<vmem_shared>>
      %dma_start3A_22 = tpu.memref_slice %arg8[%mul3A_9] : memref<10240xf32, #tpu.memory_space<vmem_shared>> -> memref<640xf32, #tpu.memory_space<vmem_shared>>
      tpu.enqueue_dma source(%arg7 : memref<640xf32, #tpu.memory_space<vmem>>) target(%dma_start3A_22 : memref<640xf32, #tpu.memory_space<vmem_shared>>) target_semaphore(%run_scoped3A : memref<!tpu.dma_semaphore, #tpu.memory_space<semaphore_mem>>)
      %dma_wait3A = tpu.memref_slice %arg8[%mul3A_9] : memref<10240xf32, #tpu.memory_space<vmem_shared>> -> memref<640xf32, #tpu.memory_space<vmem_shared>>
      %dma_wait3A_23 = tpu.memref_slice %arg8[%mul3A_9] : memref<10240xf32, #tpu.memory_space<vmem_shared>> -> memref<640xf32, #tpu.memory_space<vmem_shared>>
      tpu.wait_dma2 semaphore(%run_scoped3A : memref<!tpu.dma_semaphore, #tpu.memory_space<semaphore_mem>>) src(%arg7 : memref<640xf32, #tpu.memory_space<vmem>>) dst(%dma_wait3A_23 : memref<640xf32, #tpu.memory_space<vmem_shared>>)
      tpu.yield
    }) : () -> ()
    %barrier3A = arith.constant 0 : index
    tpu.barrier barrier_id(%barrier3A)
    %scan3A_10 = arith.constant 0 : i32
    %scan3A_11 = arith.constant 0 : i32
    %scan3A_12 = arith.constant 79 : i32
    %scan3A_13 = arith.addi %scan3A_11, %scan3A_12 : i32
    %scan3A_14 = arith.constant 1 : i32
    %scan3A_15 = scf.for %scan3A_22 = %scan3A_11 to %scan3A_13 step %scan3A_14 iter_args(%scan3A_23 = %scan3A_10) -> (i32)  : i32 {
      %mul3A_24 = arith.constant 10112 : i32
      %mul3A_25 = arith.muli %add3A, %mul3A_24 : i32
      %mul3A_26 = arith.constant 128 : i32
      %mul3A_27 = arith.muli %scan3A_22, %mul3A_26 : i32
      %add3A_28 = arith.addi %mul3A_25, %mul3A_27 : i32
      "tpu.region"() ({
        %run_scoped3A = tpu.sem_alloc : memref<!tpu.dma_semaphore, #tpu.memory_space<semaphore_mem>>
        %dma_start3A = tpu.memref_slice %arg2[%add3A_28] : memref<323584xi32, #tpu.memory_space<hbm>> -> memref<128xi32, #tpu.memory_space<hbm>>
        %dma_start3A_30 = tpu.memref_slice %arg2[%add3A_28] : memref<323584xi32, #tpu.memory_space<hbm>> -> memref<128xi32, #tpu.memory_space<hbm>>
        tpu.enqueue_dma source(%dma_start3A_30 : memref<128xi32, #tpu.memory_space<hbm>>) target(%arg5 : memref<128xi32, #tpu.memory_space<vmem>>) target_semaphore(%run_scoped3A : memref<!tpu.dma_semaphore, #tpu.memory_space<semaphore_mem>>)
        %dma_wait3A = tpu.memref_slice %arg2[%add3A_28] : memref<323584xi32, #tpu.memory_space<hbm>> -> memref<128xi32, #tpu.memory_space<hbm>>
        %dma_wait3A_31 = tpu.memref_slice %arg2[%add3A_28] : memref<323584xi32, #tpu.memory_space<hbm>> -> memref<128xi32, #tpu.memory_space<hbm>>
        tpu.wait_dma2 semaphore(%run_scoped3A : memref<!tpu.dma_semaphore, #tpu.memory_space<semaphore_mem>>) src(%dma_wait3A_31 : memref<128xi32, #tpu.memory_space<hbm>>) dst(%arg5 : memref<128xi32, #tpu.memory_space<vmem>>)
        tpu.yield
      }) : () -> ()
      "tpu.region"() ({
        %run_scoped3A = tpu.sem_alloc : memref<!tpu.dma_semaphore, #tpu.memory_space<semaphore_mem>>
        %dma_start3A = tpu.memref_slice %arg3[%add3A_28] : memref<323584xf32, #tpu.memory_space<hbm>> -> memref<128xf32, #tpu.memory_space<hbm>>
        %dma_start3A_30 = tpu.memref_slice %arg3[%add3A_28] : memref<323584xf32, #tpu.memory_space<hbm>> -> memref<128xf32, #tpu.memory_space<hbm>>
        tpu.enqueue_dma source(%dma_start3A_30 : memref<128xf32, #tpu.memory_space<hbm>>) target(%arg6 : memref<128xf32, #tpu.memory_space<vmem>>) target_semaphore(%run_scoped3A : memref<!tpu.dma_semaphore, #tpu.memory_space<semaphore_mem>>)
        %dma_wait3A = tpu.memref_slice %arg3[%add3A_28] : memref<323584xf32, #tpu.memory_space<hbm>> -> memref<128xf32, #tpu.memory_space<hbm>>
        %dma_wait3A_31 = tpu.memref_slice %arg3[%add3A_28] : memref<323584xf32, #tpu.memory_space<hbm>> -> memref<128xf32, #tpu.memory_space<hbm>>
        tpu.wait_dma2 semaphore(%run_scoped3A : memref<!tpu.dma_semaphore, #tpu.memory_space<semaphore_mem>>) src(%dma_wait3A_31 : memref<128xf32, #tpu.memory_space<hbm>>) dst(%arg6 : memref<128xf32, #tpu.memory_space<vmem>>)
        tpu.yield
      }) : () -> ()
      "tpu.region"() ({
        %run_scoped3A = tpu.sem_alloc : memref<!tpu.dma_semaphore, #tpu.memory_space<semaphore_mem>>
        %dma_start3A = arith.constant 0 : i32
        %dma_start3A_30 = tpu.memref_slice %arg8[%dma_start3A] : memref<10240xf32, #tpu.memory_space<vmem_shared>> -> memref<10240xf32, #tpu.memory_space<vmem_shared>>
        tpu.enqueue_indirect_dma source(%arg6 : memref<128xf32, #tpu.memory_space<vmem>>) target(%dma_start3A_30 : memref<10240xf32, #tpu.memory_space<vmem_shared>>) offsets(%arg5 : memref<128xi32, #tpu.memory_space<vmem>>) semaphore(%run_scoped3A : memref<!tpu.dma_semaphore, #tpu.memory_space<semaphore_mem>>) {add = true}
        %dma_wait3A = arith.constant 0 : i32
        %dma_wait3A_31 = tpu.memref_slice %arg8[%dma_wait3A] : memref<10240xf32, #tpu.memory_space<vmem_shared>> -> memref<10240xf32, #tpu.memory_space<vmem_shared>>
        tpu.wait_indirect_dma semaphore(%run_scoped3A : memref<!tpu.dma_semaphore, #tpu.memory_space<semaphore_mem>>) src(%arg6 : memref<128xf32, #tpu.memory_space<vmem>>) dst(%dma_wait3A_31 : memref<10240xf32, #tpu.memory_space<vmem_shared>>)
        tpu.yield
      }) : () -> ()
      %scan3A_29 = arith.constant 0 : i32
      scf.yield %scan3A_29 : i32
    }
    %scan3A_16 = arith.constant 79 : i32
    %barrier3A_17 = arith.constant 0 : index
    tpu.barrier barrier_id(%barrier3A_17)
    %mul3A_18 = arith.constant 640 : i32
    %mul3A_19 = arith.muli %arg1, %mul3A_18 : i32
    %mul3A_20 = arith.constant 640 : i32
    %mul3A_21 = arith.muli %arg1, %mul3A_20 : i32
    "tpu.region"() ({
      %run_scoped3A = tpu.sem_alloc : memref<!tpu.dma_semaphore, #tpu.memory_space<semaphore_mem>>
      %dma_start3A = tpu.memref_slice %arg4[%arg0, %mul3A_21] : memref<2x10240xf32, #tpu.memory_space<hbm>> -> memref<1x640xf32, #tpu.memory_space<hbm>>
      %dma_start3A_22 = tpu.memref_squeeze %dma_start3A : memref<1x640xf32, #tpu.memory_space<hbm>> -> memref<640xf32, #tpu.memory_space<hbm>>
      %dma_start3A_23 = tpu.memref_slice %arg8[%mul3A_19] : memref<10240xf32, #tpu.memory_space<vmem_shared>> -> memref<640xf32, #tpu.memory_space<vmem_shared>>
      tpu.enqueue_dma source(%dma_start3A_23 : memref<640xf32, #tpu.memory_space<vmem_shared>>) target(%dma_start3A_22 : memref<640xf32, #tpu.memory_space<hbm>>) target_semaphore(%run_scoped3A : memref<!tpu.dma_semaphore, #tpu.memory_space<semaphore_mem>>)
      %dma_wait3A = tpu.memref_slice %arg4[%arg0, %mul3A_21] : memref<2x10240xf32, #tpu.memory_space<hbm>> -> memref<1x640xf32, #tpu.memory_space<hbm>>
      %dma_wait3A_24 = tpu.memref_squeeze %dma_wait3A : memref<1x640xf32, #tpu.memory_space<hbm>> -> memref<640xf32, #tpu.memory_space<hbm>>
      %dma_wait3A_25 = tpu.memref_slice %arg8[%mul3A_19] : memref<10240xf32, #tpu.memory_space<vmem_shared>> -> memref<640xf32, #tpu.memory_space<vmem_shared>>
      tpu.wait_dma2 semaphore(%run_scoped3A : memref<!tpu.dma_semaphore, #tpu.memory_space<semaphore_mem>>) src(%dma_wait3A_25 : memref<640xf32, #tpu.memory_space<vmem_shared>>) dst(%dma_wait3A_24 : memref<640xf32, #tpu.memory_space<hbm>>)
      tpu.yield
    }) : () -> ()
    return
  }
}

#map = affine_map<(d0, d1) -> (0, 0)>
#map1 = affine_map<(d0, d1) -> (0)>
#map2 = affine_map<(d0, d1) -> (0, 0, 0)>
module attributes {stable_mosaic.version = 14 : i64} {
  func.func @_sc_scatter(%arg0: i32, %arg1: i32, %arg2: memref<10240x128xf32, #tpu.memory_space<hbm>>, %arg3: memref<323584xi32, #tpu.memory_space<hbm>>, %arg4: memref<323584xi32, #tpu.memory_space<hbm>>, %arg5: memref<323584xf32, #tpu.memory_space<hbm>>, %arg6: memref<2x10240x128xf32, #tpu.memory_space<hbm>>, %arg7: memref<128xi32, #tpu.memory_space<vmem>>, %arg8: memref<128xi32, #tpu.memory_space<vmem>>, %arg9: memref<128xf32, #tpu.memory_space<vmem>>, %arg10: memref<128x128xf32, #tpu.memory_space<vmem>>, %arg11: memref<64x128xf32, #tpu.memory_space<vmem>>, %arg12: memref<10240x128xf32, #tpu.memory_space<vmem_shared>>, %arg13: memref<!tpu.dma_semaphore, #tpu.memory_space<semaphore_mem>>) attributes {dimension_semantics = [#tpu.dimension_semantics<core_parallel>, #tpu.dimension_semantics<subcore_parallel>], iteration_bounds = array<i64: 2, 16>, scalar_prefetch = 0 : i64, scratch_operands = 7 : i64, tpu.core_type = #tpu.core_type<sc_vector_subcore>, window_params = [{transform_indices = #map}, {transform_indices = #map1}, {transform_indices = #map1}, {transform_indices = #map1}, {transform_indices = #map2}]} {
    %mul3A = arith.constant 2 : i32
    %mul3A_0 = arith.muli %arg1, %mul3A : i32
    %add3A = arith.addi %mul3A_0, %arg0 : i32
    %scan3A = arith.constant 0 : i32
    %scan3A_1 = arith.constant 0 : i32
    %scan3A_2 = arith.constant 64 : i32
    %scan3A_3 = arith.addi %scan3A_1, %scan3A_2 : i32
    %scan3A_4 = arith.constant 1 : i32
    %scan3A_5 = scf.for %scan3A_26 = %scan3A_1 to %scan3A_3 step %scan3A_4 iter_args(%scan3A_27 = %scan3A) -> (i32)  : i32 {
      %scan3A_28 = arith.constant 0 : i32
      %scan3A_29 = arith.constant 0 : i32
      %scan3A_30 = arith.constant 8 : i32
      %scan3A_31 = arith.addi %scan3A_29, %scan3A_30 : i32
      %scan3A_32 = arith.constant 1 : i32
      %scan3A_33 = scf.for %scan3A_36 = %scan3A_29 to %scan3A_31 step %scan3A_32 iter_args(%scan3A_37 = %scan3A_28) -> (i32)  : i32 {
        %broadcast_in_dim3A = arith.constant 0.000000e+00 : f32
        %broadcast_in_dim3A_38 = vector.broadcast %broadcast_in_dim3A : f32 to vector<16xf32>
        %mul3A_39 = arith.constant 16 : i32
        %mul3A_40 = arith.muli %scan3A_36, %mul3A_39 : i32
        %swap3A = arith.index_cast %scan3A_26 : i32 to index
        %swap3A_41 = arith.index_cast %mul3A_40 : i32 to index
        %swap3A_42 = tpu.vector_load %arg11[%swap3A, %swap3A_41] {strides = array<i32>} : memref<64x128xf32, #tpu.memory_space<vmem>>, vector<1x16xf32>,
        %swap3A_43 = vector.shape_cast %swap3A_42 : vector<1x16xf32> to vector<16xf32>
        %swap3A_44 = vector.shape_cast %broadcast_in_dim3A_38 : vector<16xf32> to vector<1x16xf32>
        tpu.vector_store %arg11[%swap3A, %swap3A_41], %swap3A_44 {strides = array<i32>} : memref<64x128xf32, #tpu.memory_space<vmem>>, vector<1x16xf32>,
        %scan3A_45 = arith.constant 0 : i32
        scf.yield %scan3A_45 : i32
      }
      %scan3A_34 = arith.constant 8 : i32
      %scan3A_35 = arith.constant 0 : i32
      scf.yield %scan3A_35 : i32
    }
    %scan3A_6 = arith.constant 64 : i32
    %scan3A_7 = arith.constant 0 : i32
    %scan3A_8 = arith.constant 0 : i32
    %scan3A_9 = arith.constant 10 : i32
    %scan3A_10 = arith.addi %scan3A_8, %scan3A_9 : i32
    %scan3A_11 = arith.constant 1 : i32
    %scan3A_12 = scf.for %scan3A_26 = %scan3A_8 to %scan3A_10 step %scan3A_11 iter_args(%scan3A_27 = %scan3A_7) -> (i32)  : i32 {
      %mul3A_28 = arith.constant 640 : i32
      %mul3A_29 = arith.muli %arg1, %mul3A_28 : i32
      %mul3A_30 = arith.constant 64 : i32
      %mul3A_31 = arith.muli %scan3A_26, %mul3A_30 : i32
      %add3A_32 = arith.addi %mul3A_29, %mul3A_31 : i32
      "tpu.region"() ({
        %run_scoped3A = tpu.sem_alloc : memref<!tpu.dma_semaphore, #tpu.memory_space<semaphore_mem>>
        %dma_start3A = arith.constant 0 : i32
        %dma_start3A_34 = tpu.memref_slice %arg12[%add3A_32, %dma_start3A] : memref<10240x128xf32, #tpu.memory_space<vmem_shared>> -> memref<64x128xf32, #tpu.memory_space<vmem_shared>>
        %dma_start3A_35 = arith.constant 0 : i32
        %dma_start3A_36 = tpu.memref_slice %arg12[%add3A_32, %dma_start3A_35] : memref<10240x128xf32, #tpu.memory_space<vmem_shared>> -> memref<64x128xf32, #tpu.memory_space<vmem_shared>>
        tpu.enqueue_dma source(%arg11 : memref<64x128xf32, #tpu.memory_space<vmem>>) target(%dma_start3A_36 : memref<64x128xf32, #tpu.memory_space<vmem_shared>>) target_semaphore(%run_scoped3A : memref<!tpu.dma_semaphore, #tpu.memory_space<semaphore_mem>>)
        %dma_wait3A = arith.constant 0 : i32
        %dma_wait3A_37 = tpu.memref_slice %arg12[%add3A_32, %dma_wait3A] : memref<10240x128xf32, #tpu.memory_space<vmem_shared>> -> memref<64x128xf32, #tpu.memory_space<vmem_shared>>
        %dma_wait3A_38 = arith.constant 0 : i32
        %dma_wait3A_39 = tpu.memref_slice %arg12[%add3A_32, %dma_wait3A_38] : memref<10240x128xf32, #tpu.memory_space<vmem_shared>> -> memref<64x128xf32, #tpu.memory_space<vmem_shared>>
        tpu.wait_dma2 semaphore(%run_scoped3A : memref<!tpu.dma_semaphore, #tpu.memory_space<semaphore_mem>>) src(%arg11 : memref<64x128xf32, #tpu.memory_space<vmem>>) dst(%dma_wait3A_39 : memref<64x128xf32, #tpu.memory_space<vmem_shared>>)
        tpu.yield
      }) : () -> ()
      %scan3A_33 = arith.constant 0 : i32
      scf.yield %scan3A_33 : i32
    }
    %scan3A_13 = arith.constant 10 : i32
    %barrier3A = arith.constant 0 : index
    tpu.barrier barrier_id(%barrier3A)
    %scan3A_14 = arith.constant 0 : i32
    %scan3A_15 = arith.constant 0 : i32
    %scan3A_16 = arith.constant 79 : i32
    %scan3A_17 = arith.addi %scan3A_15, %scan3A_16 : i32
    %scan3A_18 = arith.constant 1 : i32
    %scan3A_19 = scf.for %scan3A_26 = %scan3A_15 to %scan3A_17 step %scan3A_18 iter_args(%scan3A_27 = %scan3A_14) -> (i32)  : i32 {
      %mul3A_28 = arith.constant 10112 : i32
      %mul3A_29 = arith.muli %add3A, %mul3A_28 : i32
      %mul3A_30 = arith.constant 128 : i32
      %mul3A_31 = arith.muli %scan3A_26, %mul3A_30 : i32
      %add3A_32 = arith.addi %mul3A_29, %mul3A_31 : i32
      "tpu.region"() ({
        %run_scoped3A = tpu.sem_alloc : memref<!tpu.dma_semaphore, #tpu.memory_space<semaphore_mem>>
        %dma_start3A_45 = tpu.memref_slice %arg3[%add3A_32] : memref<323584xi32, #tpu.memory_space<hbm>> -> memref<128xi32, #tpu.memory_space<hbm>>
        %dma_start3A_46 = tpu.memref_slice %arg3[%add3A_32] : memref<323584xi32, #tpu.memory_space<hbm>> -> memref<128xi32, #tpu.memory_space<hbm>>
        tpu.enqueue_dma source(%dma_start3A_46 : memref<128xi32, #tpu.memory_space<hbm>>) target(%arg7 : memref<128xi32, #tpu.memory_space<vmem>>) target_semaphore(%run_scoped3A : memref<!tpu.dma_semaphore, #tpu.memory_space<semaphore_mem>>)
        %dma_wait3A_47 = tpu.memref_slice %arg3[%add3A_32] : memref<323584xi32, #tpu.memory_space<hbm>> -> memref<128xi32, #tpu.memory_space<hbm>>
        %dma_wait3A_48 = tpu.memref_slice %arg3[%add3A_32] : memref<323584xi32, #tpu.memory_space<hbm>> -> memref<128xi32, #tpu.memory_space<hbm>>
        tpu.wait_dma2 semaphore(%run_scoped3A : memref<!tpu.dma_semaphore, #tpu.memory_space<semaphore_mem>>) src(%dma_wait3A_48 : memref<128xi32, #tpu.memory_space<hbm>>) dst(%arg7 : memref<128xi32, #tpu.memory_space<vmem>>)
        tpu.yield
      }) : () -> ()
      "tpu.region"() ({
        %run_scoped3A = tpu.sem_alloc : memref<!tpu.dma_semaphore, #tpu.memory_space<semaphore_mem>>
        %dma_start3A_45 = tpu.memref_slice %arg4[%add3A_32] : memref<323584xi32, #tpu.memory_space<hbm>> -> memref<128xi32, #tpu.memory_space<hbm>>
        %dma_start3A_46 = tpu.memref_slice %arg4[%add3A_32] : memref<323584xi32, #tpu.memory_space<hbm>> -> memref<128xi32, #tpu.memory_space<hbm>>
        tpu.enqueue_dma source(%dma_start3A_46 : memref<128xi32, #tpu.memory_space<hbm>>) target(%arg8 : memref<128xi32, #tpu.memory_space<vmem>>) target_semaphore(%run_scoped3A : memref<!tpu.dma_semaphore, #tpu.memory_space<semaphore_mem>>)
        %dma_wait3A_47 = tpu.memref_slice %arg4[%add3A_32] : memref<323584xi32, #tpu.memory_space<hbm>> -> memref<128xi32, #tpu.memory_space<hbm>>
        %dma_wait3A_48 = tpu.memref_slice %arg4[%add3A_32] : memref<323584xi32, #tpu.memory_space<hbm>> -> memref<128xi32, #tpu.memory_space<hbm>>
        tpu.wait_dma2 semaphore(%run_scoped3A : memref<!tpu.dma_semaphore, #tpu.memory_space<semaphore_mem>>) src(%dma_wait3A_48 : memref<128xi32, #tpu.memory_space<hbm>>) dst(%arg8 : memref<128xi32, #tpu.memory_space<vmem>>)
        tpu.yield
      }) : () -> ()
      "tpu.region"() ({
        %run_scoped3A = tpu.sem_alloc : memref<!tpu.dma_semaphore, #tpu.memory_space<semaphore_mem>>
        %dma_start3A_45 = tpu.memref_slice %arg5[%add3A_32] : memref<323584xf32, #tpu.memory_space<hbm>> -> memref<128xf32, #tpu.memory_space<hbm>>
        %dma_start3A_46 = tpu.memref_slice %arg5[%add3A_32] : memref<323584xf32, #tpu.memory_space<hbm>> -> memref<128xf32, #tpu.memory_space<hbm>>
        tpu.enqueue_dma source(%dma_start3A_46 : memref<128xf32, #tpu.memory_space<hbm>>) target(%arg9 : memref<128xf32, #tpu.memory_space<vmem>>) target_semaphore(%run_scoped3A : memref<!tpu.dma_semaphore, #tpu.memory_space<semaphore_mem>>)
        %dma_wait3A_47 = tpu.memref_slice %arg5[%add3A_32] : memref<323584xf32, #tpu.memory_space<hbm>> -> memref<128xf32, #tpu.memory_space<hbm>>
        %dma_wait3A_48 = tpu.memref_slice %arg5[%add3A_32] : memref<323584xf32, #tpu.memory_space<hbm>> -> memref<128xf32, #tpu.memory_space<hbm>>
        tpu.wait_dma2 semaphore(%run_scoped3A : memref<!tpu.dma_semaphore, #tpu.memory_space<semaphore_mem>>) src(%dma_wait3A_48 : memref<128xf32, #tpu.memory_space<hbm>>) dst(%arg9 : memref<128xf32, #tpu.memory_space<vmem>>)
        tpu.yield
      }) : () -> ()
      %dma_start3A = arith.constant 0 : i32
      %dma_start3A_33 = arith.constant 0 : i32
      %dma_start3A_34 = tpu.memref_slice %arg2[%dma_start3A, %dma_start3A_33] : memref<10240x128xf32, #tpu.memory_space<hbm>> -> memref<10240x128xf32, #tpu.memory_space<hbm>>
      tpu.enqueue_indirect_dma source(%dma_start3A_34 : memref<10240x128xf32, #tpu.memory_space<hbm>>) target(%arg10 : memref<128x128xf32, #tpu.memory_space<vmem>>) offsets(%arg7 : memref<128xi32, #tpu.memory_space<vmem>>) semaphore(%arg13 : memref<!tpu.dma_semaphore, #tpu.memory_space<semaphore_mem>>)
      %dma_wait3A = arith.constant 0 : i32
      %dma_wait3A_35 = arith.constant 0 : i32
      %dma_wait3A_36 = tpu.memref_slice %arg2[%dma_wait3A, %dma_wait3A_35] : memref<10240x128xf32, #tpu.memory_space<hbm>> -> memref<10240x128xf32, #tpu.memory_space<hbm>>
      tpu.wait_indirect_dma semaphore(%arg13 : memref<!tpu.dma_semaphore, #tpu.memory_space<semaphore_mem>>) src(%dma_wait3A_36 : memref<10240x128xf32, #tpu.memory_space<hbm>>) dst(%arg10 : memref<128x128xf32, #tpu.memory_space<vmem>>)
      %scan3A_37 = arith.constant 0 : i32
      %scan3A_38 = arith.constant 0 : i32
      %scan3A_39 = arith.constant 8 : i32
      %scan3A_40 = arith.addi %scan3A_38, %scan3A_39 : i32
      %scan3A_41 = arith.constant 1 : i32
      %scan3A_42 = scf.for %scan3A_45 = %scan3A_38 to %scan3A_40 step %scan3A_41 iter_args(%scan3A_46 = %scan3A_37) -> (i32)  : i32 {
        %mul3A_47 = arith.constant 16 : i32
        %mul3A_48 = arith.muli %scan3A_45, %mul3A_47 : i32
        %get3A = arith.index_cast %mul3A_48 : i32 to index
        %get3A_49 = tpu.vector_load %arg9[%get3A] {strides = array<i32>} : memref<128xf32, #tpu.memory_space<vmem>>, vector<16xf32>,
        %get3A_50 = vector.shape_cast %get3A_49 : vector<16xf32> to vector<16xf32>
        %slice3A = vector.extract_strided_slice %get3A_50 {offsets = [0], sizes = [1], strides = [1]} : vector<16xf32> to vector<1xf32>
        %squeeze3A = vector.extract %slice3A[0] : f32 from vector<1xf32>
        %broadcast_in_dim3A = vector.broadcast %squeeze3A : f32 to vector<16xf32>
        %mul3A_51 = arith.constant 16 : i32
        %mul3A_52 = arith.muli %scan3A_45, %mul3A_51 : i32
        %add3A_53 = arith.constant 0 : i32
        %add3A_54 = arith.addi %mul3A_52, %add3A_53 : i32
        %get3A_55 = arith.index_cast %add3A_54 : i32 to index
        %get3A_56 = arith.constant 0 : index
        %get3A_57 = tpu.vector_load %arg10[%get3A_55, %get3A_56] {strides = array<i32>} : memref<128x128xf32, #tpu.memory_space<vmem>>, vector<1x16xf32>,
        %get3A_58 = vector.shape_cast %get3A_57 : vector<1x16xf32> to vector<16xf32>
        %mul3A_59 = arith.mulf %get3A_58, %broadcast_in_dim3A : vector<16xf32>
        %mul3A_60 = arith.constant 16 : i32
        %mul3A_61 = arith.muli %scan3A_45, %mul3A_60 : i32
        %add3A_62 = arith.constant 0 : i32
        %add3A_63 = arith.addi %mul3A_61, %add3A_62 : i32
        %swap3A = arith.index_cast %add3A_63 : i32 to index
        %swap3A_64 = arith.constant 0 : index
        %swap3A_65 = tpu.vector_load %arg10[%swap3A, %swap3A_64] {strides = array<i32>} : memref<128x128xf32, #tpu.memory_space<vmem>>, vector<1x16xf32>,
        %swap3A_66 = vector.shape_cast %swap3A_65 : vector<1x16xf32> to vector<16xf32>
        %swap3A_67 = vector.shape_cast %mul3A_59 : vector<16xf32> to vector<1x16xf32>
        tpu.vector_store %arg10[%swap3A, %swap3A_64], %swap3A_67 {strides = array<i32>} : memref<128x128xf32, #tpu.memory_space<vmem>>, vector<1x16xf32>,
        %mul3A_68 = arith.constant 16 : i32
        %mul3A_69 = arith.muli %scan3A_45, %mul3A_68 : i32
        %add3A_70 = arith.constant 0 : i32
        %add3A_71 = arith.addi %mul3A_69, %add3A_70 : i32
        %get3A_72 = arith.index_cast %add3A_71 : i32 to index
        %get3A_73 = arith.constant 16 : index
        %get3A_74 = tpu.vector_load %arg10[%get3A_72, %get3A_73] {strides = array<i32>} : memref<128x128xf32, #tpu.memory_space<vmem>>, vector<1x16xf32>,
        %get3A_75 = vector.shape_cast %get3A_74 : vector<1x16xf32> to vector<16xf32>
        %mul3A_76 = arith.mulf %get3A_75, %broadcast_in_dim3A : vector<16xf32>
        %mul3A_77 = arith.constant 16 : i32
        %mul3A_78 = arith.muli %scan3A_45, %mul3A_77 : i32
        %add3A_79 = arith.constant 0 : i32
        %add3A_80 = arith.addi %mul3A_78, %add3A_79 : i32
        %swap3A_81 = arith.index_cast %add3A_80 : i32 to index
        %swap3A_82 = arith.constant 16 : index
        %swap3A_83 = tpu.vector_load %arg10[%swap3A_81, %swap3A_82] {strides = array<i32>} : memref<128x128xf32, #tpu.memory_space<vmem>>, vector<1x16xf32>,
        %swap3A_84 = vector.shape_cast %swap3A_83 : vector<1x16xf32> to vector<16xf32>
        %swap3A_85 = vector.shape_cast %mul3A_76 : vector<16xf32> to vector<1x16xf32>
        tpu.vector_store %arg10[%swap3A_81, %swap3A_82], %swap3A_85 {strides = array<i32>} : memref<128x128xf32, #tpu.memory_space<vmem>>, vector<1x16xf32>,
        %mul3A_86 = arith.constant 16 : i32
        %mul3A_87 = arith.muli %scan3A_45, %mul3A_86 : i32
        %add3A_88 = arith.constant 0 : i32
        %add3A_89 = arith.addi %mul3A_87, %add3A_88 : i32
        %get3A_90 = arith.index_cast %add3A_89 : i32 to index
        %get3A_91 = arith.constant 32 : index
        %get3A_92 = tpu.vector_load %arg10[%get3A_90, %get3A_91] {strides = array<i32>} : memref<128x128xf32, #tpu.memory_space<vmem>>, vector<1x16xf32>,
        %get3A_93 = vector.shape_cast %get3A_92 : vector<1x16xf32> to vector<16xf32>
        %mul3A_94 = arith.mulf %get3A_93, %broadcast_in_dim3A : vector<16xf32>
        %mul3A_95 = arith.constant 16 : i32
        %mul3A_96 = arith.muli %scan3A_45, %mul3A_95 : i32
        %add3A_97 = arith.constant 0 : i32
        %add3A_98 = arith.addi %mul3A_96, %add3A_97 : i32
        %swap3A_99 = arith.index_cast %add3A_98 : i32 to index
        %swap3A_100 = arith.constant 32 : index
        %swap3A_101 = tpu.vector_load %arg10[%swap3A_99, %swap3A_100] {strides = array<i32>} : memref<128x128xf32, #tpu.memory_space<vmem>>, vector<1x16xf32>,
        %swap3A_102 = vector.shape_cast %swap3A_101 : vector<1x16xf32> to vector<16xf32>
        %swap3A_103 = vector.shape_cast %mul3A_94 : vector<16xf32> to vector<1x16xf32>
        tpu.vector_store %arg10[%swap3A_99, %swap3A_100], %swap3A_103 {strides = array<i32>} : memref<128x128xf32, #tpu.memory_space<vmem>>, vector<1x16xf32>,
        %mul3A_104 = arith.constant 16 : i32
        %mul3A_105 = arith.muli %scan3A_45, %mul3A_104 : i32
        %add3A_106 = arith.constant 0 : i32
        %add3A_107 = arith.addi %mul3A_105, %add3A_106 : i32
        %get3A_108 = arith.index_cast %add3A_107 : i32 to index
        %get3A_109 = arith.constant 48 : index
        %get3A_110 = tpu.vector_load %arg10[%get3A_108, %get3A_109] {strides = array<i32>} : memref<128x128xf32, #tpu.memory_space<vmem>>, vector<1x16xf32>,
        %get3A_111 = vector.shape_cast %get3A_110 : vector<1x16xf32> to vector<16xf32>
        %mul3A_112 = arith.mulf %get3A_111, %broadcast_in_dim3A : vector<16xf32>
        %mul3A_113 = arith.constant 16 : i32
        %mul3A_114 = arith.muli %scan3A_45, %mul3A_113 : i32
        %add3A_115 = arith.constant 0 : i32
        %add3A_116 = arith.addi %mul3A_114, %add3A_115 : i32
        %swap3A_117 = arith.index_cast %add3A_116 : i32 to index
        %swap3A_118 = arith.constant 48 : index
        %swap3A_119 = tpu.vector_load %arg10[%swap3A_117, %swap3A_118] {strides = array<i32>} : memref<128x128xf32, #tpu.memory_space<vmem>>, vector<1x16xf32>,
        %swap3A_120 = vector.shape_cast %swap3A_119 : vector<1x16xf32> to vector<16xf32>
        %swap3A_121 = vector.shape_cast %mul3A_112 : vector<16xf32> to vector<1x16xf32>
        tpu.vector_store %arg10[%swap3A_117, %swap3A_118], %swap3A_121 {strides = array<i32>} : memref<128x128xf32, #tpu.memory_space<vmem>>, vector<1x16xf32>,
        %mul3A_122 = arith.constant 16 : i32
        %mul3A_123 = arith.muli %scan3A_45, %mul3A_122 : i32
        %add3A_124 = arith.constant 0 : i32
        %add3A_125 = arith.addi %mul3A_123, %add3A_124 : i32
        %get3A_126 = arith.index_cast %add3A_125 : i32 to index
        %get3A_127 = arith.constant 64 : index
        %get3A_128 = tpu.vector_load %arg10[%get3A_126, %get3A_127] {strides = array<i32>} : memref<128x128xf32, #tpu.memory_space<vmem>>, vector<1x16xf32>,
        %get3A_129 = vector.shape_cast %get3A_128 : vector<1x16xf32> to vector<16xf32>
        %mul3A_130 = arith.mulf %get3A_129, %broadcast_in_dim3A : vector<16xf32>
        %mul3A_131 = arith.constant 16 : i32
        %mul3A_132 = arith.muli %scan3A_45, %mul3A_131 : i32
        %add3A_133 = arith.constant 0 : i32
        %add3A_134 = arith.addi %mul3A_132, %add3A_133 : i32
        %swap3A_135 = arith.index_cast %add3A_134 : i32 to index
        %swap3A_136 = arith.constant 64 : index
        %swap3A_137 = tpu.vector_load %arg10[%swap3A_135, %swap3A_136] {strides = array<i32>} : memref<128x128xf32, #tpu.memory_space<vmem>>, vector<1x16xf32>,
        %swap3A_138 = vector.shape_cast %swap3A_137 : vector<1x16xf32> to vector<16xf32>
        %swap3A_139 = vector.shape_cast %mul3A_130 : vector<16xf32> to vector<1x16xf32>
        tpu.vector_store %arg10[%swap3A_135, %swap3A_136], %swap3A_139 {strides = array<i32>} : memref<128x128xf32, #tpu.memory_space<vmem>>, vector<1x16xf32>,
        %mul3A_140 = arith.constant 16 : i32
        %mul3A_141 = arith.muli %scan3A_45, %mul3A_140 : i32
        %add3A_142 = arith.constant 0 : i32
        %add3A_143 = arith.addi %mul3A_141, %add3A_142 : i32
        %get3A_144 = arith.index_cast %add3A_143 : i32 to index
        %get3A_145 = arith.constant 80 : index
        %get3A_146 = tpu.vector_load %arg10[%get3A_144, %get3A_145] {strides = array<i32>} : memref<128x128xf32, #tpu.memory_space<vmem>>, vector<1x16xf32>,
        %get3A_147 = vector.shape_cast %get3A_146 : vector<1x16xf32> to vector<16xf32>
        %mul3A_148 = arith.mulf %get3A_147, %broadcast_in_dim3A : vector<16xf32>
        %mul3A_149 = arith.constant 16 : i32
        %mul3A_150 = arith.muli %scan3A_45, %mul3A_149 : i32
        %add3A_151 = arith.constant 0 : i32
        %add3A_152 = arith.addi %mul3A_150, %add3A_151 : i32
        %swap3A_153 = arith.index_cast %add3A_152 : i32 to index
        %swap3A_154 = arith.constant 80 : index
        %swap3A_155 = tpu.vector_load %arg10[%swap3A_153, %swap3A_154] {strides = array<i32>} : memref<128x128xf32, #tpu.memory_space<vmem>>, vector<1x16xf32>,
        %swap3A_156 = vector.shape_cast %swap3A_155 : vector<1x16xf32> to vector<16xf32>
        %swap3A_157 = vector.shape_cast %mul3A_148 : vector<16xf32> to vector<1x16xf32>
        tpu.vector_store %arg10[%swap3A_153, %swap3A_154], %swap3A_157 {strides = array<i32>} : memref<128x128xf32, #tpu.memory_space<vmem>>, vector<1x16xf32>,
        %mul3A_158 = arith.constant 16 : i32
        %mul3A_159 = arith.muli %scan3A_45, %mul3A_158 : i32
        %add3A_160 = arith.constant 0 : i32
        %add3A_161 = arith.addi %mul3A_159, %add3A_160 : i32
        %get3A_162 = arith.index_cast %add3A_161 : i32 to index
        %get3A_163 = arith.constant 96 : index
        %get3A_164 = tpu.vector_load %arg10[%get3A_162, %get3A_163] {strides = array<i32>} : memref<128x128xf32, #tpu.memory_space<vmem>>, vector<1x16xf32>,
        %get3A_165 = vector.shape_cast %get3A_164 : vector<1x16xf32> to vector<16xf32>
        %mul3A_166 = arith.mulf %get3A_165, %broadcast_in_dim3A : vector<16xf32>
        %mul3A_167 = arith.constant 16 : i32
        %mul3A_168 = arith.muli %scan3A_45, %mul3A_167 : i32
        %add3A_169 = arith.constant 0 : i32
        %add3A_170 = arith.addi %mul3A_168, %add3A_169 : i32
        %swap3A_171 = arith.index_cast %add3A_170 : i32 to index
        %swap3A_172 = arith.constant 96 : index
        %swap3A_173 = tpu.vector_load %arg10[%swap3A_171, %swap3A_172] {strides = array<i32>} : memref<128x128xf32, #tpu.memory_space<vmem>>, vector<1x16xf32>,
        %swap3A_174 = vector.shape_cast %swap3A_173 : vector<1x16xf32> to vector<16xf32>
        %swap3A_175 = vector.shape_cast %mul3A_166 : vector<16xf32> to vector<1x16xf32>
        tpu.vector_store %arg10[%swap3A_171, %swap3A_172], %swap3A_175 {strides = array<i32>} : memref<128x128xf32, #tpu.memory_space<vmem>>, vector<1x16xf32>,
        %mul3A_176 = arith.constant 16 : i32
        %mul3A_177 = arith.muli %scan3A_45, %mul3A_176 : i32
        %add3A_178 = arith.constant 0 : i32
        %add3A_179 = arith.addi %mul3A_177, %add3A_178 : i32
        %get3A_180 = arith.index_cast %add3A_179 : i32 to index
        %get3A_181 = arith.constant 112 : index
        %get3A_182 = tpu.vector_load %arg10[%get3A_180, %get3A_181] {strides = array<i32>} : memref<128x128xf32, #tpu.memory_space<vmem>>, vector<1x16xf32>,
        %get3A_183 = vector.shape_cast %get3A_182 : vector<1x16xf32> to vector<16xf32>
        %mul3A_184 = arith.mulf %get3A_183, %broadcast_in_dim3A : vector<16xf32>
        %mul3A_185 = arith.constant 16 : i32
        %mul3A_186 = arith.muli %scan3A_45, %mul3A_185 : i32
        %add3A_187 = arith.constant 0 : i32
        %add3A_188 = arith.addi %mul3A_186, %add3A_187 : i32
        %swap3A_189 = arith.index_cast %add3A_188 : i32 to index
        %swap3A_190 = arith.constant 112 : index
        %swap3A_191 = tpu.vector_load %arg10[%swap3A_189, %swap3A_190] {strides = array<i32>} : memref<128x128xf32, #tpu.memory_space<vmem>>, vector<1x16xf32>,
        %swap3A_192 = vector.shape_cast %swap3A_191 : vector<1x16xf32> to vector<16xf32>
        %swap3A_193 = vector.shape_cast %mul3A_184 : vector<16xf32> to vector<1x16xf32>
        tpu.vector_store %arg10[%swap3A_189, %swap3A_190], %swap3A_193 {strides = array<i32>} : memref<128x128xf32, #tpu.memory_space<vmem>>, vector<1x16xf32>,
        %slice3A_194 = vector.extract_strided_slice %get3A_50 {offsets = [1], sizes = [1], strides = [1]} : vector<16xf32> to vector<1xf32>
        %squeeze3A_195 = vector.extract %slice3A_194[0] : f32 from vector<1xf32>
        %broadcast_in_dim3A_196 = vector.broadcast %squeeze3A_195 : f32 to vector<16xf32>
        %mul3A_197 = arith.constant 16 : i32
        %mul3A_198 = arith.muli %scan3A_45, %mul3A_197 : i32
        %add3A_199 = arith.constant 1 : i32
        %add3A_200 = arith.addi %mul3A_198, %add3A_199 : i32
        %get3A_201 = arith.index_cast %add3A_200 : i32 to index
        %get3A_202 = arith.constant 0 : index
        %get3A_203 = tpu.vector_load %arg10[%get3A_201, %get3A_202] {strides = array<i32>} : memref<128x128xf32, #tpu.memory_space<vmem>>, vector<1x16xf32>,
        %get3A_204 = vector.shape_cast %get3A_203 : vector<1x16xf32> to vector<16xf32>
        %mul3A_205 = arith.mulf %get3A_204, %broadcast_in_dim3A_196 : vector<16xf32>
        %mul3A_206 = arith.constant 16 : i32
        %mul3A_207 = arith.muli %scan3A_45, %mul3A_206 : i32
        %add3A_208 = arith.constant 1 : i32
        %add3A_209 = arith.addi %mul3A_207, %add3A_208 : i32
        %swap3A_210 = arith.index_cast %add3A_209 : i32 to index
        %swap3A_211 = arith.constant 0 : index
        %swap3A_212 = tpu.vector_load %arg10[%swap3A_210, %swap3A_211] {strides = array<i32>} : memref<128x128xf32, #tpu.memory_space<vmem>>, vector<1x16xf32>,
        %swap3A_213 = vector.shape_cast %swap3A_212 : vector<1x16xf32> to vector<16xf32>
        %swap3A_214 = vector.shape_cast %mul3A_205 : vector<16xf32> to vector<1x16xf32>
        tpu.vector_store %arg10[%swap3A_210, %swap3A_211], %swap3A_214 {strides = array<i32>} : memref<128x128xf32, #tpu.memory_space<vmem>>, vector<1x16xf32>,
        %mul3A_215 = arith.constant 16 : i32
        %mul3A_216 = arith.muli %scan3A_45, %mul3A_215 : i32
        %add3A_217 = arith.constant 1 : i32
        %add3A_218 = arith.addi %mul3A_216, %add3A_217 : i32
        %get3A_219 = arith.index_cast %add3A_218 : i32 to index
        %get3A_220 = arith.constant 16 : index
        %get3A_221 = tpu.vector_load %arg10[%get3A_219, %get3A_220] {strides = array<i32>} : memref<128x128xf32, #tpu.memory_space<vmem>>, vector<1x16xf32>,
        %get3A_222 = vector.shape_cast %get3A_221 : vector<1x16xf32> to vector<16xf32>
        %mul3A_223 = arith.mulf %get3A_222, %broadcast_in_dim3A_196 : vector<16xf32>
        %mul3A_224 = arith.constant 16 : i32
        %mul3A_225 = arith.muli %scan3A_45, %mul3A_224 : i32
        %add3A_226 = arith.constant 1 : i32
        %add3A_227 = arith.addi %mul3A_225, %add3A_226 : i32
        %swap3A_228 = arith.index_cast %add3A_227 : i32 to index
        %swap3A_229 = arith.constant 16 : index
        %swap3A_230 = tpu.vector_load %arg10[%swap3A_228, %swap3A_229] {strides = array<i32>} : memref<128x128xf32, #tpu.memory_space<vmem>>, vector<1x16xf32>,
        %swap3A_231 = vector.shape_cast %swap3A_230 : vector<1x16xf32> to vector<16xf32>
        %swap3A_232 = vector.shape_cast %mul3A_223 : vector<16xf32> to vector<1x16xf32>
        tpu.vector_store %arg10[%swap3A_228, %swap3A_229], %swap3A_232 {strides = array<i32>} : memref<128x128xf32, #tpu.memory_space<vmem>>, vector<1x16xf32>,
        %mul3A_233 = arith.constant 16 : i32
        %mul3A_234 = arith.muli %scan3A_45, %mul3A_233 : i32
        %add3A_235 = arith.constant 1 : i32
        %add3A_236 = arith.addi %mul3A_234, %add3A_235 : i32
        %get3A_237 = arith.index_cast %add3A_236 : i32 to index
        %get3A_238 = arith.constant 32 : index
        %get3A_239 = tpu.vector_load %arg10[%get3A_237, %get3A_238] {strides = array<i32>} : memref<128x128xf32, #tpu.memory_space<vmem>>, vector<1x16xf32>,
        %get3A_240 = vector.shape_cast %get3A_239 : vector<1x16xf32> to vector<16xf32>
        %mul3A_241 = arith.mulf %get3A_240, %broadcast_in_dim3A_196 : vector<16xf32>
        %mul3A_242 = arith.constant 16 : i32
        %mul3A_243 = arith.muli %scan3A_45, %mul3A_242 : i32
        %add3A_244 = arith.constant 1 : i32
        %add3A_245 = arith.addi %mul3A_243, %add3A_244 : i32
        %swap3A_246 = arith.index_cast %add3A_245 : i32 to index
        %swap3A_247 = arith.constant 32 : index
        %swap3A_248 = tpu.vector_load %arg10[%swap3A_246, %swap3A_247] {strides = array<i32>} : memref<128x128xf32, #tpu.memory_space<vmem>>, vector<1x16xf32>,
        %swap3A_249 = vector.shape_cast %swap3A_248 : vector<1x16xf32> to vector<16xf32>
        %swap3A_250 = vector.shape_cast %mul3A_241 : vector<16xf32> to vector<1x16xf32>
        tpu.vector_store %arg10[%swap3A_246, %swap3A_247], %swap3A_250 {strides = array<i32>} : memref<128x128xf32, #tpu.memory_space<vmem>>, vector<1x16xf32>,
        %mul3A_251 = arith.constant 16 : i32
        %mul3A_252 = arith.muli %scan3A_45, %mul3A_251 : i32
        %add3A_253 = arith.constant 1 : i32
        %add3A_254 = arith.addi %mul3A_252, %add3A_253 : i32
        %get3A_255 = arith.index_cast %add3A_254 : i32 to index
        %get3A_256 = arith.constant 48 : index
        %get3A_257 = tpu.vector_load %arg10[%get3A_255, %get3A_256] {strides = array<i32>} : memref<128x128xf32, #tpu.memory_space<vmem>>, vector<1x16xf32>,
        %get3A_258 = vector.shape_cast %get3A_257 : vector<1x16xf32> to vector<16xf32>
        %mul3A_259 = arith.mulf %get3A_258, %broadcast_in_dim3A_196 : vector<16xf32>
        %mul3A_260 = arith.constant 16 : i32
        %mul3A_261 = arith.muli %scan3A_45, %mul3A_260 : i32
        %add3A_262 = arith.constant 1 : i32
        %add3A_263 = arith.addi %mul3A_261, %add3A_262 : i32
        %swap3A_264 = arith.index_cast %add3A_263 : i32 to index
        %swap3A_265 = arith.constant 48 : index
        %swap3A_266 = tpu.vector_load %arg10[%swap3A_264, %swap3A_265] {strides = array<i32>} : memref<128x128xf32, #tpu.memory_space<vmem>>, vector<1x16xf32>,
        %swap3A_267 = vector.shape_cast %swap3A_266 : vector<1x16xf32> to vector<16xf32>
        %swap3A_268 = vector.shape_cast %mul3A_259 : vector<16xf32> to vector<1x16xf32>
        tpu.vector_store %arg10[%swap3A_264, %swap3A_265], %swap3A_268 {strides = array<i32>} : memref<128x128xf32, #tpu.memory_space<vmem>>, vector<1x16xf32>,
        %mul3A_269 = arith.constant 16 : i32
        %mul3A_270 = arith.muli %scan3A_45, %mul3A_269 : i32
        %add3A_271 = arith.constant 1 : i32
        %add3A_272 = arith.addi %mul3A_270, %add3A_271 : i32
        %get3A_273 = arith.index_cast %add3A_272 : i32 to index
        %get3A_274 = arith.constant 64 : index
        %get3A_275 = tpu.vector_load %arg10[%get3A_273, %get3A_274] {strides = array<i32>} : memref<128x128xf32, #tpu.memory_space<vmem>>, vector<1x16xf32>,
        %get3A_276 = vector.shape_cast %get3A_275 : vector<1x16xf32> to vector<16xf32>
        %mul3A_277 = arith.mulf %get3A_276, %broadcast_in_dim3A_196 : vector<16xf32>
        %mul3A_278 = arith.constant 16 : i32
        %mul3A_279 = arith.muli %scan3A_45, %mul3A_278 : i32
        %add3A_280 = arith.constant 1 : i32
        %add3A_281 = arith.addi %mul3A_279, %add3A_280 : i32
        %swap3A_282 = arith.index_cast %add3A_281 : i32 to index
        %swap3A_283 = arith.constant 64 : index
        %swap3A_284 = tpu.vector_load %arg10[%swap3A_282, %swap3A_283] {strides = array<i32>} : memref<128x128xf32, #tpu.memory_space<vmem>>, vector<1x16xf32>,
        %swap3A_285 = vector.shape_cast %swap3A_284 : vector<1x16xf32> to vector<16xf32>
        %swap3A_286 = vector.shape_cast %mul3A_277 : vector<16xf32> to vector<1x16xf32>
        tpu.vector_store %arg10[%swap3A_282, %swap3A_283], %swap3A_286 {strides = array<i32>} : memref<128x128xf32, #tpu.memory_space<vmem>>, vector<1x16xf32>,
        %mul3A_287 = arith.constant 16 : i32
        %mul3A_288 = arith.muli %scan3A_45, %mul3A_287 : i32
        %add3A_289 = arith.constant 1 : i32
        %add3A_290 = arith.addi %mul3A_288, %add3A_289 : i32
        %get3A_291 = arith.index_cast %add3A_290 : i32 to index
        %get3A_292 = arith.constant 80 : index
        %get3A_293 = tpu.vector_load %arg10[%get3A_291, %get3A_292] {strides = array<i32>} : memref<128x128xf32, #tpu.memory_space<vmem>>, vector<1x16xf32>,
        %get3A_294 = vector.shape_cast %get3A_293 : vector<1x16xf32> to vector<16xf32>
        %mul3A_295 = arith.mulf %get3A_294, %broadcast_in_dim3A_196 : vector<16xf32>
        %mul3A_296 = arith.constant 16 : i32
        %mul3A_297 = arith.muli %scan3A_45, %mul3A_296 : i32
        %add3A_298 = arith.constant 1 : i32
        %add3A_299 = arith.addi %mul3A_297, %add3A_298 : i32
        %swap3A_300 = arith.index_cast %add3A_299 : i32 to index
        %swap3A_301 = arith.constant 80 : index
        %swap3A_302 = tpu.vector_load %arg10[%swap3A_300, %swap3A_301] {strides = array<i32>} : memref<128x128xf32, #tpu.memory_space<vmem>>, vector<1x16xf32>,
        %swap3A_303 = vector.shape_cast %swap3A_302 : vector<1x16xf32> to vector<16xf32>
        %swap3A_304 = vector.shape_cast %mul3A_295 : vector<16xf32> to vector<1x16xf32>
        tpu.vector_store %arg10[%swap3A_300, %swap3A_301], %swap3A_304 {strides = array<i32>} : memref<128x128xf32, #tpu.memory_space<vmem>>, vector<1x16xf32>,
        %mul3A_305 = arith.constant 16 : i32
        %mul3A_306 = arith.muli %scan3A_45, %mul3A_305 : i32
        %add3A_307 = arith.constant 1 : i32
        %add3A_308 = arith.addi %mul3A_306, %add3A_307 : i32
        %get3A_309 = arith.index_cast %add3A_308 : i32 to index
        %get3A_310 = arith.constant 96 : index
        %get3A_311 = tpu.vector_load %arg10[%get3A_309, %get3A_310] {strides = array<i32>} : memref<128x128xf32, #tpu.memory_space<vmem>>, vector<1x16xf32>,
        %get3A_312 = vector.shape_cast %get3A_311 : vector<1x16xf32> to vector<16xf32>
        %mul3A_313 = arith.mulf %get3A_312, %broadcast_in_dim3A_196 : vector<16xf32>
        %mul3A_314 = arith.constant 16 : i32
        %mul3A_315 = arith.muli %scan3A_45, %mul3A_314 : i32
        %add3A_316 = arith.constant 1 : i32
        %add3A_317 = arith.addi %mul3A_315, %add3A_316 : i32
        %swap3A_318 = arith.index_cast %add3A_317 : i32 to index
        %swap3A_319 = arith.constant 96 : index
        %swap3A_320 = tpu.vector_load %arg10[%swap3A_318, %swap3A_319] {strides = array<i32>} : memref<128x128xf32, #tpu.memory_space<vmem>>, vector<1x16xf32>,
        %swap3A_321 = vector.shape_cast %swap3A_320 : vector<1x16xf32> to vector<16xf32>
        %swap3A_322 = vector.shape_cast %mul3A_313 : vector<16xf32> to vector<1x16xf32>
        tpu.vector_store %arg10[%swap3A_318, %swap3A_319], %swap3A_322 {strides = array<i32>} : memref<128x128xf32, #tpu.memory_space<vmem>>, vector<1x16xf32>,
        %mul3A_323 = arith.constant 16 : i32
        %mul3A_324 = arith.muli %scan3A_45, %mul3A_323 : i32
        %add3A_325 = arith.constant 1 : i32
        %add3A_326 = arith.addi %mul3A_324, %add3A_325 : i32
        %get3A_327 = arith.index_cast %add3A_326 : i32 to index
        %get3A_328 = arith.constant 112 : index
        %get3A_329 = tpu.vector_load %arg10[%get3A_327, %get3A_328] {strides = array<i32>} : memref<128x128xf32, #tpu.memory_space<vmem>>, vector<1x16xf32>,
        %get3A_330 = vector.shape_cast %get3A_329 : vector<1x16xf32> to vector<16xf32>
        %mul3A_331 = arith.mulf %get3A_330, %broadcast_in_dim3A_196 : vector<16xf32>
        %mul3A_332 = arith.constant 16 : i32
        %mul3A_333 = arith.muli %scan3A_45, %mul3A_332 : i32
        %add3A_334 = arith.constant 1 : i32
        %add3A_335 = arith.addi %mul3A_333, %add3A_334 : i32
        %swap3A_336 = arith.index_cast %add3A_335 : i32 to index
        %swap3A_337 = arith.constant 112 : index
        %swap3A_338 = tpu.vector_load %arg10[%swap3A_336, %swap3A_337] {strides = array<i32>} : memref<128x128xf32, #tpu.memory_space<vmem>>, vector<1x16xf32>,
        %swap3A_339 = vector.shape_cast %swap3A_338 : vector<1x16xf32> to vector<16xf32>
        %swap3A_340 = vector.shape_cast %mul3A_331 : vector<16xf32> to vector<1x16xf32>
        tpu.vector_store %arg10[%swap3A_336, %swap3A_337], %swap3A_340 {strides = array<i32>} : memref<128x128xf32, #tpu.memory_space<vmem>>, vector<1x16xf32>,
        %slice3A_341 = vector.extract_strided_slice %get3A_50 {offsets = [2], sizes = [1], strides = [1]} : vector<16xf32> to vector<1xf32>
        %squeeze3A_342 = vector.extract %slice3A_341[0] : f32 from vector<1xf32>
        %broadcast_in_dim3A_343 = vector.broadcast %squeeze3A_342 : f32 to vector<16xf32>
        %mul3A_344 = arith.constant 16 : i32
        %mul3A_345 = arith.muli %scan3A_45, %mul3A_344 : i32
        %add3A_346 = arith.constant 2 : i32
        %add3A_347 = arith.addi %mul3A_345, %add3A_346 : i32
        %get3A_348 = arith.index_cast %add3A_347 : i32 to index
        %get3A_349 = arith.constant 0 : index
        %get3A_350 = tpu.vector_load %arg10[%get3A_348, %get3A_349] {strides = array<i32>} : memref<128x128xf32, #tpu.memory_space<vmem>>, vector<1x16xf32>,
        %get3A_351 = vector.shape_cast %get3A_350 : vector<1x16xf32> to vector<16xf32>
        %mul3A_352 = arith.mulf %get3A_351, %broadcast_in_dim3A_343 : vector<16xf32>
        %mul3A_353 = arith.constant 16 : i32
        %mul3A_354 = arith.muli %scan3A_45, %mul3A_353 : i32
        %add3A_355 = arith.constant 2 : i32
        %add3A_356 = arith.addi %mul3A_354, %add3A_355 : i32
        %swap3A_357 = arith.index_cast %add3A_356 : i32 to index
        %swap3A_358 = arith.constant 0 : index
        %swap3A_359 = tpu.vector_load %arg10[%swap3A_357, %swap3A_358] {strides = array<i32>} : memref<128x128xf32, #tpu.memory_space<vmem>>, vector<1x16xf32>,
        %swap3A_360 = vector.shape_cast %swap3A_359 : vector<1x16xf32> to vector<16xf32>
        %swap3A_361 = vector.shape_cast %mul3A_352 : vector<16xf32> to vector<1x16xf32>
        tpu.vector_store %arg10[%swap3A_357, %swap3A_358], %swap3A_361 {strides = array<i32>} : memref<128x128xf32, #tpu.memory_space<vmem>>, vector<1x16xf32>,
        %mul3A_362 = arith.constant 16 : i32
        %mul3A_363 = arith.muli %scan3A_45, %mul3A_362 : i32
        %add3A_364 = arith.constant 2 : i32
        %add3A_365 = arith.addi %mul3A_363, %add3A_364 : i32
        %get3A_366 = arith.index_cast %add3A_365 : i32 to index
        %get3A_367 = arith.constant 16 : index
        %get3A_368 = tpu.vector_load %arg10[%get3A_366, %get3A_367] {strides = array<i32>} : memref<128x128xf32, #tpu.memory_space<vmem>>, vector<1x16xf32>,
        %get3A_369 = vector.shape_cast %get3A_368 : vector<1x16xf32> to vector<16xf32>
        %mul3A_370 = arith.mulf %get3A_369, %broadcast_in_dim3A_343 : vector<16xf32>
        %mul3A_371 = arith.constant 16 : i32
        %mul3A_372 = arith.muli %scan3A_45, %mul3A_371 : i32
        %add3A_373 = arith.constant 2 : i32
        %add3A_374 = arith.addi %mul3A_372, %add3A_373 : i32
        %swap3A_375 = arith.index_cast %add3A_374 : i32 to index
        %swap3A_376 = arith.constant 16 : index
        %swap3A_377 = tpu.vector_load %arg10[%swap3A_375, %swap3A_376] {strides = array<i32>} : memref<128x128xf32, #tpu.memory_space<vmem>>, vector<1x16xf32>,
        %swap3A_378 = vector.shape_cast %swap3A_377 : vector<1x16xf32> to vector<16xf32>
        %swap3A_379 = vector.shape_cast %mul3A_370 : vector<16xf32> to vector<1x16xf32>
        tpu.vector_store %arg10[%swap3A_375, %swap3A_376], %swap3A_379 {strides = array<i32>} : memref<128x128xf32, #tpu.memory_space<vmem>>, vector<1x16xf32>,
        %mul3A_380 = arith.constant 16 : i32
        %mul3A_381 = arith.muli %scan3A_45, %mul3A_380 : i32
        %add3A_382 = arith.constant 2 : i32
        %add3A_383 = arith.addi %mul3A_381, %add3A_382 : i32
        %get3A_384 = arith.index_cast %add3A_383 : i32 to index
        %get3A_385 = arith.constant 32 : index
        %get3A_386 = tpu.vector_load %arg10[%get3A_384, %get3A_385] {strides = array<i32>} : memref<128x128xf32, #tpu.memory_space<vmem>>, vector<1x16xf32>,
        %get3A_387 = vector.shape_cast %get3A_386 : vector<1x16xf32> to vector<16xf32>
        %mul3A_388 = arith.mulf %get3A_387, %broadcast_in_dim3A_343 : vector<16xf32>
        %mul3A_389 = arith.constant 16 : i32
        %mul3A_390 = arith.muli %scan3A_45, %mul3A_389 : i32
        %add3A_391 = arith.constant 2 : i32
        %add3A_392 = arith.addi %mul3A_390, %add3A_391 : i32
        %swap3A_393 = arith.index_cast %add3A_392 : i32 to index
        %swap3A_394 = arith.constant 32 : index
        %swap3A_395 = tpu.vector_load %arg10[%swap3A_393, %swap3A_394] {strides = array<i32>} : memref<128x128xf32, #tpu.memory_space<vmem>>, vector<1x16xf32>,
        %swap3A_396 = vector.shape_cast %swap3A_395 : vector<1x16xf32> to vector<16xf32>
        %swap3A_397 = vector.shape_cast %mul3A_388 : vector<16xf32> to vector<1x16xf32>
        tpu.vector_store %arg10[%swap3A_393, %swap3A_394], %swap3A_397 {strides = array<i32>} : memref<128x128xf32, #tpu.memory_space<vmem>>, vector<1x16xf32>,
        %mul3A_398 = arith.constant 16 : i32
        %mul3A_399 = arith.muli %scan3A_45, %mul3A_398 : i32
        %add3A_400 = arith.constant 2 : i32
        %add3A_401 = arith.addi %mul3A_399, %add3A_400 : i32
        %get3A_402 = arith.index_cast %add3A_401 : i32 to index
        %get3A_403 = arith.constant 48 : index
        %get3A_404 = tpu.vector_load %arg10[%get3A_402, %get3A_403] {strides = array<i32>} : memref<128x128xf32, #tpu.memory_space<vmem>>, vector<1x16xf32>,
        %get3A_405 = vector.shape_cast %get3A_404 : vector<1x16xf32> to vector<16xf32>
        %mul3A_406 = arith.mulf %get3A_405, %broadcast_in_dim3A_343 : vector<16xf32>
        %mul3A_407 = arith.constant 16 : i32
        %mul3A_408 = arith.muli %scan3A_45, %mul3A_407 : i32
        %add3A_409 = arith.constant 2 : i32
        %add3A_410 = arith.addi %mul3A_408, %add3A_409 : i32
        %swap3A_411 = arith.index_cast %add3A_410 : i32 to index
        %swap3A_412 = arith.constant 48 : index
        %swap3A_413 = tpu.vector_load %arg10[%swap3A_411, %swap3A_412] {strides = array<i32>} : memref<128x128xf32, #tpu.memory_space<vmem>>, vector<1x16xf32>,
        %swap3A_414 = vector.shape_cast %swap3A_413 : vector<1x16xf32> to vector<16xf32>
        %swap3A_415 = vector.shape_cast %mul3A_406 : vector<16xf32> to vector<1x16xf32>
        tpu.vector_store %arg10[%swap3A_411, %swap3A_412], %swap3A_415 {strides = array<i32>} : memref<128x128xf32, #tpu.memory_space<vmem>>, vector<1x16xf32>,
        %mul3A_416 = arith.constant 16 : i32
        %mul3A_417 = arith.muli %scan3A_45, %mul3A_416 : i32
        %add3A_418 = arith.constant 2 : i32
        %add3A_419 = arith.addi %mul3A_417, %add3A_418 : i32
        %get3A_420 = arith.index_cast %add3A_419 : i32 to index
        %get3A_421 = arith.constant 64 : index
        %get3A_422 = tpu.vector_load %arg10[%get3A_420, %get3A_421] {strides = array<i32>} : memref<128x128xf32, #tpu.memory_space<vmem>>, vector<1x16xf32>,
        %get3A_423 = vector.shape_cast %get3A_422 : vector<1x16xf32> to vector<16xf32>
        %mul3A_424 = arith.mulf %get3A_423, %broadcast_in_dim3A_343 : vector<16xf32>
        %mul3A_425 = arith.constant 16 : i32
        %mul3A_426 = arith.muli %scan3A_45, %mul3A_425 : i32
        %add3A_427 = arith.constant 2 : i32
        %add3A_428 = arith.addi %mul3A_426, %add3A_427 : i32
        %swap3A_429 = arith.index_cast %add3A_428 : i32 to index
        %swap3A_430 = arith.constant 64 : index
        %swap3A_431 = tpu.vector_load %arg10[%swap3A_429, %swap3A_430] {strides = array<i32>} : memref<128x128xf32, #tpu.memory_space<vmem>>, vector<1x16xf32>,
        %swap3A_432 = vector.shape_cast %swap3A_431 : vector<1x16xf32> to vector<16xf32>
        %swap3A_433 = vector.shape_cast %mul3A_424 : vector<16xf32> to vector<1x16xf32>
        tpu.vector_store %arg10[%swap3A_429, %swap3A_430], %swap3A_433 {strides = array<i32>} : memref<128x128xf32, #tpu.memory_space<vmem>>, vector<1x16xf32>,
        %mul3A_434 = arith.constant 16 : i32
        %mul3A_435 = arith.muli %scan3A_45, %mul3A_434 : i32
        %add3A_436 = arith.constant 2 : i32
        %add3A_437 = arith.addi %mul3A_435, %add3A_436 : i32
        %get3A_438 = arith.index_cast %add3A_437 : i32 to index
        %get3A_439 = arith.constant 80 : index
        %get3A_440 = tpu.vector_load %arg10[%get3A_438, %get3A_439] {strides = array<i32>} : memref<128x128xf32, #tpu.memory_space<vmem>>, vector<1x16xf32>,
        %get3A_441 = vector.shape_cast %get3A_440 : vector<1x16xf32> to vector<16xf32>
        %mul3A_442 = arith.mulf %get3A_441, %broadcast_in_dim3A_343 : vector<16xf32>
        %mul3A_443 = arith.constant 16 : i32
        %mul3A_444 = arith.muli %scan3A_45, %mul3A_443 : i32
        %add3A_445 = arith.constant 2 : i32
        %add3A_446 = arith.addi %mul3A_444, %add3A_445 : i32
        %swap3A_447 = arith.index_cast %add3A_446 : i32 to index
        %swap3A_448 = arith.constant 80 : index
        %swap3A_449 = tpu.vector_load %arg10[%swap3A_447, %swap3A_448] {strides = array<i32>} : memref<128x128xf32, #tpu.memory_space<vmem>>, vector<1x16xf32>,
        %swap3A_450 = vector.shape_cast %swap3A_449 : vector<1x16xf32> to vector<16xf32>
        %swap3A_451 = vector.shape_cast %mul3A_442 : vector<16xf32> to vector<1x16xf32>
        tpu.vector_store %arg10[%swap3A_447, %swap3A_448], %swap3A_451 {strides = array<i32>} : memref<128x128xf32, #tpu.memory_space<vmem>>, vector<1x16xf32>,
        %mul3A_452 = arith.constant 16 : i32
        %mul3A_453 = arith.muli %scan3A_45, %mul3A_452 : i32
        %add3A_454 = arith.constant 2 : i32
        %add3A_455 = arith.addi %mul3A_453, %add3A_454 : i32
        %get3A_456 = arith.index_cast %add3A_455 : i32 to index
        %get3A_457 = arith.constant 96 : index
        %get3A_458 = tpu.vector_load %arg10[%get3A_456, %get3A_457] {strides = array<i32>} : memref<128x128xf32, #tpu.memory_space<vmem>>, vector<1x16xf32>,
        %get3A_459 = vector.shape_cast %get3A_458 : vector<1x16xf32> to vector<16xf32>
        %mul3A_460 = arith.mulf %get3A_459, %broadcast_in_dim3A_343 : vector<16xf32>
        %mul3A_461 = arith.constant 16 : i32
        %mul3A_462 = arith.muli %scan3A_45, %mul3A_461 : i32
        %add3A_463 = arith.constant 2 : i32
        %add3A_464 = arith.addi %mul3A_462, %add3A_463 : i32
        %swap3A_465 = arith.index_cast %add3A_464 : i32 to index
        %swap3A_466 = arith.constant 96 : index
        %swap3A_467 = tpu.vector_load %arg10[%swap3A_465, %swap3A_466] {strides = array<i32>} : memref<128x128xf32, #tpu.memory_space<vmem>>, vector<1x16xf32>,
        %swap3A_468 = vector.shape_cast %swap3A_467 : vector<1x16xf32> to vector<16xf32>
        %swap3A_469 = vector.shape_cast %mul3A_460 : vector<16xf32> to vector<1x16xf32>
        tpu.vector_store %arg10[%swap3A_465, %swap3A_466], %swap3A_469 {strides = array<i32>} : memref<128x128xf32, #tpu.memory_space<vmem>>, vector<1x16xf32>,
        %mul3A_470 = arith.constant 16 : i32
        %mul3A_471 = arith.muli %scan3A_45, %mul3A_470 : i32
        %add3A_472 = arith.constant 2 : i32
        %add3A_473 = arith.addi %mul3A_471, %add3A_472 : i32
        %get3A_474 = arith.index_cast %add3A_473 : i32 to index
        %get3A_475 = arith.constant 112 : index
        %get3A_476 = tpu.vector_load %arg10[%get3A_474, %get3A_475] {strides = array<i32>} : memref<128x128xf32, #tpu.memory_space<vmem>>, vector<1x16xf32>,
        %get3A_477 = vector.shape_cast %get3A_476 : vector<1x16xf32> to vector<16xf32>
        %mul3A_478 = arith.mulf %get3A_477, %broadcast_in_dim3A_343 : vector<16xf32>
        %mul3A_479 = arith.constant 16 : i32
        %mul3A_480 = arith.muli %scan3A_45, %mul3A_479 : i32
        %add3A_481 = arith.constant 2 : i32
        %add3A_482 = arith.addi %mul3A_480, %add3A_481 : i32
        %swap3A_483 = arith.index_cast %add3A_482 : i32 to index
        %swap3A_484 = arith.constant 112 : index
        %swap3A_485 = tpu.vector_load %arg10[%swap3A_483, %swap3A_484] {strides = array<i32>} : memref<128x128xf32, #tpu.memory_space<vmem>>, vector<1x16xf32>,
        %swap3A_486 = vector.shape_cast %swap3A_485 : vector<1x16xf32> to vector<16xf32>
        %swap3A_487 = vector.shape_cast %mul3A_478 : vector<16xf32> to vector<1x16xf32>
        tpu.vector_store %arg10[%swap3A_483, %swap3A_484], %swap3A_487 {strides = array<i32>} : memref<128x128xf32, #tpu.memory_space<vmem>>, vector<1x16xf32>,
        %slice3A_488 = vector.extract_strided_slice %get3A_50 {offsets = [3], sizes = [1], strides = [1]} : vector<16xf32> to vector<1xf32>
        %squeeze3A_489 = vector.extract %slice3A_488[0] : f32 from vector<1xf32>
        %broadcast_in_dim3A_490 = vector.broadcast %squeeze3A_489 : f32 to vector<16xf32>
        %mul3A_491 = arith.constant 16 : i32
        %mul3A_492 = arith.muli %scan3A_45, %mul3A_491 : i32
        %add3A_493 = arith.constant 3 : i32
        %add3A_494 = arith.addi %mul3A_492, %add3A_493 : i32
        %get3A_495 = arith.index_cast %add3A_494 : i32 to index
        %get3A_496 = arith.constant 0 : index
        %get3A_497 = tpu.vector_load %arg10[%get3A_495, %get3A_496] {strides = array<i32>} : memref<128x128xf32, #tpu.memory_space<vmem>>, vector<1x16xf32>,
        %get3A_498 = vector.shape_cast %get3A_497 : vector<1x16xf32> to vector<16xf32>
        %mul3A_499 = arith.mulf %get3A_498, %broadcast_in_dim3A_490 : vector<16xf32>
        %mul3A_500 = arith.constant 16 : i32
        %mul3A_501 = arith.muli %scan3A_45, %mul3A_500 : i32
        %add3A_502 = arith.constant 3 : i32
        %add3A_503 = arith.addi %mul3A_501, %add3A_502 : i32
        %swap3A_504 = arith.index_cast %add3A_503 : i32 to index
        %swap3A_505 = arith.constant 0 : index
        %swap3A_506 = tpu.vector_load %arg10[%swap3A_504, %swap3A_505] {strides = array<i32>} : memref<128x128xf32, #tpu.memory_space<vmem>>, vector<1x16xf32>,
        %swap3A_507 = vector.shape_cast %swap3A_506 : vector<1x16xf32> to vector<16xf32>
        %swap3A_508 = vector.shape_cast %mul3A_499 : vector<16xf32> to vector<1x16xf32>
        tpu.vector_store %arg10[%swap3A_504, %swap3A_505], %swap3A_508 {strides = array<i32>} : memref<128x128xf32, #tpu.memory_space<vmem>>, vector<1x16xf32>,
        %mul3A_509 = arith.constant 16 : i32
        %mul3A_510 = arith.muli %scan3A_45, %mul3A_509 : i32
        %add3A_511 = arith.constant 3 : i32
        %add3A_512 = arith.addi %mul3A_510, %add3A_511 : i32
        %get3A_513 = arith.index_cast %add3A_512 : i32 to index
        %get3A_514 = arith.constant 16 : index
        %get3A_515 = tpu.vector_load %arg10[%get3A_513, %get3A_514] {strides = array<i32>} : memref<128x128xf32, #tpu.memory_space<vmem>>, vector<1x16xf32>,
        %get3A_516 = vector.shape_cast %get3A_515 : vector<1x16xf32> to vector<16xf32>
        %mul3A_517 = arith.mulf %get3A_516, %broadcast_in_dim3A_490 : vector<16xf32>
        %mul3A_518 = arith.constant 16 : i32
        %mul3A_519 = arith.muli %scan3A_45, %mul3A_518 : i32
        %add3A_520 = arith.constant 3 : i32
        %add3A_521 = arith.addi %mul3A_519, %add3A_520 : i32
        %swap3A_522 = arith.index_cast %add3A_521 : i32 to index
        %swap3A_523 = arith.constant 16 : index
        %swap3A_524 = tpu.vector_load %arg10[%swap3A_522, %swap3A_523] {strides = array<i32>} : memref<128x128xf32, #tpu.memory_space<vmem>>, vector<1x16xf32>,
        %swap3A_525 = vector.shape_cast %swap3A_524 : vector<1x16xf32> to vector<16xf32>
        %swap3A_526 = vector.shape_cast %mul3A_517 : vector<16xf32> to vector<1x16xf32>
        tpu.vector_store %arg10[%swap3A_522, %swap3A_523], %swap3A_526 {strides = array<i32>} : memref<128x128xf32, #tpu.memory_space<vmem>>, vector<1x16xf32>,
        %mul3A_527 = arith.constant 16 : i32
        %mul3A_528 = arith.muli %scan3A_45, %mul3A_527 : i32
        %add3A_529 = arith.constant 3 : i32
        %add3A_530 = arith.addi %mul3A_528, %add3A_529 : i32
        %get3A_531 = arith.index_cast %add3A_530 : i32 to index
        %get3A_532 = arith.constant 32 : index
        %get3A_533 = tpu.vector_load %arg10[%get3A_531, %get3A_532] {strides = array<i32>} : memref<128x128xf32, #tpu.memory_space<vmem>>, vector<1x16xf32>,
        %get3A_534 = vector.shape_cast %get3A_533 : vector<1x16xf32> to vector<16xf32>
        %mul3A_535 = arith.mulf %get3A_534, %broadcast_in_dim3A_490 : vector<16xf32>
        %mul3A_536 = arith.constant 16 : i32
        %mul3A_537 = arith.muli %scan3A_45, %mul3A_536 : i32
        %add3A_538 = arith.constant 3 : i32
        %add3A_539 = arith.addi %mul3A_537, %add3A_538 : i32
        %swap3A_540 = arith.index_cast %add3A_539 : i32 to index
        %swap3A_541 = arith.constant 32 : index
        %swap3A_542 = tpu.vector_load %arg10[%swap3A_540, %swap3A_541] {strides = array<i32>} : memref<128x128xf32, #tpu.memory_space<vmem>>, vector<1x16xf32>,
        %swap3A_543 = vector.shape_cast %swap3A_542 : vector<1x16xf32> to vector<16xf32>
        %swap3A_544 = vector.shape_cast %mul3A_535 : vector<16xf32> to vector<1x16xf32>
        tpu.vector_store %arg10[%swap3A_540, %swap3A_541], %swap3A_544 {strides = array<i32>} : memref<128x128xf32, #tpu.memory_space<vmem>>, vector<1x16xf32>,
        %mul3A_545 = arith.constant 16 : i32
        %mul3A_546 = arith.muli %scan3A_45, %mul3A_545 : i32
        %add3A_547 = arith.constant 3 : i32
        %add3A_548 = arith.addi %mul3A_546, %add3A_547 : i32
        %get3A_549 = arith.index_cast %add3A_548 : i32 to index
        %get3A_550 = arith.constant 48 : index
        %get3A_551 = tpu.vector_load %arg10[%get3A_549, %get3A_550] {strides = array<i32>} : memref<128x128xf32, #tpu.memory_space<vmem>>, vector<1x16xf32>,
        %get3A_552 = vector.shape_cast %get3A_551 : vector<1x16xf32> to vector<16xf32>
        %mul3A_553 = arith.mulf %get3A_552, %broadcast_in_dim3A_490 : vector<16xf32>
        %mul3A_554 = arith.constant 16 : i32
        %mul3A_555 = arith.muli %scan3A_45, %mul3A_554 : i32
        %add3A_556 = arith.constant 3 : i32
        %add3A_557 = arith.addi %mul3A_555, %add3A_556 : i32
        %swap3A_558 = arith.index_cast %add3A_557 : i32 to index
        %swap3A_559 = arith.constant 48 : index
        %swap3A_560 = tpu.vector_load %arg10[%swap3A_558, %swap3A_559] {strides = array<i32>} : memref<128x128xf32, #tpu.memory_space<vmem>>, vector<1x16xf32>,
        %swap3A_561 = vector.shape_cast %swap3A_560 : vector<1x16xf32> to vector<16xf32>
        %swap3A_562 = vector.shape_cast %mul3A_553 : vector<16xf32> to vector<1x16xf32>
        tpu.vector_store %arg10[%swap3A_558, %swap3A_559], %swap3A_562 {strides = array<i32>} : memref<128x128xf32, #tpu.memory_space<vmem>>, vector<1x16xf32>,
        %mul3A_563 = arith.constant 16 : i32
        %mul3A_564 = arith.muli %scan3A_45, %mul3A_563 : i32
        %add3A_565 = arith.constant 3 : i32
        %add3A_566 = arith.addi %mul3A_564, %add3A_565 : i32
        %get3A_567 = arith.index_cast %add3A_566 : i32 to index
        %get3A_568 = arith.constant 64 : index
        %get3A_569 = tpu.vector_load %arg10[%get3A_567, %get3A_568] {strides = array<i32>} : memref<128x128xf32, #tpu.memory_space<vmem>>, vector<1x16xf32>,
        %get3A_570 = vector.shape_cast %get3A_569 : vector<1x16xf32> to vector<16xf32>
        %mul3A_571 = arith.mulf %get3A_570, %broadcast_in_dim3A_490 : vector<16xf32>
        %mul3A_572 = arith.constant 16 : i32
        %mul3A_573 = arith.muli %scan3A_45, %mul3A_572 : i32
        %add3A_574 = arith.constant 3 : i32
        %add3A_575 = arith.addi %mul3A_573, %add3A_574 : i32
        %swap3A_576 = arith.index_cast %add3A_575 : i32 to index
        %swap3A_577 = arith.constant 64 : index
        %swap3A_578 = tpu.vector_load %arg10[%swap3A_576, %swap3A_577] {strides = array<i32>} : memref<128x128xf32, #tpu.memory_space<vmem>>, vector<1x16xf32>,
        %swap3A_579 = vector.shape_cast %swap3A_578 : vector<1x16xf32> to vector<16xf32>
        %swap3A_580 = vector.shape_cast %mul3A_571 : vector<16xf32> to vector<1x16xf32>
        tpu.vector_store %arg10[%swap3A_576, %swap3A_577], %swap3A_580 {strides = array<i32>} : memref<128x128xf32, #tpu.memory_space<vmem>>, vector<1x16xf32>,
        %mul3A_581 = arith.constant 16 : i32
        %mul3A_582 = arith.muli %scan3A_45, %mul3A_581 : i32
        %add3A_583 = arith.constant 3 : i32
        %add3A_584 = arith.addi %mul3A_582, %add3A_583 : i32
        %get3A_585 = arith.index_cast %add3A_584 : i32 to index
        %get3A_586 = arith.constant 80 : index
        %get3A_587 = tpu.vector_load %arg10[%get3A_585, %get3A_586] {strides = array<i32>} : memref<128x128xf32, #tpu.memory_space<vmem>>, vector<1x16xf32>,
        %get3A_588 = vector.shape_cast %get3A_587 : vector<1x16xf32> to vector<16xf32>
        %mul3A_589 = arith.mulf %get3A_588, %broadcast_in_dim3A_490 : vector<16xf32>
        %mul3A_590 = arith.constant 16 : i32
        %mul3A_591 = arith.muli %scan3A_45, %mul3A_590 : i32
        %add3A_592 = arith.constant 3 : i32
        %add3A_593 = arith.addi %mul3A_591, %add3A_592 : i32
        %swap3A_594 = arith.index_cast %add3A_593 : i32 to index
        %swap3A_595 = arith.constant 80 : index
        %swap3A_596 = tpu.vector_load %arg10[%swap3A_594, %swap3A_595] {strides = array<i32>} : memref<128x128xf32, #tpu.memory_space<vmem>>, vector<1x16xf32>,
        %swap3A_597 = vector.shape_cast %swap3A_596 : vector<1x16xf32> to vector<16xf32>
        %swap3A_598 = vector.shape_cast %mul3A_589 : vector<16xf32> to vector<1x16xf32>
        tpu.vector_store %arg10[%swap3A_594, %swap3A_595], %swap3A_598 {strides = array<i32>} : memref<128x128xf32, #tpu.memory_space<vmem>>, vector<1x16xf32>,
        %mul3A_599 = arith.constant 16 : i32
        %mul3A_600 = arith.muli %scan3A_45, %mul3A_599 : i32
        %add3A_601 = arith.constant 3 : i32
        %add3A_602 = arith.addi %mul3A_600, %add3A_601 : i32
        %get3A_603 = arith.index_cast %add3A_602 : i32 to index
        %get3A_604 = arith.constant 96 : index
        %get3A_605 = tpu.vector_load %arg10[%get3A_603, %get3A_604] {strides = array<i32>} : memref<128x128xf32, #tpu.memory_space<vmem>>, vector<1x16xf32>,
        %get3A_606 = vector.shape_cast %get3A_605 : vector<1x16xf32> to vector<16xf32>
        %mul3A_607 = arith.mulf %get3A_606, %broadcast_in_dim3A_490 : vector<16xf32>
        %mul3A_608 = arith.constant 16 : i32
        %mul3A_609 = arith.muli %scan3A_45, %mul3A_608 : i32
        %add3A_610 = arith.constant 3 : i32
        %add3A_611 = arith.addi %mul3A_609, %add3A_610 : i32
        %swap3A_612 = arith.index_cast %add3A_611 : i32 to index
        %swap3A_613 = arith.constant 96 : index
        %swap3A_614 = tpu.vector_load %arg10[%swap3A_612, %swap3A_613] {strides = array<i32>} : memref<128x128xf32, #tpu.memory_space<vmem>>, vector<1x16xf32>,
        %swap3A_615 = vector.shape_cast %swap3A_614 : vector<1x16xf32> to vector<16xf32>
        %swap3A_616 = vector.shape_cast %mul3A_607 : vector<16xf32> to vector<1x16xf32>
        tpu.vector_store %arg10[%swap3A_612, %swap3A_613], %swap3A_616 {strides = array<i32>} : memref<128x128xf32, #tpu.memory_space<vmem>>, vector<1x16xf32>,
        %mul3A_617 = arith.constant 16 : i32
        %mul3A_618 = arith.muli %scan3A_45, %mul3A_617 : i32
        %add3A_619 = arith.constant 3 : i32
        %add3A_620 = arith.addi %mul3A_618, %add3A_619 : i32
        %get3A_621 = arith.index_cast %add3A_620 : i32 to index
        %get3A_622 = arith.constant 112 : index
        %get3A_623 = tpu.vector_load %arg10[%get3A_621, %get3A_622] {strides = array<i32>} : memref<128x128xf32, #tpu.memory_space<vmem>>, vector<1x16xf32>,
        %get3A_624 = vector.shape_cast %get3A_623 : vector<1x16xf32> to vector<16xf32>
        %mul3A_625 = arith.mulf %get3A_624, %broadcast_in_dim3A_490 : vector<16xf32>
        %mul3A_626 = arith.constant 16 : i32
        %mul3A_627 = arith.muli %scan3A_45, %mul3A_626 : i32
        %add3A_628 = arith.constant 3 : i32
        %add3A_629 = arith.addi %mul3A_627, %add3A_628 : i32
        %swap3A_630 = arith.index_cast %add3A_629 : i32 to index
        %swap3A_631 = arith.constant 112 : index
        %swap3A_632 = tpu.vector_load %arg10[%swap3A_630, %swap3A_631] {strides = array<i32>} : memref<128x128xf32, #tpu.memory_space<vmem>>, vector<1x16xf32>,
        %swap3A_633 = vector.shape_cast %swap3A_632 : vector<1x16xf32> to vector<16xf32>
        %swap3A_634 = vector.shape_cast %mul3A_625 : vector<16xf32> to vector<1x16xf32>
        tpu.vector_store %arg10[%swap3A_630, %swap3A_631], %swap3A_634 {strides = array<i32>} : memref<128x128xf32, #tpu.memory_space<vmem>>, vector<1x16xf32>,
        %slice3A_635 = vector.extract_strided_slice %get3A_50 {offsets = [4], sizes = [1], strides = [1]} : vector<16xf32> to vector<1xf32>
        %squeeze3A_636 = vector.extract %slice3A_635[0] : f32 from vector<1xf32>
        %broadcast_in_dim3A_637 = vector.broadcast %squeeze3A_636 : f32 to vector<16xf32>
        %mul3A_638 = arith.constant 16 : i32
        %mul3A_639 = arith.muli %scan3A_45, %mul3A_638 : i32
        %add3A_640 = arith.constant 4 : i32
        %add3A_641 = arith.addi %mul3A_639, %add3A_640 : i32
        %get3A_642 = arith.index_cast %add3A_641 : i32 to index
        %get3A_643 = arith.constant 0 : index
        %get3A_644 = tpu.vector_load %arg10[%get3A_642, %get3A_643] {strides = array<i32>} : memref<128x128xf32, #tpu.memory_space<vmem>>, vector<1x16xf32>,
        %get3A_645 = vector.shape_cast %get3A_644 : vector<1x16xf32> to vector<16xf32>
        %mul3A_646 = arith.mulf %get3A_645, %broadcast_in_dim3A_637 : vector<16xf32>
        %mul3A_647 = arith.constant 16 : i32
        %mul3A_648 = arith.muli %scan3A_45, %mul3A_647 : i32
        %add3A_649 = arith.constant 4 : i32
        %add3A_650 = arith.addi %mul3A_648, %add3A_649 : i32
        %swap3A_651 = arith.index_cast %add3A_650 : i32 to index
        %swap3A_652 = arith.constant 0 : index
        %swap3A_653 = tpu.vector_load %arg10[%swap3A_651, %swap3A_652] {strides = array<i32>} : memref<128x128xf32, #tpu.memory_space<vmem>>, vector<1x16xf32>,
        %swap3A_654 = vector.shape_cast %swap3A_653 : vector<1x16xf32> to vector<16xf32>
        %swap3A_655 = vector.shape_cast %mul3A_646 : vector<16xf32> to vector<1x16xf32>
        tpu.vector_store %arg10[%swap3A_651, %swap3A_652], %swap3A_655 {strides = array<i32>} : memref<128x128xf32, #tpu.memory_space<vmem>>, vector<1x16xf32>,
        %mul3A_656 = arith.constant 16 : i32
        %mul3A_657 = arith.muli %scan3A_45, %mul3A_656 : i32
        %add3A_658 = arith.constant 4 : i32
        %add3A_659 = arith.addi %mul3A_657, %add3A_658 : i32
        %get3A_660 = arith.index_cast %add3A_659 : i32 to index
        %get3A_661 = arith.constant 16 : index
        %get3A_662 = tpu.vector_load %arg10[%get3A_660, %get3A_661] {strides = array<i32>} : memref<128x128xf32, #tpu.memory_space<vmem>>, vector<1x16xf32>,
        %get3A_663 = vector.shape_cast %get3A_662 : vector<1x16xf32> to vector<16xf32>
        %mul3A_664 = arith.mulf %get3A_663, %broadcast_in_dim3A_637 : vector<16xf32>
        %mul3A_665 = arith.constant 16 : i32
        %mul3A_666 = arith.muli %scan3A_45, %mul3A_665 : i32
        %add3A_667 = arith.constant 4 : i32
        %add3A_668 = arith.addi %mul3A_666, %add3A_667 : i32
        %swap3A_669 = arith.index_cast %add3A_668 : i32 to index
        %swap3A_670 = arith.constant 16 : index
        %swap3A_671 = tpu.vector_load %arg10[%swap3A_669, %swap3A_670] {strides = array<i32>} : memref<128x128xf32, #tpu.memory_space<vmem>>, vector<1x16xf32>,
        %swap3A_672 = vector.shape_cast %swap3A_671 : vector<1x16xf32> to vector<16xf32>
        %swap3A_673 = vector.shape_cast %mul3A_664 : vector<16xf32> to vector<1x16xf32>
        tpu.vector_store %arg10[%swap3A_669, %swap3A_670], %swap3A_673 {strides = array<i32>} : memref<128x128xf32, #tpu.memory_space<vmem>>, vector<1x16xf32>,
        %mul3A_674 = arith.constant 16 : i32
        %mul3A_675 = arith.muli %scan3A_45, %mul3A_674 : i32
        %add3A_676 = arith.constant 4 : i32
        %add3A_677 = arith.addi %mul3A_675, %add3A_676 : i32
        %get3A_678 = arith.index_cast %add3A_677 : i32 to index
        %get3A_679 = arith.constant 32 : index
        %get3A_680 = tpu.vector_load %arg10[%get3A_678, %get3A_679] {strides = array<i32>} : memref<128x128xf32, #tpu.memory_space<vmem>>, vector<1x16xf32>,
        %get3A_681 = vector.shape_cast %get3A_680 : vector<1x16xf32> to vector<16xf32>
        %mul3A_682 = arith.mulf %get3A_681, %broadcast_in_dim3A_637 : vector<16xf32>
        %mul3A_683 = arith.constant 16 : i32
        %mul3A_684 = arith.muli %scan3A_45, %mul3A_683 : i32
        %add3A_685 = arith.constant 4 : i32
        %add3A_686 = arith.addi %mul3A_684, %add3A_685 : i32
        %swap3A_687 = arith.index_cast %add3A_686 : i32 to index
        %swap3A_688 = arith.constant 32 : index
        %swap3A_689 = tpu.vector_load %arg10[%swap3A_687, %swap3A_688] {strides = array<i32>} : memref<128x128xf32, #tpu.memory_space<vmem>>, vector<1x16xf32>,
        %swap3A_690 = vector.shape_cast %swap3A_689 : vector<1x16xf32> to vector<16xf32>
        %swap3A_691 = vector.shape_cast %mul3A_682 : vector<16xf32> to vector<1x16xf32>
        tpu.vector_store %arg10[%swap3A_687, %swap3A_688], %swap3A_691 {strides = array<i32>} : memref<128x128xf32, #tpu.memory_space<vmem>>, vector<1x16xf32>,
        %mul3A_692 = arith.constant 16 : i32
        %mul3A_693 = arith.muli %scan3A_45, %mul3A_692 : i32
        %add3A_694 = arith.constant 4 : i32
        %add3A_695 = arith.addi %mul3A_693, %add3A_694 : i32
        %get3A_696 = arith.index_cast %add3A_695 : i32 to index
        %get3A_697 = arith.constant 48 : index
        %get3A_698 = tpu.vector_load %arg10[%get3A_696, %get3A_697] {strides = array<i32>} : memref<128x128xf32, #tpu.memory_space<vmem>>, vector<1x16xf32>,
        %get3A_699 = vector.shape_cast %get3A_698 : vector<1x16xf32> to vector<16xf32>
        %mul3A_700 = arith.mulf %get3A_699, %broadcast_in_dim3A_637 : vector<16xf32>
        %mul3A_701 = arith.constant 16 : i32
        %mul3A_702 = arith.muli %scan3A_45, %mul3A_701 : i32
        %add3A_703 = arith.constant 4 : i32
        %add3A_704 = arith.addi %mul3A_702, %add3A_703 : i32
        %swap3A_705 = arith.index_cast %add3A_704 : i32 to index
        %swap3A_706 = arith.constant 48 : index
        %swap3A_707 = tpu.vector_load %arg10[%swap3A_705, %swap3A_706] {strides = array<i32>} : memref<128x128xf32, #tpu.memory_space<vmem>>, vector<1x16xf32>,
        %swap3A_708 = vector.shape_cast %swap3A_707 : vector<1x16xf32> to vector<16xf32>
        %swap3A_709 = vector.shape_cast %mul3A_700 : vector<16xf32> to vector<1x16xf32>
        tpu.vector_store %arg10[%swap3A_705, %swap3A_706], %swap3A_709 {strides = array<i32>} : memref<128x128xf32, #tpu.memory_space<vmem>>, vector<1x16xf32>,
        %mul3A_710 = arith.constant 16 : i32
        %mul3A_711 = arith.muli %scan3A_45, %mul3A_710 : i32
        %add3A_712 = arith.constant 4 : i32
        %add3A_713 = arith.addi %mul3A_711, %add3A_712 : i32
        %get3A_714 = arith.index_cast %add3A_713 : i32 to index
        %get3A_715 = arith.constant 64 : index
        %get3A_716 = tpu.vector_load %arg10[%get3A_714, %get3A_715] {strides = array<i32>} : memref<128x128xf32, #tpu.memory_space<vmem>>, vector<1x16xf32>,
        %get3A_717 = vector.shape_cast %get3A_716 : vector<1x16xf32> to vector<16xf32>
        %mul3A_718 = arith.mulf %get3A_717, %broadcast_in_dim3A_637 : vector<16xf32>
        %mul3A_719 = arith.constant 16 : i32
        %mul3A_720 = arith.muli %scan3A_45, %mul3A_719 : i32
        %add3A_721 = arith.constant 4 : i32
        %add3A_722 = arith.addi %mul3A_720, %add3A_721 : i32
        %swap3A_723 = arith.index_cast %add3A_722 : i32 to index
        %swap3A_724 = arith.constant 64 : index
        %swap3A_725 = tpu.vector_load %arg10[%swap3A_723, %swap3A_724] {strides = array<i32>} : memref<128x128xf32, #tpu.memory_space<vmem>>, vector<1x16xf32>,
        %swap3A_726 = vector.shape_cast %swap3A_725 : vector<1x16xf32> to vector<16xf32>
        %swap3A_727 = vector.shape_cast %mul3A_718 : vector<16xf32> to vector<1x16xf32>
        tpu.vector_store %arg10[%swap3A_723, %swap3A_724], %swap3A_727 {strides = array<i32>} : memref<128x128xf32, #tpu.memory_space<vmem>>, vector<1x16xf32>,
        %mul3A_728 = arith.constant 16 : i32
        %mul3A_729 = arith.muli %scan3A_45, %mul3A_728 : i32
        %add3A_730 = arith.constant 4 : i32
        %add3A_731 = arith.addi %mul3A_729, %add3A_730 : i32
        %get3A_732 = arith.index_cast %add3A_731 : i32 to index
        %get3A_733 = arith.constant 80 : index
        %get3A_734 = tpu.vector_load %arg10[%get3A_732, %get3A_733] {strides = array<i32>} : memref<128x128xf32, #tpu.memory_space<vmem>>, vector<1x16xf32>,
        %get3A_735 = vector.shape_cast %get3A_734 : vector<1x16xf32> to vector<16xf32>
        %mul3A_736 = arith.mulf %get3A_735, %broadcast_in_dim3A_637 : vector<16xf32>
        %mul3A_737 = arith.constant 16 : i32
        %mul3A_738 = arith.muli %scan3A_45, %mul3A_737 : i32
        %add3A_739 = arith.constant 4 : i32
        %add3A_740 = arith.addi %mul3A_738, %add3A_739 : i32
        %swap3A_741 = arith.index_cast %add3A_740 : i32 to index
        %swap3A_742 = arith.constant 80 : index
        %swap3A_743 = tpu.vector_load %arg10[%swap3A_741, %swap3A_742] {strides = array<i32>} : memref<128x128xf32, #tpu.memory_space<vmem>>, vector<1x16xf32>,
        %swap3A_744 = vector.shape_cast %swap3A_743 : vector<1x16xf32> to vector<16xf32>
        %swap3A_745 = vector.shape_cast %mul3A_736 : vector<16xf32> to vector<1x16xf32>
        tpu.vector_store %arg10[%swap3A_741, %swap3A_742], %swap3A_745 {strides = array<i32>} : memref<128x128xf32, #tpu.memory_space<vmem>>, vector<1x16xf32>,
        %mul3A_746 = arith.constant 16 : i32
        %mul3A_747 = arith.muli %scan3A_45, %mul3A_746 : i32
        %add3A_748 = arith.constant 4 : i32
        %add3A_749 = arith.addi %mul3A_747, %add3A_748 : i32
        %get3A_750 = arith.index_cast %add3A_749 : i32 to index
        %get3A_751 = arith.constant 96 : index
        %get3A_752 = tpu.vector_load %arg10[%get3A_750, %get3A_751] {strides = array<i32>} : memref<128x128xf32, #tpu.memory_space<vmem>>, vector<1x16xf32>,
        %get3A_753 = vector.shape_cast %get3A_752 : vector<1x16xf32> to vector<16xf32>
        %mul3A_754 = arith.mulf %get3A_753, %broadcast_in_dim3A_637 : vector<16xf32>
        %mul3A_755 = arith.constant 16 : i32
        %mul3A_756 = arith.muli %scan3A_45, %mul3A_755 : i32
        %add3A_757 = arith.constant 4 : i32
        %add3A_758 = arith.addi %mul3A_756, %add3A_757 : i32
        %swap3A_759 = arith.index_cast %add3A_758 : i32 to index
        %swap3A_760 = arith.constant 96 : index
        %swap3A_761 = tpu.vector_load %arg10[%swap3A_759, %swap3A_760] {strides = array<i32>} : memref<128x128xf32, #tpu.memory_space<vmem>>, vector<1x16xf32>,
        %swap3A_762 = vector.shape_cast %swap3A_761 : vector<1x16xf32> to vector<16xf32>
        %swap3A_763 = vector.shape_cast %mul3A_754 : vector<16xf32> to vector<1x16xf32>
        tpu.vector_store %arg10[%swap3A_759, %swap3A_760], %swap3A_763 {strides = array<i32>} : memref<128x128xf32, #tpu.memory_space<vmem>>, vector<1x16xf32>,
        %mul3A_764 = arith.constant 16 : i32
        %mul3A_765 = arith.muli %scan3A_45, %mul3A_764 : i32
        %add3A_766 = arith.constant 4 : i32
        %add3A_767 = arith.addi %mul3A_765, %add3A_766 : i32
        %get3A_768 = arith.index_cast %add3A_767 : i32 to index
        %get3A_769 = arith.constant 112 : index
        %get3A_770 = tpu.vector_load %arg10[%get3A_768, %get3A_769] {strides = array<i32>} : memref<128x128xf32, #tpu.memory_space<vmem>>, vector<1x16xf32>,
        %get3A_771 = vector.shape_cast %get3A_770 : vector<1x16xf32> to vector<16xf32>
        %mul3A_772 = arith.mulf %get3A_771, %broadcast_in_dim3A_637 : vector<16xf32>
        %mul3A_773 = arith.constant 16 : i32
        %mul3A_774 = arith.muli %scan3A_45, %mul3A_773 : i32
        %add3A_775 = arith.constant 4 : i32
        %add3A_776 = arith.addi %mul3A_774, %add3A_775 : i32
        %swap3A_777 = arith.index_cast %add3A_776 : i32 to index
        %swap3A_778 = arith.constant 112 : index
        %swap3A_779 = tpu.vector_load %arg10[%swap3A_777, %swap3A_778] {strides = array<i32>} : memref<128x128xf32, #tpu.memory_space<vmem>>, vector<1x16xf32>,
        %swap3A_780 = vector.shape_cast %swap3A_779 : vector<1x16xf32> to vector<16xf32>
        %swap3A_781 = vector.shape_cast %mul3A_772 : vector<16xf32> to vector<1x16xf32>
        tpu.vector_store %arg10[%swap3A_777, %swap3A_778], %swap3A_781 {strides = array<i32>} : memref<128x128xf32, #tpu.memory_space<vmem>>, vector<1x16xf32>,
        %slice3A_782 = vector.extract_strided_slice %get3A_50 {offsets = [5], sizes = [1], strides = [1]} : vector<16xf32> to vector<1xf32>
        %squeeze3A_783 = vector.extract %slice3A_782[0] : f32 from vector<1xf32>
        %broadcast_in_dim3A_784 = vector.broadcast %squeeze3A_783 : f32 to vector<16xf32>
        %mul3A_785 = arith.constant 16 : i32
        %mul3A_786 = arith.muli %scan3A_45, %mul3A_785 : i32
        %add3A_787 = arith.constant 5 : i32
        %add3A_788 = arith.addi %mul3A_786, %add3A_787 : i32
        %get3A_789 = arith.index_cast %add3A_788 : i32 to index
        %get3A_790 = arith.constant 0 : index
        %get3A_791 = tpu.vector_load %arg10[%get3A_789, %get3A_790] {strides = array<i32>} : memref<128x128xf32, #tpu.memory_space<vmem>>, vector<1x16xf32>,
        %get3A_792 = vector.shape_cast %get3A_791 : vector<1x16xf32> to vector<16xf32>
        %mul3A_793 = arith.mulf %get3A_792, %broadcast_in_dim3A_784 : vector<16xf32>
        %mul3A_794 = arith.constant 16 : i32
        %mul3A_795 = arith.muli %scan3A_45, %mul3A_794 : i32
        %add3A_796 = arith.constant 5 : i32
        %add3A_797 = arith.addi %mul3A_795, %add3A_796 : i32
        %swap3A_798 = arith.index_cast %add3A_797 : i32 to index
        %swap3A_799 = arith.constant 0 : index
        %swap3A_800 = tpu.vector_load %arg10[%swap3A_798, %swap3A_799] {strides = array<i32>} : memref<128x128xf32, #tpu.memory_space<vmem>>, vector<1x16xf32>,
        %swap3A_801 = vector.shape_cast %swap3A_800 : vector<1x16xf32> to vector<16xf32>
        %swap3A_802 = vector.shape_cast %mul3A_793 : vector<16xf32> to vector<1x16xf32>
        tpu.vector_store %arg10[%swap3A_798, %swap3A_799], %swap3A_802 {strides = array<i32>} : memref<128x128xf32, #tpu.memory_space<vmem>>, vector<1x16xf32>,
        %mul3A_803 = arith.constant 16 : i32
        %mul3A_804 = arith.muli %scan3A_45, %mul3A_803 : i32
        %add3A_805 = arith.constant 5 : i32
        %add3A_806 = arith.addi %mul3A_804, %add3A_805 : i32
        %get3A_807 = arith.index_cast %add3A_806 : i32 to index
        %get3A_808 = arith.constant 16 : index
        %get3A_809 = tpu.vector_load %arg10[%get3A_807, %get3A_808] {strides = array<i32>} : memref<128x128xf32, #tpu.memory_space<vmem>>, vector<1x16xf32>,
        %get3A_810 = vector.shape_cast %get3A_809 : vector<1x16xf32> to vector<16xf32>
        %mul3A_811 = arith.mulf %get3A_810, %broadcast_in_dim3A_784 : vector<16xf32>
        %mul3A_812 = arith.constant 16 : i32
        %mul3A_813 = arith.muli %scan3A_45, %mul3A_812 : i32
        %add3A_814 = arith.constant 5 : i32
        %add3A_815 = arith.addi %mul3A_813, %add3A_814 : i32
        %swap3A_816 = arith.index_cast %add3A_815 : i32 to index
        %swap3A_817 = arith.constant 16 : index
        %swap3A_818 = tpu.vector_load %arg10[%swap3A_816, %swap3A_817] {strides = array<i32>} : memref<128x128xf32, #tpu.memory_space<vmem>>, vector<1x16xf32>,
        %swap3A_819 = vector.shape_cast %swap3A_818 : vector<1x16xf32> to vector<16xf32>
        %swap3A_820 = vector.shape_cast %mul3A_811 : vector<16xf32> to vector<1x16xf32>
        tpu.vector_store %arg10[%swap3A_816, %swap3A_817], %swap3A_820 {strides = array<i32>} : memref<128x128xf32, #tpu.memory_space<vmem>>, vector<1x16xf32>,
        %mul3A_821 = arith.constant 16 : i32
        %mul3A_822 = arith.muli %scan3A_45, %mul3A_821 : i32
        %add3A_823 = arith.constant 5 : i32
        %add3A_824 = arith.addi %mul3A_822, %add3A_823 : i32
        %get3A_825 = arith.index_cast %add3A_824 : i32 to index
        %get3A_826 = arith.constant 32 : index
        %get3A_827 = tpu.vector_load %arg10[%get3A_825, %get3A_826] {strides = array<i32>} : memref<128x128xf32, #tpu.memory_space<vmem>>, vector<1x16xf32>,
        %get3A_828 = vector.shape_cast %get3A_827 : vector<1x16xf32> to vector<16xf32>
        %mul3A_829 = arith.mulf %get3A_828, %broadcast_in_dim3A_784 : vector<16xf32>
        %mul3A_830 = arith.constant 16 : i32
        %mul3A_831 = arith.muli %scan3A_45, %mul3A_830 : i32
        %add3A_832 = arith.constant 5 : i32
        %add3A_833 = arith.addi %mul3A_831, %add3A_832 : i32
        %swap3A_834 = arith.index_cast %add3A_833 : i32 to index
        %swap3A_835 = arith.constant 32 : index
        %swap3A_836 = tpu.vector_load %arg10[%swap3A_834, %swap3A_835] {strides = array<i32>} : memref<128x128xf32, #tpu.memory_space<vmem>>, vector<1x16xf32>,
        %swap3A_837 = vector.shape_cast %swap3A_836 : vector<1x16xf32> to vector<16xf32>
        %swap3A_838 = vector.shape_cast %mul3A_829 : vector<16xf32> to vector<1x16xf32>
        tpu.vector_store %arg10[%swap3A_834, %swap3A_835], %swap3A_838 {strides = array<i32>} : memref<128x128xf32, #tpu.memory_space<vmem>>, vector<1x16xf32>,
        %mul3A_839 = arith.constant 16 : i32
        %mul3A_840 = arith.muli %scan3A_45, %mul3A_839 : i32
        %add3A_841 = arith.constant 5 : i32
        %add3A_842 = arith.addi %mul3A_840, %add3A_841 : i32
        %get3A_843 = arith.index_cast %add3A_842 : i32 to index
        %get3A_844 = arith.constant 48 : index
        %get3A_845 = tpu.vector_load %arg10[%get3A_843, %get3A_844] {strides = array<i32>} : memref<128x128xf32, #tpu.memory_space<vmem>>, vector<1x16xf32>,
        %get3A_846 = vector.shape_cast %get3A_845 : vector<1x16xf32> to vector<16xf32>
        %mul3A_847 = arith.mulf %get3A_846, %broadcast_in_dim3A_784 : vector<16xf32>
        %mul3A_848 = arith.constant 16 : i32
        %mul3A_849 = arith.muli %scan3A_45, %mul3A_848 : i32
        %add3A_850 = arith.constant 5 : i32
        %add3A_851 = arith.addi %mul3A_849, %add3A_850 : i32
        %swap3A_852 = arith.index_cast %add3A_851 : i32 to index
        %swap3A_853 = arith.constant 48 : index
        %swap3A_854 = tpu.vector_load %arg10[%swap3A_852, %swap3A_853] {strides = array<i32>} : memref<128x128xf32, #tpu.memory_space<vmem>>, vector<1x16xf32>,
        %swap3A_855 = vector.shape_cast %swap3A_854 : vector<1x16xf32> to vector<16xf32>
        %swap3A_856 = vector.shape_cast %mul3A_847 : vector<16xf32> to vector<1x16xf32>
        tpu.vector_store %arg10[%swap3A_852, %swap3A_853], %swap3A_856 {strides = array<i32>} : memref<128x128xf32, #tpu.memory_space<vmem>>, vector<1x16xf32>,
        %mul3A_857 = arith.constant 16 : i32
        %mul3A_858 = arith.muli %scan3A_45, %mul3A_857 : i32
        %add3A_859 = arith.constant 5 : i32
        %add3A_860 = arith.addi %mul3A_858, %add3A_859 : i32
        %get3A_861 = arith.index_cast %add3A_860 : i32 to index
        %get3A_862 = arith.constant 64 : index
        %get3A_863 = tpu.vector_load %arg10[%get3A_861, %get3A_862] {strides = array<i32>} : memref<128x128xf32, #tpu.memory_space<vmem>>, vector<1x16xf32>,
        %get3A_864 = vector.shape_cast %get3A_863 : vector<1x16xf32> to vector<16xf32>
        %mul3A_865 = arith.mulf %get3A_864, %broadcast_in_dim3A_784 : vector<16xf32>
        %mul3A_866 = arith.constant 16 : i32
        %mul3A_867 = arith.muli %scan3A_45, %mul3A_866 : i32
        %add3A_868 = arith.constant 5 : i32
        %add3A_869 = arith.addi %mul3A_867, %add3A_868 : i32
        %swap3A_870 = arith.index_cast %add3A_869 : i32 to index
        %swap3A_871 = arith.constant 64 : index
        %swap3A_872 = tpu.vector_load %arg10[%swap3A_870, %swap3A_871] {strides = array<i32>} : memref<128x128xf32, #tpu.memory_space<vmem>>, vector<1x16xf32>,
        %swap3A_873 = vector.shape_cast %swap3A_872 : vector<1x16xf32> to vector<16xf32>
        %swap3A_874 = vector.shape_cast %mul3A_865 : vector<16xf32> to vector<1x16xf32>
        tpu.vector_store %arg10[%swap3A_870, %swap3A_871], %swap3A_874 {strides = array<i32>} : memref<128x128xf32, #tpu.memory_space<vmem>>, vector<1x16xf32>,
        %mul3A_875 = arith.constant 16 : i32
        %mul3A_876 = arith.muli %scan3A_45, %mul3A_875 : i32
        %add3A_877 = arith.constant 5 : i32
        %add3A_878 = arith.addi %mul3A_876, %add3A_877 : i32
        %get3A_879 = arith.index_cast %add3A_878 : i32 to index
        %get3A_880 = arith.constant 80 : index
        %get3A_881 = tpu.vector_load %arg10[%get3A_879, %get3A_880] {strides = array<i32>} : memref<128x128xf32, #tpu.memory_space<vmem>>, vector<1x16xf32>,
        %get3A_882 = vector.shape_cast %get3A_881 : vector<1x16xf32> to vector<16xf32>
        %mul3A_883 = arith.mulf %get3A_882, %broadcast_in_dim3A_784 : vector<16xf32>
        %mul3A_884 = arith.constant 16 : i32
        %mul3A_885 = arith.muli %scan3A_45, %mul3A_884 : i32
        %add3A_886 = arith.constant 5 : i32
        %add3A_887 = arith.addi %mul3A_885, %add3A_886 : i32
        %swap3A_888 = arith.index_cast %add3A_887 : i32 to index
        %swap3A_889 = arith.constant 80 : index
        %swap3A_890 = tpu.vector_load %arg10[%swap3A_888, %swap3A_889] {strides = array<i32>} : memref<128x128xf32, #tpu.memory_space<vmem>>, vector<1x16xf32>,
        %swap3A_891 = vector.shape_cast %swap3A_890 : vector<1x16xf32> to vector<16xf32>
        %swap3A_892 = vector.shape_cast %mul3A_883 : vector<16xf32> to vector<1x16xf32>
        tpu.vector_store %arg10[%swap3A_888, %swap3A_889], %swap3A_892 {strides = array<i32>} : memref<128x128xf32, #tpu.memory_space<vmem>>, vector<1x16xf32>,
        %mul3A_893 = arith.constant 16 : i32
        %mul3A_894 = arith.muli %scan3A_45, %mul3A_893 : i32
        %add3A_895 = arith.constant 5 : i32
        %add3A_896 = arith.addi %mul3A_894, %add3A_895 : i32
        %get3A_897 = arith.index_cast %add3A_896 : i32 to index
        %get3A_898 = arith.constant 96 : index
        %get3A_899 = tpu.vector_load %arg10[%get3A_897, %get3A_898] {strides = array<i32>} : memref<128x128xf32, #tpu.memory_space<vmem>>, vector<1x16xf32>,
        %get3A_900 = vector.shape_cast %get3A_899 : vector<1x16xf32> to vector<16xf32>
        %mul3A_901 = arith.mulf %get3A_900, %broadcast_in_dim3A_784 : vector<16xf32>
        %mul3A_902 = arith.constant 16 : i32
        %mul3A_903 = arith.muli %scan3A_45, %mul3A_902 : i32
        %add3A_904 = arith.constant 5 : i32
        %add3A_905 = arith.addi %mul3A_903, %add3A_904 : i32
        %swap3A_906 = arith.index_cast %add3A_905 : i32 to index
        %swap3A_907 = arith.constant 96 : index
        %swap3A_908 = tpu.vector_load %arg10[%swap3A_906, %swap3A_907] {strides = array<i32>} : memref<128x128xf32, #tpu.memory_space<vmem>>, vector<1x16xf32>,
        %swap3A_909 = vector.shape_cast %swap3A_908 : vector<1x16xf32> to vector<16xf32>
        %swap3A_910 = vector.shape_cast %mul3A_901 : vector<16xf32> to vector<1x16xf32>
        tpu.vector_store %arg10[%swap3A_906, %swap3A_907], %swap3A_910 {strides = array<i32>} : memref<128x128xf32, #tpu.memory_space<vmem>>, vector<1x16xf32>,
        %mul3A_911 = arith.constant 16 : i32
        %mul3A_912 = arith.muli %scan3A_45, %mul3A_911 : i32
        %add3A_913 = arith.constant 5 : i32
        %add3A_914 = arith.addi %mul3A_912, %add3A_913 : i32
        %get3A_915 = arith.index_cast %add3A_914 : i32 to index
        %get3A_916 = arith.constant 112 : index
        %get3A_917 = tpu.vector_load %arg10[%get3A_915, %get3A_916] {strides = array<i32>} : memref<128x128xf32, #tpu.memory_space<vmem>>, vector<1x16xf32>,
        %get3A_918 = vector.shape_cast %get3A_917 : vector<1x16xf32> to vector<16xf32>
        %mul3A_919 = arith.mulf %get3A_918, %broadcast_in_dim3A_784 : vector<16xf32>
        %mul3A_920 = arith.constant 16 : i32
        %mul3A_921 = arith.muli %scan3A_45, %mul3A_920 : i32
        %add3A_922 = arith.constant 5 : i32
        %add3A_923 = arith.addi %mul3A_921, %add3A_922 : i32
        %swap3A_924 = arith.index_cast %add3A_923 : i32 to index
        %swap3A_925 = arith.constant 112 : index
        %swap3A_926 = tpu.vector_load %arg10[%swap3A_924, %swap3A_925] {strides = array<i32>} : memref<128x128xf32, #tpu.memory_space<vmem>>, vector<1x16xf32>,
        %swap3A_927 = vector.shape_cast %swap3A_926 : vector<1x16xf32> to vector<16xf32>
        %swap3A_928 = vector.shape_cast %mul3A_919 : vector<16xf32> to vector<1x16xf32>
        tpu.vector_store %arg10[%swap3A_924, %swap3A_925], %swap3A_928 {strides = array<i32>} : memref<128x128xf32, #tpu.memory_space<vmem>>, vector<1x16xf32>,
        %slice3A_929 = vector.extract_strided_slice %get3A_50 {offsets = [6], sizes = [1], strides = [1]} : vector<16xf32> to vector<1xf32>
        %squeeze3A_930 = vector.extract %slice3A_929[0] : f32 from vector<1xf32>
        %broadcast_in_dim3A_931 = vector.broadcast %squeeze3A_930 : f32 to vector<16xf32>
        %mul3A_932 = arith.constant 16 : i32
        %mul3A_933 = arith.muli %scan3A_45, %mul3A_932 : i32
        %add3A_934 = arith.constant 6 : i32
        %add3A_935 = arith.addi %mul3A_933, %add3A_934 : i32
        %get3A_936 = arith.index_cast %add3A_935 : i32 to index
        %get3A_937 = arith.constant 0 : index
        %get3A_938 = tpu.vector_load %arg10[%get3A_936, %get3A_937] {strides = array<i32>} : memref<128x128xf32, #tpu.memory_space<vmem>>, vector<1x16xf32>,
        %get3A_939 = vector.shape_cast %get3A_938 : vector<1x16xf32> to vector<16xf32>
        %mul3A_940 = arith.mulf %get3A_939, %broadcast_in_dim3A_931 : vector<16xf32>
        %mul3A_941 = arith.constant 16 : i32
        %mul3A_942 = arith.muli %scan3A_45, %mul3A_941 : i32
        %add3A_943 = arith.constant 6 : i32
        %add3A_944 = arith.addi %mul3A_942, %add3A_943 : i32
        %swap3A_945 = arith.index_cast %add3A_944 : i32 to index
        %swap3A_946 = arith.constant 0 : index
        %swap3A_947 = tpu.vector_load %arg10[%swap3A_945, %swap3A_946] {strides = array<i32>} : memref<128x128xf32, #tpu.memory_space<vmem>>, vector<1x16xf32>,
        %swap3A_948 = vector.shape_cast %swap3A_947 : vector<1x16xf32> to vector<16xf32>
        %swap3A_949 = vector.shape_cast %mul3A_940 : vector<16xf32> to vector<1x16xf32>
        tpu.vector_store %arg10[%swap3A_945, %swap3A_946], %swap3A_949 {strides = array<i32>} : memref<128x128xf32, #tpu.memory_space<vmem>>, vector<1x16xf32>,
        %mul3A_950 = arith.constant 16 : i32
        %mul3A_951 = arith.muli %scan3A_45, %mul3A_950 : i32
        %add3A_952 = arith.constant 6 : i32
        %add3A_953 = arith.addi %mul3A_951, %add3A_952 : i32
        %get3A_954 = arith.index_cast %add3A_953 : i32 to index
        %get3A_955 = arith.constant 16 : index
        %get3A_956 = tpu.vector_load %arg10[%get3A_954, %get3A_955] {strides = array<i32>} : memref<128x128xf32, #tpu.memory_space<vmem>>, vector<1x16xf32>,
        %get3A_957 = vector.shape_cast %get3A_956 : vector<1x16xf32> to vector<16xf32>
        %mul3A_958 = arith.mulf %get3A_957, %broadcast_in_dim3A_931 : vector<16xf32>
        %mul3A_959 = arith.constant 16 : i32
        %mul3A_960 = arith.muli %scan3A_45, %mul3A_959 : i32
        %add3A_961 = arith.constant 6 : i32
        %add3A_962 = arith.addi %mul3A_960, %add3A_961 : i32
        %swap3A_963 = arith.index_cast %add3A_962 : i32 to index
        %swap3A_964 = arith.constant 16 : index
        %swap3A_965 = tpu.vector_load %arg10[%swap3A_963, %swap3A_964] {strides = array<i32>} : memref<128x128xf32, #tpu.memory_space<vmem>>, vector<1x16xf32>,
        %swap3A_966 = vector.shape_cast %swap3A_965 : vector<1x16xf32> to vector<16xf32>
        %swap3A_967 = vector.shape_cast %mul3A_958 : vector<16xf32> to vector<1x16xf32>
        tpu.vector_store %arg10[%swap3A_963, %swap3A_964], %swap3A_967 {strides = array<i32>} : memref<128x128xf32, #tpu.memory_space<vmem>>, vector<1x16xf32>,
        %mul3A_968 = arith.constant 16 : i32
        %mul3A_969 = arith.muli %scan3A_45, %mul3A_968 : i32
        %add3A_970 = arith.constant 6 : i32
        %add3A_971 = arith.addi %mul3A_969, %add3A_970 : i32
        %get3A_972 = arith.index_cast %add3A_971 : i32 to index
        %get3A_973 = arith.constant 32 : index
        %get3A_974 = tpu.vector_load %arg10[%get3A_972, %get3A_973] {strides = array<i32>} : memref<128x128xf32, #tpu.memory_space<vmem>>, vector<1x16xf32>,
        %get3A_975 = vector.shape_cast %get3A_974 : vector<1x16xf32> to vector<16xf32>
        %mul3A_976 = arith.mulf %get3A_975, %broadcast_in_dim3A_931 : vector<16xf32>
        %mul3A_977 = arith.constant 16 : i32
        %mul3A_978 = arith.muli %scan3A_45, %mul3A_977 : i32
        %add3A_979 = arith.constant 6 : i32
        %add3A_980 = arith.addi %mul3A_978, %add3A_979 : i32
        %swap3A_981 = arith.index_cast %add3A_980 : i32 to index
        %swap3A_982 = arith.constant 32 : index
        %swap3A_983 = tpu.vector_load %arg10[%swap3A_981, %swap3A_982] {strides = array<i32>} : memref<128x128xf32, #tpu.memory_space<vmem>>, vector<1x16xf32>,
        %swap3A_984 = vector.shape_cast %swap3A_983 : vector<1x16xf32> to vector<16xf32>
        %swap3A_985 = vector.shape_cast %mul3A_976 : vector<16xf32> to vector<1x16xf32>
        tpu.vector_store %arg10[%swap3A_981, %swap3A_982], %swap3A_985 {strides = array<i32>} : memref<128x128xf32, #tpu.memory_space<vmem>>, vector<1x16xf32>,
        %mul3A_986 = arith.constant 16 : i32
        %mul3A_987 = arith.muli %scan3A_45, %mul3A_986 : i32
        %add3A_988 = arith.constant 6 : i32
        %add3A_989 = arith.addi %mul3A_987, %add3A_988 : i32
        %get3A_990 = arith.index_cast %add3A_989 : i32 to index
        %get3A_991 = arith.constant 48 : index
        %get3A_992 = tpu.vector_load %arg10[%get3A_990, %get3A_991] {strides = array<i32>} : memref<128x128xf32, #tpu.memory_space<vmem>>, vector<1x16xf32>,
        %get3A_993 = vector.shape_cast %get3A_992 : vector<1x16xf32> to vector<16xf32>
        %mul3A_994 = arith.mulf %get3A_993, %broadcast_in_dim3A_931 : vector<16xf32>
        %mul3A_995 = arith.constant 16 : i32
        %mul3A_996 = arith.muli %scan3A_45, %mul3A_995 : i32
        %add3A_997 = arith.constant 6 : i32
        %add3A_998 = arith.addi %mul3A_996, %add3A_997 : i32
        %swap3A_999 = arith.index_cast %add3A_998 : i32 to index
        %swap3A_1000 = arith.constant 48 : index
        %swap3A_1001 = tpu.vector_load %arg10[%swap3A_999, %swap3A_1000] {strides = array<i32>} : memref<128x128xf32, #tpu.memory_space<vmem>>, vector<1x16xf32>,
        %swap3A_1002 = vector.shape_cast %swap3A_1001 : vector<1x16xf32> to vector<16xf32>
        %swap3A_1003 = vector.shape_cast %mul3A_994 : vector<16xf32> to vector<1x16xf32>
        tpu.vector_store %arg10[%swap3A_999, %swap3A_1000], %swap3A_1003 {strides = array<i32>} : memref<128x128xf32, #tpu.memory_space<vmem>>, vector<1x16xf32>,
        %mul3A_1004 = arith.constant 16 : i32
        %mul3A_1005 = arith.muli %scan3A_45, %mul3A_1004 : i32
        %add3A_1006 = arith.constant 6 : i32
        %add3A_1007 = arith.addi %mul3A_1005, %add3A_1006 : i32
        %get3A_1008 = arith.index_cast %add3A_1007 : i32 to index
        %get3A_1009 = arith.constant 64 : index
        %get3A_1010 = tpu.vector_load %arg10[%get3A_1008, %get3A_1009] {strides = array<i32>} : memref<128x128xf32, #tpu.memory_space<vmem>>, vector<1x16xf32>,
        %get3A_1011 = vector.shape_cast %get3A_1010 : vector<1x16xf32> to vector<16xf32>
        %mul3A_1012 = arith.mulf %get3A_1011, %broadcast_in_dim3A_931 : vector<16xf32>
        %mul3A_1013 = arith.constant 16 : i32
        %mul3A_1014 = arith.muli %scan3A_45, %mul3A_1013 : i32
        %add3A_1015 = arith.constant 6 : i32
        %add3A_1016 = arith.addi %mul3A_1014, %add3A_1015 : i32
        %swap3A_1017 = arith.index_cast %add3A_1016 : i32 to index
        %swap3A_1018 = arith.constant 64 : index
        %swap3A_1019 = tpu.vector_load %arg10[%swap3A_1017, %swap3A_1018] {strides = array<i32>} : memref<128x128xf32, #tpu.memory_space<vmem>>, vector<1x16xf32>,
        %swap3A_1020 = vector.shape_cast %swap3A_1019 : vector<1x16xf32> to vector<16xf32>
        %swap3A_1021 = vector.shape_cast %mul3A_1012 : vector<16xf32> to vector<1x16xf32>
        tpu.vector_store %arg10[%swap3A_1017, %swap3A_1018], %swap3A_1021 {strides = array<i32>} : memref<128x128xf32, #tpu.memory_space<vmem>>, vector<1x16xf32>,
        %mul3A_1022 = arith.constant 16 : i32
        %mul3A_1023 = arith.muli %scan3A_45, %mul3A_1022 : i32
        %add3A_1024 = arith.constant 6 : i32
        %add3A_1025 = arith.addi %mul3A_1023, %add3A_1024 : i32
        %get3A_1026 = arith.index_cast %add3A_1025 : i32 to index
        %get3A_1027 = arith.constant 80 : index
        %get3A_1028 = tpu.vector_load %arg10[%get3A_1026, %get3A_1027] {strides = array<i32>} : memref<128x128xf32, #tpu.memory_space<vmem>>, vector<1x16xf32>,
        %get3A_1029 = vector.shape_cast %get3A_1028 : vector<1x16xf32> to vector<16xf32>
        %mul3A_1030 = arith.mulf %get3A_1029, %broadcast_in_dim3A_931 : vector<16xf32>
        %mul3A_1031 = arith.constant 16 : i32
        %mul3A_1032 = arith.muli %scan3A_45, %mul3A_1031 : i32
        %add3A_1033 = arith.constant 6 : i32
        %add3A_1034 = arith.addi %mul3A_1032, %add3A_1033 : i32
        %swap3A_1035 = arith.index_cast %add3A_1034 : i32 to index
        %swap3A_1036 = arith.constant 80 : index
        %swap3A_1037 = tpu.vector_load %arg10[%swap3A_1035, %swap3A_1036] {strides = array<i32>} : memref<128x128xf32, #tpu.memory_space<vmem>>, vector<1x16xf32>,
        %swap3A_1038 = vector.shape_cast %swap3A_1037 : vector<1x16xf32> to vector<16xf32>
        %swap3A_1039 = vector.shape_cast %mul3A_1030 : vector<16xf32> to vector<1x16xf32>
        tpu.vector_store %arg10[%swap3A_1035, %swap3A_1036], %swap3A_1039 {strides = array<i32>} : memref<128x128xf32, #tpu.memory_space<vmem>>, vector<1x16xf32>,
        %mul3A_1040 = arith.constant 16 : i32
        %mul3A_1041 = arith.muli %scan3A_45, %mul3A_1040 : i32
        %add3A_1042 = arith.constant 6 : i32
        %add3A_1043 = arith.addi %mul3A_1041, %add3A_1042 : i32
        %get3A_1044 = arith.index_cast %add3A_1043 : i32 to index
        %get3A_1045 = arith.constant 96 : index
        %get3A_1046 = tpu.vector_load %arg10[%get3A_1044, %get3A_1045] {strides = array<i32>} : memref<128x128xf32, #tpu.memory_space<vmem>>, vector<1x16xf32>,
        %get3A_1047 = vector.shape_cast %get3A_1046 : vector<1x16xf32> to vector<16xf32>
        %mul3A_1048 = arith.mulf %get3A_1047, %broadcast_in_dim3A_931 : vector<16xf32>
        %mul3A_1049 = arith.constant 16 : i32
        %mul3A_1050 = arith.muli %scan3A_45, %mul3A_1049 : i32
        %add3A_1051 = arith.constant 6 : i32
        %add3A_1052 = arith.addi %mul3A_1050, %add3A_1051 : i32
        %swap3A_1053 = arith.index_cast %add3A_1052 : i32 to index
        %swap3A_1054 = arith.constant 96 : index
        %swap3A_1055 = tpu.vector_load %arg10[%swap3A_1053, %swap3A_1054] {strides = array<i32>} : memref<128x128xf32, #tpu.memory_space<vmem>>, vector<1x16xf32>,
        %swap3A_1056 = vector.shape_cast %swap3A_1055 : vector<1x16xf32> to vector<16xf32>
        %swap3A_1057 = vector.shape_cast %mul3A_1048 : vector<16xf32> to vector<1x16xf32>
        tpu.vector_store %arg10[%swap3A_1053, %swap3A_1054], %swap3A_1057 {strides = array<i32>} : memref<128x128xf32, #tpu.memory_space<vmem>>, vector<1x16xf32>,
        %mul3A_1058 = arith.constant 16 : i32
        %mul3A_1059 = arith.muli %scan3A_45, %mul3A_1058 : i32
        %add3A_1060 = arith.constant 6 : i32
        %add3A_1061 = arith.addi %mul3A_1059, %add3A_1060 : i32
        %get3A_1062 = arith.index_cast %add3A_1061 : i32 to index
        %get3A_1063 = arith.constant 112 : index
        %get3A_1064 = tpu.vector_load %arg10[%get3A_1062, %get3A_1063] {strides = array<i32>} : memref<128x128xf32, #tpu.memory_space<vmem>>, vector<1x16xf32>,
        %get3A_1065 = vector.shape_cast %get3A_1064 : vector<1x16xf32> to vector<16xf32>
        %mul3A_1066 = arith.mulf %get3A_1065, %broadcast_in_dim3A_931 : vector<16xf32>
        %mul3A_1067 = arith.constant 16 : i32
        %mul3A_1068 = arith.muli %scan3A_45, %mul3A_1067 : i32
        %add3A_1069 = arith.constant 6 : i32
        %add3A_1070 = arith.addi %mul3A_1068, %add3A_1069 : i32
        %swap3A_1071 = arith.index_cast %add3A_1070 : i32 to index
        %swap3A_1072 = arith.constant 112 : index
        %swap3A_1073 = tpu.vector_load %arg10[%swap3A_1071, %swap3A_1072] {strides = array<i32>} : memref<128x128xf32, #tpu.memory_space<vmem>>, vector<1x16xf32>,
        %swap3A_1074 = vector.shape_cast %swap3A_1073 : vector<1x16xf32> to vector<16xf32>
        %swap3A_1075 = vector.shape_cast %mul3A_1066 : vector<16xf32> to vector<1x16xf32>
        tpu.vector_store %arg10[%swap3A_1071, %swap3A_1072], %swap3A_1075 {strides = array<i32>} : memref<128x128xf32, #tpu.memory_space<vmem>>, vector<1x16xf32>,
        %slice3A_1076 = vector.extract_strided_slice %get3A_50 {offsets = [7], sizes = [1], strides = [1]} : vector<16xf32> to vector<1xf32>
        %squeeze3A_1077 = vector.extract %slice3A_1076[0] : f32 from vector<1xf32>
        %broadcast_in_dim3A_1078 = vector.broadcast %squeeze3A_1077 : f32 to vector<16xf32>
        %mul3A_1079 = arith.constant 16 : i32
        %mul3A_1080 = arith.muli %scan3A_45, %mul3A_1079 : i32
        %add3A_1081 = arith.constant 7 : i32
        %add3A_1082 = arith.addi %mul3A_1080, %add3A_1081 : i32
        %get3A_1083 = arith.index_cast %add3A_1082 : i32 to index
        %get3A_1084 = arith.constant 0 : index
        %get3A_1085 = tpu.vector_load %arg10[%get3A_1083, %get3A_1084] {strides = array<i32>} : memref<128x128xf32, #tpu.memory_space<vmem>>, vector<1x16xf32>,
        %get3A_1086 = vector.shape_cast %get3A_1085 : vector<1x16xf32> to vector<16xf32>
        %mul3A_1087 = arith.mulf %get3A_1086, %broadcast_in_dim3A_1078 : vector<16xf32>
        %mul3A_1088 = arith.constant 16 : i32
        %mul3A_1089 = arith.muli %scan3A_45, %mul3A_1088 : i32
        %add3A_1090 = arith.constant 7 : i32
        %add3A_1091 = arith.addi %mul3A_1089, %add3A_1090 : i32
        %swap3A_1092 = arith.index_cast %add3A_1091 : i32 to index
        %swap3A_1093 = arith.constant 0 : index
        %swap3A_1094 = tpu.vector_load %arg10[%swap3A_1092, %swap3A_1093] {strides = array<i32>} : memref<128x128xf32, #tpu.memory_space<vmem>>, vector<1x16xf32>,
        %swap3A_1095 = vector.shape_cast %swap3A_1094 : vector<1x16xf32> to vector<16xf32>
        %swap3A_1096 = vector.shape_cast %mul3A_1087 : vector<16xf32> to vector<1x16xf32>
        tpu.vector_store %arg10[%swap3A_1092, %swap3A_1093], %swap3A_1096 {strides = array<i32>} : memref<128x128xf32, #tpu.memory_space<vmem>>, vector<1x16xf32>,
        %mul3A_1097 = arith.constant 16 : i32
        %mul3A_1098 = arith.muli %scan3A_45, %mul3A_1097 : i32
        %add3A_1099 = arith.constant 7 : i32
        %add3A_1100 = arith.addi %mul3A_1098, %add3A_1099 : i32
        %get3A_1101 = arith.index_cast %add3A_1100 : i32 to index
        %get3A_1102 = arith.constant 16 : index
        %get3A_1103 = tpu.vector_load %arg10[%get3A_1101, %get3A_1102] {strides = array<i32>} : memref<128x128xf32, #tpu.memory_space<vmem>>, vector<1x16xf32>,
        %get3A_1104 = vector.shape_cast %get3A_1103 : vector<1x16xf32> to vector<16xf32>
        %mul3A_1105 = arith.mulf %get3A_1104, %broadcast_in_dim3A_1078 : vector<16xf32>
        %mul3A_1106 = arith.constant 16 : i32
        %mul3A_1107 = arith.muli %scan3A_45, %mul3A_1106 : i32
        %add3A_1108 = arith.constant 7 : i32
        %add3A_1109 = arith.addi %mul3A_1107, %add3A_1108 : i32
        %swap3A_1110 = arith.index_cast %add3A_1109 : i32 to index
        %swap3A_1111 = arith.constant 16 : index
        %swap3A_1112 = tpu.vector_load %arg10[%swap3A_1110, %swap3A_1111] {strides = array<i32>} : memref<128x128xf32, #tpu.memory_space<vmem>>, vector<1x16xf32>,
        %swap3A_1113 = vector.shape_cast %swap3A_1112 : vector<1x16xf32> to vector<16xf32>
        %swap3A_1114 = vector.shape_cast %mul3A_1105 : vector<16xf32> to vector<1x16xf32>
        tpu.vector_store %arg10[%swap3A_1110, %swap3A_1111], %swap3A_1114 {strides = array<i32>} : memref<128x128xf32, #tpu.memory_space<vmem>>, vector<1x16xf32>,
        %mul3A_1115 = arith.constant 16 : i32
        %mul3A_1116 = arith.muli %scan3A_45, %mul3A_1115 : i32
        %add3A_1117 = arith.constant 7 : i32
        %add3A_1118 = arith.addi %mul3A_1116, %add3A_1117 : i32
        %get3A_1119 = arith.index_cast %add3A_1118 : i32 to index
        %get3A_1120 = arith.constant 32 : index
        %get3A_1121 = tpu.vector_load %arg10[%get3A_1119, %get3A_1120] {strides = array<i32>} : memref<128x128xf32, #tpu.memory_space<vmem>>, vector<1x16xf32>,
        %get3A_1122 = vector.shape_cast %get3A_1121 : vector<1x16xf32> to vector<16xf32>
        %mul3A_1123 = arith.mulf %get3A_1122, %broadcast_in_dim3A_1078 : vector<16xf32>
        %mul3A_1124 = arith.constant 16 : i32
        %mul3A_1125 = arith.muli %scan3A_45, %mul3A_1124 : i32
        %add3A_1126 = arith.constant 7 : i32
        %add3A_1127 = arith.addi %mul3A_1125, %add3A_1126 : i32
        %swap3A_1128 = arith.index_cast %add3A_1127 : i32 to index
        %swap3A_1129 = arith.constant 32 : index
        %swap3A_1130 = tpu.vector_load %arg10[%swap3A_1128, %swap3A_1129] {strides = array<i32>} : memref<128x128xf32, #tpu.memory_space<vmem>>, vector<1x16xf32>,
        %swap3A_1131 = vector.shape_cast %swap3A_1130 : vector<1x16xf32> to vector<16xf32>
        %swap3A_1132 = vector.shape_cast %mul3A_1123 : vector<16xf32> to vector<1x16xf32>
        tpu.vector_store %arg10[%swap3A_1128, %swap3A_1129], %swap3A_1132 {strides = array<i32>} : memref<128x128xf32, #tpu.memory_space<vmem>>, vector<1x16xf32>,
        %mul3A_1133 = arith.constant 16 : i32
        %mul3A_1134 = arith.muli %scan3A_45, %mul3A_1133 : i32
        %add3A_1135 = arith.constant 7 : i32
        %add3A_1136 = arith.addi %mul3A_1134, %add3A_1135 : i32
        %get3A_1137 = arith.index_cast %add3A_1136 : i32 to index
        %get3A_1138 = arith.constant 48 : index
        %get3A_1139 = tpu.vector_load %arg10[%get3A_1137, %get3A_1138] {strides = array<i32>} : memref<128x128xf32, #tpu.memory_space<vmem>>, vector<1x16xf32>,
        %get3A_1140 = vector.shape_cast %get3A_1139 : vector<1x16xf32> to vector<16xf32>
        %mul3A_1141 = arith.mulf %get3A_1140, %broadcast_in_dim3A_1078 : vector<16xf32>
        %mul3A_1142 = arith.constant 16 : i32
        %mul3A_1143 = arith.muli %scan3A_45, %mul3A_1142 : i32
        %add3A_1144 = arith.constant 7 : i32
        %add3A_1145 = arith.addi %mul3A_1143, %add3A_1144 : i32
        %swap3A_1146 = arith.index_cast %add3A_1145 : i32 to index
        %swap3A_1147 = arith.constant 48 : index
        %swap3A_1148 = tpu.vector_load %arg10[%swap3A_1146, %swap3A_1147] {strides = array<i32>} : memref<128x128xf32, #tpu.memory_space<vmem>>, vector<1x16xf32>,
        %swap3A_1149 = vector.shape_cast %swap3A_1148 : vector<1x16xf32> to vector<16xf32>
        %swap3A_1150 = vector.shape_cast %mul3A_1141 : vector<16xf32> to vector<1x16xf32>
        tpu.vector_store %arg10[%swap3A_1146, %swap3A_1147], %swap3A_1150 {strides = array<i32>} : memref<128x128xf32, #tpu.memory_space<vmem>>, vector<1x16xf32>,
        %mul3A_1151 = arith.constant 16 : i32
        %mul3A_1152 = arith.muli %scan3A_45, %mul3A_1151 : i32
        %add3A_1153 = arith.constant 7 : i32
        %add3A_1154 = arith.addi %mul3A_1152, %add3A_1153 : i32
        %get3A_1155 = arith.index_cast %add3A_1154 : i32 to index
        %get3A_1156 = arith.constant 64 : index
        %get3A_1157 = tpu.vector_load %arg10[%get3A_1155, %get3A_1156] {strides = array<i32>} : memref<128x128xf32, #tpu.memory_space<vmem>>, vector<1x16xf32>,
        %get3A_1158 = vector.shape_cast %get3A_1157 : vector<1x16xf32> to vector<16xf32>
        %mul3A_1159 = arith.mulf %get3A_1158, %broadcast_in_dim3A_1078 : vector<16xf32>
        %mul3A_1160 = arith.constant 16 : i32
        %mul3A_1161 = arith.muli %scan3A_45, %mul3A_1160 : i32
        %add3A_1162 = arith.constant 7 : i32
        %add3A_1163 = arith.addi %mul3A_1161, %add3A_1162 : i32
        %swap3A_1164 = arith.index_cast %add3A_1163 : i32 to index
        %swap3A_1165 = arith.constant 64 : index
        %swap3A_1166 = tpu.vector_load %arg10[%swap3A_1164, %swap3A_1165] {strides = array<i32>} : memref<128x128xf32, #tpu.memory_space<vmem>>, vector<1x16xf32>,
        %swap3A_1167 = vector.shape_cast %swap3A_1166 : vector<1x16xf32> to vector<16xf32>
        %swap3A_1168 = vector.shape_cast %mul3A_1159 : vector<16xf32> to vector<1x16xf32>
        tpu.vector_store %arg10[%swap3A_1164, %swap3A_1165], %swap3A_1168 {strides = array<i32>} : memref<128x128xf32, #tpu.memory_space<vmem>>, vector<1x16xf32>,
        %mul3A_1169 = arith.constant 16 : i32
        %mul3A_1170 = arith.muli %scan3A_45, %mul3A_1169 : i32
        %add3A_1171 = arith.constant 7 : i32
        %add3A_1172 = arith.addi %mul3A_1170, %add3A_1171 : i32
        %get3A_1173 = arith.index_cast %add3A_1172 : i32 to index
        %get3A_1174 = arith.constant 80 : index
        %get3A_1175 = tpu.vector_load %arg10[%get3A_1173, %get3A_1174] {strides = array<i32>} : memref<128x128xf32, #tpu.memory_space<vmem>>, vector<1x16xf32>,
        %get3A_1176 = vector.shape_cast %get3A_1175 : vector<1x16xf32> to vector<16xf32>
        %mul3A_1177 = arith.mulf %get3A_1176, %broadcast_in_dim3A_1078 : vector<16xf32>
        %mul3A_1178 = arith.constant 16 : i32
        %mul3A_1179 = arith.muli %scan3A_45, %mul3A_1178 : i32
        %add3A_1180 = arith.constant 7 : i32
        %add3A_1181 = arith.addi %mul3A_1179, %add3A_1180 : i32
        %swap3A_1182 = arith.index_cast %add3A_1181 : i32 to index
        %swap3A_1183 = arith.constant 80 : index
        %swap3A_1184 = tpu.vector_load %arg10[%swap3A_1182, %swap3A_1183] {strides = array<i32>} : memref<128x128xf32, #tpu.memory_space<vmem>>, vector<1x16xf32>,
        %swap3A_1185 = vector.shape_cast %swap3A_1184 : vector<1x16xf32> to vector<16xf32>
        %swap3A_1186 = vector.shape_cast %mul3A_1177 : vector<16xf32> to vector<1x16xf32>
        tpu.vector_store %arg10[%swap3A_1182, %swap3A_1183], %swap3A_1186 {strides = array<i32>} : memref<128x128xf32, #tpu.memory_space<vmem>>, vector<1x16xf32>,
        %mul3A_1187 = arith.constant 16 : i32
        %mul3A_1188 = arith.muli %scan3A_45, %mul3A_1187 : i32
        %add3A_1189 = arith.constant 7 : i32
        %add3A_1190 = arith.addi %mul3A_1188, %add3A_1189 : i32
        %get3A_1191 = arith.index_cast %add3A_1190 : i32 to index
        %get3A_1192 = arith.constant 96 : index
        %get3A_1193 = tpu.vector_load %arg10[%get3A_1191, %get3A_1192] {strides = array<i32>} : memref<128x128xf32, #tpu.memory_space<vmem>>, vector<1x16xf32>,
        %get3A_1194 = vector.shape_cast %get3A_1193 : vector<1x16xf32> to vector<16xf32>
        %mul3A_1195 = arith.mulf %get3A_1194, %broadcast_in_dim3A_1078 : vector<16xf32>
        %mul3A_1196 = arith.constant 16 : i32
        %mul3A_1197 = arith.muli %scan3A_45, %mul3A_1196 : i32
        %add3A_1198 = arith.constant 7 : i32
        %add3A_1199 = arith.addi %mul3A_1197, %add3A_1198 : i32
        %swap3A_1200 = arith.index_cast %add3A_1199 : i32 to index
        %swap3A_1201 = arith.constant 96 : index
        %swap3A_1202 = tpu.vector_load %arg10[%swap3A_1200, %swap3A_1201] {strides = array<i32>} : memref<128x128xf32, #tpu.memory_space<vmem>>, vector<1x16xf32>,
        %swap3A_1203 = vector.shape_cast %swap3A_1202 : vector<1x16xf32> to vector<16xf32>
        %swap3A_1204 = vector.shape_cast %mul3A_1195 : vector<16xf32> to vector<1x16xf32>
        tpu.vector_store %arg10[%swap3A_1200, %swap3A_1201], %swap3A_1204 {strides = array<i32>} : memref<128x128xf32, #tpu.memory_space<vmem>>, vector<1x16xf32>,
        %mul3A_1205 = arith.constant 16 : i32
        %mul3A_1206 = arith.muli %scan3A_45, %mul3A_1205 : i32
        %add3A_1207 = arith.constant 7 : i32
        %add3A_1208 = arith.addi %mul3A_1206, %add3A_1207 : i32
        %get3A_1209 = arith.index_cast %add3A_1208 : i32 to index
        %get3A_1210 = arith.constant 112 : index
        %get3A_1211 = tpu.vector_load %arg10[%get3A_1209, %get3A_1210] {strides = array<i32>} : memref<128x128xf32, #tpu.memory_space<vmem>>, vector<1x16xf32>,
        %get3A_1212 = vector.shape_cast %get3A_1211 : vector<1x16xf32> to vector<16xf32>
        %mul3A_1213 = arith.mulf %get3A_1212, %broadcast_in_dim3A_1078 : vector<16xf32>
        %mul3A_1214 = arith.constant 16 : i32
        %mul3A_1215 = arith.muli %scan3A_45, %mul3A_1214 : i32
        %add3A_1216 = arith.constant 7 : i32
        %add3A_1217 = arith.addi %mul3A_1215, %add3A_1216 : i32
        %swap3A_1218 = arith.index_cast %add3A_1217 : i32 to index
        %swap3A_1219 = arith.constant 112 : index
        %swap3A_1220 = tpu.vector_load %arg10[%swap3A_1218, %swap3A_1219] {strides = array<i32>} : memref<128x128xf32, #tpu.memory_space<vmem>>, vector<1x16xf32>,
        %swap3A_1221 = vector.shape_cast %swap3A_1220 : vector<1x16xf32> to vector<16xf32>
        %swap3A_1222 = vector.shape_cast %mul3A_1213 : vector<16xf32> to vector<1x16xf32>
        tpu.vector_store %arg10[%swap3A_1218, %swap3A_1219], %swap3A_1222 {strides = array<i32>} : memref<128x128xf32, #tpu.memory_space<vmem>>, vector<1x16xf32>,
        %slice3A_1223 = vector.extract_strided_slice %get3A_50 {offsets = [8], sizes = [1], strides = [1]} : vector<16xf32> to vector<1xf32>
        %squeeze3A_1224 = vector.extract %slice3A_1223[0] : f32 from vector<1xf32>
        %broadcast_in_dim3A_1225 = vector.broadcast %squeeze3A_1224 : f32 to vector<16xf32>
        %mul3A_1226 = arith.constant 16 : i32
        %mul3A_1227 = arith.muli %scan3A_45, %mul3A_1226 : i32
        %add3A_1228 = arith.constant 8 : i32
        %add3A_1229 = arith.addi %mul3A_1227, %add3A_1228 : i32
        %get3A_1230 = arith.index_cast %add3A_1229 : i32 to index
        %get3A_1231 = arith.constant 0 : index
        %get3A_1232 = tpu.vector_load %arg10[%get3A_1230, %get3A_1231] {strides = array<i32>} : memref<128x128xf32, #tpu.memory_space<vmem>>, vector<1x16xf32>,
        %get3A_1233 = vector.shape_cast %get3A_1232 : vector<1x16xf32> to vector<16xf32>
        %mul3A_1234 = arith.mulf %get3A_1233, %broadcast_in_dim3A_1225 : vector<16xf32>
        %mul3A_1235 = arith.constant 16 : i32
        %mul3A_1236 = arith.muli %scan3A_45, %mul3A_1235 : i32
        %add3A_1237 = arith.constant 8 : i32
        %add3A_1238 = arith.addi %mul3A_1236, %add3A_1237 : i32
        %swap3A_1239 = arith.index_cast %add3A_1238 : i32 to index
        %swap3A_1240 = arith.constant 0 : index
        %swap3A_1241 = tpu.vector_load %arg10[%swap3A_1239, %swap3A_1240] {strides = array<i32>} : memref<128x128xf32, #tpu.memory_space<vmem>>, vector<1x16xf32>,
        %swap3A_1242 = vector.shape_cast %swap3A_1241 : vector<1x16xf32> to vector<16xf32>
        %swap3A_1243 = vector.shape_cast %mul3A_1234 : vector<16xf32> to vector<1x16xf32>
        tpu.vector_store %arg10[%swap3A_1239, %swap3A_1240], %swap3A_1243 {strides = array<i32>} : memref<128x128xf32, #tpu.memory_space<vmem>>, vector<1x16xf32>,
        %mul3A_1244 = arith.constant 16 : i32
        %mul3A_1245 = arith.muli %scan3A_45, %mul3A_1244 : i32
        %add3A_1246 = arith.constant 8 : i32
        %add3A_1247 = arith.addi %mul3A_1245, %add3A_1246 : i32
        %get3A_1248 = arith.index_cast %add3A_1247 : i32 to index
        %get3A_1249 = arith.constant 16 : index
        %get3A_1250 = tpu.vector_load %arg10[%get3A_1248, %get3A_1249] {strides = array<i32>} : memref<128x128xf32, #tpu.memory_space<vmem>>, vector<1x16xf32>,
        %get3A_1251 = vector.shape_cast %get3A_1250 : vector<1x16xf32> to vector<16xf32>
        %mul3A_1252 = arith.mulf %get3A_1251, %broadcast_in_dim3A_1225 : vector<16xf32>
        %mul3A_1253 = arith.constant 16 : i32
        %mul3A_1254 = arith.muli %scan3A_45, %mul3A_1253 : i32
        %add3A_1255 = arith.constant 8 : i32
        %add3A_1256 = arith.addi %mul3A_1254, %add3A_1255 : i32
        %swap3A_1257 = arith.index_cast %add3A_1256 : i32 to index
        %swap3A_1258 = arith.constant 16 : index
        %swap3A_1259 = tpu.vector_load %arg10[%swap3A_1257, %swap3A_1258] {strides = array<i32>} : memref<128x128xf32, #tpu.memory_space<vmem>>, vector<1x16xf32>,
        %swap3A_1260 = vector.shape_cast %swap3A_1259 : vector<1x16xf32> to vector<16xf32>
        %swap3A_1261 = vector.shape_cast %mul3A_1252 : vector<16xf32> to vector<1x16xf32>
        tpu.vector_store %arg10[%swap3A_1257, %swap3A_1258], %swap3A_1261 {strides = array<i32>} : memref<128x128xf32, #tpu.memory_space<vmem>>, vector<1x16xf32>,
        %mul3A_1262 = arith.constant 16 : i32
        %mul3A_1263 = arith.muli %scan3A_45, %mul3A_1262 : i32
        %add3A_1264 = arith.constant 8 : i32
        %add3A_1265 = arith.addi %mul3A_1263, %add3A_1264 : i32
        %get3A_1266 = arith.index_cast %add3A_1265 : i32 to index
        %get3A_1267 = arith.constant 32 : index
        %get3A_1268 = tpu.vector_load %arg10[%get3A_1266, %get3A_1267] {strides = array<i32>} : memref<128x128xf32, #tpu.memory_space<vmem>>, vector<1x16xf32>,
        %get3A_1269 = vector.shape_cast %get3A_1268 : vector<1x16xf32> to vector<16xf32>
        %mul3A_1270 = arith.mulf %get3A_1269, %broadcast_in_dim3A_1225 : vector<16xf32>
        %mul3A_1271 = arith.constant 16 : i32
        %mul3A_1272 = arith.muli %scan3A_45, %mul3A_1271 : i32
        %add3A_1273 = arith.constant 8 : i32
        %add3A_1274 = arith.addi %mul3A_1272, %add3A_1273 : i32
        %swap3A_1275 = arith.index_cast %add3A_1274 : i32 to index
        %swap3A_1276 = arith.constant 32 : index
        %swap3A_1277 = tpu.vector_load %arg10[%swap3A_1275, %swap3A_1276] {strides = array<i32>} : memref<128x128xf32, #tpu.memory_space<vmem>>, vector<1x16xf32>,
        %swap3A_1278 = vector.shape_cast %swap3A_1277 : vector<1x16xf32> to vector<16xf32>
        %swap3A_1279 = vector.shape_cast %mul3A_1270 : vector<16xf32> to vector<1x16xf32>
        tpu.vector_store %arg10[%swap3A_1275, %swap3A_1276], %swap3A_1279 {strides = array<i32>} : memref<128x128xf32, #tpu.memory_space<vmem>>, vector<1x16xf32>,
        %mul3A_1280 = arith.constant 16 : i32
        %mul3A_1281 = arith.muli %scan3A_45, %mul3A_1280 : i32
        %add3A_1282 = arith.constant 8 : i32
        %add3A_1283 = arith.addi %mul3A_1281, %add3A_1282 : i32
        %get3A_1284 = arith.index_cast %add3A_1283 : i32 to index
        %get3A_1285 = arith.constant 48 : index
        %get3A_1286 = tpu.vector_load %arg10[%get3A_1284, %get3A_1285] {strides = array<i32>} : memref<128x128xf32, #tpu.memory_space<vmem>>, vector<1x16xf32>,
        %get3A_1287 = vector.shape_cast %get3A_1286 : vector<1x16xf32> to vector<16xf32>
        %mul3A_1288 = arith.mulf %get3A_1287, %broadcast_in_dim3A_1225 : vector<16xf32>
        %mul3A_1289 = arith.constant 16 : i32
        %mul3A_1290 = arith.muli %scan3A_45, %mul3A_1289 : i32
        %add3A_1291 = arith.constant 8 : i32
        %add3A_1292 = arith.addi %mul3A_1290, %add3A_1291 : i32
        %swap3A_1293 = arith.index_cast %add3A_1292 : i32 to index
        %swap3A_1294 = arith.constant 48 : index
        %swap3A_1295 = tpu.vector_load %arg10[%swap3A_1293, %swap3A_1294] {strides = array<i32>} : memref<128x128xf32, #tpu.memory_space<vmem>>, vector<1x16xf32>,
        %swap3A_1296 = vector.shape_cast %swap3A_1295 : vector<1x16xf32> to vector<16xf32>
        %swap3A_1297 = vector.shape_cast %mul3A_1288 : vector<16xf32> to vector<1x16xf32>
        tpu.vector_store %arg10[%swap3A_1293, %swap3A_1294], %swap3A_1297 {strides = array<i32>} : memref<128x128xf32, #tpu.memory_space<vmem>>, vector<1x16xf32>,
        %mul3A_1298 = arith.constant 16 : i32
        %mul3A_1299 = arith.muli %scan3A_45, %mul3A_1298 : i32
        %add3A_1300 = arith.constant 8 : i32
        %add3A_1301 = arith.addi %mul3A_1299, %add3A_1300 : i32
        %get3A_1302 = arith.index_cast %add3A_1301 : i32 to index
        %get3A_1303 = arith.constant 64 : index
        %get3A_1304 = tpu.vector_load %arg10[%get3A_1302, %get3A_1303] {strides = array<i32>} : memref<128x128xf32, #tpu.memory_space<vmem>>, vector<1x16xf32>,
        %get3A_1305 = vector.shape_cast %get3A_1304 : vector<1x16xf32> to vector<16xf32>
        %mul3A_1306 = arith.mulf %get3A_1305, %broadcast_in_dim3A_1225 : vector<16xf32>
        %mul3A_1307 = arith.constant 16 : i32
        %mul3A_1308 = arith.muli %scan3A_45, %mul3A_1307 : i32
        %add3A_1309 = arith.constant 8 : i32
        %add3A_1310 = arith.addi %mul3A_1308, %add3A_1309 : i32
        %swap3A_1311 = arith.index_cast %add3A_1310 : i32 to index
        %swap3A_1312 = arith.constant 64 : index
        %swap3A_1313 = tpu.vector_load %arg10[%swap3A_1311, %swap3A_1312] {strides = array<i32>} : memref<128x128xf32, #tpu.memory_space<vmem>>, vector<1x16xf32>,
        %swap3A_1314 = vector.shape_cast %swap3A_1313 : vector<1x16xf32> to vector<16xf32>
        %swap3A_1315 = vector.shape_cast %mul3A_1306 : vector<16xf32> to vector<1x16xf32>
        tpu.vector_store %arg10[%swap3A_1311, %swap3A_1312], %swap3A_1315 {strides = array<i32>} : memref<128x128xf32, #tpu.memory_space<vmem>>, vector<1x16xf32>,
        %mul3A_1316 = arith.constant 16 : i32
        %mul3A_1317 = arith.muli %scan3A_45, %mul3A_1316 : i32
        %add3A_1318 = arith.constant 8 : i32
        %add3A_1319 = arith.addi %mul3A_1317, %add3A_1318 : i32
        %get3A_1320 = arith.index_cast %add3A_1319 : i32 to index
        %get3A_1321 = arith.constant 80 : index
        %get3A_1322 = tpu.vector_load %arg10[%get3A_1320, %get3A_1321] {strides = array<i32>} : memref<128x128xf32, #tpu.memory_space<vmem>>, vector<1x16xf32>,
        %get3A_1323 = vector.shape_cast %get3A_1322 : vector<1x16xf32> to vector<16xf32>
        %mul3A_1324 = arith.mulf %get3A_1323, %broadcast_in_dim3A_1225 : vector<16xf32>
        %mul3A_1325 = arith.constant 16 : i32
        %mul3A_1326 = arith.muli %scan3A_45, %mul3A_1325 : i32
        %add3A_1327 = arith.constant 8 : i32
        %add3A_1328 = arith.addi %mul3A_1326, %add3A_1327 : i32
        %swap3A_1329 = arith.index_cast %add3A_1328 : i32 to index
        %swap3A_1330 = arith.constant 80 : index
        %swap3A_1331 = tpu.vector_load %arg10[%swap3A_1329, %swap3A_1330] {strides = array<i32>} : memref<128x128xf32, #tpu.memory_space<vmem>>, vector<1x16xf32>,
        %swap3A_1332 = vector.shape_cast %swap3A_1331 : vector<1x16xf32> to vector<16xf32>
        %swap3A_1333 = vector.shape_cast %mul3A_1324 : vector<16xf32> to vector<1x16xf32>
        tpu.vector_store %arg10[%swap3A_1329, %swap3A_1330], %swap3A_1333 {strides = array<i32>} : memref<128x128xf32, #tpu.memory_space<vmem>>, vector<1x16xf32>,
        %mul3A_1334 = arith.constant 16 : i32
        %mul3A_1335 = arith.muli %scan3A_45, %mul3A_1334 : i32
        %add3A_1336 = arith.constant 8 : i32
        %add3A_1337 = arith.addi %mul3A_1335, %add3A_1336 : i32
        %get3A_1338 = arith.index_cast %add3A_1337 : i32 to index
        %get3A_1339 = arith.constant 96 : index
        %get3A_1340 = tpu.vector_load %arg10[%get3A_1338, %get3A_1339] {strides = array<i32>} : memref<128x128xf32, #tpu.memory_space<vmem>>, vector<1x16xf32>,
        %get3A_1341 = vector.shape_cast %get3A_1340 : vector<1x16xf32> to vector<16xf32>
        %mul3A_1342 = arith.mulf %get3A_1341, %broadcast_in_dim3A_1225 : vector<16xf32>
        %mul3A_1343 = arith.constant 16 : i32
        %mul3A_1344 = arith.muli %scan3A_45, %mul3A_1343 : i32
        %add3A_1345 = arith.constant 8 : i32
        %add3A_1346 = arith.addi %mul3A_1344, %add3A_1345 : i32
        %swap3A_1347 = arith.index_cast %add3A_1346 : i32 to index
        %swap3A_1348 = arith.constant 96 : index
        %swap3A_1349 = tpu.vector_load %arg10[%swap3A_1347, %swap3A_1348] {strides = array<i32>} : memref<128x128xf32, #tpu.memory_space<vmem>>, vector<1x16xf32>,
        %swap3A_1350 = vector.shape_cast %swap3A_1349 : vector<1x16xf32> to vector<16xf32>
        %swap3A_1351 = vector.shape_cast %mul3A_1342 : vector<16xf32> to vector<1x16xf32>
        tpu.vector_store %arg10[%swap3A_1347, %swap3A_1348], %swap3A_1351 {strides = array<i32>} : memref<128x128xf32, #tpu.memory_space<vmem>>, vector<1x16xf32>,
        %mul3A_1352 = arith.constant 16 : i32
        %mul3A_1353 = arith.muli %scan3A_45, %mul3A_1352 : i32
        %add3A_1354 = arith.constant 8 : i32
        %add3A_1355 = arith.addi %mul3A_1353, %add3A_1354 : i32
        %get3A_1356 = arith.index_cast %add3A_1355 : i32 to index
        %get3A_1357 = arith.constant 112 : index
        %get3A_1358 = tpu.vector_load %arg10[%get3A_1356, %get3A_1357] {strides = array<i32>} : memref<128x128xf32, #tpu.memory_space<vmem>>, vector<1x16xf32>,
        %get3A_1359 = vector.shape_cast %get3A_1358 : vector<1x16xf32> to vector<16xf32>
        %mul3A_1360 = arith.mulf %get3A_1359, %broadcast_in_dim3A_1225 : vector<16xf32>
        %mul3A_1361 = arith.constant 16 : i32
        %mul3A_1362 = arith.muli %scan3A_45, %mul3A_1361 : i32
        %add3A_1363 = arith.constant 8 : i32
        %add3A_1364 = arith.addi %mul3A_1362, %add3A_1363 : i32
        %swap3A_1365 = arith.index_cast %add3A_1364 : i32 to index
        %swap3A_1366 = arith.constant 112 : index
        %swap3A_1367 = tpu.vector_load %arg10[%swap3A_1365, %swap3A_1366] {strides = array<i32>} : memref<128x128xf32, #tpu.memory_space<vmem>>, vector<1x16xf32>,
        %swap3A_1368 = vector.shape_cast %swap3A_1367 : vector<1x16xf32> to vector<16xf32>
        %swap3A_1369 = vector.shape_cast %mul3A_1360 : vector<16xf32> to vector<1x16xf32>
        tpu.vector_store %arg10[%swap3A_1365, %swap3A_1366], %swap3A_1369 {strides = array<i32>} : memref<128x128xf32, #tpu.memory_space<vmem>>, vector<1x16xf32>,
        %slice3A_1370 = vector.extract_strided_slice %get3A_50 {offsets = [9], sizes = [1], strides = [1]} : vector<16xf32> to vector<1xf32>
        %squeeze3A_1371 = vector.extract %slice3A_1370[0] : f32 from vector<1xf32>
        %broadcast_in_dim3A_1372 = vector.broadcast %squeeze3A_1371 : f32 to vector<16xf32>
        %mul3A_1373 = arith.constant 16 : i32
        %mul3A_1374 = arith.muli %scan3A_45, %mul3A_1373 : i32
        %add3A_1375 = arith.constant 9 : i32
        %add3A_1376 = arith.addi %mul3A_1374, %add3A_1375 : i32
        %get3A_1377 = arith.index_cast %add3A_1376 : i32 to index
        %get3A_1378 = arith.constant 0 : index
        %get3A_1379 = tpu.vector_load %arg10[%get3A_1377, %get3A_1378] {strides = array<i32>} : memref<128x128xf32, #tpu.memory_space<vmem>>, vector<1x16xf32>,
        %get3A_1380 = vector.shape_cast %get3A_1379 : vector<1x16xf32> to vector<16xf32>
        %mul3A_1381 = arith.mulf %get3A_1380, %broadcast_in_dim3A_1372 : vector<16xf32>
        %mul3A_1382 = arith.constant 16 : i32
        %mul3A_1383 = arith.muli %scan3A_45, %mul3A_1382 : i32
        %add3A_1384 = arith.constant 9 : i32
        %add3A_1385 = arith.addi %mul3A_1383, %add3A_1384 : i32
        %swap3A_1386 = arith.index_cast %add3A_1385 : i32 to index
        %swap3A_1387 = arith.constant 0 : index
        %swap3A_1388 = tpu.vector_load %arg10[%swap3A_1386, %swap3A_1387] {strides = array<i32>} : memref<128x128xf32, #tpu.memory_space<vmem>>, vector<1x16xf32>,
        %swap3A_1389 = vector.shape_cast %swap3A_1388 : vector<1x16xf32> to vector<16xf32>
        %swap3A_1390 = vector.shape_cast %mul3A_1381 : vector<16xf32> to vector<1x16xf32>
        tpu.vector_store %arg10[%swap3A_1386, %swap3A_1387], %swap3A_1390 {strides = array<i32>} : memref<128x128xf32, #tpu.memory_space<vmem>>, vector<1x16xf32>,
        %mul3A_1391 = arith.constant 16 : i32
        %mul3A_1392 = arith.muli %scan3A_45, %mul3A_1391 : i32
        %add3A_1393 = arith.constant 9 : i32
        %add3A_1394 = arith.addi %mul3A_1392, %add3A_1393 : i32
        %get3A_1395 = arith.index_cast %add3A_1394 : i32 to index
        %get3A_1396 = arith.constant 16 : index
        %get3A_1397 = tpu.vector_load %arg10[%get3A_1395, %get3A_1396] {strides = array<i32>} : memref<128x128xf32, #tpu.memory_space<vmem>>, vector<1x16xf32>,
        %get3A_1398 = vector.shape_cast %get3A_1397 : vector<1x16xf32> to vector<16xf32>
        %mul3A_1399 = arith.mulf %get3A_1398, %broadcast_in_dim3A_1372 : vector<16xf32>
        %mul3A_1400 = arith.constant 16 : i32
        %mul3A_1401 = arith.muli %scan3A_45, %mul3A_1400 : i32
        %add3A_1402 = arith.constant 9 : i32
        %add3A_1403 = arith.addi %mul3A_1401, %add3A_1402 : i32
        %swap3A_1404 = arith.index_cast %add3A_1403 : i32 to index
        %swap3A_1405 = arith.constant 16 : index
        %swap3A_1406 = tpu.vector_load %arg10[%swap3A_1404, %swap3A_1405] {strides = array<i32>} : memref<128x128xf32, #tpu.memory_space<vmem>>, vector<1x16xf32>,
        %swap3A_1407 = vector.shape_cast %swap3A_1406 : vector<1x16xf32> to vector<16xf32>
        %swap3A_1408 = vector.shape_cast %mul3A_1399 : vector<16xf32> to vector<1x16xf32>
        tpu.vector_store %arg10[%swap3A_1404, %swap3A_1405], %swap3A_1408 {strides = array<i32>} : memref<128x128xf32, #tpu.memory_space<vmem>>, vector<1x16xf32>,
        %mul3A_1409 = arith.constant 16 : i32
        %mul3A_1410 = arith.muli %scan3A_45, %mul3A_1409 : i32
        %add3A_1411 = arith.constant 9 : i32
        %add3A_1412 = arith.addi %mul3A_1410, %add3A_1411 : i32
        %get3A_1413 = arith.index_cast %add3A_1412 : i32 to index
        %get3A_1414 = arith.constant 32 : index
        %get3A_1415 = tpu.vector_load %arg10[%get3A_1413, %get3A_1414] {strides = array<i32>} : memref<128x128xf32, #tpu.memory_space<vmem>>, vector<1x16xf32>,
        %get3A_1416 = vector.shape_cast %get3A_1415 : vector<1x16xf32> to vector<16xf32>
        %mul3A_1417 = arith.mulf %get3A_1416, %broadcast_in_dim3A_1372 : vector<16xf32>
        %mul3A_1418 = arith.constant 16 : i32
        %mul3A_1419 = arith.muli %scan3A_45, %mul3A_1418 : i32
        %add3A_1420 = arith.constant 9 : i32
        %add3A_1421 = arith.addi %mul3A_1419, %add3A_1420 : i32
        %swap3A_1422 = arith.index_cast %add3A_1421 : i32 to index
        %swap3A_1423 = arith.constant 32 : index
        %swap3A_1424 = tpu.vector_load %arg10[%swap3A_1422, %swap3A_1423] {strides = array<i32>} : memref<128x128xf32, #tpu.memory_space<vmem>>, vector<1x16xf32>,
        %swap3A_1425 = vector.shape_cast %swap3A_1424 : vector<1x16xf32> to vector<16xf32>
        %swap3A_1426 = vector.shape_cast %mul3A_1417 : vector<16xf32> to vector<1x16xf32>
        tpu.vector_store %arg10[%swap3A_1422, %swap3A_1423], %swap3A_1426 {strides = array<i32>} : memref<128x128xf32, #tpu.memory_space<vmem>>, vector<1x16xf32>,
        %mul3A_1427 = arith.constant 16 : i32
        %mul3A_1428 = arith.muli %scan3A_45, %mul3A_1427 : i32
        %add3A_1429 = arith.constant 9 : i32
        %add3A_1430 = arith.addi %mul3A_1428, %add3A_1429 : i32
        %get3A_1431 = arith.index_cast %add3A_1430 : i32 to index
        %get3A_1432 = arith.constant 48 : index
        %get3A_1433 = tpu.vector_load %arg10[%get3A_1431, %get3A_1432] {strides = array<i32>} : memref<128x128xf32, #tpu.memory_space<vmem>>, vector<1x16xf32>,
        %get3A_1434 = vector.shape_cast %get3A_1433 : vector<1x16xf32> to vector<16xf32>
        %mul3A_1435 = arith.mulf %get3A_1434, %broadcast_in_dim3A_1372 : vector<16xf32>
        %mul3A_1436 = arith.constant 16 : i32
        %mul3A_1437 = arith.muli %scan3A_45, %mul3A_1436 : i32
        %add3A_1438 = arith.constant 9 : i32
        %add3A_1439 = arith.addi %mul3A_1437, %add3A_1438 : i32
        %swap3A_1440 = arith.index_cast %add3A_1439 : i32 to index
        %swap3A_1441 = arith.constant 48 : index
        %swap3A_1442 = tpu.vector_load %arg10[%swap3A_1440, %swap3A_1441] {strides = array<i32>} : memref<128x128xf32, #tpu.memory_space<vmem>>, vector<1x16xf32>,
        %swap3A_1443 = vector.shape_cast %swap3A_1442 : vector<1x16xf32> to vector<16xf32>
        %swap3A_1444 = vector.shape_cast %mul3A_1435 : vector<16xf32> to vector<1x16xf32>
        tpu.vector_store %arg10[%swap3A_1440, %swap3A_1441], %swap3A_1444 {strides = array<i32>} : memref<128x128xf32, #tpu.memory_space<vmem>>, vector<1x16xf32>,
        %mul3A_1445 = arith.constant 16 : i32
        %mul3A_1446 = arith.muli %scan3A_45, %mul3A_1445 : i32
        %add3A_1447 = arith.constant 9 : i32
        %add3A_1448 = arith.addi %mul3A_1446, %add3A_1447 : i32
        %get3A_1449 = arith.index_cast %add3A_1448 : i32 to index
        %get3A_1450 = arith.constant 64 : index
        %get3A_1451 = tpu.vector_load %arg10[%get3A_1449, %get3A_1450] {strides = array<i32>} : memref<128x128xf32, #tpu.memory_space<vmem>>, vector<1x16xf32>,
        %get3A_1452 = vector.shape_cast %get3A_1451 : vector<1x16xf32> to vector<16xf32>
        %mul3A_1453 = arith.mulf %get3A_1452, %broadcast_in_dim3A_1372 : vector<16xf32>
        %mul3A_1454 = arith.constant 16 : i32
        %mul3A_1455 = arith.muli %scan3A_45, %mul3A_1454 : i32
        %add3A_1456 = arith.constant 9 : i32
        %add3A_1457 = arith.addi %mul3A_1455, %add3A_1456 : i32
        %swap3A_1458 = arith.index_cast %add3A_1457 : i32 to index
        %swap3A_1459 = arith.constant 64 : index
        %swap3A_1460 = tpu.vector_load %arg10[%swap3A_1458, %swap3A_1459] {strides = array<i32>} : memref<128x128xf32, #tpu.memory_space<vmem>>, vector<1x16xf32>,
        %swap3A_1461 = vector.shape_cast %swap3A_1460 : vector<1x16xf32> to vector<16xf32>
        %swap3A_1462 = vector.shape_cast %mul3A_1453 : vector<16xf32> to vector<1x16xf32>
        tpu.vector_store %arg10[%swap3A_1458, %swap3A_1459], %swap3A_1462 {strides = array<i32>} : memref<128x128xf32, #tpu.memory_space<vmem>>, vector<1x16xf32>,
        %mul3A_1463 = arith.constant 16 : i32
        %mul3A_1464 = arith.muli %scan3A_45, %mul3A_1463 : i32
        %add3A_1465 = arith.constant 9 : i32
        %add3A_1466 = arith.addi %mul3A_1464, %add3A_1465 : i32
        %get3A_1467 = arith.index_cast %add3A_1466 : i32 to index
        %get3A_1468 = arith.constant 80 : index
        %get3A_1469 = tpu.vector_load %arg10[%get3A_1467, %get3A_1468] {strides = array<i32>} : memref<128x128xf32, #tpu.memory_space<vmem>>, vector<1x16xf32>,
        %get3A_1470 = vector.shape_cast %get3A_1469 : vector<1x16xf32> to vector<16xf32>
        %mul3A_1471 = arith.mulf %get3A_1470, %broadcast_in_dim3A_1372 : vector<16xf32>
        %mul3A_1472 = arith.constant 16 : i32
        %mul3A_1473 = arith.muli %scan3A_45, %mul3A_1472 : i32
        %add3A_1474 = arith.constant 9 : i32
        %add3A_1475 = arith.addi %mul3A_1473, %add3A_1474 : i32
        %swap3A_1476 = arith.index_cast %add3A_1475 : i32 to index
        %swap3A_1477 = arith.constant 80 : index
        %swap3A_1478 = tpu.vector_load %arg10[%swap3A_1476, %swap3A_1477] {strides = array<i32>} : memref<128x128xf32, #tpu.memory_space<vmem>>, vector<1x16xf32>,
        %swap3A_1479 = vector.shape_cast %swap3A_1478 : vector<1x16xf32> to vector<16xf32>
        %swap3A_1480 = vector.shape_cast %mul3A_1471 : vector<16xf32> to vector<1x16xf32>
        tpu.vector_store %arg10[%swap3A_1476, %swap3A_1477], %swap3A_1480 {strides = array<i32>} : memref<128x128xf32, #tpu.memory_space<vmem>>, vector<1x16xf32>,
        %mul3A_1481 = arith.constant 16 : i32
        %mul3A_1482 = arith.muli %scan3A_45, %mul3A_1481 : i32
        %add3A_1483 = arith.constant 9 : i32
        %add3A_1484 = arith.addi %mul3A_1482, %add3A_1483 : i32
        %get3A_1485 = arith.index_cast %add3A_1484 : i32 to index
        %get3A_1486 = arith.constant 96 : index
        %get3A_1487 = tpu.vector_load %arg10[%get3A_1485, %get3A_1486] {strides = array<i32>} : memref<128x128xf32, #tpu.memory_space<vmem>>, vector<1x16xf32>,
        %get3A_1488 = vector.shape_cast %get3A_1487 : vector<1x16xf32> to vector<16xf32>
        %mul3A_1489 = arith.mulf %get3A_1488, %broadcast_in_dim3A_1372 : vector<16xf32>
        %mul3A_1490 = arith.constant 16 : i32
        %mul3A_1491 = arith.muli %scan3A_45, %mul3A_1490 : i32
        %add3A_1492 = arith.constant 9 : i32
        %add3A_1493 = arith.addi %mul3A_1491, %add3A_1492 : i32
        %swap3A_1494 = arith.index_cast %add3A_1493 : i32 to index
        %swap3A_1495 = arith.constant 96 : index
        %swap3A_1496 = tpu.vector_load %arg10[%swap3A_1494, %swap3A_1495] {strides = array<i32>} : memref<128x128xf32, #tpu.memory_space<vmem>>, vector<1x16xf32>,
        %swap3A_1497 = vector.shape_cast %swap3A_1496 : vector<1x16xf32> to vector<16xf32>
        %swap3A_1498 = vector.shape_cast %mul3A_1489 : vector<16xf32> to vector<1x16xf32>
        tpu.vector_store %arg10[%swap3A_1494, %swap3A_1495], %swap3A_1498 {strides = array<i32>} : memref<128x128xf32, #tpu.memory_space<vmem>>, vector<1x16xf32>,
        %mul3A_1499 = arith.constant 16 : i32
        %mul3A_1500 = arith.muli %scan3A_45, %mul3A_1499 : i32
        %add3A_1501 = arith.constant 9 : i32
        %add3A_1502 = arith.addi %mul3A_1500, %add3A_1501 : i32
        %get3A_1503 = arith.index_cast %add3A_1502 : i32 to index
        %get3A_1504 = arith.constant 112 : index
        %get3A_1505 = tpu.vector_load %arg10[%get3A_1503, %get3A_1504] {strides = array<i32>} : memref<128x128xf32, #tpu.memory_space<vmem>>, vector<1x16xf32>,
        %get3A_1506 = vector.shape_cast %get3A_1505 : vector<1x16xf32> to vector<16xf32>
        %mul3A_1507 = arith.mulf %get3A_1506, %broadcast_in_dim3A_1372 : vector<16xf32>
        %mul3A_1508 = arith.constant 16 : i32
        %mul3A_1509 = arith.muli %scan3A_45, %mul3A_1508 : i32
        %add3A_1510 = arith.constant 9 : i32
        %add3A_1511 = arith.addi %mul3A_1509, %add3A_1510 : i32
        %swap3A_1512 = arith.index_cast %add3A_1511 : i32 to index
        %swap3A_1513 = arith.constant 112 : index
        %swap3A_1514 = tpu.vector_load %arg10[%swap3A_1512, %swap3A_1513] {strides = array<i32>} : memref<128x128xf32, #tpu.memory_space<vmem>>, vector<1x16xf32>,
        %swap3A_1515 = vector.shape_cast %swap3A_1514 : vector<1x16xf32> to vector<16xf32>
        %swap3A_1516 = vector.shape_cast %mul3A_1507 : vector<16xf32> to vector<1x16xf32>
        tpu.vector_store %arg10[%swap3A_1512, %swap3A_1513], %swap3A_1516 {strides = array<i32>} : memref<128x128xf32, #tpu.memory_space<vmem>>, vector<1x16xf32>,
        %slice3A_1517 = vector.extract_strided_slice %get3A_50 {offsets = [10], sizes = [1], strides = [1]} : vector<16xf32> to vector<1xf32>
        %squeeze3A_1518 = vector.extract %slice3A_1517[0] : f32 from vector<1xf32>
        %broadcast_in_dim3A_1519 = vector.broadcast %squeeze3A_1518 : f32 to vector<16xf32>
        %mul3A_1520 = arith.constant 16 : i32
        %mul3A_1521 = arith.muli %scan3A_45, %mul3A_1520 : i32
        %add3A_1522 = arith.constant 10 : i32
        %add3A_1523 = arith.addi %mul3A_1521, %add3A_1522 : i32
        %get3A_1524 = arith.index_cast %add3A_1523 : i32 to index
        %get3A_1525 = arith.constant 0 : index
        %get3A_1526 = tpu.vector_load %arg10[%get3A_1524, %get3A_1525] {strides = array<i32>} : memref<128x128xf32, #tpu.memory_space<vmem>>, vector<1x16xf32>,
        %get3A_1527 = vector.shape_cast %get3A_1526 : vector<1x16xf32> to vector<16xf32>
        %mul3A_1528 = arith.mulf %get3A_1527, %broadcast_in_dim3A_1519 : vector<16xf32>
        %mul3A_1529 = arith.constant 16 : i32
        %mul3A_1530 = arith.muli %scan3A_45, %mul3A_1529 : i32
        %add3A_1531 = arith.constant 10 : i32
        %add3A_1532 = arith.addi %mul3A_1530, %add3A_1531 : i32
        %swap3A_1533 = arith.index_cast %add3A_1532 : i32 to index
        %swap3A_1534 = arith.constant 0 : index
        %swap3A_1535 = tpu.vector_load %arg10[%swap3A_1533, %swap3A_1534] {strides = array<i32>} : memref<128x128xf32, #tpu.memory_space<vmem>>, vector<1x16xf32>,
        %swap3A_1536 = vector.shape_cast %swap3A_1535 : vector<1x16xf32> to vector<16xf32>
        %swap3A_1537 = vector.shape_cast %mul3A_1528 : vector<16xf32> to vector<1x16xf32>
        tpu.vector_store %arg10[%swap3A_1533, %swap3A_1534], %swap3A_1537 {strides = array<i32>} : memref<128x128xf32, #tpu.memory_space<vmem>>, vector<1x16xf32>,
        %mul3A_1538 = arith.constant 16 : i32
        %mul3A_1539 = arith.muli %scan3A_45, %mul3A_1538 : i32
        %add3A_1540 = arith.constant 10 : i32
        %add3A_1541 = arith.addi %mul3A_1539, %add3A_1540 : i32
        %get3A_1542 = arith.index_cast %add3A_1541 : i32 to index
        %get3A_1543 = arith.constant 16 : index
        %get3A_1544 = tpu.vector_load %arg10[%get3A_1542, %get3A_1543] {strides = array<i32>} : memref<128x128xf32, #tpu.memory_space<vmem>>, vector<1x16xf32>,
        %get3A_1545 = vector.shape_cast %get3A_1544 : vector<1x16xf32> to vector<16xf32>
        %mul3A_1546 = arith.mulf %get3A_1545, %broadcast_in_dim3A_1519 : vector<16xf32>
        %mul3A_1547 = arith.constant 16 : i32
        %mul3A_1548 = arith.muli %scan3A_45, %mul3A_1547 : i32
        %add3A_1549 = arith.constant 10 : i32
        %add3A_1550 = arith.addi %mul3A_1548, %add3A_1549 : i32
        %swap3A_1551 = arith.index_cast %add3A_1550 : i32 to index
        %swap3A_1552 = arith.constant 16 : index
        %swap3A_1553 = tpu.vector_load %arg10[%swap3A_1551, %swap3A_1552] {strides = array<i32>} : memref<128x128xf32, #tpu.memory_space<vmem>>, vector<1x16xf32>,
        %swap3A_1554 = vector.shape_cast %swap3A_1553 : vector<1x16xf32> to vector<16xf32>
        %swap3A_1555 = vector.shape_cast %mul3A_1546 : vector<16xf32> to vector<1x16xf32>
        tpu.vector_store %arg10[%swap3A_1551, %swap3A_1552], %swap3A_1555 {strides = array<i32>} : memref<128x128xf32, #tpu.memory_space<vmem>>, vector<1x16xf32>,
        %mul3A_1556 = arith.constant 16 : i32
        %mul3A_1557 = arith.muli %scan3A_45, %mul3A_1556 : i32
        %add3A_1558 = arith.constant 10 : i32
        %add3A_1559 = arith.addi %mul3A_1557, %add3A_1558 : i32
        %get3A_1560 = arith.index_cast %add3A_1559 : i32 to index
        %get3A_1561 = arith.constant 32 : index
        %get3A_1562 = tpu.vector_load %arg10[%get3A_1560, %get3A_1561] {strides = array<i32>} : memref<128x128xf32, #tpu.memory_space<vmem>>, vector<1x16xf32>,
        %get3A_1563 = vector.shape_cast %get3A_1562 : vector<1x16xf32> to vector<16xf32>
        %mul3A_1564 = arith.mulf %get3A_1563, %broadcast_in_dim3A_1519 : vector<16xf32>
        %mul3A_1565 = arith.constant 16 : i32
        %mul3A_1566 = arith.muli %scan3A_45, %mul3A_1565 : i32
        %add3A_1567 = arith.constant 10 : i32
        %add3A_1568 = arith.addi %mul3A_1566, %add3A_1567 : i32
        %swap3A_1569 = arith.index_cast %add3A_1568 : i32 to index
        %swap3A_1570 = arith.constant 32 : index
        %swap3A_1571 = tpu.vector_load %arg10[%swap3A_1569, %swap3A_1570] {strides = array<i32>} : memref<128x128xf32, #tpu.memory_space<vmem>>, vector<1x16xf32>,
        %swap3A_1572 = vector.shape_cast %swap3A_1571 : vector<1x16xf32> to vector<16xf32>
        %swap3A_1573 = vector.shape_cast %mul3A_1564 : vector<16xf32> to vector<1x16xf32>
        tpu.vector_store %arg10[%swap3A_1569, %swap3A_1570], %swap3A_1573 {strides = array<i32>} : memref<128x128xf32, #tpu.memory_space<vmem>>, vector<1x16xf32>,
        %mul3A_1574 = arith.constant 16 : i32
        %mul3A_1575 = arith.muli %scan3A_45, %mul3A_1574 : i32
        %add3A_1576 = arith.constant 10 : i32
        %add3A_1577 = arith.addi %mul3A_1575, %add3A_1576 : i32
        %get3A_1578 = arith.index_cast %add3A_1577 : i32 to index
        %get3A_1579 = arith.constant 48 : index
        %get3A_1580 = tpu.vector_load %arg10[%get3A_1578, %get3A_1579] {strides = array<i32>} : memref<128x128xf32, #tpu.memory_space<vmem>>, vector<1x16xf32>,
        %get3A_1581 = vector.shape_cast %get3A_1580 : vector<1x16xf32> to vector<16xf32>
        %mul3A_1582 = arith.mulf %get3A_1581, %broadcast_in_dim3A_1519 : vector<16xf32>
        %mul3A_1583 = arith.constant 16 : i32
        %mul3A_1584 = arith.muli %scan3A_45, %mul3A_1583 : i32
        %add3A_1585 = arith.constant 10 : i32
        %add3A_1586 = arith.addi %mul3A_1584, %add3A_1585 : i32
        %swap3A_1587 = arith.index_cast %add3A_1586 : i32 to index
        %swap3A_1588 = arith.constant 48 : index
        %swap3A_1589 = tpu.vector_load %arg10[%swap3A_1587, %swap3A_1588] {strides = array<i32>} : memref<128x128xf32, #tpu.memory_space<vmem>>, vector<1x16xf32>,
        %swap3A_1590 = vector.shape_cast %swap3A_1589 : vector<1x16xf32> to vector<16xf32>
        %swap3A_1591 = vector.shape_cast %mul3A_1582 : vector<16xf32> to vector<1x16xf32>
        tpu.vector_store %arg10[%swap3A_1587, %swap3A_1588], %swap3A_1591 {strides = array<i32>} : memref<128x128xf32, #tpu.memory_space<vmem>>, vector<1x16xf32>,
        %mul3A_1592 = arith.constant 16 : i32
        %mul3A_1593 = arith.muli %scan3A_45, %mul3A_1592 : i32
        %add3A_1594 = arith.constant 10 : i32
        %add3A_1595 = arith.addi %mul3A_1593, %add3A_1594 : i32
        %get3A_1596 = arith.index_cast %add3A_1595 : i32 to index
        %get3A_1597 = arith.constant 64 : index
        %get3A_1598 = tpu.vector_load %arg10[%get3A_1596, %get3A_1597] {strides = array<i32>} : memref<128x128xf32, #tpu.memory_space<vmem>>, vector<1x16xf32>,
        %get3A_1599 = vector.shape_cast %get3A_1598 : vector<1x16xf32> to vector<16xf32>
        %mul3A_1600 = arith.mulf %get3A_1599, %broadcast_in_dim3A_1519 : vector<16xf32>
        %mul3A_1601 = arith.constant 16 : i32
        %mul3A_1602 = arith.muli %scan3A_45, %mul3A_1601 : i32
        %add3A_1603 = arith.constant 10 : i32
        %add3A_1604 = arith.addi %mul3A_1602, %add3A_1603 : i32
        %swap3A_1605 = arith.index_cast %add3A_1604 : i32 to index
        %swap3A_1606 = arith.constant 64 : index
        %swap3A_1607 = tpu.vector_load %arg10[%swap3A_1605, %swap3A_1606] {strides = array<i32>} : memref<128x128xf32, #tpu.memory_space<vmem>>, vector<1x16xf32>,
        %swap3A_1608 = vector.shape_cast %swap3A_1607 : vector<1x16xf32> to vector<16xf32>
        %swap3A_1609 = vector.shape_cast %mul3A_1600 : vector<16xf32> to vector<1x16xf32>
        tpu.vector_store %arg10[%swap3A_1605, %swap3A_1606], %swap3A_1609 {strides = array<i32>} : memref<128x128xf32, #tpu.memory_space<vmem>>, vector<1x16xf32>,
        %mul3A_1610 = arith.constant 16 : i32
        %mul3A_1611 = arith.muli %scan3A_45, %mul3A_1610 : i32
        %add3A_1612 = arith.constant 10 : i32
        %add3A_1613 = arith.addi %mul3A_1611, %add3A_1612 : i32
        %get3A_1614 = arith.index_cast %add3A_1613 : i32 to index
        %get3A_1615 = arith.constant 80 : index
        %get3A_1616 = tpu.vector_load %arg10[%get3A_1614, %get3A_1615] {strides = array<i32>} : memref<128x128xf32, #tpu.memory_space<vmem>>, vector<1x16xf32>,
        %get3A_1617 = vector.shape_cast %get3A_1616 : vector<1x16xf32> to vector<16xf32>
        %mul3A_1618 = arith.mulf %get3A_1617, %broadcast_in_dim3A_1519 : vector<16xf32>
        %mul3A_1619 = arith.constant 16 : i32
        %mul3A_1620 = arith.muli %scan3A_45, %mul3A_1619 : i32
        %add3A_1621 = arith.constant 10 : i32
        %add3A_1622 = arith.addi %mul3A_1620, %add3A_1621 : i32
        %swap3A_1623 = arith.index_cast %add3A_1622 : i32 to index
        %swap3A_1624 = arith.constant 80 : index
        %swap3A_1625 = tpu.vector_load %arg10[%swap3A_1623, %swap3A_1624] {strides = array<i32>} : memref<128x128xf32, #tpu.memory_space<vmem>>, vector<1x16xf32>,
        %swap3A_1626 = vector.shape_cast %swap3A_1625 : vector<1x16xf32> to vector<16xf32>
        %swap3A_1627 = vector.shape_cast %mul3A_1618 : vector<16xf32> to vector<1x16xf32>
        tpu.vector_store %arg10[%swap3A_1623, %swap3A_1624], %swap3A_1627 {strides = array<i32>} : memref<128x128xf32, #tpu.memory_space<vmem>>, vector<1x16xf32>,
        %mul3A_1628 = arith.constant 16 : i32
        %mul3A_1629 = arith.muli %scan3A_45, %mul3A_1628 : i32
        %add3A_1630 = arith.constant 10 : i32
        %add3A_1631 = arith.addi %mul3A_1629, %add3A_1630 : i32
        %get3A_1632 = arith.index_cast %add3A_1631 : i32 to index
        %get3A_1633 = arith.constant 96 : index
        %get3A_1634 = tpu.vector_load %arg10[%get3A_1632, %get3A_1633] {strides = array<i32>} : memref<128x128xf32, #tpu.memory_space<vmem>>, vector<1x16xf32>,
        %get3A_1635 = vector.shape_cast %get3A_1634 : vector<1x16xf32> to vector<16xf32>
        %mul3A_1636 = arith.mulf %get3A_1635, %broadcast_in_dim3A_1519 : vector<16xf32>
        %mul3A_1637 = arith.constant 16 : i32
        %mul3A_1638 = arith.muli %scan3A_45, %mul3A_1637 : i32
        %add3A_1639 = arith.constant 10 : i32
        %add3A_1640 = arith.addi %mul3A_1638, %add3A_1639 : i32
        %swap3A_1641 = arith.index_cast %add3A_1640 : i32 to index
        %swap3A_1642 = arith.constant 96 : index
        %swap3A_1643 = tpu.vector_load %arg10[%swap3A_1641, %swap3A_1642] {strides = array<i32>} : memref<128x128xf32, #tpu.memory_space<vmem>>, vector<1x16xf32>,
        %swap3A_1644 = vector.shape_cast %swap3A_1643 : vector<1x16xf32> to vector<16xf32>
        %swap3A_1645 = vector.shape_cast %mul3A_1636 : vector<16xf32> to vector<1x16xf32>
        tpu.vector_store %arg10[%swap3A_1641, %swap3A_1642], %swap3A_1645 {strides = array<i32>} : memref<128x128xf32, #tpu.memory_space<vmem>>, vector<1x16xf32>,
        %mul3A_1646 = arith.constant 16 : i32
        %mul3A_1647 = arith.muli %scan3A_45, %mul3A_1646 : i32
        %add3A_1648 = arith.constant 10 : i32
        %add3A_1649 = arith.addi %mul3A_1647, %add3A_1648 : i32
        %get3A_1650 = arith.index_cast %add3A_1649 : i32 to index
        %get3A_1651 = arith.constant 112 : index
        %get3A_1652 = tpu.vector_load %arg10[%get3A_1650, %get3A_1651] {strides = array<i32>} : memref<128x128xf32, #tpu.memory_space<vmem>>, vector<1x16xf32>,
        %get3A_1653 = vector.shape_cast %get3A_1652 : vector<1x16xf32> to vector<16xf32>
        %mul3A_1654 = arith.mulf %get3A_1653, %broadcast_in_dim3A_1519 : vector<16xf32>
        %mul3A_1655 = arith.constant 16 : i32
        %mul3A_1656 = arith.muli %scan3A_45, %mul3A_1655 : i32
        %add3A_1657 = arith.constant 10 : i32
        %add3A_1658 = arith.addi %mul3A_1656, %add3A_1657 : i32
        %swap3A_1659 = arith.index_cast %add3A_1658 : i32 to index
        %swap3A_1660 = arith.constant 112 : index
        %swap3A_1661 = tpu.vector_load %arg10[%swap3A_1659, %swap3A_1660] {strides = array<i32>} : memref<128x128xf32, #tpu.memory_space<vmem>>, vector<1x16xf32>,
        %swap3A_1662 = vector.shape_cast %swap3A_1661 : vector<1x16xf32> to vector<16xf32>
        %swap3A_1663 = vector.shape_cast %mul3A_1654 : vector<16xf32> to vector<1x16xf32>
        tpu.vector_store %arg10[%swap3A_1659, %swap3A_1660], %swap3A_1663 {strides = array<i32>} : memref<128x128xf32, #tpu.memory_space<vmem>>, vector<1x16xf32>,
        %slice3A_1664 = vector.extract_strided_slice %get3A_50 {offsets = [11], sizes = [1], strides = [1]} : vector<16xf32> to vector<1xf32>
        %squeeze3A_1665 = vector.extract %slice3A_1664[0] : f32 from vector<1xf32>
        %broadcast_in_dim3A_1666 = vector.broadcast %squeeze3A_1665 : f32 to vector<16xf32>
        %mul3A_1667 = arith.constant 16 : i32
        %mul3A_1668 = arith.muli %scan3A_45, %mul3A_1667 : i32
        %add3A_1669 = arith.constant 11 : i32
        %add3A_1670 = arith.addi %mul3A_1668, %add3A_1669 : i32
        %get3A_1671 = arith.index_cast %add3A_1670 : i32 to index
        %get3A_1672 = arith.constant 0 : index
        %get3A_1673 = tpu.vector_load %arg10[%get3A_1671, %get3A_1672] {strides = array<i32>} : memref<128x128xf32, #tpu.memory_space<vmem>>, vector<1x16xf32>,
        %get3A_1674 = vector.shape_cast %get3A_1673 : vector<1x16xf32> to vector<16xf32>
        %mul3A_1675 = arith.mulf %get3A_1674, %broadcast_in_dim3A_1666 : vector<16xf32>
        %mul3A_1676 = arith.constant 16 : i32
        %mul3A_1677 = arith.muli %scan3A_45, %mul3A_1676 : i32
        %add3A_1678 = arith.constant 11 : i32
        %add3A_1679 = arith.addi %mul3A_1677, %add3A_1678 : i32
        %swap3A_1680 = arith.index_cast %add3A_1679 : i32 to index
        %swap3A_1681 = arith.constant 0 : index
        %swap3A_1682 = tpu.vector_load %arg10[%swap3A_1680, %swap3A_1681] {strides = array<i32>} : memref<128x128xf32, #tpu.memory_space<vmem>>, vector<1x16xf32>,
        %swap3A_1683 = vector.shape_cast %swap3A_1682 : vector<1x16xf32> to vector<16xf32>
        %swap3A_1684 = vector.shape_cast %mul3A_1675 : vector<16xf32> to vector<1x16xf32>
        tpu.vector_store %arg10[%swap3A_1680, %swap3A_1681], %swap3A_1684 {strides = array<i32>} : memref<128x128xf32, #tpu.memory_space<vmem>>, vector<1x16xf32>,
        %mul3A_1685 = arith.constant 16 : i32
        %mul3A_1686 = arith.muli %scan3A_45, %mul3A_1685 : i32
        %add3A_1687 = arith.constant 11 : i32
        %add3A_1688 = arith.addi %mul3A_1686, %add3A_1687 : i32
        %get3A_1689 = arith.index_cast %add3A_1688 : i32 to index
        %get3A_1690 = arith.constant 16 : index
        %get3A_1691 = tpu.vector_load %arg10[%get3A_1689, %get3A_1690] {strides = array<i32>} : memref<128x128xf32, #tpu.memory_space<vmem>>, vector<1x16xf32>,
        %get3A_1692 = vector.shape_cast %get3A_1691 : vector<1x16xf32> to vector<16xf32>
        %mul3A_1693 = arith.mulf %get3A_1692, %broadcast_in_dim3A_1666 : vector<16xf32>
        %mul3A_1694 = arith.constant 16 : i32
        %mul3A_1695 = arith.muli %scan3A_45, %mul3A_1694 : i32
        %add3A_1696 = arith.constant 11 : i32
        %add3A_1697 = arith.addi %mul3A_1695, %add3A_1696 : i32
        %swap3A_1698 = arith.index_cast %add3A_1697 : i32 to index
        %swap3A_1699 = arith.constant 16 : index
        %swap3A_1700 = tpu.vector_load %arg10[%swap3A_1698, %swap3A_1699] {strides = array<i32>} : memref<128x128xf32, #tpu.memory_space<vmem>>, vector<1x16xf32>,
        %swap3A_1701 = vector.shape_cast %swap3A_1700 : vector<1x16xf32> to vector<16xf32>
        %swap3A_1702 = vector.shape_cast %mul3A_1693 : vector<16xf32> to vector<1x16xf32>
        tpu.vector_store %arg10[%swap3A_1698, %swap3A_1699], %swap3A_1702 {strides = array<i32>} : memref<128x128xf32, #tpu.memory_space<vmem>>, vector<1x16xf32>,
        %mul3A_1703 = arith.constant 16 : i32
        %mul3A_1704 = arith.muli %scan3A_45, %mul3A_1703 : i32
        %add3A_1705 = arith.constant 11 : i32
        %add3A_1706 = arith.addi %mul3A_1704, %add3A_1705 : i32
        %get3A_1707 = arith.index_cast %add3A_1706 : i32 to index
        %get3A_1708 = arith.constant 32 : index
        %get3A_1709 = tpu.vector_load %arg10[%get3A_1707, %get3A_1708] {strides = array<i32>} : memref<128x128xf32, #tpu.memory_space<vmem>>, vector<1x16xf32>,
        %get3A_1710 = vector.shape_cast %get3A_1709 : vector<1x16xf32> to vector<16xf32>
        %mul3A_1711 = arith.mulf %get3A_1710, %broadcast_in_dim3A_1666 : vector<16xf32>
        %mul3A_1712 = arith.constant 16 : i32
        %mul3A_1713 = arith.muli %scan3A_45, %mul3A_1712 : i32
        %add3A_1714 = arith.constant 11 : i32
        %add3A_1715 = arith.addi %mul3A_1713, %add3A_1714 : i32
        %swap3A_1716 = arith.index_cast %add3A_1715 : i32 to index
        %swap3A_1717 = arith.constant 32 : index
        %swap3A_1718 = tpu.vector_load %arg10[%swap3A_1716, %swap3A_1717] {strides = array<i32>} : memref<128x128xf32, #tpu.memory_space<vmem>>, vector<1x16xf32>,
        %swap3A_1719 = vector.shape_cast %swap3A_1718 : vector<1x16xf32> to vector<16xf32>
        %swap3A_1720 = vector.shape_cast %mul3A_1711 : vector<16xf32> to vector<1x16xf32>
        tpu.vector_store %arg10[%swap3A_1716, %swap3A_1717], %swap3A_1720 {strides = array<i32>} : memref<128x128xf32, #tpu.memory_space<vmem>>, vector<1x16xf32>,
        %mul3A_1721 = arith.constant 16 : i32
        %mul3A_1722 = arith.muli %scan3A_45, %mul3A_1721 : i32
        %add3A_1723 = arith.constant 11 : i32
        %add3A_1724 = arith.addi %mul3A_1722, %add3A_1723 : i32
        %get3A_1725 = arith.index_cast %add3A_1724 : i32 to index
        %get3A_1726 = arith.constant 48 : index
        %get3A_1727 = tpu.vector_load %arg10[%get3A_1725, %get3A_1726] {strides = array<i32>} : memref<128x128xf32, #tpu.memory_space<vmem>>, vector<1x16xf32>,
        %get3A_1728 = vector.shape_cast %get3A_1727 : vector<1x16xf32> to vector<16xf32>
        %mul3A_1729 = arith.mulf %get3A_1728, %broadcast_in_dim3A_1666 : vector<16xf32>
        %mul3A_1730 = arith.constant 16 : i32
        %mul3A_1731 = arith.muli %scan3A_45, %mul3A_1730 : i32
        %add3A_1732 = arith.constant 11 : i32
        %add3A_1733 = arith.addi %mul3A_1731, %add3A_1732 : i32
        %swap3A_1734 = arith.index_cast %add3A_1733 : i32 to index
        %swap3A_1735 = arith.constant 48 : index
        %swap3A_1736 = tpu.vector_load %arg10[%swap3A_1734, %swap3A_1735] {strides = array<i32>} : memref<128x128xf32, #tpu.memory_space<vmem>>, vector<1x16xf32>,
        %swap3A_1737 = vector.shape_cast %swap3A_1736 : vector<1x16xf32> to vector<16xf32>
        %swap3A_1738 = vector.shape_cast %mul3A_1729 : vector<16xf32> to vector<1x16xf32>
        tpu.vector_store %arg10[%swap3A_1734, %swap3A_1735], %swap3A_1738 {strides = array<i32>} : memref<128x128xf32, #tpu.memory_space<vmem>>, vector<1x16xf32>,
        %mul3A_1739 = arith.constant 16 : i32
        %mul3A_1740 = arith.muli %scan3A_45, %mul3A_1739 : i32
        %add3A_1741 = arith.constant 11 : i32
        %add3A_1742 = arith.addi %mul3A_1740, %add3A_1741 : i32
        %get3A_1743 = arith.index_cast %add3A_1742 : i32 to index
        %get3A_1744 = arith.constant 64 : index
        %get3A_1745 = tpu.vector_load %arg10[%get3A_1743, %get3A_1744] {strides = array<i32>} : memref<128x128xf32, #tpu.memory_space<vmem>>, vector<1x16xf32>,
        %get3A_1746 = vector.shape_cast %get3A_1745 : vector<1x16xf32> to vector<16xf32>
        %mul3A_1747 = arith.mulf %get3A_1746, %broadcast_in_dim3A_1666 : vector<16xf32>
        %mul3A_1748 = arith.constant 16 : i32
        %mul3A_1749 = arith.muli %scan3A_45, %mul3A_1748 : i32
        %add3A_1750 = arith.constant 11 : i32
        %add3A_1751 = arith.addi %mul3A_1749, %add3A_1750 : i32
        %swap3A_1752 = arith.index_cast %add3A_1751 : i32 to index
        %swap3A_1753 = arith.constant 64 : index
        %swap3A_1754 = tpu.vector_load %arg10[%swap3A_1752, %swap3A_1753] {strides = array<i32>} : memref<128x128xf32, #tpu.memory_space<vmem>>, vector<1x16xf32>,
        %swap3A_1755 = vector.shape_cast %swap3A_1754 : vector<1x16xf32> to vector<16xf32>
        %swap3A_1756 = vector.shape_cast %mul3A_1747 : vector<16xf32> to vector<1x16xf32>
        tpu.vector_store %arg10[%swap3A_1752, %swap3A_1753], %swap3A_1756 {strides = array<i32>} : memref<128x128xf32, #tpu.memory_space<vmem>>, vector<1x16xf32>,
        %mul3A_1757 = arith.constant 16 : i32
        %mul3A_1758 = arith.muli %scan3A_45, %mul3A_1757 : i32
        %add3A_1759 = arith.constant 11 : i32
        %add3A_1760 = arith.addi %mul3A_1758, %add3A_1759 : i32
        %get3A_1761 = arith.index_cast %add3A_1760 : i32 to index
        %get3A_1762 = arith.constant 80 : index
        %get3A_1763 = tpu.vector_load %arg10[%get3A_1761, %get3A_1762] {strides = array<i32>} : memref<128x128xf32, #tpu.memory_space<vmem>>, vector<1x16xf32>,
        %get3A_1764 = vector.shape_cast %get3A_1763 : vector<1x16xf32> to vector<16xf32>
        %mul3A_1765 = arith.mulf %get3A_1764, %broadcast_in_dim3A_1666 : vector<16xf32>
        %mul3A_1766 = arith.constant 16 : i32
        %mul3A_1767 = arith.muli %scan3A_45, %mul3A_1766 : i32
        %add3A_1768 = arith.constant 11 : i32
        %add3A_1769 = arith.addi %mul3A_1767, %add3A_1768 : i32
        %swap3A_1770 = arith.index_cast %add3A_1769 : i32 to index
        %swap3A_1771 = arith.constant 80 : index
        %swap3A_1772 = tpu.vector_load %arg10[%swap3A_1770, %swap3A_1771] {strides = array<i32>} : memref<128x128xf32, #tpu.memory_space<vmem>>, vector<1x16xf32>,
        %swap3A_1773 = vector.shape_cast %swap3A_1772 : vector<1x16xf32> to vector<16xf32>
        %swap3A_1774 = vector.shape_cast %mul3A_1765 : vector<16xf32> to vector<1x16xf32>
        tpu.vector_store %arg10[%swap3A_1770, %swap3A_1771], %swap3A_1774 {strides = array<i32>} : memref<128x128xf32, #tpu.memory_space<vmem>>, vector<1x16xf32>,
        %mul3A_1775 = arith.constant 16 : i32
        %mul3A_1776 = arith.muli %scan3A_45, %mul3A_1775 : i32
        %add3A_1777 = arith.constant 11 : i32
        %add3A_1778 = arith.addi %mul3A_1776, %add3A_1777 : i32
        %get3A_1779 = arith.index_cast %add3A_1778 : i32 to index
        %get3A_1780 = arith.constant 96 : index
        %get3A_1781 = tpu.vector_load %arg10[%get3A_1779, %get3A_1780] {strides = array<i32>} : memref<128x128xf32, #tpu.memory_space<vmem>>, vector<1x16xf32>,
        %get3A_1782 = vector.shape_cast %get3A_1781 : vector<1x16xf32> to vector<16xf32>
        %mul3A_1783 = arith.mulf %get3A_1782, %broadcast_in_dim3A_1666 : vector<16xf32>
        %mul3A_1784 = arith.constant 16 : i32
        %mul3A_1785 = arith.muli %scan3A_45, %mul3A_1784 : i32
        %add3A_1786 = arith.constant 11 : i32
        %add3A_1787 = arith.addi %mul3A_1785, %add3A_1786 : i32
        %swap3A_1788 = arith.index_cast %add3A_1787 : i32 to index
        %swap3A_1789 = arith.constant 96 : index
        %swap3A_1790 = tpu.vector_load %arg10[%swap3A_1788, %swap3A_1789] {strides = array<i32>} : memref<128x128xf32, #tpu.memory_space<vmem>>, vector<1x16xf32>,
        %swap3A_1791 = vector.shape_cast %swap3A_1790 : vector<1x16xf32> to vector<16xf32>
        %swap3A_1792 = vector.shape_cast %mul3A_1783 : vector<16xf32> to vector<1x16xf32>
        tpu.vector_store %arg10[%swap3A_1788, %swap3A_1789], %swap3A_1792 {strides = array<i32>} : memref<128x128xf32, #tpu.memory_space<vmem>>, vector<1x16xf32>,
        %mul3A_1793 = arith.constant 16 : i32
        %mul3A_1794 = arith.muli %scan3A_45, %mul3A_1793 : i32
        %add3A_1795 = arith.constant 11 : i32
        %add3A_1796 = arith.addi %mul3A_1794, %add3A_1795 : i32
        %get3A_1797 = arith.index_cast %add3A_1796 : i32 to index
        %get3A_1798 = arith.constant 112 : index
        %get3A_1799 = tpu.vector_load %arg10[%get3A_1797, %get3A_1798] {strides = array<i32>} : memref<128x128xf32, #tpu.memory_space<vmem>>, vector<1x16xf32>,
        %get3A_1800 = vector.shape_cast %get3A_1799 : vector<1x16xf32> to vector<16xf32>
        %mul3A_1801 = arith.mulf %get3A_1800, %broadcast_in_dim3A_1666 : vector<16xf32>
        %mul3A_1802 = arith.constant 16 : i32
        %mul3A_1803 = arith.muli %scan3A_45, %mul3A_1802 : i32
        %add3A_1804 = arith.constant 11 : i32
        %add3A_1805 = arith.addi %mul3A_1803, %add3A_1804 : i32
        %swap3A_1806 = arith.index_cast %add3A_1805 : i32 to index
        %swap3A_1807 = arith.constant 112 : index
        %swap3A_1808 = tpu.vector_load %arg10[%swap3A_1806, %swap3A_1807] {strides = array<i32>} : memref<128x128xf32, #tpu.memory_space<vmem>>, vector<1x16xf32>,
        %swap3A_1809 = vector.shape_cast %swap3A_1808 : vector<1x16xf32> to vector<16xf32>
        %swap3A_1810 = vector.shape_cast %mul3A_1801 : vector<16xf32> to vector<1x16xf32>
        tpu.vector_store %arg10[%swap3A_1806, %swap3A_1807], %swap3A_1810 {strides = array<i32>} : memref<128x128xf32, #tpu.memory_space<vmem>>, vector<1x16xf32>,
        %slice3A_1811 = vector.extract_strided_slice %get3A_50 {offsets = [12], sizes = [1], strides = [1]} : vector<16xf32> to vector<1xf32>
        %squeeze3A_1812 = vector.extract %slice3A_1811[0] : f32 from vector<1xf32>
        %broadcast_in_dim3A_1813 = vector.broadcast %squeeze3A_1812 : f32 to vector<16xf32>
        %mul3A_1814 = arith.constant 16 : i32
        %mul3A_1815 = arith.muli %scan3A_45, %mul3A_1814 : i32
        %add3A_1816 = arith.constant 12 : i32
        %add3A_1817 = arith.addi %mul3A_1815, %add3A_1816 : i32
        %get3A_1818 = arith.index_cast %add3A_1817 : i32 to index
        %get3A_1819 = arith.constant 0 : index
        %get3A_1820 = tpu.vector_load %arg10[%get3A_1818, %get3A_1819] {strides = array<i32>} : memref<128x128xf32, #tpu.memory_space<vmem>>, vector<1x16xf32>,
        %get3A_1821 = vector.shape_cast %get3A_1820 : vector<1x16xf32> to vector<16xf32>
        %mul3A_1822 = arith.mulf %get3A_1821, %broadcast_in_dim3A_1813 : vector<16xf32>
        %mul3A_1823 = arith.constant 16 : i32
        %mul3A_1824 = arith.muli %scan3A_45, %mul3A_1823 : i32
        %add3A_1825 = arith.constant 12 : i32
        %add3A_1826 = arith.addi %mul3A_1824, %add3A_1825 : i32
        %swap3A_1827 = arith.index_cast %add3A_1826 : i32 to index
        %swap3A_1828 = arith.constant 0 : index
        %swap3A_1829 = tpu.vector_load %arg10[%swap3A_1827, %swap3A_1828] {strides = array<i32>} : memref<128x128xf32, #tpu.memory_space<vmem>>, vector<1x16xf32>,
        %swap3A_1830 = vector.shape_cast %swap3A_1829 : vector<1x16xf32> to vector<16xf32>
        %swap3A_1831 = vector.shape_cast %mul3A_1822 : vector<16xf32> to vector<1x16xf32>
        tpu.vector_store %arg10[%swap3A_1827, %swap3A_1828], %swap3A_1831 {strides = array<i32>} : memref<128x128xf32, #tpu.memory_space<vmem>>, vector<1x16xf32>,
        %mul3A_1832 = arith.constant 16 : i32
        %mul3A_1833 = arith.muli %scan3A_45, %mul3A_1832 : i32
        %add3A_1834 = arith.constant 12 : i32
        %add3A_1835 = arith.addi %mul3A_1833, %add3A_1834 : i32
        %get3A_1836 = arith.index_cast %add3A_1835 : i32 to index
        %get3A_1837 = arith.constant 16 : index
        %get3A_1838 = tpu.vector_load %arg10[%get3A_1836, %get3A_1837] {strides = array<i32>} : memref<128x128xf32, #tpu.memory_space<vmem>>, vector<1x16xf32>,
        %get3A_1839 = vector.shape_cast %get3A_1838 : vector<1x16xf32> to vector<16xf32>
        %mul3A_1840 = arith.mulf %get3A_1839, %broadcast_in_dim3A_1813 : vector<16xf32>
        %mul3A_1841 = arith.constant 16 : i32
        %mul3A_1842 = arith.muli %scan3A_45, %mul3A_1841 : i32
        %add3A_1843 = arith.constant 12 : i32
        %add3A_1844 = arith.addi %mul3A_1842, %add3A_1843 : i32
        %swap3A_1845 = arith.index_cast %add3A_1844 : i32 to index
        %swap3A_1846 = arith.constant 16 : index
        %swap3A_1847 = tpu.vector_load %arg10[%swap3A_1845, %swap3A_1846] {strides = array<i32>} : memref<128x128xf32, #tpu.memory_space<vmem>>, vector<1x16xf32>,
        %swap3A_1848 = vector.shape_cast %swap3A_1847 : vector<1x16xf32> to vector<16xf32>
        %swap3A_1849 = vector.shape_cast %mul3A_1840 : vector<16xf32> to vector<1x16xf32>
        tpu.vector_store %arg10[%swap3A_1845, %swap3A_1846], %swap3A_1849 {strides = array<i32>} : memref<128x128xf32, #tpu.memory_space<vmem>>, vector<1x16xf32>,
        %mul3A_1850 = arith.constant 16 : i32
        %mul3A_1851 = arith.muli %scan3A_45, %mul3A_1850 : i32
        %add3A_1852 = arith.constant 12 : i32
        %add3A_1853 = arith.addi %mul3A_1851, %add3A_1852 : i32
        %get3A_1854 = arith.index_cast %add3A_1853 : i32 to index
        %get3A_1855 = arith.constant 32 : index
        %get3A_1856 = tpu.vector_load %arg10[%get3A_1854, %get3A_1855] {strides = array<i32>} : memref<128x128xf32, #tpu.memory_space<vmem>>, vector<1x16xf32>,
        %get3A_1857 = vector.shape_cast %get3A_1856 : vector<1x16xf32> to vector<16xf32>
        %mul3A_1858 = arith.mulf %get3A_1857, %broadcast_in_dim3A_1813 : vector<16xf32>
        %mul3A_1859 = arith.constant 16 : i32
        %mul3A_1860 = arith.muli %scan3A_45, %mul3A_1859 : i32
        %add3A_1861 = arith.constant 12 : i32
        %add3A_1862 = arith.addi %mul3A_1860, %add3A_1861 : i32
        %swap3A_1863 = arith.index_cast %add3A_1862 : i32 to index
        %swap3A_1864 = arith.constant 32 : index
        %swap3A_1865 = tpu.vector_load %arg10[%swap3A_1863, %swap3A_1864] {strides = array<i32>} : memref<128x128xf32, #tpu.memory_space<vmem>>, vector<1x16xf32>,
        %swap3A_1866 = vector.shape_cast %swap3A_1865 : vector<1x16xf32> to vector<16xf32>
        %swap3A_1867 = vector.shape_cast %mul3A_1858 : vector<16xf32> to vector<1x16xf32>
        tpu.vector_store %arg10[%swap3A_1863, %swap3A_1864], %swap3A_1867 {strides = array<i32>} : memref<128x128xf32, #tpu.memory_space<vmem>>, vector<1x16xf32>,
        %mul3A_1868 = arith.constant 16 : i32
        %mul3A_1869 = arith.muli %scan3A_45, %mul3A_1868 : i32
        %add3A_1870 = arith.constant 12 : i32
        %add3A_1871 = arith.addi %mul3A_1869, %add3A_1870 : i32
        %get3A_1872 = arith.index_cast %add3A_1871 : i32 to index
        %get3A_1873 = arith.constant 48 : index
        %get3A_1874 = tpu.vector_load %arg10[%get3A_1872, %get3A_1873] {strides = array<i32>} : memref<128x128xf32, #tpu.memory_space<vmem>>, vector<1x16xf32>,
        %get3A_1875 = vector.shape_cast %get3A_1874 : vector<1x16xf32> to vector<16xf32>
        %mul3A_1876 = arith.mulf %get3A_1875, %broadcast_in_dim3A_1813 : vector<16xf32>
        %mul3A_1877 = arith.constant 16 : i32
        %mul3A_1878 = arith.muli %scan3A_45, %mul3A_1877 : i32
        %add3A_1879 = arith.constant 12 : i32
        %add3A_1880 = arith.addi %mul3A_1878, %add3A_1879 : i32
        %swap3A_1881 = arith.index_cast %add3A_1880 : i32 to index
        %swap3A_1882 = arith.constant 48 : index
        %swap3A_1883 = tpu.vector_load %arg10[%swap3A_1881, %swap3A_1882] {strides = array<i32>} : memref<128x128xf32, #tpu.memory_space<vmem>>, vector<1x16xf32>,
        %swap3A_1884 = vector.shape_cast %swap3A_1883 : vector<1x16xf32> to vector<16xf32>
        %swap3A_1885 = vector.shape_cast %mul3A_1876 : vector<16xf32> to vector<1x16xf32>
        tpu.vector_store %arg10[%swap3A_1881, %swap3A_1882], %swap3A_1885 {strides = array<i32>} : memref<128x128xf32, #tpu.memory_space<vmem>>, vector<1x16xf32>,
        %mul3A_1886 = arith.constant 16 : i32
        %mul3A_1887 = arith.muli %scan3A_45, %mul3A_1886 : i32
        %add3A_1888 = arith.constant 12 : i32
        %add3A_1889 = arith.addi %mul3A_1887, %add3A_1888 : i32
        %get3A_1890 = arith.index_cast %add3A_1889 : i32 to index
        %get3A_1891 = arith.constant 64 : index
        %get3A_1892 = tpu.vector_load %arg10[%get3A_1890, %get3A_1891] {strides = array<i32>} : memref<128x128xf32, #tpu.memory_space<vmem>>, vector<1x16xf32>,
        %get3A_1893 = vector.shape_cast %get3A_1892 : vector<1x16xf32> to vector<16xf32>
        %mul3A_1894 = arith.mulf %get3A_1893, %broadcast_in_dim3A_1813 : vector<16xf32>
        %mul3A_1895 = arith.constant 16 : i32
        %mul3A_1896 = arith.muli %scan3A_45, %mul3A_1895 : i32
        %add3A_1897 = arith.constant 12 : i32
        %add3A_1898 = arith.addi %mul3A_1896, %add3A_1897 : i32
        %swap3A_1899 = arith.index_cast %add3A_1898 : i32 to index
        %swap3A_1900 = arith.constant 64 : index
        %swap3A_1901 = tpu.vector_load %arg10[%swap3A_1899, %swap3A_1900] {strides = array<i32>} : memref<128x128xf32, #tpu.memory_space<vmem>>, vector<1x16xf32>,
        %swap3A_1902 = vector.shape_cast %swap3A_1901 : vector<1x16xf32> to vector<16xf32>
        %swap3A_1903 = vector.shape_cast %mul3A_1894 : vector<16xf32> to vector<1x16xf32>
        tpu.vector_store %arg10[%swap3A_1899, %swap3A_1900], %swap3A_1903 {strides = array<i32>} : memref<128x128xf32, #tpu.memory_space<vmem>>, vector<1x16xf32>,
        %mul3A_1904 = arith.constant 16 : i32
        %mul3A_1905 = arith.muli %scan3A_45, %mul3A_1904 : i32
        %add3A_1906 = arith.constant 12 : i32
        %add3A_1907 = arith.addi %mul3A_1905, %add3A_1906 : i32
        %get3A_1908 = arith.index_cast %add3A_1907 : i32 to index
        %get3A_1909 = arith.constant 80 : index
        %get3A_1910 = tpu.vector_load %arg10[%get3A_1908, %get3A_1909] {strides = array<i32>} : memref<128x128xf32, #tpu.memory_space<vmem>>, vector<1x16xf32>,
        %get3A_1911 = vector.shape_cast %get3A_1910 : vector<1x16xf32> to vector<16xf32>
        %mul3A_1912 = arith.mulf %get3A_1911, %broadcast_in_dim3A_1813 : vector<16xf32>
        %mul3A_1913 = arith.constant 16 : i32
        %mul3A_1914 = arith.muli %scan3A_45, %mul3A_1913 : i32
        %add3A_1915 = arith.constant 12 : i32
        %add3A_1916 = arith.addi %mul3A_1914, %add3A_1915 : i32
        %swap3A_1917 = arith.index_cast %add3A_1916 : i32 to index
        %swap3A_1918 = arith.constant 80 : index
        %swap3A_1919 = tpu.vector_load %arg10[%swap3A_1917, %swap3A_1918] {strides = array<i32>} : memref<128x128xf32, #tpu.memory_space<vmem>>, vector<1x16xf32>,
        %swap3A_1920 = vector.shape_cast %swap3A_1919 : vector<1x16xf32> to vector<16xf32>
        %swap3A_1921 = vector.shape_cast %mul3A_1912 : vector<16xf32> to vector<1x16xf32>
        tpu.vector_store %arg10[%swap3A_1917, %swap3A_1918], %swap3A_1921 {strides = array<i32>} : memref<128x128xf32, #tpu.memory_space<vmem>>, vector<1x16xf32>,
        %mul3A_1922 = arith.constant 16 : i32
        %mul3A_1923 = arith.muli %scan3A_45, %mul3A_1922 : i32
        %add3A_1924 = arith.constant 12 : i32
        %add3A_1925 = arith.addi %mul3A_1923, %add3A_1924 : i32
        %get3A_1926 = arith.index_cast %add3A_1925 : i32 to index
        %get3A_1927 = arith.constant 96 : index
        %get3A_1928 = tpu.vector_load %arg10[%get3A_1926, %get3A_1927] {strides = array<i32>} : memref<128x128xf32, #tpu.memory_space<vmem>>, vector<1x16xf32>,
        %get3A_1929 = vector.shape_cast %get3A_1928 : vector<1x16xf32> to vector<16xf32>
        %mul3A_1930 = arith.mulf %get3A_1929, %broadcast_in_dim3A_1813 : vector<16xf32>
        %mul3A_1931 = arith.constant 16 : i32
        %mul3A_1932 = arith.muli %scan3A_45, %mul3A_1931 : i32
        %add3A_1933 = arith.constant 12 : i32
        %add3A_1934 = arith.addi %mul3A_1932, %add3A_1933 : i32
        %swap3A_1935 = arith.index_cast %add3A_1934 : i32 to index
        %swap3A_1936 = arith.constant 96 : index
        %swap3A_1937 = tpu.vector_load %arg10[%swap3A_1935, %swap3A_1936] {strides = array<i32>} : memref<128x128xf32, #tpu.memory_space<vmem>>, vector<1x16xf32>,
        %swap3A_1938 = vector.shape_cast %swap3A_1937 : vector<1x16xf32> to vector<16xf32>
        %swap3A_1939 = vector.shape_cast %mul3A_1930 : vector<16xf32> to vector<1x16xf32>
        tpu.vector_store %arg10[%swap3A_1935, %swap3A_1936], %swap3A_1939 {strides = array<i32>} : memref<128x128xf32, #tpu.memory_space<vmem>>, vector<1x16xf32>,
        %mul3A_1940 = arith.constant 16 : i32
        %mul3A_1941 = arith.muli %scan3A_45, %mul3A_1940 : i32
        %add3A_1942 = arith.constant 12 : i32
        %add3A_1943 = arith.addi %mul3A_1941, %add3A_1942 : i32
        %get3A_1944 = arith.index_cast %add3A_1943 : i32 to index
        %get3A_1945 = arith.constant 112 : index
        %get3A_1946 = tpu.vector_load %arg10[%get3A_1944, %get3A_1945] {strides = array<i32>} : memref<128x128xf32, #tpu.memory_space<vmem>>, vector<1x16xf32>,
        %get3A_1947 = vector.shape_cast %get3A_1946 : vector<1x16xf32> to vector<16xf32>
        %mul3A_1948 = arith.mulf %get3A_1947, %broadcast_in_dim3A_1813 : vector<16xf32>
        %mul3A_1949 = arith.constant 16 : i32
        %mul3A_1950 = arith.muli %scan3A_45, %mul3A_1949 : i32
        %add3A_1951 = arith.constant 12 : i32
        %add3A_1952 = arith.addi %mul3A_1950, %add3A_1951 : i32
        %swap3A_1953 = arith.index_cast %add3A_1952 : i32 to index
        %swap3A_1954 = arith.constant 112 : index
        %swap3A_1955 = tpu.vector_load %arg10[%swap3A_1953, %swap3A_1954] {strides = array<i32>} : memref<128x128xf32, #tpu.memory_space<vmem>>, vector<1x16xf32>,
        %swap3A_1956 = vector.shape_cast %swap3A_1955 : vector<1x16xf32> to vector<16xf32>
        %swap3A_1957 = vector.shape_cast %mul3A_1948 : vector<16xf32> to vector<1x16xf32>
        tpu.vector_store %arg10[%swap3A_1953, %swap3A_1954], %swap3A_1957 {strides = array<i32>} : memref<128x128xf32, #tpu.memory_space<vmem>>, vector<1x16xf32>,
        %slice3A_1958 = vector.extract_strided_slice %get3A_50 {offsets = [13], sizes = [1], strides = [1]} : vector<16xf32> to vector<1xf32>
        %squeeze3A_1959 = vector.extract %slice3A_1958[0] : f32 from vector<1xf32>
        %broadcast_in_dim3A_1960 = vector.broadcast %squeeze3A_1959 : f32 to vector<16xf32>
        %mul3A_1961 = arith.constant 16 : i32
        %mul3A_1962 = arith.muli %scan3A_45, %mul3A_1961 : i32
        %add3A_1963 = arith.constant 13 : i32
        %add3A_1964 = arith.addi %mul3A_1962, %add3A_1963 : i32
        %get3A_1965 = arith.index_cast %add3A_1964 : i32 to index
        %get3A_1966 = arith.constant 0 : index
        %get3A_1967 = tpu.vector_load %arg10[%get3A_1965, %get3A_1966] {strides = array<i32>} : memref<128x128xf32, #tpu.memory_space<vmem>>, vector<1x16xf32>,
        %get3A_1968 = vector.shape_cast %get3A_1967 : vector<1x16xf32> to vector<16xf32>
        %mul3A_1969 = arith.mulf %get3A_1968, %broadcast_in_dim3A_1960 : vector<16xf32>
        %mul3A_1970 = arith.constant 16 : i32
        %mul3A_1971 = arith.muli %scan3A_45, %mul3A_1970 : i32
        %add3A_1972 = arith.constant 13 : i32
        %add3A_1973 = arith.addi %mul3A_1971, %add3A_1972 : i32
        %swap3A_1974 = arith.index_cast %add3A_1973 : i32 to index
        %swap3A_1975 = arith.constant 0 : index
        %swap3A_1976 = tpu.vector_load %arg10[%swap3A_1974, %swap3A_1975] {strides = array<i32>} : memref<128x128xf32, #tpu.memory_space<vmem>>, vector<1x16xf32>,
        %swap3A_1977 = vector.shape_cast %swap3A_1976 : vector<1x16xf32> to vector<16xf32>
        %swap3A_1978 = vector.shape_cast %mul3A_1969 : vector<16xf32> to vector<1x16xf32>
        tpu.vector_store %arg10[%swap3A_1974, %swap3A_1975], %swap3A_1978 {strides = array<i32>} : memref<128x128xf32, #tpu.memory_space<vmem>>, vector<1x16xf32>,
        %mul3A_1979 = arith.constant 16 : i32
        %mul3A_1980 = arith.muli %scan3A_45, %mul3A_1979 : i32
        %add3A_1981 = arith.constant 13 : i32
        %add3A_1982 = arith.addi %mul3A_1980, %add3A_1981 : i32
        %get3A_1983 = arith.index_cast %add3A_1982 : i32 to index
        %get3A_1984 = arith.constant 16 : index
        %get3A_1985 = tpu.vector_load %arg10[%get3A_1983, %get3A_1984] {strides = array<i32>} : memref<128x128xf32, #tpu.memory_space<vmem>>, vector<1x16xf32>,
        %get3A_1986 = vector.shape_cast %get3A_1985 : vector<1x16xf32> to vector<16xf32>
        %mul3A_1987 = arith.mulf %get3A_1986, %broadcast_in_dim3A_1960 : vector<16xf32>
        %mul3A_1988 = arith.constant 16 : i32
        %mul3A_1989 = arith.muli %scan3A_45, %mul3A_1988 : i32
        %add3A_1990 = arith.constant 13 : i32
        %add3A_1991 = arith.addi %mul3A_1989, %add3A_1990 : i32
        %swap3A_1992 = arith.index_cast %add3A_1991 : i32 to index
        %swap3A_1993 = arith.constant 16 : index
        %swap3A_1994 = tpu.vector_load %arg10[%swap3A_1992, %swap3A_1993] {strides = array<i32>} : memref<128x128xf32, #tpu.memory_space<vmem>>, vector<1x16xf32>,
        %swap3A_1995 = vector.shape_cast %swap3A_1994 : vector<1x16xf32> to vector<16xf32>
        %swap3A_1996 = vector.shape_cast %mul3A_1987 : vector<16xf32> to vector<1x16xf32>
        tpu.vector_store %arg10[%swap3A_1992, %swap3A_1993], %swap3A_1996 {strides = array<i32>} : memref<128x128xf32, #tpu.memory_space<vmem>>, vector<1x16xf32>,
        %mul3A_1997 = arith.constant 16 : i32
        %mul3A_1998 = arith.muli %scan3A_45, %mul3A_1997 : i32
        %add3A_1999 = arith.constant 13 : i32
        %add3A_2000 = arith.addi %mul3A_1998, %add3A_1999 : i32
        %get3A_2001 = arith.index_cast %add3A_2000 : i32 to index
        %get3A_2002 = arith.constant 32 : index
        %get3A_2003 = tpu.vector_load %arg10[%get3A_2001, %get3A_2002] {strides = array<i32>} : memref<128x128xf32, #tpu.memory_space<vmem>>, vector<1x16xf32>,
        %get3A_2004 = vector.shape_cast %get3A_2003 : vector<1x16xf32> to vector<16xf32>
        %mul3A_2005 = arith.mulf %get3A_2004, %broadcast_in_dim3A_1960 : vector<16xf32>
        %mul3A_2006 = arith.constant 16 : i32
        %mul3A_2007 = arith.muli %scan3A_45, %mul3A_2006 : i32
        %add3A_2008 = arith.constant 13 : i32
        %add3A_2009 = arith.addi %mul3A_2007, %add3A_2008 : i32
        %swap3A_2010 = arith.index_cast %add3A_2009 : i32 to index
        %swap3A_2011 = arith.constant 32 : index
        %swap3A_2012 = tpu.vector_load %arg10[%swap3A_2010, %swap3A_2011] {strides = array<i32>} : memref<128x128xf32, #tpu.memory_space<vmem>>, vector<1x16xf32>,
        %swap3A_2013 = vector.shape_cast %swap3A_2012 : vector<1x16xf32> to vector<16xf32>
        %swap3A_2014 = vector.shape_cast %mul3A_2005 : vector<16xf32> to vector<1x16xf32>
        tpu.vector_store %arg10[%swap3A_2010, %swap3A_2011], %swap3A_2014 {strides = array<i32>} : memref<128x128xf32, #tpu.memory_space<vmem>>, vector<1x16xf32>,
        %mul3A_2015 = arith.constant 16 : i32
        %mul3A_2016 = arith.muli %scan3A_45, %mul3A_2015 : i32
        %add3A_2017 = arith.constant 13 : i32
        %add3A_2018 = arith.addi %mul3A_2016, %add3A_2017 : i32
        %get3A_2019 = arith.index_cast %add3A_2018 : i32 to index
        %get3A_2020 = arith.constant 48 : index
        %get3A_2021 = tpu.vector_load %arg10[%get3A_2019, %get3A_2020] {strides = array<i32>} : memref<128x128xf32, #tpu.memory_space<vmem>>, vector<1x16xf32>,
        %get3A_2022 = vector.shape_cast %get3A_2021 : vector<1x16xf32> to vector<16xf32>
        %mul3A_2023 = arith.mulf %get3A_2022, %broadcast_in_dim3A_1960 : vector<16xf32>
        %mul3A_2024 = arith.constant 16 : i32
        %mul3A_2025 = arith.muli %scan3A_45, %mul3A_2024 : i32
        %add3A_2026 = arith.constant 13 : i32
        %add3A_2027 = arith.addi %mul3A_2025, %add3A_2026 : i32
        %swap3A_2028 = arith.index_cast %add3A_2027 : i32 to index
        %swap3A_2029 = arith.constant 48 : index
        %swap3A_2030 = tpu.vector_load %arg10[%swap3A_2028, %swap3A_2029] {strides = array<i32>} : memref<128x128xf32, #tpu.memory_space<vmem>>, vector<1x16xf32>,
        %swap3A_2031 = vector.shape_cast %swap3A_2030 : vector<1x16xf32> to vector<16xf32>
        %swap3A_2032 = vector.shape_cast %mul3A_2023 : vector<16xf32> to vector<1x16xf32>
        tpu.vector_store %arg10[%swap3A_2028, %swap3A_2029], %swap3A_2032 {strides = array<i32>} : memref<128x128xf32, #tpu.memory_space<vmem>>, vector<1x16xf32>,
        %mul3A_2033 = arith.constant 16 : i32
        %mul3A_2034 = arith.muli %scan3A_45, %mul3A_2033 : i32
        %add3A_2035 = arith.constant 13 : i32
        %add3A_2036 = arith.addi %mul3A_2034, %add3A_2035 : i32
        %get3A_2037 = arith.index_cast %add3A_2036 : i32 to index
        %get3A_2038 = arith.constant 64 : index
        %get3A_2039 = tpu.vector_load %arg10[%get3A_2037, %get3A_2038] {strides = array<i32>} : memref<128x128xf32, #tpu.memory_space<vmem>>, vector<1x16xf32>,
        %get3A_2040 = vector.shape_cast %get3A_2039 : vector<1x16xf32> to vector<16xf32>
        %mul3A_2041 = arith.mulf %get3A_2040, %broadcast_in_dim3A_1960 : vector<16xf32>
        %mul3A_2042 = arith.constant 16 : i32
        %mul3A_2043 = arith.muli %scan3A_45, %mul3A_2042 : i32
        %add3A_2044 = arith.constant 13 : i32
        %add3A_2045 = arith.addi %mul3A_2043, %add3A_2044 : i32
        %swap3A_2046 = arith.index_cast %add3A_2045 : i32 to index
        %swap3A_2047 = arith.constant 64 : index
        %swap3A_2048 = tpu.vector_load %arg10[%swap3A_2046, %swap3A_2047] {strides = array<i32>} : memref<128x128xf32, #tpu.memory_space<vmem>>, vector<1x16xf32>,
        %swap3A_2049 = vector.shape_cast %swap3A_2048 : vector<1x16xf32> to vector<16xf32>
        %swap3A_2050 = vector.shape_cast %mul3A_2041 : vector<16xf32> to vector<1x16xf32>
        tpu.vector_store %arg10[%swap3A_2046, %swap3A_2047], %swap3A_2050 {strides = array<i32>} : memref<128x128xf32, #tpu.memory_space<vmem>>, vector<1x16xf32>,
        %mul3A_2051 = arith.constant 16 : i32
        %mul3A_2052 = arith.muli %scan3A_45, %mul3A_2051 : i32
        %add3A_2053 = arith.constant 13 : i32
        %add3A_2054 = arith.addi %mul3A_2052, %add3A_2053 : i32
        %get3A_2055 = arith.index_cast %add3A_2054 : i32 to index
        %get3A_2056 = arith.constant 80 : index
        %get3A_2057 = tpu.vector_load %arg10[%get3A_2055, %get3A_2056] {strides = array<i32>} : memref<128x128xf32, #tpu.memory_space<vmem>>, vector<1x16xf32>,
        %get3A_2058 = vector.shape_cast %get3A_2057 : vector<1x16xf32> to vector<16xf32>
        %mul3A_2059 = arith.mulf %get3A_2058, %broadcast_in_dim3A_1960 : vector<16xf32>
        %mul3A_2060 = arith.constant 16 : i32
        %mul3A_2061 = arith.muli %scan3A_45, %mul3A_2060 : i32
        %add3A_2062 = arith.constant 13 : i32
        %add3A_2063 = arith.addi %mul3A_2061, %add3A_2062 : i32
        %swap3A_2064 = arith.index_cast %add3A_2063 : i32 to index
        %swap3A_2065 = arith.constant 80 : index
        %swap3A_2066 = tpu.vector_load %arg10[%swap3A_2064, %swap3A_2065] {strides = array<i32>} : memref<128x128xf32, #tpu.memory_space<vmem>>, vector<1x16xf32>,
        %swap3A_2067 = vector.shape_cast %swap3A_2066 : vector<1x16xf32> to vector<16xf32>
        %swap3A_2068 = vector.shape_cast %mul3A_2059 : vector<16xf32> to vector<1x16xf32>
        tpu.vector_store %arg10[%swap3A_2064, %swap3A_2065], %swap3A_2068 {strides = array<i32>} : memref<128x128xf32, #tpu.memory_space<vmem>>, vector<1x16xf32>,
        %mul3A_2069 = arith.constant 16 : i32
        %mul3A_2070 = arith.muli %scan3A_45, %mul3A_2069 : i32
        %add3A_2071 = arith.constant 13 : i32
        %add3A_2072 = arith.addi %mul3A_2070, %add3A_2071 : i32
        %get3A_2073 = arith.index_cast %add3A_2072 : i32 to index
        %get3A_2074 = arith.constant 96 : index
        %get3A_2075 = tpu.vector_load %arg10[%get3A_2073, %get3A_2074] {strides = array<i32>} : memref<128x128xf32, #tpu.memory_space<vmem>>, vector<1x16xf32>,
        %get3A_2076 = vector.shape_cast %get3A_2075 : vector<1x16xf32> to vector<16xf32>
        %mul3A_2077 = arith.mulf %get3A_2076, %broadcast_in_dim3A_1960 : vector<16xf32>
        %mul3A_2078 = arith.constant 16 : i32
        %mul3A_2079 = arith.muli %scan3A_45, %mul3A_2078 : i32
        %add3A_2080 = arith.constant 13 : i32
        %add3A_2081 = arith.addi %mul3A_2079, %add3A_2080 : i32
        %swap3A_2082 = arith.index_cast %add3A_2081 : i32 to index
        %swap3A_2083 = arith.constant 96 : index
        %swap3A_2084 = tpu.vector_load %arg10[%swap3A_2082, %swap3A_2083] {strides = array<i32>} : memref<128x128xf32, #tpu.memory_space<vmem>>, vector<1x16xf32>,
        %swap3A_2085 = vector.shape_cast %swap3A_2084 : vector<1x16xf32> to vector<16xf32>
        %swap3A_2086 = vector.shape_cast %mul3A_2077 : vector<16xf32> to vector<1x16xf32>
        tpu.vector_store %arg10[%swap3A_2082, %swap3A_2083], %swap3A_2086 {strides = array<i32>} : memref<128x128xf32, #tpu.memory_space<vmem>>, vector<1x16xf32>,
        %mul3A_2087 = arith.constant 16 : i32
        %mul3A_2088 = arith.muli %scan3A_45, %mul3A_2087 : i32
        %add3A_2089 = arith.constant 13 : i32
        %add3A_2090 = arith.addi %mul3A_2088, %add3A_2089 : i32
        %get3A_2091 = arith.index_cast %add3A_2090 : i32 to index
        %get3A_2092 = arith.constant 112 : index
        %get3A_2093 = tpu.vector_load %arg10[%get3A_2091, %get3A_2092] {strides = array<i32>} : memref<128x128xf32, #tpu.memory_space<vmem>>, vector<1x16xf32>,
        %get3A_2094 = vector.shape_cast %get3A_2093 : vector<1x16xf32> to vector<16xf32>
        %mul3A_2095 = arith.mulf %get3A_2094, %broadcast_in_dim3A_1960 : vector<16xf32>
        %mul3A_2096 = arith.constant 16 : i32
        %mul3A_2097 = arith.muli %scan3A_45, %mul3A_2096 : i32
        %add3A_2098 = arith.constant 13 : i32
        %add3A_2099 = arith.addi %mul3A_2097, %add3A_2098 : i32
        %swap3A_2100 = arith.index_cast %add3A_2099 : i32 to index
        %swap3A_2101 = arith.constant 112 : index
        %swap3A_2102 = tpu.vector_load %arg10[%swap3A_2100, %swap3A_2101] {strides = array<i32>} : memref<128x128xf32, #tpu.memory_space<vmem>>, vector<1x16xf32>,
        %swap3A_2103 = vector.shape_cast %swap3A_2102 : vector<1x16xf32> to vector<16xf32>
        %swap3A_2104 = vector.shape_cast %mul3A_2095 : vector<16xf32> to vector<1x16xf32>
        tpu.vector_store %arg10[%swap3A_2100, %swap3A_2101], %swap3A_2104 {strides = array<i32>} : memref<128x128xf32, #tpu.memory_space<vmem>>, vector<1x16xf32>,
        %slice3A_2105 = vector.extract_strided_slice %get3A_50 {offsets = [14], sizes = [1], strides = [1]} : vector<16xf32> to vector<1xf32>
        %squeeze3A_2106 = vector.extract %slice3A_2105[0] : f32 from vector<1xf32>
        %broadcast_in_dim3A_2107 = vector.broadcast %squeeze3A_2106 : f32 to vector<16xf32>
        %mul3A_2108 = arith.constant 16 : i32
        %mul3A_2109 = arith.muli %scan3A_45, %mul3A_2108 : i32
        %add3A_2110 = arith.constant 14 : i32
        %add3A_2111 = arith.addi %mul3A_2109, %add3A_2110 : i32
        %get3A_2112 = arith.index_cast %add3A_2111 : i32 to index
        %get3A_2113 = arith.constant 0 : index
        %get3A_2114 = tpu.vector_load %arg10[%get3A_2112, %get3A_2113] {strides = array<i32>} : memref<128x128xf32, #tpu.memory_space<vmem>>, vector<1x16xf32>,
        %get3A_2115 = vector.shape_cast %get3A_2114 : vector<1x16xf32> to vector<16xf32>
        %mul3A_2116 = arith.mulf %get3A_2115, %broadcast_in_dim3A_2107 : vector<16xf32>
        %mul3A_2117 = arith.constant 16 : i32
        %mul3A_2118 = arith.muli %scan3A_45, %mul3A_2117 : i32
        %add3A_2119 = arith.constant 14 : i32
        %add3A_2120 = arith.addi %mul3A_2118, %add3A_2119 : i32
        %swap3A_2121 = arith.index_cast %add3A_2120 : i32 to index
        %swap3A_2122 = arith.constant 0 : index
        %swap3A_2123 = tpu.vector_load %arg10[%swap3A_2121, %swap3A_2122] {strides = array<i32>} : memref<128x128xf32, #tpu.memory_space<vmem>>, vector<1x16xf32>,
        %swap3A_2124 = vector.shape_cast %swap3A_2123 : vector<1x16xf32> to vector<16xf32>
        %swap3A_2125 = vector.shape_cast %mul3A_2116 : vector<16xf32> to vector<1x16xf32>
        tpu.vector_store %arg10[%swap3A_2121, %swap3A_2122], %swap3A_2125 {strides = array<i32>} : memref<128x128xf32, #tpu.memory_space<vmem>>, vector<1x16xf32>,
        %mul3A_2126 = arith.constant 16 : i32
        %mul3A_2127 = arith.muli %scan3A_45, %mul3A_2126 : i32
        %add3A_2128 = arith.constant 14 : i32
        %add3A_2129 = arith.addi %mul3A_2127, %add3A_2128 : i32
        %get3A_2130 = arith.index_cast %add3A_2129 : i32 to index
        %get3A_2131 = arith.constant 16 : index
        %get3A_2132 = tpu.vector_load %arg10[%get3A_2130, %get3A_2131] {strides = array<i32>} : memref<128x128xf32, #tpu.memory_space<vmem>>, vector<1x16xf32>,
        %get3A_2133 = vector.shape_cast %get3A_2132 : vector<1x16xf32> to vector<16xf32>
        %mul3A_2134 = arith.mulf %get3A_2133, %broadcast_in_dim3A_2107 : vector<16xf32>
        %mul3A_2135 = arith.constant 16 : i32
        %mul3A_2136 = arith.muli %scan3A_45, %mul3A_2135 : i32
        %add3A_2137 = arith.constant 14 : i32
        %add3A_2138 = arith.addi %mul3A_2136, %add3A_2137 : i32
        %swap3A_2139 = arith.index_cast %add3A_2138 : i32 to index
        %swap3A_2140 = arith.constant 16 : index
        %swap3A_2141 = tpu.vector_load %arg10[%swap3A_2139, %swap3A_2140] {strides = array<i32>} : memref<128x128xf32, #tpu.memory_space<vmem>>, vector<1x16xf32>,
        %swap3A_2142 = vector.shape_cast %swap3A_2141 : vector<1x16xf32> to vector<16xf32>
        %swap3A_2143 = vector.shape_cast %mul3A_2134 : vector<16xf32> to vector<1x16xf32>
        tpu.vector_store %arg10[%swap3A_2139, %swap3A_2140], %swap3A_2143 {strides = array<i32>} : memref<128x128xf32, #tpu.memory_space<vmem>>, vector<1x16xf32>,
        %mul3A_2144 = arith.constant 16 : i32
        %mul3A_2145 = arith.muli %scan3A_45, %mul3A_2144 : i32
        %add3A_2146 = arith.constant 14 : i32
        %add3A_2147 = arith.addi %mul3A_2145, %add3A_2146 : i32
        %get3A_2148 = arith.index_cast %add3A_2147 : i32 to index
        %get3A_2149 = arith.constant 32 : index
        %get3A_2150 = tpu.vector_load %arg10[%get3A_2148, %get3A_2149] {strides = array<i32>} : memref<128x128xf32, #tpu.memory_space<vmem>>, vector<1x16xf32>,
        %get3A_2151 = vector.shape_cast %get3A_2150 : vector<1x16xf32> to vector<16xf32>
        %mul3A_2152 = arith.mulf %get3A_2151, %broadcast_in_dim3A_2107 : vector<16xf32>
        %mul3A_2153 = arith.constant 16 : i32
        %mul3A_2154 = arith.muli %scan3A_45, %mul3A_2153 : i32
        %add3A_2155 = arith.constant 14 : i32
        %add3A_2156 = arith.addi %mul3A_2154, %add3A_2155 : i32
        %swap3A_2157 = arith.index_cast %add3A_2156 : i32 to index
        %swap3A_2158 = arith.constant 32 : index
        %swap3A_2159 = tpu.vector_load %arg10[%swap3A_2157, %swap3A_2158] {strides = array<i32>} : memref<128x128xf32, #tpu.memory_space<vmem>>, vector<1x16xf32>,
        %swap3A_2160 = vector.shape_cast %swap3A_2159 : vector<1x16xf32> to vector<16xf32>
        %swap3A_2161 = vector.shape_cast %mul3A_2152 : vector<16xf32> to vector<1x16xf32>
        tpu.vector_store %arg10[%swap3A_2157, %swap3A_2158], %swap3A_2161 {strides = array<i32>} : memref<128x128xf32, #tpu.memory_space<vmem>>, vector<1x16xf32>,
        %mul3A_2162 = arith.constant 16 : i32
        %mul3A_2163 = arith.muli %scan3A_45, %mul3A_2162 : i32
        %add3A_2164 = arith.constant 14 : i32
        %add3A_2165 = arith.addi %mul3A_2163, %add3A_2164 : i32
        %get3A_2166 = arith.index_cast %add3A_2165 : i32 to index
        %get3A_2167 = arith.constant 48 : index
        %get3A_2168 = tpu.vector_load %arg10[%get3A_2166, %get3A_2167] {strides = array<i32>} : memref<128x128xf32, #tpu.memory_space<vmem>>, vector<1x16xf32>,
        %get3A_2169 = vector.shape_cast %get3A_2168 : vector<1x16xf32> to vector<16xf32>
        %mul3A_2170 = arith.mulf %get3A_2169, %broadcast_in_dim3A_2107 : vector<16xf32>
        %mul3A_2171 = arith.constant 16 : i32
        %mul3A_2172 = arith.muli %scan3A_45, %mul3A_2171 : i32
        %add3A_2173 = arith.constant 14 : i32
        %add3A_2174 = arith.addi %mul3A_2172, %add3A_2173 : i32
        %swap3A_2175 = arith.index_cast %add3A_2174 : i32 to index
        %swap3A_2176 = arith.constant 48 : index
        %swap3A_2177 = tpu.vector_load %arg10[%swap3A_2175, %swap3A_2176] {strides = array<i32>} : memref<128x128xf32, #tpu.memory_space<vmem>>, vector<1x16xf32>,
        %swap3A_2178 = vector.shape_cast %swap3A_2177 : vector<1x16xf32> to vector<16xf32>
        %swap3A_2179 = vector.shape_cast %mul3A_2170 : vector<16xf32> to vector<1x16xf32>
        tpu.vector_store %arg10[%swap3A_2175, %swap3A_2176], %swap3A_2179 {strides = array<i32>} : memref<128x128xf32, #tpu.memory_space<vmem>>, vector<1x16xf32>,
        %mul3A_2180 = arith.constant 16 : i32
        %mul3A_2181 = arith.muli %scan3A_45, %mul3A_2180 : i32
        %add3A_2182 = arith.constant 14 : i32
        %add3A_2183 = arith.addi %mul3A_2181, %add3A_2182 : i32
        %get3A_2184 = arith.index_cast %add3A_2183 : i32 to index
        %get3A_2185 = arith.constant 64 : index
        %get3A_2186 = tpu.vector_load %arg10[%get3A_2184, %get3A_2185] {strides = array<i32>} : memref<128x128xf32, #tpu.memory_space<vmem>>, vector<1x16xf32>,
        %get3A_2187 = vector.shape_cast %get3A_2186 : vector<1x16xf32> to vector<16xf32>
        %mul3A_2188 = arith.mulf %get3A_2187, %broadcast_in_dim3A_2107 : vector<16xf32>
        %mul3A_2189 = arith.constant 16 : i32
        %mul3A_2190 = arith.muli %scan3A_45, %mul3A_2189 : i32
        %add3A_2191 = arith.constant 14 : i32
        %add3A_2192 = arith.addi %mul3A_2190, %add3A_2191 : i32
        %swap3A_2193 = arith.index_cast %add3A_2192 : i32 to index
        %swap3A_2194 = arith.constant 64 : index
        %swap3A_2195 = tpu.vector_load %arg10[%swap3A_2193, %swap3A_2194] {strides = array<i32>} : memref<128x128xf32, #tpu.memory_space<vmem>>, vector<1x16xf32>,
        %swap3A_2196 = vector.shape_cast %swap3A_2195 : vector<1x16xf32> to vector<16xf32>
        %swap3A_2197 = vector.shape_cast %mul3A_2188 : vector<16xf32> to vector<1x16xf32>
        tpu.vector_store %arg10[%swap3A_2193, %swap3A_2194], %swap3A_2197 {strides = array<i32>} : memref<128x128xf32, #tpu.memory_space<vmem>>, vector<1x16xf32>,
        %mul3A_2198 = arith.constant 16 : i32
        %mul3A_2199 = arith.muli %scan3A_45, %mul3A_2198 : i32
        %add3A_2200 = arith.constant 14 : i32
        %add3A_2201 = arith.addi %mul3A_2199, %add3A_2200 : i32
        %get3A_2202 = arith.index_cast %add3A_2201 : i32 to index
        %get3A_2203 = arith.constant 80 : index
        %get3A_2204 = tpu.vector_load %arg10[%get3A_2202, %get3A_2203] {strides = array<i32>} : memref<128x128xf32, #tpu.memory_space<vmem>>, vector<1x16xf32>,
        %get3A_2205 = vector.shape_cast %get3A_2204 : vector<1x16xf32> to vector<16xf32>
        %mul3A_2206 = arith.mulf %get3A_2205, %broadcast_in_dim3A_2107 : vector<16xf32>
        %mul3A_2207 = arith.constant 16 : i32
        %mul3A_2208 = arith.muli %scan3A_45, %mul3A_2207 : i32
        %add3A_2209 = arith.constant 14 : i32
        %add3A_2210 = arith.addi %mul3A_2208, %add3A_2209 : i32
        %swap3A_2211 = arith.index_cast %add3A_2210 : i32 to index
        %swap3A_2212 = arith.constant 80 : index
        %swap3A_2213 = tpu.vector_load %arg10[%swap3A_2211, %swap3A_2212] {strides = array<i32>} : memref<128x128xf32, #tpu.memory_space<vmem>>, vector<1x16xf32>,
        %swap3A_2214 = vector.shape_cast %swap3A_2213 : vector<1x16xf32> to vector<16xf32>
        %swap3A_2215 = vector.shape_cast %mul3A_2206 : vector<16xf32> to vector<1x16xf32>
        tpu.vector_store %arg10[%swap3A_2211, %swap3A_2212], %swap3A_2215 {strides = array<i32>} : memref<128x128xf32, #tpu.memory_space<vmem>>, vector<1x16xf32>,
        %mul3A_2216 = arith.constant 16 : i32
        %mul3A_2217 = arith.muli %scan3A_45, %mul3A_2216 : i32
        %add3A_2218 = arith.constant 14 : i32
        %add3A_2219 = arith.addi %mul3A_2217, %add3A_2218 : i32
        %get3A_2220 = arith.index_cast %add3A_2219 : i32 to index
        %get3A_2221 = arith.constant 96 : index
        %get3A_2222 = tpu.vector_load %arg10[%get3A_2220, %get3A_2221] {strides = array<i32>} : memref<128x128xf32, #tpu.memory_space<vmem>>, vector<1x16xf32>,
        %get3A_2223 = vector.shape_cast %get3A_2222 : vector<1x16xf32> to vector<16xf32>
        %mul3A_2224 = arith.mulf %get3A_2223, %broadcast_in_dim3A_2107 : vector<16xf32>
        %mul3A_2225 = arith.constant 16 : i32
        %mul3A_2226 = arith.muli %scan3A_45, %mul3A_2225 : i32
        %add3A_2227 = arith.constant 14 : i32
        %add3A_2228 = arith.addi %mul3A_2226, %add3A_2227 : i32
        %swap3A_2229 = arith.index_cast %add3A_2228 : i32 to index
        %swap3A_2230 = arith.constant 96 : index
        %swap3A_2231 = tpu.vector_load %arg10[%swap3A_2229, %swap3A_2230] {strides = array<i32>} : memref<128x128xf32, #tpu.memory_space<vmem>>, vector<1x16xf32>,
        %swap3A_2232 = vector.shape_cast %swap3A_2231 : vector<1x16xf32> to vector<16xf32>
        %swap3A_2233 = vector.shape_cast %mul3A_2224 : vector<16xf32> to vector<1x16xf32>
        tpu.vector_store %arg10[%swap3A_2229, %swap3A_2230], %swap3A_2233 {strides = array<i32>} : memref<128x128xf32, #tpu.memory_space<vmem>>, vector<1x16xf32>,
        %mul3A_2234 = arith.constant 16 : i32
        %mul3A_2235 = arith.muli %scan3A_45, %mul3A_2234 : i32
        %add3A_2236 = arith.constant 14 : i32
        %add3A_2237 = arith.addi %mul3A_2235, %add3A_2236 : i32
        %get3A_2238 = arith.index_cast %add3A_2237 : i32 to index
        %get3A_2239 = arith.constant 112 : index
        %get3A_2240 = tpu.vector_load %arg10[%get3A_2238, %get3A_2239] {strides = array<i32>} : memref<128x128xf32, #tpu.memory_space<vmem>>, vector<1x16xf32>,
        %get3A_2241 = vector.shape_cast %get3A_2240 : vector<1x16xf32> to vector<16xf32>
        %mul3A_2242 = arith.mulf %get3A_2241, %broadcast_in_dim3A_2107 : vector<16xf32>
        %mul3A_2243 = arith.constant 16 : i32
        %mul3A_2244 = arith.muli %scan3A_45, %mul3A_2243 : i32
        %add3A_2245 = arith.constant 14 : i32
        %add3A_2246 = arith.addi %mul3A_2244, %add3A_2245 : i32
        %swap3A_2247 = arith.index_cast %add3A_2246 : i32 to index
        %swap3A_2248 = arith.constant 112 : index
        %swap3A_2249 = tpu.vector_load %arg10[%swap3A_2247, %swap3A_2248] {strides = array<i32>} : memref<128x128xf32, #tpu.memory_space<vmem>>, vector<1x16xf32>,
        %swap3A_2250 = vector.shape_cast %swap3A_2249 : vector<1x16xf32> to vector<16xf32>
        %swap3A_2251 = vector.shape_cast %mul3A_2242 : vector<16xf32> to vector<1x16xf32>
        tpu.vector_store %arg10[%swap3A_2247, %swap3A_2248], %swap3A_2251 {strides = array<i32>} : memref<128x128xf32, #tpu.memory_space<vmem>>, vector<1x16xf32>,
        %slice3A_2252 = vector.extract_strided_slice %get3A_50 {offsets = [15], sizes = [1], strides = [1]} : vector<16xf32> to vector<1xf32>
        %squeeze3A_2253 = vector.extract %slice3A_2252[0] : f32 from vector<1xf32>
        %broadcast_in_dim3A_2254 = vector.broadcast %squeeze3A_2253 : f32 to vector<16xf32>
        %mul3A_2255 = arith.constant 16 : i32
        %mul3A_2256 = arith.muli %scan3A_45, %mul3A_2255 : i32
        %add3A_2257 = arith.constant 15 : i32
        %add3A_2258 = arith.addi %mul3A_2256, %add3A_2257 : i32
        %get3A_2259 = arith.index_cast %add3A_2258 : i32 to index
        %get3A_2260 = arith.constant 0 : index
        %get3A_2261 = tpu.vector_load %arg10[%get3A_2259, %get3A_2260] {strides = array<i32>} : memref<128x128xf32, #tpu.memory_space<vmem>>, vector<1x16xf32>,
        %get3A_2262 = vector.shape_cast %get3A_2261 : vector<1x16xf32> to vector<16xf32>
        %mul3A_2263 = arith.mulf %get3A_2262, %broadcast_in_dim3A_2254 : vector<16xf32>
        %mul3A_2264 = arith.constant 16 : i32
        %mul3A_2265 = arith.muli %scan3A_45, %mul3A_2264 : i32
        %add3A_2266 = arith.constant 15 : i32
        %add3A_2267 = arith.addi %mul3A_2265, %add3A_2266 : i32
        %swap3A_2268 = arith.index_cast %add3A_2267 : i32 to index
        %swap3A_2269 = arith.constant 0 : index
        %swap3A_2270 = tpu.vector_load %arg10[%swap3A_2268, %swap3A_2269] {strides = array<i32>} : memref<128x128xf32, #tpu.memory_space<vmem>>, vector<1x16xf32>,
        %swap3A_2271 = vector.shape_cast %swap3A_2270 : vector<1x16xf32> to vector<16xf32>
        %swap3A_2272 = vector.shape_cast %mul3A_2263 : vector<16xf32> to vector<1x16xf32>
        tpu.vector_store %arg10[%swap3A_2268, %swap3A_2269], %swap3A_2272 {strides = array<i32>} : memref<128x128xf32, #tpu.memory_space<vmem>>, vector<1x16xf32>,
        %mul3A_2273 = arith.constant 16 : i32
        %mul3A_2274 = arith.muli %scan3A_45, %mul3A_2273 : i32
        %add3A_2275 = arith.constant 15 : i32
        %add3A_2276 = arith.addi %mul3A_2274, %add3A_2275 : i32
        %get3A_2277 = arith.index_cast %add3A_2276 : i32 to index
        %get3A_2278 = arith.constant 16 : index
        %get3A_2279 = tpu.vector_load %arg10[%get3A_2277, %get3A_2278] {strides = array<i32>} : memref<128x128xf32, #tpu.memory_space<vmem>>, vector<1x16xf32>,
        %get3A_2280 = vector.shape_cast %get3A_2279 : vector<1x16xf32> to vector<16xf32>
        %mul3A_2281 = arith.mulf %get3A_2280, %broadcast_in_dim3A_2254 : vector<16xf32>
        %mul3A_2282 = arith.constant 16 : i32
        %mul3A_2283 = arith.muli %scan3A_45, %mul3A_2282 : i32
        %add3A_2284 = arith.constant 15 : i32
        %add3A_2285 = arith.addi %mul3A_2283, %add3A_2284 : i32
        %swap3A_2286 = arith.index_cast %add3A_2285 : i32 to index
        %swap3A_2287 = arith.constant 16 : index
        %swap3A_2288 = tpu.vector_load %arg10[%swap3A_2286, %swap3A_2287] {strides = array<i32>} : memref<128x128xf32, #tpu.memory_space<vmem>>, vector<1x16xf32>,
        %swap3A_2289 = vector.shape_cast %swap3A_2288 : vector<1x16xf32> to vector<16xf32>
        %swap3A_2290 = vector.shape_cast %mul3A_2281 : vector<16xf32> to vector<1x16xf32>
        tpu.vector_store %arg10[%swap3A_2286, %swap3A_2287], %swap3A_2290 {strides = array<i32>} : memref<128x128xf32, #tpu.memory_space<vmem>>, vector<1x16xf32>,
        %mul3A_2291 = arith.constant 16 : i32
        %mul3A_2292 = arith.muli %scan3A_45, %mul3A_2291 : i32
        %add3A_2293 = arith.constant 15 : i32
        %add3A_2294 = arith.addi %mul3A_2292, %add3A_2293 : i32
        %get3A_2295 = arith.index_cast %add3A_2294 : i32 to index
        %get3A_2296 = arith.constant 32 : index
        %get3A_2297 = tpu.vector_load %arg10[%get3A_2295, %get3A_2296] {strides = array<i32>} : memref<128x128xf32, #tpu.memory_space<vmem>>, vector<1x16xf32>,
        %get3A_2298 = vector.shape_cast %get3A_2297 : vector<1x16xf32> to vector<16xf32>
        %mul3A_2299 = arith.mulf %get3A_2298, %broadcast_in_dim3A_2254 : vector<16xf32>
        %mul3A_2300 = arith.constant 16 : i32
        %mul3A_2301 = arith.muli %scan3A_45, %mul3A_2300 : i32
        %add3A_2302 = arith.constant 15 : i32
        %add3A_2303 = arith.addi %mul3A_2301, %add3A_2302 : i32
        %swap3A_2304 = arith.index_cast %add3A_2303 : i32 to index
        %swap3A_2305 = arith.constant 32 : index
        %swap3A_2306 = tpu.vector_load %arg10[%swap3A_2304, %swap3A_2305] {strides = array<i32>} : memref<128x128xf32, #tpu.memory_space<vmem>>, vector<1x16xf32>,
        %swap3A_2307 = vector.shape_cast %swap3A_2306 : vector<1x16xf32> to vector<16xf32>
        %swap3A_2308 = vector.shape_cast %mul3A_2299 : vector<16xf32> to vector<1x16xf32>
        tpu.vector_store %arg10[%swap3A_2304, %swap3A_2305], %swap3A_2308 {strides = array<i32>} : memref<128x128xf32, #tpu.memory_space<vmem>>, vector<1x16xf32>,
        %mul3A_2309 = arith.constant 16 : i32
        %mul3A_2310 = arith.muli %scan3A_45, %mul3A_2309 : i32
        %add3A_2311 = arith.constant 15 : i32
        %add3A_2312 = arith.addi %mul3A_2310, %add3A_2311 : i32
        %get3A_2313 = arith.index_cast %add3A_2312 : i32 to index
        %get3A_2314 = arith.constant 48 : index
        %get3A_2315 = tpu.vector_load %arg10[%get3A_2313, %get3A_2314] {strides = array<i32>} : memref<128x128xf32, #tpu.memory_space<vmem>>, vector<1x16xf32>,
        %get3A_2316 = vector.shape_cast %get3A_2315 : vector<1x16xf32> to vector<16xf32>
        %mul3A_2317 = arith.mulf %get3A_2316, %broadcast_in_dim3A_2254 : vector<16xf32>
        %mul3A_2318 = arith.constant 16 : i32
        %mul3A_2319 = arith.muli %scan3A_45, %mul3A_2318 : i32
        %add3A_2320 = arith.constant 15 : i32
        %add3A_2321 = arith.addi %mul3A_2319, %add3A_2320 : i32
        %swap3A_2322 = arith.index_cast %add3A_2321 : i32 to index
        %swap3A_2323 = arith.constant 48 : index
        %swap3A_2324 = tpu.vector_load %arg10[%swap3A_2322, %swap3A_2323] {strides = array<i32>} : memref<128x128xf32, #tpu.memory_space<vmem>>, vector<1x16xf32>,
        %swap3A_2325 = vector.shape_cast %swap3A_2324 : vector<1x16xf32> to vector<16xf32>
        %swap3A_2326 = vector.shape_cast %mul3A_2317 : vector<16xf32> to vector<1x16xf32>
        tpu.vector_store %arg10[%swap3A_2322, %swap3A_2323], %swap3A_2326 {strides = array<i32>} : memref<128x128xf32, #tpu.memory_space<vmem>>, vector<1x16xf32>,
        %mul3A_2327 = arith.constant 16 : i32
        %mul3A_2328 = arith.muli %scan3A_45, %mul3A_2327 : i32
        %add3A_2329 = arith.constant 15 : i32
        %add3A_2330 = arith.addi %mul3A_2328, %add3A_2329 : i32
        %get3A_2331 = arith.index_cast %add3A_2330 : i32 to index
        %get3A_2332 = arith.constant 64 : index
        %get3A_2333 = tpu.vector_load %arg10[%get3A_2331, %get3A_2332] {strides = array<i32>} : memref<128x128xf32, #tpu.memory_space<vmem>>, vector<1x16xf32>,
        %get3A_2334 = vector.shape_cast %get3A_2333 : vector<1x16xf32> to vector<16xf32>
        %mul3A_2335 = arith.mulf %get3A_2334, %broadcast_in_dim3A_2254 : vector<16xf32>
        %mul3A_2336 = arith.constant 16 : i32
        %mul3A_2337 = arith.muli %scan3A_45, %mul3A_2336 : i32
        %add3A_2338 = arith.constant 15 : i32
        %add3A_2339 = arith.addi %mul3A_2337, %add3A_2338 : i32
        %swap3A_2340 = arith.index_cast %add3A_2339 : i32 to index
        %swap3A_2341 = arith.constant 64 : index
        %swap3A_2342 = tpu.vector_load %arg10[%swap3A_2340, %swap3A_2341] {strides = array<i32>} : memref<128x128xf32, #tpu.memory_space<vmem>>, vector<1x16xf32>,
        %swap3A_2343 = vector.shape_cast %swap3A_2342 : vector<1x16xf32> to vector<16xf32>
        %swap3A_2344 = vector.shape_cast %mul3A_2335 : vector<16xf32> to vector<1x16xf32>
        tpu.vector_store %arg10[%swap3A_2340, %swap3A_2341], %swap3A_2344 {strides = array<i32>} : memref<128x128xf32, #tpu.memory_space<vmem>>, vector<1x16xf32>,
        %mul3A_2345 = arith.constant 16 : i32
        %mul3A_2346 = arith.muli %scan3A_45, %mul3A_2345 : i32
        %add3A_2347 = arith.constant 15 : i32
        %add3A_2348 = arith.addi %mul3A_2346, %add3A_2347 : i32
        %get3A_2349 = arith.index_cast %add3A_2348 : i32 to index
        %get3A_2350 = arith.constant 80 : index
        %get3A_2351 = tpu.vector_load %arg10[%get3A_2349, %get3A_2350] {strides = array<i32>} : memref<128x128xf32, #tpu.memory_space<vmem>>, vector<1x16xf32>,
        %get3A_2352 = vector.shape_cast %get3A_2351 : vector<1x16xf32> to vector<16xf32>
        %mul3A_2353 = arith.mulf %get3A_2352, %broadcast_in_dim3A_2254 : vector<16xf32>
        %mul3A_2354 = arith.constant 16 : i32
        %mul3A_2355 = arith.muli %scan3A_45, %mul3A_2354 : i32
        %add3A_2356 = arith.constant 15 : i32
        %add3A_2357 = arith.addi %mul3A_2355, %add3A_2356 : i32
        %swap3A_2358 = arith.index_cast %add3A_2357 : i32 to index
        %swap3A_2359 = arith.constant 80 : index
        %swap3A_2360 = tpu.vector_load %arg10[%swap3A_2358, %swap3A_2359] {strides = array<i32>} : memref<128x128xf32, #tpu.memory_space<vmem>>, vector<1x16xf32>,
        %swap3A_2361 = vector.shape_cast %swap3A_2360 : vector<1x16xf32> to vector<16xf32>
        %swap3A_2362 = vector.shape_cast %mul3A_2353 : vector<16xf32> to vector<1x16xf32>
        tpu.vector_store %arg10[%swap3A_2358, %swap3A_2359], %swap3A_2362 {strides = array<i32>} : memref<128x128xf32, #tpu.memory_space<vmem>>, vector<1x16xf32>,
        %mul3A_2363 = arith.constant 16 : i32
        %mul3A_2364 = arith.muli %scan3A_45, %mul3A_2363 : i32
        %add3A_2365 = arith.constant 15 : i32
        %add3A_2366 = arith.addi %mul3A_2364, %add3A_2365 : i32
        %get3A_2367 = arith.index_cast %add3A_2366 : i32 to index
        %get3A_2368 = arith.constant 96 : index
        %get3A_2369 = tpu.vector_load %arg10[%get3A_2367, %get3A_2368] {strides = array<i32>} : memref<128x128xf32, #tpu.memory_space<vmem>>, vector<1x16xf32>,
        %get3A_2370 = vector.shape_cast %get3A_2369 : vector<1x16xf32> to vector<16xf32>
        %mul3A_2371 = arith.mulf %get3A_2370, %broadcast_in_dim3A_2254 : vector<16xf32>
        %mul3A_2372 = arith.constant 16 : i32
        %mul3A_2373 = arith.muli %scan3A_45, %mul3A_2372 : i32
        %add3A_2374 = arith.constant 15 : i32
        %add3A_2375 = arith.addi %mul3A_2373, %add3A_2374 : i32
        %swap3A_2376 = arith.index_cast %add3A_2375 : i32 to index
        %swap3A_2377 = arith.constant 96 : index
        %swap3A_2378 = tpu.vector_load %arg10[%swap3A_2376, %swap3A_2377] {strides = array<i32>} : memref<128x128xf32, #tpu.memory_space<vmem>>, vector<1x16xf32>,
        %swap3A_2379 = vector.shape_cast %swap3A_2378 : vector<1x16xf32> to vector<16xf32>
        %swap3A_2380 = vector.shape_cast %mul3A_2371 : vector<16xf32> to vector<1x16xf32>
        tpu.vector_store %arg10[%swap3A_2376, %swap3A_2377], %swap3A_2380 {strides = array<i32>} : memref<128x128xf32, #tpu.memory_space<vmem>>, vector<1x16xf32>,
        %mul3A_2381 = arith.constant 16 : i32
        %mul3A_2382 = arith.muli %scan3A_45, %mul3A_2381 : i32
        %add3A_2383 = arith.constant 15 : i32
        %add3A_2384 = arith.addi %mul3A_2382, %add3A_2383 : i32
        %get3A_2385 = arith.index_cast %add3A_2384 : i32 to index
        %get3A_2386 = arith.constant 112 : index
        %get3A_2387 = tpu.vector_load %arg10[%get3A_2385, %get3A_2386] {strides = array<i32>} : memref<128x128xf32, #tpu.memory_space<vmem>>, vector<1x16xf32>,
        %get3A_2388 = vector.shape_cast %get3A_2387 : vector<1x16xf32> to vector<16xf32>
        %mul3A_2389 = arith.mulf %get3A_2388, %broadcast_in_dim3A_2254 : vector<16xf32>
        %mul3A_2390 = arith.constant 16 : i32
        %mul3A_2391 = arith.muli %scan3A_45, %mul3A_2390 : i32
        %add3A_2392 = arith.constant 15 : i32
        %add3A_2393 = arith.addi %mul3A_2391, %add3A_2392 : i32
        %swap3A_2394 = arith.index_cast %add3A_2393 : i32 to index
        %swap3A_2395 = arith.constant 112 : index
        %swap3A_2396 = tpu.vector_load %arg10[%swap3A_2394, %swap3A_2395] {strides = array<i32>} : memref<128x128xf32, #tpu.memory_space<vmem>>, vector<1x16xf32>,
        %swap3A_2397 = vector.shape_cast %swap3A_2396 : vector<1x16xf32> to vector<16xf32>
        %swap3A_2398 = vector.shape_cast %mul3A_2389 : vector<16xf32> to vector<1x16xf32>
        tpu.vector_store %arg10[%swap3A_2394, %swap3A_2395], %swap3A_2398 {strides = array<i32>} : memref<128x128xf32, #tpu.memory_space<vmem>>, vector<1x16xf32>,
        %scan3A_2399 = arith.constant 0 : i32
        scf.yield %scan3A_2399 : i32
      }
      %scan3A_43 = arith.constant 8 : i32
      "tpu.region"() ({
        %run_scoped3A = tpu.sem_alloc : memref<!tpu.dma_semaphore, #tpu.memory_space<semaphore_mem>>
        %dma_start3A_45 = arith.constant 0 : i32
        %dma_start3A_46 = arith.constant 0 : i32
        %dma_start3A_47 = tpu.memref_slice %arg12[%dma_start3A_45, %dma_start3A_46] : memref<10240x128xf32, #tpu.memory_space<vmem_shared>> -> memref<10240x128xf32, #tpu.memory_space<vmem_shared>>
        tpu.enqueue_indirect_dma source(%arg10 : memref<128x128xf32, #tpu.memory_space<vmem>>) target(%dma_start3A_47 : memref<10240x128xf32, #tpu.memory_space<vmem_shared>>) offsets(%arg8 : memref<128xi32, #tpu.memory_space<vmem>>) semaphore(%run_scoped3A : memref<!tpu.dma_semaphore, #tpu.memory_space<semaphore_mem>>) {add = true}
        %dma_wait3A_48 = arith.constant 0 : i32
        %dma_wait3A_49 = arith.constant 0 : i32
        %dma_wait3A_50 = tpu.memref_slice %arg12[%dma_wait3A_48, %dma_wait3A_49] : memref<10240x128xf32, #tpu.memory_space<vmem_shared>> -> memref<10240x128xf32, #tpu.memory_space<vmem_shared>>
        tpu.wait_indirect_dma semaphore(%run_scoped3A : memref<!tpu.dma_semaphore, #tpu.memory_space<semaphore_mem>>) src(%arg10 : memref<128x128xf32, #tpu.memory_space<vmem>>) dst(%dma_wait3A_50 : memref<10240x128xf32, #tpu.memory_space<vmem_shared>>)
        tpu.yield
      }) : () -> ()
      %scan3A_44 = arith.constant 0 : i32
      scf.yield %scan3A_44 : i32
    }
    %scan3A_20 = arith.constant 79 : i32
    %barrier3A_21 = arith.constant 0 : index
    tpu.barrier barrier_id(%barrier3A_21)
    %mul3A_22 = arith.constant 640 : i32
    %mul3A_23 = arith.muli %arg1, %mul3A_22 : i32
    %mul3A_24 = arith.constant 640 : i32
    %mul3A_25 = arith.muli %arg1, %mul3A_24 : i32
    "tpu.region"() ({
      %run_scoped3A = tpu.sem_alloc : memref<!tpu.dma_semaphore, #tpu.memory_space<semaphore_mem>>
      %dma_start3A = arith.constant 0 : i32
      %dma_start3A_26 = tpu.memref_slice %arg6[%arg0, %mul3A_25, %dma_start3A] : memref<2x10240x128xf32, #tpu.memory_space<hbm>> -> memref<1x640x128xf32, #tpu.memory_space<hbm>>
      %dma_start3A_27 = tpu.memref_squeeze %dma_start3A_26 : memref<1x640x128xf32, #tpu.memory_space<hbm>> -> memref<640x128xf32, #tpu.memory_space<hbm>>
      %dma_start3A_28 = arith.constant 0 : i32
      %dma_start3A_29 = tpu.memref_slice %arg12[%mul3A_23, %dma_start3A_28] : memref<10240x128xf32, #tpu.memory_space<vmem_shared>> -> memref<640x128xf32, #tpu.memory_space<vmem_shared>>
      tpu.enqueue_dma source(%dma_start3A_29 : memref<640x128xf32, #tpu.memory_space<vmem_shared>>) target(%dma_start3A_27 : memref<640x128xf32, #tpu.memory_space<hbm>>) target_semaphore(%run_scoped3A : memref<!tpu.dma_semaphore, #tpu.memory_space<semaphore_mem>>)
      %dma_wait3A = arith.constant 0 : i32
      %dma_wait3A_30 = tpu.memref_slice %arg6[%arg0, %mul3A_25, %dma_wait3A] : memref<2x10240x128xf32, #tpu.memory_space<hbm>> -> memref<1x640x128xf32, #tpu.memory_space<hbm>>
      %dma_wait3A_31 = tpu.memref_squeeze %dma_wait3A_30 : memref<1x640x128xf32, #tpu.memory_space<hbm>> -> memref<640x128xf32, #tpu.memory_space<hbm>>
      %dma_wait3A_32 = arith.constant 0 : i32
      %dma_wait3A_33 = tpu.memref_slice %arg12[%mul3A_23, %dma_wait3A_32] : memref<10240x128xf32, #tpu.memory_space<vmem_shared>> -> memref<640x128xf32, #tpu.memory_space<vmem_shared>>
      tpu.wait_dma2 semaphore(%run_scoped3A : memref<!tpu.dma_semaphore, #tpu.memory_space<semaphore_mem>>) src(%dma_wait3A_33 : memref<640x128xf32, #tpu.memory_space<vmem_shared>>) dst(%dma_wait3A_31 : memref<640x128xf32, #tpu.memory_space<hbm>>)
      tpu.yield
    }) : () -> ()
    return
  }
}

module attributes {stable_mosaic.version = 14 : i64} {
  func.func @_tc_first(%arg0: i32, %arg1: memref<1024x128xf32, #tpu.memory_space<vmem>>, %arg2: memref<128x128xf32, #tpu.memory_space<vmem>>, %arg3: memref<2x10240xf32, #tpu.memory_space<vmem>>, %arg4: memref<1024x128xf32, #tpu.memory_space<vmem>>) attributes {dimension_semantics = [#tpu.dimension_semantics<arbitrary>], iteration_bounds = array<i64: 10>, scalar_prefetch = 0 : i64, scratch_operands = 0 : i64, tpu.core_type = #tpu.core_type<tc>, window_params = [{transform_indices = @transform_0, window_bounds = array<i64: 1024, 128>}, {pipeline_mode = #tpu.pipeline_mode<synchronous>, transform_indices = @transform_1, window_bounds = array<i64: 128, 128>}, {pipeline_mode = #tpu.pipeline_mode<synchronous>, transform_indices = @transform_2, window_bounds = array<i64: 2, 10240>}, {transform_indices = @transform_3, window_bounds = array<i64: 1024, 128>}]} {
    %get3A = arith.constant 0 : index
    %get3A_0 = arith.constant 0 : index
    %get3A_1 = vector.load %arg1[%get3A, %get3A_0] : memref<1024x128xf32, #tpu.memory_space<vmem>>, vector<1024x128xf32>
    %get3A_2 = arith.constant 0 : index
    %get3A_3 = arith.constant 0 : index
    %get3A_4 = vector.load %arg2[%get3A_2, %get3A_3] : memref<128x128xf32, #tpu.memory_space<vmem>>, vector<128x128xf32>
    %dot_general3A = arith.constant dense<0.000000e+00> : vector<1024x128xf32>
    %dot_general3A_5 = tpu.matmul %get3A_1, %get3A_4, %dot_general3A {dimension_numbers = #tpu.dot_dimension_numbers<[1], [0], [0], [1], [0, 0, 1, 1], [], []>, precision = #tpu.contract_precision<fp32>, transpose_lhs_hint = false} : vector<1024x128xf32>, vector<128x128xf32>, vector<1024x128xf32> -> vector<1024x128xf32>
    %mul3A = arith.constant 1024 : i32
    %mul3A_6 = arith.muli %arg0, %mul3A : i32
    %get3A_7 = arith.constant 0 : index
    %get3A_8 = arith.index_cast %mul3A_6 : i32 to index
    %get3A_9 = vector.load %arg3[%get3A_7, %get3A_8] : memref<2x10240xf32, #tpu.memory_space<vmem>>, vector<2x1024xf32>
    %slice3A = vector.extract_strided_slice %get3A_9 {offsets = [0, 0], sizes = [1, 1024], strides = [1, 1]} : vector<2x1024xf32> to vector<1x1024xf32>
    %squeeze3A = vector.shape_cast %slice3A : vector<1x1024xf32> to vector<1024xf32>
    %slice3A_10 = vector.extract_strided_slice %get3A_9 {offsets = [1, 0], sizes = [1, 1024], strides = [1, 1]} : vector<2x1024xf32> to vector<1x1024xf32>
    %squeeze3A_11 = vector.shape_cast %slice3A_10 : vector<1x1024xf32> to vector<1024xf32>
    %add3A = arith.addf %squeeze3A, %squeeze3A_11 : vector<1024xf32>
    %add3A_12 = arith.constant 1.000000e+00 : f32
    %add3A_13 = vector.broadcast %add3A_12 : f32 to vector<1024xf32>
    %add3A_14 = arith.addf %add3A, %add3A_13 : vector<1024xf32>
    %gt3A = arith.constant 0.000000e+00 : f32
    %gt3A_15 = vector.broadcast %gt3A : f32 to vector<1024xf32>
    %gt3A_16 = arith.cmpf ogt, %add3A_14, %gt3A_15 : vector<1024xf32>
    %rsqrt3A = math.rsqrt %add3A_14 : vector<1024xf32>
    %jit3A = arith.constant 0.000000e+00 : f32
    %broadcast_in_dim3A = vector.broadcast %jit3A : f32 to vector<1024xf32>
    %select_n3A = arith.select %gt3A_16, %rsqrt3A, %broadcast_in_dim3A : vector<1024xi1>, vector<1024xf32>
    %broadcast_in_dim3A_17 = vector.shape_cast %select_n3A : vector<1024xf32> to vector<1024x1xf32>
    %mul3A_18 = vector.broadcast %broadcast_in_dim3A_17 : vector<1024x1xf32> to vector<1024x128xf32>
    %mul3A_19 = arith.mulf %dot_general3A_5, %mul3A_18 : vector<1024x128xf32>
    %swap3A = arith.constant 0 : index
    %swap3A_20 = arith.constant 0 : index
    %swap3A_21 = vector.load %arg4[%swap3A, %swap3A_20] : memref<1024x128xf32, #tpu.memory_space<vmem>>, vector<1024x128xf32>
    tpu.vector_store %arg4[%swap3A, %swap3A_20], %mul3A_19 {strides = array<i32>} : memref<1024x128xf32, #tpu.memory_space<vmem>>, vector<1024x128xf32>,
    return
  }
  func.func @transform_0(%arg0: i32) -> (i32, i32) {
    %c0_i32 = arith.constant 0 : i32
    %c0_i32_0 = arith.constant 0 : i32
    return %arg0, %c0_i32 : i32, i32
  }
  func.func @transform_1(%arg0: i32) -> (i32, i32) {
    %c0_i32 = arith.constant 0 : i32
    %c0_i32_0 = arith.constant 0 : i32
    %c0_i32_1 = arith.constant 0 : i32
    return %c0_i32, %c0_i32_0 : i32, i32
  }
  func.func @transform_2(%arg0: i32) -> (i32, i32) {
    %c0_i32 = arith.constant 0 : i32
    %c0_i32_0 = arith.constant 0 : i32
    %c0_i32_1 = arith.constant 0 : i32
    return %c0_i32, %c0_i32_0 : i32, i32
  }
  func.func @transform_3(%arg0: i32) -> (i32, i32) {
    %c0_i32 = arith.constant 0 : i32
    %c0_i32_0 = arith.constant 0 : i32
    return %arg0, %c0_i32 : i32, i32
  }
}

module attributes {stable_mosaic.version = 14 : i64} {
  func.func @_tc_mid(%arg0: i32, %arg1: memref<2x1024x128xf32, #tpu.memory_space<vmem>>, %arg2: memref<1024x128xf32, #tpu.memory_space<vmem>>, %arg3: memref<2x10240xf32, #tpu.memory_space<vmem>>, %arg4: memref<128x128xf32, #tpu.memory_space<vmem>>, %arg5: memref<1x128xf32, #tpu.memory_space<vmem>>, %arg6: memref<1024x128xf32, #tpu.memory_space<vmem>>) attributes {dimension_semantics = [#tpu.dimension_semantics<arbitrary>], iteration_bounds = array<i64: 10>, scalar_prefetch = 0 : i64, scratch_operands = 0 : i64, tpu.core_type = #tpu.core_type<tc>, window_params = [{transform_indices = @transform_0, window_bounds = array<i64: 2, 1024, 128>}, {transform_indices = @transform_1, window_bounds = array<i64: 1024, 128>}, {pipeline_mode = #tpu.pipeline_mode<synchronous>, transform_indices = @transform_2, window_bounds = array<i64: 2, 10240>}, {pipeline_mode = #tpu.pipeline_mode<synchronous>, transform_indices = @transform_3, window_bounds = array<i64: 128, 128>}, {pipeline_mode = #tpu.pipeline_mode<synchronous>, transform_indices = @transform_4, window_bounds = array<i64: 1, 128>}, {transform_indices = @transform_5, window_bounds = array<i64: 1024, 128>}]} {
    %mul3A = arith.constant 1024 : i32
    %mul3A_0 = arith.muli %arg0, %mul3A : i32
    %get3A = arith.constant 0 : index
    %get3A_1 = arith.index_cast %mul3A_0 : i32 to index
    %get3A_2 = vector.load %arg3[%get3A, %get3A_1] : memref<2x10240xf32, #tpu.memory_space<vmem>>, vector<2x1024xf32>
    %slice3A = vector.extract_strided_slice %get3A_2 {offsets = [0, 0], sizes = [1, 1024], strides = [1, 1]} : vector<2x1024xf32> to vector<1x1024xf32>
    %squeeze3A = vector.shape_cast %slice3A : vector<1x1024xf32> to vector<1024xf32>
    %slice3A_3 = vector.extract_strided_slice %get3A_2 {offsets = [1, 0], sizes = [1, 1024], strides = [1, 1]} : vector<2x1024xf32> to vector<1x1024xf32>
    %squeeze3A_4 = vector.shape_cast %slice3A_3 : vector<1x1024xf32> to vector<1024xf32>
    %add3A = arith.addf %squeeze3A, %squeeze3A_4 : vector<1024xf32>
    %add3A_5 = arith.constant 1.000000e+00 : f32
    %add3A_6 = vector.broadcast %add3A_5 : f32 to vector<1024xf32>
    %add3A_7 = arith.addf %add3A, %add3A_6 : vector<1024xf32>
    %gt3A = arith.constant 0.000000e+00 : f32
    %gt3A_8 = vector.broadcast %gt3A : f32 to vector<1024xf32>
    %gt3A_9 = arith.cmpf ogt, %add3A_7, %gt3A_8 : vector<1024xf32>
    %rsqrt3A = math.rsqrt %add3A_7 : vector<1024xf32>
    %jit3A = arith.constant 0.000000e+00 : f32
    %broadcast_in_dim3A = vector.broadcast %jit3A : f32 to vector<1024xf32>
    %select_n3A = arith.select %gt3A_9, %rsqrt3A, %broadcast_in_dim3A : vector<1024xi1>, vector<1024xf32>
    %get3A_10 = arith.constant 0 : index
    %get3A_11 = arith.constant 0 : index
    %get3A_12 = arith.constant 0 : index
    %get3A_13 = vector.load %arg1[%get3A_10, %get3A_11, %get3A_12] : memref<2x1024x128xf32, #tpu.memory_space<vmem>>, vector<1x1024x128xf32>
    %get3A_14 = vector.shape_cast %get3A_13 : vector<1x1024x128xf32> to vector<1024x128xf32>
    %get3A_15 = arith.constant 1 : index
    %get3A_16 = arith.constant 0 : index
    %get3A_17 = arith.constant 0 : index
    %get3A_18 = vector.load %arg1[%get3A_15, %get3A_16, %get3A_17] : memref<2x1024x128xf32, #tpu.memory_space<vmem>>, vector<1x1024x128xf32>
    %get3A_19 = vector.shape_cast %get3A_18 : vector<1x1024x128xf32> to vector<1024x128xf32>
    %add3A_20 = arith.addf %get3A_14, %get3A_19 : vector<1024x128xf32>
    %get3A_21 = arith.constant 0 : index
    %get3A_22 = arith.constant 0 : index
    %get3A_23 = vector.load %arg2[%get3A_21, %get3A_22] : memref<1024x128xf32, #tpu.memory_space<vmem>>, vector<1024x128xf32>
    %add3A_24 = arith.addf %add3A_20, %get3A_23 : vector<1024x128xf32>
    %broadcast_in_dim3A_25 = vector.shape_cast %select_n3A : vector<1024xf32> to vector<1024x1xf32>
    %mul3A_26 = vector.broadcast %broadcast_in_dim3A_25 : vector<1024x1xf32> to vector<1024x128xf32>
    %mul3A_27 = arith.mulf %mul3A_26, %add3A_24 : vector<1024x128xf32>
    %get3A_28 = arith.constant 0 : index
    %get3A_29 = arith.constant 0 : index
    %get3A_30 = vector.load %arg5[%get3A_28, %get3A_29] : memref<1x128xf32, #tpu.memory_space<vmem>>, vector<1x128xf32>
    %add3A_31 = vector.broadcast %get3A_30 : vector<1x128xf32> to vector<1024x128xf32>
    %add3A_32 = arith.addf %mul3A_27, %add3A_31 : vector<1024x128xf32>
    %max3A = arith.constant 0.000000e+00 : f32
    %max3A_33 = vector.broadcast %max3A : f32 to vector<1024x128xf32>
    %max3A_34 = arith.maximumf %add3A_32, %max3A_33 : vector<1024x128xf32>
    %get3A_35 = arith.constant 0 : index
    %get3A_36 = arith.constant 0 : index
    %get3A_37 = vector.load %arg4[%get3A_35, %get3A_36] : memref<128x128xf32, #tpu.memory_space<vmem>>, vector<128x128xf32>
    %dot_general3A = arith.constant dense<0.000000e+00> : vector<1024x128xf32>
    %dot_general3A_38 = tpu.matmul %max3A_34, %get3A_37, %dot_general3A {dimension_numbers = #tpu.dot_dimension_numbers<[1], [0], [0], [1], [0, 0, 1, 1], [], []>, precision = #tpu.contract_precision<fp32>, transpose_lhs_hint = false} : vector<1024x128xf32>, vector<128x128xf32>, vector<1024x128xf32> -> vector<1024x128xf32>
    %broadcast_in_dim3A_39 = vector.shape_cast %select_n3A : vector<1024xf32> to vector<1024x1xf32>
    %mul3A_40 = vector.broadcast %broadcast_in_dim3A_39 : vector<1024x1xf32> to vector<1024x128xf32>
    %mul3A_41 = arith.mulf %dot_general3A_38, %mul3A_40 : vector<1024x128xf32>
    %swap3A = arith.constant 0 : index
    %swap3A_42 = arith.constant 0 : index
    %swap3A_43 = vector.load %arg6[%swap3A, %swap3A_42] : memref<1024x128xf32, #tpu.memory_space<vmem>>, vector<1024x128xf32>
    tpu.vector_store %arg6[%swap3A, %swap3A_42], %mul3A_41 {strides = array<i32>} : memref<1024x128xf32, #tpu.memory_space<vmem>>, vector<1024x128xf32>,
    return
  }
  func.func @transform_0(%arg0: i32) -> (i32, i32, i32) {
    %c0_i32 = arith.constant 0 : i32
    %c0_i32_0 = arith.constant 0 : i32
    %c0_i32_1 = arith.constant 0 : i32
    return %c0_i32, %arg0, %c0_i32_0 : i32, i32, i32
  }
  func.func @transform_1(%arg0: i32) -> (i32, i32) {
    %c0_i32 = arith.constant 0 : i32
    %c0_i32_0 = arith.constant 0 : i32
    return %arg0, %c0_i32 : i32, i32
  }
  func.func @transform_2(%arg0: i32) -> (i32, i32) {
    %c0_i32 = arith.constant 0 : i32
    %c0_i32_0 = arith.constant 0 : i32
    %c0_i32_1 = arith.constant 0 : i32
    return %c0_i32, %c0_i32_0 : i32, i32
  }
  func.func @transform_3(%arg0: i32) -> (i32, i32) {
    %c0_i32 = arith.constant 0 : i32
    %c0_i32_0 = arith.constant 0 : i32
    %c0_i32_1 = arith.constant 0 : i32
    return %c0_i32, %c0_i32_0 : i32, i32
  }
  func.func @transform_4(%arg0: i32) -> (i32, i32) {
    %c0_i32 = arith.constant 0 : i32
    %c0_i32_0 = arith.constant 0 : i32
    %c0_i32_1 = arith.constant 0 : i32
    return %c0_i32, %c0_i32_0 : i32, i32
  }
  func.func @transform_5(%arg0: i32) -> (i32, i32) {
    %c0_i32 = arith.constant 0 : i32
    %c0_i32_0 = arith.constant 0 : i32
    return %arg0, %c0_i32 : i32, i32
  }
}

module attributes {stable_mosaic.version = 14 : i64} {
  func.func @_tc_last(%arg0: i32, %arg1: memref<2x1024x128xf32, #tpu.memory_space<vmem>>, %arg2: memref<1024x128xf32, #tpu.memory_space<vmem>>, %arg3: memref<2x10240xf32, #tpu.memory_space<vmem>>, %arg4: memref<1x128xf32, #tpu.memory_space<vmem>>, %arg5: memref<1024x128xf32, #tpu.memory_space<vmem>>) attributes {dimension_semantics = [#tpu.dimension_semantics<arbitrary>], iteration_bounds = array<i64: 10>, scalar_prefetch = 0 : i64, scratch_operands = 0 : i64, tpu.core_type = #tpu.core_type<tc>, window_params = [{transform_indices = @transform_0, window_bounds = array<i64: 2, 1024, 128>}, {transform_indices = @transform_1, window_bounds = array<i64: 1024, 128>}, {pipeline_mode = #tpu.pipeline_mode<synchronous>, transform_indices = @transform_2, window_bounds = array<i64: 2, 10240>}, {pipeline_mode = #tpu.pipeline_mode<synchronous>, transform_indices = @transform_3, window_bounds = array<i64: 1, 128>}, {transform_indices = @transform_4, window_bounds = array<i64: 1024, 128>}]} {
    %mul3A = arith.constant 1024 : i32
    %mul3A_0 = arith.muli %arg0, %mul3A : i32
    %get3A = arith.constant 0 : index
    %get3A_1 = arith.index_cast %mul3A_0 : i32 to index
    %get3A_2 = vector.load %arg3[%get3A, %get3A_1] : memref<2x10240xf32, #tpu.memory_space<vmem>>, vector<2x1024xf32>
    %slice3A = vector.extract_strided_slice %get3A_2 {offsets = [0, 0], sizes = [1, 1024], strides = [1, 1]} : vector<2x1024xf32> to vector<1x1024xf32>
    %squeeze3A = vector.shape_cast %slice3A : vector<1x1024xf32> to vector<1024xf32>
    %slice3A_3 = vector.extract_strided_slice %get3A_2 {offsets = [1, 0], sizes = [1, 1024], strides = [1, 1]} : vector<2x1024xf32> to vector<1x1024xf32>
    %squeeze3A_4 = vector.shape_cast %slice3A_3 : vector<1x1024xf32> to vector<1024xf32>
    %add3A = arith.addf %squeeze3A, %squeeze3A_4 : vector<1024xf32>
    %add3A_5 = arith.constant 1.000000e+00 : f32
    %add3A_6 = vector.broadcast %add3A_5 : f32 to vector<1024xf32>
    %add3A_7 = arith.addf %add3A, %add3A_6 : vector<1024xf32>
    %gt3A = arith.constant 0.000000e+00 : f32
    %gt3A_8 = vector.broadcast %gt3A : f32 to vector<1024xf32>
    %gt3A_9 = arith.cmpf ogt, %add3A_7, %gt3A_8 : vector<1024xf32>
    %rsqrt3A = math.rsqrt %add3A_7 : vector<1024xf32>
    %jit3A = arith.constant 0.000000e+00 : f32
    %broadcast_in_dim3A = vector.broadcast %jit3A : f32 to vector<1024xf32>
    %select_n3A = arith.select %gt3A_9, %rsqrt3A, %broadcast_in_dim3A : vector<1024xi1>, vector<1024xf32>
    %get3A_10 = arith.constant 0 : index
    %get3A_11 = arith.constant 0 : index
    %get3A_12 = arith.constant 0 : index
    %get3A_13 = vector.load %arg1[%get3A_10, %get3A_11, %get3A_12] : memref<2x1024x128xf32, #tpu.memory_space<vmem>>, vector<1x1024x128xf32>
    %get3A_14 = vector.shape_cast %get3A_13 : vector<1x1024x128xf32> to vector<1024x128xf32>
    %get3A_15 = arith.constant 1 : index
    %get3A_16 = arith.constant 0 : index
    %get3A_17 = arith.constant 0 : index
    %get3A_18 = vector.load %arg1[%get3A_15, %get3A_16, %get3A_17] : memref<2x1024x128xf32, #tpu.memory_space<vmem>>, vector<1x1024x128xf32>
    %get3A_19 = vector.shape_cast %get3A_18 : vector<1x1024x128xf32> to vector<1024x128xf32>
    %add3A_20 = arith.addf %get3A_14, %get3A_19 : vector<1024x128xf32>
    %get3A_21 = arith.constant 0 : index
    %get3A_22 = arith.constant 0 : index
    %get3A_23 = vector.load %arg2[%get3A_21, %get3A_22] : memref<1024x128xf32, #tpu.memory_space<vmem>>, vector<1024x128xf32>
    %add3A_24 = arith.addf %add3A_20, %get3A_23 : vector<1024x128xf32>
    %broadcast_in_dim3A_25 = vector.shape_cast %select_n3A : vector<1024xf32> to vector<1024x1xf32>
    %mul3A_26 = vector.broadcast %broadcast_in_dim3A_25 : vector<1024x1xf32> to vector<1024x128xf32>
    %mul3A_27 = arith.mulf %mul3A_26, %add3A_24 : vector<1024x128xf32>
    %get3A_28 = arith.constant 0 : index
    %get3A_29 = arith.constant 0 : index
    %get3A_30 = vector.load %arg4[%get3A_28, %get3A_29] : memref<1x128xf32, #tpu.memory_space<vmem>>, vector<1x128xf32>
    %add3A_31 = vector.broadcast %get3A_30 : vector<1x128xf32> to vector<1024x128xf32>
    %add3A_32 = arith.addf %mul3A_27, %add3A_31 : vector<1024x128xf32>
    %max3A = arith.constant 0.000000e+00 : f32
    %max3A_33 = vector.broadcast %max3A : f32 to vector<1024x128xf32>
    %max3A_34 = arith.maximumf %add3A_32, %max3A_33 : vector<1024x128xf32>
    %swap3A = arith.constant 0 : index
    %swap3A_35 = arith.constant 0 : index
    %swap3A_36 = vector.load %arg5[%swap3A, %swap3A_35] : memref<1024x128xf32, #tpu.memory_space<vmem>>, vector<1024x128xf32>
    tpu.vector_store %arg5[%swap3A, %swap3A_35], %max3A_34 {strides = array<i32>} : memref<1024x128xf32, #tpu.memory_space<vmem>>, vector<1024x128xf32>,
    return
  }
  func.func @transform_0(%arg0: i32) -> (i32, i32, i32) {
    %c0_i32 = arith.constant 0 : i32
    %c0_i32_0 = arith.constant 0 : i32
    %c0_i32_1 = arith.constant 0 : i32
    return %c0_i32, %arg0, %c0_i32_0 : i32, i32, i32
  }
  func.func @transform_1(%arg0: i32) -> (i32, i32) {
    %c0_i32 = arith.constant 0 : i32
    %c0_i32_0 = arith.constant 0 : i32
    return %arg0, %c0_i32 : i32, i32
  }
  func.func @transform_2(%arg0: i32) -> (i32, i32) {
    %c0_i32 = arith.constant 0 : i32
    %c0_i32_0 = arith.constant 0 : i32
    %c0_i32_1 = arith.constant 0 : i32
    return %c0_i32, %c0_i32_0 : i32, i32
  }
  func.func @transform_3(%arg0: i32) -> (i32, i32) {
    %c0_i32 = arith.constant 0 : i32
    %c0_i32_0 = arith.constant 0 : i32
    %c0_i32_1 = arith.constant 0 : i32
    return %c0_i32, %c0_i32_0 : i32, i32
  }
  func.func @transform_4(%arg0: i32) -> (i32, i32) {
    %c0_i32 = arith.constant 0 : i32
    %c0_i32_0 = arith.constant 0 : i32
    return %arg0, %c0_i32 : i32, i32
  }
}

</mosaic_0001>

<sc_bundles>
// kernel: kernel.11.cloned.1.call-start
scs
__scs_entry_jumppad:
0x0: {  	(pc) =	sbr.rel $0x88, $3  }
0x1: {  	(tag) =	ssettag $0x0;
	lr =	simm.s32 $0x1  }
0x2: {  	[smem:$0x3F9A] =	sst lr;
	_ =	strace $0xD0000000  }
0x3: {  	_ = 	snop  }
0x4: {  	_ = 	snop  }
0x5: {  	_ = 	snop  }
0x6: {  	_ = 	snop  }
0x7: {  	_ = 	snop  }
__scs_overlays_trampoline_lowered:
0x8: {  	[smem:$0x3FA9] =	sst s0  }
0x9: {  	[smem:$0x3FAA] =	sst s1  }
0xa: {  	[smem:$0x3FAB] =	sst s2  }
0xb: {  	[smem:$0x3FAC] =	sst s3  }
0xc: {  	[smem:$0x3FAD] =	sst s4  }
0xd: {  	[smem:$0x3FAE] =	sst s5  }
0xe: {  	[smem:$0x3FAF] =	sst s6  }
0xf: {  	[smem:$0x3FB0] =	sst s7  }
0x10: {  	[smem:$0x3FB1] =	sst s8  }
0x11: {  	[smem:$0x3FB2] =	sst s9;
	s0 =	simm.s32 @!p0 $0x0  }
0x12: {  	s1 =	sld [smem:$0x3F98];
	s0 =	simm.s32 @p0 $0x1  }
0x13: {  	[smem:$0x3FB3] =	sst s0;
	s0 =	simm.s32 @!p1 $0x0  }
0x14: {  	s2 =	sld [smem:$0x3F97];
	s0 =	simm.s32 @p1 $0x1  }
0x15: {  	[smem:$0x3FB4] =	sst s0;
	s0 =	simm.s32 @!p2 $0x0  }
0x16: {  	s3 =	sld [smem:$0x3FDB];
	s0 =	simm.s32 @p2 $0x1  }
0x17: {  	s4 =	simm.s32 $0x1BF5;
	[smem:$0x3FB6] =	sst s0  }
0x18: {  	s0 =	sld [smem:$0x3F99];
	_ =	swait.ge [sflag:s4], $0x0  }
0x19: {  	s7 =	sld [smem:$0x3F9A]  }
0x1a: {  	s8 =	sadd.s32 $0xFFFFE003, lr  }
0x1b: {  	s9 =	sadd.s32 $0xFFFFFEF7, lr;
	s5 =	simm.s32 $0xFFFFFFFF;
	p2 =	slt.u32 s8, $0xFFFFF086  }
0x1c: {  	p1 =	slt.u32 s9, $0xF7A;
	s5 =	simm.s32 @!p2 $0x0  }
0x1d: {  	s5 =	simm.s32 @p1 $0x1;
	p0 =	seq.s32 s7, s2  }
0x1e: {  	s7 =	smul.u32 @!p0 $0xF7A, s2;
	p2 =	seq.s32 @!p0 s5, $0x0  }
0x1f: {  	s9 =	smul.u32 $0xF7A, s1;
	s8 =	simm.s32 @!p0 $0x1BF5;
	p2 =	por !p2, p0  }
0x20: {  	[sflag:s8] =	ssyncset.s32 @!p0 $0xFFFFF086;
	s6 =	sadd.s32 @!p0 s3, s7;
	s7 =	simm.s32 @!p0 $0x108  }
0x21: {  	s3 =	sadd.s32 s3, s9;
	s6 =	sadd.s32 @!p0 $0x88, s6;
	s7 =	simm.s32 @p2 $0x1082  }
0x22: {  	[simem:s7], [sflag:s8] =	dma.local @!p0 [hbm:s6], $0xF7A  }
0x23: {  	s9 =	sor.u32 $0xD0000000, s2;
	s6 =	simm.s32 $0x108;
	_ =	swait.ge @!p0 [sflag:s8], $0x0  }
0x24: {  	s3 =	sadd.s32 $0x88, s3;
	s6 =	simm.s32 @!p1 $0x1082;
	[sflag:s4] =	ssyncset.s32 $0xFFFFF086  }
0x25: {  	[simem:s6], [sflag:s4] =	dma.local [hbm:s3], $0xF7A  }
0x26: {  	[smem:$0x3F9A] =	sst s1;
	(tag) =	ssettag s2;
	_ =	strace s9  }
0x27: {  	s1 =	sld [smem:$0x3FAA]  }
0x28: {  	s2 =	sld [smem:$0x3FAB]  }
0x29: {  	s4 =	sld [smem:$0x3FAD]  }
0x2a: {  	p0 =	seq.s32 s5, $0x0;
	s5 =	sld [smem:$0x3FAE]  }
0x2b: {  	s6 =	sld [smem:$0x3FAF]  }
0x2c: {  	s7 =	sld [smem:$0x3FB0]  }
0x2d: {  	s3 =	simm.s32 $0x108;
	s8 =	sld [smem:$0x3FB1]  }
0x2e: {  	s3 =	simm.s32 @!p0 $0x1082;
	s9 =	sld [smem:$0x3FB2]  }
0x2f: {  	lr =	sadd.s32 s0, s3;
	s0 =	sld [smem:$0x3FA9]  }
0x30: {  	s3 =	sld [smem:$0x3FAC]  }
0x31: {  	[smem:$0x3FB5] =	sst s10  }
0x32: {  	s10 =	sld [smem:$0x3FB3];
	_ =	sdelay $0x3  }
0x33: {  	p0 =	seq.s32 s10, $0x1;
	s10 =	sld [smem:$0x3FB5];
	_ =	sdelay $0x3  }
0x34: {  	[smem:$0x3FB5] =	sst s10  }
0x35: {  	s10 =	sld [smem:$0x3FB4];
	_ =	sdelay $0x3  }
0x36: {  	p1 =	seq.s32 s10, $0x1;
	s10 =	sld [smem:$0x3FB5];
	_ =	sdelay $0x3  }
0x37: {  	[smem:$0x3FB5] =	sst s10  }
0x38: {  	s10 =	sld [smem:$0x3FB6]  }
0x39: {  	_ = 	snop;
	(pc) =	sbr.ind lr, $3  }
0x3a: {  	_ = 	snop  }
0x3b: {  	_ = 	snop  }
0x3c: {  	p2 =	seq.s32 s10, $0x1;
	s10 =	sld [smem:$0x3FB5]  }
0x3d: {  	_ =	shalt  }
0x3e: {  	_ =	shalt  }
0x3f: {  	_ =	shalt  }
0x40: {  	_ =	shalt  }
0x41: {  	_ =	shalt  }
0x42: {  	_ =	shalt  }
0x43: {  	_ =	shalt  }
0x44: {  	_ =	shalt  }
0x45: {  	_ =	shalt  }
0x46: {  	_ =	shalt  }
0x47: {  	_ =	shalt  }
0x48: {  	_ =	shalt  }
0x49: {  	_ =	shalt  }
0x4a: {  	_ =	shalt  }
0x4b: {  	_ =	shalt  }
0x4c: {  	_ =	shalt  }
0x4d: {  	_ =	shalt  }
0x4e: {  	_ =	shalt  }
0x4f: {  	_ =	shalt  }
0x50: {  	_ =	shalt  }
0x51: {  	_ =	shalt  }
0x52: {  	_ =	shalt  }
0x53: {  	_ =	shalt  }
0x54: {  	_ =	shalt  }
0x55: {  	_ =	shalt  }
0x56: {  	_ =	shalt  }
0x57: {  	_ =	shalt  }
0x58: {  	_ =	shalt  }
0x59: {  	_ =	shalt  }
0x5a: {  	_ =	shalt  }
0x5b: {  	_ =	shalt  }
0x5c: {  	_ =	shalt  }
0x5d: {  	_ =	shalt  }
0x5e: {  	_ =	shalt  }
0x5f: {  	_ =	shalt  }
0x60: {  	_ =	shalt  }
0x61: {  	_ =	shalt  }
0x62: {  	_ =	shalt  }
0x63: {  	_ =	shalt  }
0x64: {  	_ =	shalt  }
0x65: {  	_ =	shalt  }
0x66: {  	_ =	shalt  }
0x67: {  	_ =	shalt  }
0x68: {  	_ =	shalt  }
0x69: {  	_ =	shalt  }
0x6a: {  	_ =	shalt  }
0x6b: {  	_ =	shalt  }
0x6c: {  	_ =	shalt  }
0x6d: {  	_ =	shalt  }
0x6e: {  	_ =	shalt  }
0x6f: {  	_ =	shalt  }
0x70: {  	_ =	shalt  }
0x71: {  	_ =	shalt  }
0x72: {  	_ =	shalt  }
0x73: {  	_ =	shalt  }
0x74: {  	_ =	shalt  }
0x75: {  	_ =	shalt  }
0x76: {  	_ =	shalt  }
0x77: {  	_ =	shalt  }
0x78: {  	_ =	shalt  }
0x79: {  	_ =	shalt  }
0x7a: {  	_ =	shalt  }
0x7b: {  	_ =	shalt  }
0x7c: {  	_ =	shalt  }
0x7d: {  	_ =	shalt  }
0x7e: {  	_ =	shalt  }
0x7f: {  	_ =	shalt  }
0x80: {  	_ =	shalt  }
0x81: {  	_ =	shalt  }
0x82: {  	_ =	shalt  }
0x83: {  	_ =	shalt  }
0x84: {  	_ =	shalt  }
0x85: {  	_ =	shalt  }
0x86: {  	_ =	shalt  }
0x87: {  	_ =	shalt  }
.Lfunc_end0:
.L_simem_size_0:
called_computation.1_lowered:
.L_overlay_start_0:
0x88: {  	s2 =	sld [smem:$0x3FD9]  }
0x89: {  	s3 =	sld [smem:$0x3FFE];
	_ =	sdelay $0x1  }
0x8a: {  	s1 =	srdreg.scid  }
0x8b: {  	s0 =	sand.u32 $0x1, s1  }
0x8c: {  	s17 =	sshll.u32 s0, $0xA;
	s2 =	sadd.s32 s3, s2  }
0x8d: {  	s2 =	sadd.s32 s2, s17  }
0x8e: {  	[smem:$0x3FC1] =	sst s2  }
0x8f: {  	_ = 	snop  }
0x90: {  	s2 =	sld [smem:$0x3FD0];
	(tm) =	ssettm $0x1  }
0x91: {  	s18 =	sld [smem:$0x3FFB];
	_ =	sdelay $0x3  }
0x92: {  	_ =	strace s18  }
0x93: {  	s3 =	sld [smem:$0x3FFC];
	_ =	sdelay $0x3  }
0x94: {  	_ =	strace s3  }
0x95: {  	s3 =	sld [smem:$0x3FFD];
	_ =	sdelay $0x3  }
0x96: {  	_ =	strace s3  }
0x97: {  	_ =	strace $0x8FFFFFFF  }
0x98: {  	s19 =	sld [smem:$0x3FDB];
	_ =	sdelay $0x1  }
0x99: {  	s4 =	simm.s32 $_scs_section_size  }
0x9a: {  	s5 =	simm.s32 $_size__tile_overlayer_lowered;
	s6 =	simm.s32 $_tile_overlayer_lowered  }
0x9b: {  	s22 =	simm.s32 $0x1BFF;
	s21 =	sshll.u32 s6, $0x1;
	s3 =	sadd.s32 s4, s19  }
0x9c: {  	s7 =	simm.s32 $0x0;
	s20 =	sshll.u32 s5, $0x1;
	s5 =	sadd.s32 s21, s3  }
0x9d: {  	[timem:s7], [sflag:s22] =	dma.local [hbm:s5], s20  }
0x9e: {  	_ =	swait.ge [sflag:s22], s20  }
0x9f: {  	s4 =	ssub.s32 $0x0, s20;
	[sflag:s22] =	ssyncset.done $0x0  }
0xa0: {  	[sflag:s22] =	ssyncadd.s32 s4;
	_ =	sdelay $0x1  }
0xa1: {  	s23 =	simm.s32 $0x1B8B  }
0xa2: {  	_ =	swait.ge [sflag:s23], $0x1  }
0xa3: {  	[sflag:s23] =	ssyncset.done $0x0  }
0xa4: {  	s25 =	simm.s32 $0x1B8E;
	s24 =	sld [smem:$0x3FFE];
	[sflag:s23] =	ssyncadd.s32 $0xFFFFFFFF  }
0xa5: {  	s26 =	simm.s32 $execute0_lowered;
	[smem:$0x3FD2] =	sst s25  }
0xa6: {  	s5 =	sshll.u32 s26, $0x1;
	_ =	strace $0x80000049;
	[dreg:$0x1] =	wrdreg $0xFFFFFFFF  }
0xa7: {  	s28 =	simm.s32 $_size_execute0_lowered;
	s3 =	sadd.s32 s3, s5;
	[dreg:$0x0] =	wrdreg $0x0  }
0xa8: {  	s5 =	sshll.u32 s28, $0x1;
	[dreg:$0x2] =	wrdreg s3  }
0xa9: {  	[dreg:$0x3] =	wrdreg s5  }
0xaa: {  	[dreg:$0x4] =	wrdreg $0xC0  }
0xab: {  	_ =	task [dreg:s7], $0x5FFFF  }
0xac: {  	[dreg:$0x1] =	wrdreg $0xFFFFFFFF  }
0xad: {  	[dreg:$0x0] =	wrdreg $0x60  }
0xae: {  	[dreg:$0x2] =	wrdreg s24  }
0xaf: {  	[dreg:$0x3] =	wrdreg s2  }
0xb0: {  	[dreg:$0x4] =	wrdreg $0x61800  }
0xb1: {  	[dreg:$0x5] =	wrdreg $0x9  }
0xb2: {  	_ =	task.clear_ibuf [dreg:s7], $0x6FFFF;
	_ =	strace $0x90000049  }
0xb3: {  	s29 =	simm.s32 $0x9;
	_ =	strace $0x8000004B  }
0xb4: {  	_ =	swait.ge [sflag:s29], $0x1  }
0xb5: {  	[sflag:s29] =	ssyncadd.s32 $0xFFFFFFFF  }
0xb6: {  	_ =	strace $0x9000004B  }
0xb7: {  	_ =	sfence  }
0xb8: {  	s30 =	sld [smem:$0x0];
	_ =	sdelay $0x2  }
0xb9: {  	s31 =	sshll.u32 s1, $0xD;
	s1 =	sshrl.u32 s1, $0x2  }
0xba: {  	s3 =	sand.u32 $0x4000, s31;
	s1 =	sadd.s32 s1, s30  }
0xbb: {  	s0 =	sor.u32 s3, s0;
	s1 =	sshll.u32 s1, $0x11  }
0xbc: {  	s0 =	sor.u32 s1, s0  }
0xbd: {  	s0 =	sadd.s32 $0x8F2B, s0  }
0xbe: {  	[sflag:s0] =	ssyncadd.remote.s32 $0x1  }
0xbf: {  	_ =	sfence.sel $0xFFFF  }
0xc0: {  	[dreg:$0x0] =	wrdreg $0xFFFFFFFF;
	(pc) =	sbr.abs _section_cstart, $3  }
0xc1: {  	[dreg:$0x1] =	wrdreg $0xFFFFFFFF  }
0xc2: {  	_ =	task.clear_ibuf [dreg:s7], $0x2FFFF;
	_ =	strace $0x9FFFFFFF  }
0xc3: {  	(tm) =	ssettm $0x7FFFFFFF  }
tec
execute0_lowered:
.L_overlay_start_1:
0x0: {  	(tag) =	ssettag $0x1  }
0x1: {  	s8 =	rddreg [dreg:$0x0]  }
0x2: {  	s2 =	rddreg [dreg:$0x1];
	s0 =	srdreg.scid  }
0x3: {  	s3 =	rddreg [dreg:$0x2];
	s1 =	stileid.u32  }
0x4: {  	s4 =	simm.s32 $0x0;
	s21 =	simm.s32 $0x4180;
	s22 =	simm.s32 $0x2  }
0x5: {  	s23 =	simm.s32 $0x80;
	s24 =	simm.s32 $0x100;
	s25 =	simm.s32 $0x180  }
0x6: {  	s9 =	sand.u32 $0x1, s0;
	s0 =	rddreg [dreg:$0x3];
	s7 =	smul.u32 $0x14000, s1  }
0x7: {  	s26 =	simm.s32 $0x1;
	[smem:$0x7FF] =	sst s4;
	s11 =	smul.u32 $0x50000, s1  }
0x8: {  	s5 =	sadd.s32 $0x16A00, s8;
	s13 =	sshll.u32 s1, $0x1;
	s6 =	smul.u32 $0x140000, s9  }
0x9: {  	_ =	strace $0x8000004A;
	s31 =	ssub.s32 $0x2, s9;
	s9 =	sor.u32 s9, s13  }
0xa: {  	s12 =	sshrl.u32 s31, $0x1;
	s11 =	sshrl.u32 s11, $0x2;
	s7 =	sadd.s32 s7, s6  }
0xb: {  	s9 =	smul.u32 $0x4F, s9;
	s6 =	sadd.s32 $0xCC00, s8;
	s10 =	sshrl.u32 s7, $0x3  }
0xc: {  	s12 =	ssub.s32 s31, s12;
	s7 =	sadd.s32 $0x2400, s8;
	s10 =	sadd.s32 s10, s8  }
0xd: {  	s8 =	sadd.s32 s11, s3;
	s11 =	smax.u32 s12, $0x1;
	s10 =	sadd.s32 $0x3EA00, s10  }
0xe: {  	s12 =	sadd.s32 $0x2000, s8;
	s13 =	sadd.s32 $0x4000, s8;
	s14 =	sadd.s32 $0x6000, s8  }
0xf: {  	s15 =	sadd.s32 $0x8000, s8;
	s16 =	sadd.s32 $0xA000, s8;
	s17 =	sadd.s32 $0xC000, s8  }
0x10: {  	v0 =	vimm.f32 $0.0e+00;
	s18 =	sadd.s32 $0xE000, s8;
	s19 =	sadd.s32 $0x10000, s8;
	s20 =	sadd.s32 $0x12000, s8  }
.LBB2_1:
0x11: {  	s28 =	simm.s32 $0x0;
	s29 =	simm.s32 $0x200  }
.LBB2_2:
0x12: {  	p0 =	sne.s32 s29, $0x7E00;
	[tilespmem:s28+$0x41F0] =	vst v0  }
0x13: {  	[tilespmem:s28+$0x4180] =	vst v0  }
0x14: {  	[tilespmem:s28+$0x4190] =	vst v0  }
.Ltmp0:
0x15: {  	[tilespmem:s28+$0x41A0] =	vst v0;
	(pc) =	sbr.rel @p0 .LBB2_2-.Ltmp0, $4  }
0x16: {  	[tilespmem:s28+$0x41B0] =	vst v0  }
0x17: {  	[tilespmem:s28+$0x41C0] =	vst v0  }
0x18: {  	[tilespmem:s28+$0x41D0] =	vst v0  }
0x19: {  	[tilespmem:s28+$0x41E0] =	vst v0;
	s28 =	sshra.s32 s29, $0x2;
	s29 =	sadd.s32 $0x200, s29  }
0x1a: {  	[tilespmem:s28+$0x41F0] =	vst v0  }
0x1b: {  	[tilespmem:s28+$0x4180] =	vst v0  }
0x1c: {  	[tilespmem:s28+$0x4190] =	vst v0  }
0x1d: {  	[tilespmem:s28+$0x41A0] =	vst v0  }
0x1e: {  	[tilespmem:s28+$0x41B0] =	vst v0  }
0x1f: {  	[tilespmem:s28+$0x41C0] =	vst v0  }
0x20: {  	[tilespmem:s28+$0x41D0] =	vst v0  }
0x21: {  	[tilespmem:s28+$0x41E0] =	vst v0  }
0x22: {  	[spmem:s8] =	stream.linear.scatter [tilespmem:s21], [sflag:$0x2], $0x2000, $0x38;
	[tilespmem:$0x1A180] =	vst v63  }
0x23: {  	_ =	swait.ge [sflag:s22], $0x2000  }
0x24: {  	[sflag:s22] =	ssyncset.done $0x0  }
0x25: {  	[sflag:s22] =	ssyncadd.s32 $0xFFFFE000  }
0x26: {  	[spmem:s12] =	stream.linear.scatter [tilespmem:s21], [sflag:$0x2], $0x2000, $0x38;
	[tilespmem:$0x1A180] =	vst v63  }
0x27: {  	_ =	swait.ge [sflag:s22], $0x2000  }
0x28: {  	[sflag:s22] =	ssyncset.done $0x0  }
0x29: {  	[sflag:s22] =	ssyncadd.s32 $0xFFFFE000  }
0x2a: {  	[spmem:s13] =	stream.linear.scatter [tilespmem:s21], [sflag:$0x2], $0x2000, $0x38;
	[tilespmem:$0x1A180] =	vst v63  }
0x2b: {  	_ =	swait.ge [sflag:s22], $0x2000  }
0x2c: {  	[sflag:s22] =	ssyncset.done $0x0  }
0x2d: {  	[sflag:s22] =	ssyncadd.s32 $0xFFFFE000  }
0x2e: {  	[spmem:s14] =	stream.linear.scatter [tilespmem:s21], [sflag:$0x2], $0x2000, $0x38;
	[tilespmem:$0x1A180] =	vst v63  }
0x2f: {  	_ =	swait.ge [sflag:s22], $0x2000  }
0x30: {  	[sflag:s22] =	ssyncset.done $0x0  }
0x31: {  	[sflag:s22] =	ssyncadd.s32 $0xFFFFE000  }
0x32: {  	[spmem:s15] =	stream.linear.scatter [tilespmem:s21], [sflag:$0x2], $0x2000, $0x38;
	[tilespmem:$0x1A180] =	vst v63  }
0x33: {  	_ =	swait.ge [sflag:s22], $0x2000  }
0x34: {  	[sflag:s22] =	ssyncset.done $0x0  }
0x35: {  	[sflag:s22] =	ssyncadd.s32 $0xFFFFE000  }
0x36: {  	[spmem:s16] =	stream.linear.scatter [tilespmem:s21], [sflag:$0x2], $0x2000, $0x38;
	[tilespmem:$0x1A180] =	vst v63  }
0x37: {  	_ =	swait.ge [sflag:s22], $0x2000  }
0x38: {  	[sflag:s22] =	ssyncset.done $0x0  }
0x39: {  	[sflag:s22] =	ssyncadd.s32 $0xFFFFE000  }
0x3a: {  	[spmem:s17] =	stream.linear.scatter [tilespmem:s21], [sflag:$0x2], $0x2000, $0x38;
	[tilespmem:$0x1A180] =	vst v63  }
0x3b: {  	_ =	swait.ge [sflag:s22], $0x2000  }
0x3c: {  	[sflag:s22] =	ssyncset.done $0x0  }
0x3d: {  	[sflag:s22] =	ssyncadd.s32 $0xFFFFE000  }
0x3e: {  	[spmem:s18] =	stream.linear.scatter [tilespmem:s21], [sflag:$0x2], $0x2000, $0x38;
	[tilespmem:$0x1A180] =	vst v63  }
0x3f: {  	_ =	swait.ge [sflag:s22], $0x2000  }
0x40: {  	[sflag:s22] =	ssyncset.done $0x0  }
0x41: {  	[sflag:s22] =	ssyncadd.s32 $0xFFFFE000  }
0x42: {  	[spmem:s19] =	stream.linear.scatter [tilespmem:s21], [sflag:$0x2], $0x2000, $0x38;
	[tilespmem:$0x1A180] =	vst v63  }
0x43: {  	_ =	swait.ge [sflag:s22], $0x2000  }
0x44: {  	[sflag:s22] =	ssyncset.done $0x0  }
0x45: {  	[sflag:s22] =	ssyncadd.s32 $0xFFFFE000  }
0x46: {  	[spmem:s20] =	stream.linear.scatter [tilespmem:s21], [sflag:$0x2], $0x2000, $0x38;
	[tilespmem:$0x1A180] =	vst v63  }
0x47: {  	_ =	swait.ge [sflag:s22], $0x2000  }
0x48: {  	[sflag:s22] =	ssyncset.done $0x0  }
0x49: {  	[sflag:s22] =	ssyncadd.s32 $0xFFFFE000  }
0x4a: {  	s28 =	simm.s32 $0x0;
	s29 =	simm.s32 $0x0;
	[bflag:$0x0] =	sbarrier.arrive $0xFFFF  }
.LBB2_4:
0x4b: {  	s30 =	sadd.s32 s9, s29  }
0x4c: {  	s30 =	sshll.u32 s30, $0x4  }
0x4d: {  	s31 =	sadd.s32 s6, s30  }
0x4e: {  	[tilespmem:s28], [sflag:$0x2] =	stream.linear.gather [hbm4b:s31+s28], $0x80, $0x38;
	[tilespmem:$0x1A180] =	vst v63  }
0x4f: {  	_ =	swait.ge [sflag:s22], $0x80  }
0x50: {  	[sflag:s22] =	ssyncset.done $0x0  }
0x51: {  	s31 =	sadd.s32 s2, s30;
	[sflag:s22] =	ssyncadd.s32 $0xFFFFFF80  }
0x52: {  	[tilespmem:s23], [sflag:$0x2] =	stream.linear.gather [hbm4b:s31+s28], $0x80, $0x38;
	[tilespmem:$0x1A180] =	vst v63  }
0x53: {  	_ =	swait.ge [sflag:s22], $0x80  }
0x54: {  	[sflag:s22] =	ssyncset.done $0x0  }
0x55: {  	s30 =	sadd.s32 s7, s30;
	[sflag:s22] =	ssyncadd.s32 $0xFFFFFF80  }
0x56: {  	[tilespmem:s24], [sflag:$0x2] =	stream.linear.gather [hbm4b:s30+s28], $0x80, $0x38;
	[tilespmem:$0x1A180] =	vst v63  }
0x57: {  	_ =	swait.ge [sflag:s22], $0x80  }
0x58: {  	[sflag:s22] =	ssyncset.done $0x0  }
0x59: {  	[sflag:s22] =	ssyncadd.s32 $0xFFFFFF80  }
0x5a: {  	[tilespmem:s25], [sflag:$0x1] =	stream.indirect.gather [hbm4b:s5+s23], $0x80, s28, s23, $0xb8;
	[tilespmem:$0x1A180] =	vst v63  }
0x5b: {  	_ =	swait.ge [sflag:s26], $0x4000  }
0x5c: {  	[sflag:s26] =	ssyncset.done $0x0  }
0x5d: {  	s30 =	simm.s32 $0x0;
	[sflag:s26] =	ssyncadd.s32 $0xFFFFC000  }
.LBB2_5:
0x5e: {  	s31 =	sshll.u32 s30, $0x4  }
0x5f: {  	s31 =	sand.u32 $0x3FFFFFF0, s31  }
0x60: {  	v1 =	vld [tilespmem:s31+$0x100];
	s31 =	sshll.u32 s30, $0xB  }
0x61: {  	s31 =	sand.u32 $0x3FFFF800, s31  }
0x62: {  	v2 =	vld [tilespmem:s31+$0x180]  }
0x63: {  	v3 =	vld [tilespmem:s31+$0x190]  }
0x64: {  	v4 =	vld [tilespmem:s31+$0x1A0]  }
0x65: {  	v6 =	vld [tilespmem:s31+$0x1B0];
	v5 =	vbroadcast v1, $0x0  }
0x66: {  	v7 =	vld [tilespmem:s31+$0x1C0]  }
0x67: {  	v8 =	vld [tilespmem:s31+$0x1D0];
	v2 =	vmul.f32 v5, v2  }
0x68: {  	v9 =	vld [tilespmem:s31+$0x1E0];
	v3 =	vmul.f32 v3, v5  }
0x69: {  	v34 =	vld [tilespmem:s31+$0x1F0];
	[tilespmem:s31+$0x180] =	vst v2;
	v2 =	vmul.f32 v4, v5  }
0x6a: {  	v35 =	vld [tilespmem:s31+$0x200];
	[tilespmem:s31+$0x190] =	vst v3;
	v3 =	vmul.f32 v6, v5  }
0x6b: {  	v36 =	vld [tilespmem:s31+$0x210];
	[tilespmem:s31+$0x1A0] =	vst v2;
	v2 =	vmul.f32 v7, v5  }
0x6c: {  	v37 =	vld [tilespmem:s31+$0x220];
	[tilespmem:s31+$0x1B0] =	vst v3;
	v3 =	vmul.f32 v8, v5  }
0x6d: {  	v10 =	vld [tilespmem:s31+$0x230];
	v38 =	vbroadcast v1, $0x1;
	[tilespmem:s31+$0x1C0] =	vst v2;
	v2 =	vmul.f32 v9, v5  }
0x6e: {  	v39 =	vld [tilespmem:s31+$0x240];
	[tilespmem:s31+$0x1D0] =	vst v3;
	v3 =	vmul.f32 v34, v5  }
0x6f: {  	v40 =	vld [tilespmem:s31+$0x250];
	[tilespmem:s31+$0x1E0] =	vst v2;
	v2 =	vmul.f32 v35, v38  }
0x70: {  	v41 =	vld [tilespmem:s31+$0x260];
	[tilespmem:s31+$0x1F0] =	vst v3;
	v3 =	vmul.f32 v36, v38  }
0x71: {  	v42 =	vld [tilespmem:s31+$0x270];
	[tilespmem:s31+$0x200] =	vst v2;
	v2 =	vmul.f32 v37, v38  }
0x72: {  	v43 =	vld [tilespmem:s31+$0x280];
	[tilespmem:s31+$0x210] =	vst v3;
	v3 =	vmul.f32 v10, v38  }
0x73: {  	v44 =	vld [tilespmem:s31+$0x290];
	[tilespmem:s31+$0x220] =	vst v2;
	v2 =	vmul.f32 v39, v38  }
0x74: {  	v45 =	vld [tilespmem:s31+$0x2A0];
	[tilespmem:s31+$0x230] =	vst v3;
	v3 =	vmul.f32 v40, v38  }
0x75: {  	v47 =	vld [tilespmem:s31+$0x2B0];
	v46 =	vbroadcast v1, $0x2;
	[tilespmem:s31+$0x240] =	vst v2;
	v2 =	vmul.f32 v41, v38  }
0x76: {  	v48 =	vld [tilespmem:s31+$0x2C0];
	[tilespmem:s31+$0x250] =	vst v3;
	v3 =	vmul.f32 v42, v38  }
0x77: {  	v49 =	vld [tilespmem:s31+$0x2D0];
	[tilespmem:s31+$0x260] =	vst v2;
	v2 =	vmul.f32 v43, v46  }
0x78: {  	v50 =	vld [tilespmem:s31+$0x2E0];
	[tilespmem:s31+$0x270] =	vst v3;
	v3 =	vmul.f32 v44, v46  }
0x79: {  	v51 =	vld [tilespmem:s31+$0x2F0];
	[tilespmem:s31+$0x280] =	vst v2;
	v2 =	vmul.f32 v45, v46  }
0x7a: {  	v52 =	vld [tilespmem:s31+$0x300];
	[tilespmem:s31+$0x290] =	vst v3;
	v3 =	vmul.f32 v47, v46  }
0x7b: {  	v53 =	vld [tilespmem:s31+$0x310];
	[tilespmem:s31+$0x2A0] =	vst v2;
	v2 =	vmul.f32 v48, v46  }
0x7c: {  	v54 =	vld [tilespmem:s31+$0x320];
	[tilespmem:s31+$0x2B0] =	vst v3;
	v3 =	vmul.f32 v49, v46  }
0x7d: {  	v56 =	vld [tilespmem:s31+$0x330];
	v55 =	vbroadcast v1, $0x3;
	[tilespmem:s31+$0x2C0] =	vst v2;
	v2 =	vmul.f32 v50, v46  }
0x7e: {  	v57 =	vld [tilespmem:s31+$0x340];
	[tilespmem:s31+$0x2D0] =	vst v3;
	v3 =	vmul.f32 v51, v46  }
0x7f: {  	v58 =	vld [tilespmem:s31+$0x350];
	[tilespmem:s31+$0x2E0] =	vst v2;
	v2 =	vmul.f32 v52, v55  }
0x80: {  	v59 =	vld [tilespmem:s31+$0x360];
	[tilespmem:s31+$0x2F0] =	vst v3;
	v3 =	vmul.f32 v53, v55  }
0x81: {  	v60 =	vld [tilespmem:s31+$0x370];
	[tilespmem:s31+$0x300] =	vst v2;
	v2 =	vmul.f32 v54, v55  }
0x82: {  	v61 =	vld [tilespmem:s31+$0x380];
	[tilespmem:s31+$0x310] =	vst v3;
	v3 =	vmul.f32 v56, v55  }
0x83: {  	v62 =	vld [tilespmem:s31+$0x390];
	[tilespmem:s31+$0x320] =	vst v2;
	v2 =	vmul.f32 v57, v55  }
0x84: {  	v63 =	vld [tilespmem:s31+$0x3A0];
	[tilespmem:s31+$0x330] =	vst v3;
	v3 =	vmul.f32 v58, v55  }
0x85: {  	v13 =	vld [tilespmem:s31+$0x3B0];
	v12 =	vbroadcast v1, $0x4;
	[tilespmem:s31+$0x340] =	vst v2;
	v2 =	vmul.f32 v59, v55  }
0x86: {  	v14 =	vld [tilespmem:s31+$0x3C0];
	[tilespmem:s31+$0x350] =	vst v3;
	v3 =	vmul.f32 v60, v55  }
0x87: {  	v15 =	vld [tilespmem:s31+$0x3D0];
	[tilespmem:s31+$0x360] =	vst v2;
	v2 =	vmul.f32 v61, v12  }
0x88: {  	v16 =	vld [tilespmem:s31+$0x3E0];
	[tilespmem:s31+$0x370] =	vst v3;
	v3 =	vmul.f32 v62, v12  }
0x89: {  	v17 =	vld [tilespmem:s31+$0x3F0];
	[tilespmem:s31+$0x380] =	vst v2;
	v2 =	vmul.f32 v63, v12  }
0x8a: {  	v18 =	vld [tilespmem:s31+$0x400];
	[tilespmem:s31+$0x390] =	vst v3;
	v3 =	vmul.f32 v13, v12  }
0x8b: {  	v19 =	vld [tilespmem:s31+$0x410];
	[tilespmem:s31+$0x3A0] =	vst v2;
	v2 =	vmul.f32 v14, v12  }
0x8c: {  	v20 =	vld [tilespmem:s31+$0x420];
	[tilespmem:s31+$0x3B0] =	vst v3;
	v3 =	vmul.f32 v15, v12  }
0x8d: {  	v22 =	vld [tilespmem:s31+$0x430];
	v21 =	vbroadcast v1, $0x5;
	[tilespmem:s31+$0x3C0] =	vst v2;
	v2 =	vmul.f32 v16, v12  }
0x8e: {  	v23 =	vld [tilespmem:s31+$0x440];
	[tilespmem:s31+$0x3D0] =	vst v3;
	v3 =	vmul.f32 v17, v12  }
0x8f: {  	v24 =	vld [tilespmem:s31+$0x450];
	[tilespmem:s31+$0x3E0] =	vst v2;
	v2 =	vmul.f32 v18, v21  }
0x90: {  	v25 =	vld [tilespmem:s31+$0x460];
	[tilespmem:s31+$0x3F0] =	vst v3;
	v3 =	vmul.f32 v19, v21  }
0x91: {  	v26 =	vld [tilespmem:s31+$0x470];
	[tilespmem:s31+$0x400] =	vst v2;
	v2 =	vmul.f32 v20, v21  }
0x92: {  	v27 =	vld [tilespmem:s31+$0x480];
	[tilespmem:s31+$0x410] =	vst v3;
	v3 =	vmul.f32 v22, v21  }
0x93: {  	v28 =	vld [tilespmem:s31+$0x490];
	[tilespmem:s31+$0x420] =	vst v2;
	v2 =	vmul.f32 v23, v21  }
0x94: {  	v29 =	vld [tilespmem:s31+$0x4A0];
	[tilespmem:s31+$0x430] =	vst v3;
	v3 =	vmul.f32 v24, v21  }
0x95: {  	v31 =	vld [tilespmem:s31+$0x4B0];
	v30 =	vbroadcast v1, $0x6;
	[tilespmem:s31+$0x440] =	vst v2;
	v2 =	vmul.f32 v25, v21  }
0x96: {  	v32 =	vld [tilespmem:s31+$0x4C0];
	[tilespmem:s31+$0x450] =	vst v3;
	v3 =	vmul.f32 v26, v21  }
0x97: {  	v33 =	vld [tilespmem:s31+$0x4D0];
	[tilespmem:s31+$0x460] =	vst v2;
	v2 =	vmul.f32 v27, v30  }
0x98: {  	v34 =	vld [tilespmem:s31+$0x4E0];
	[tilespmem:s31+$0x470] =	vst v3;
	v3 =	vmul.f32 v28, v30  }
0x99: {  	v35 =	vld [tilespmem:s31+$0x4F0];
	[tilespmem:s31+$0x480] =	vst v2;
	v2 =	vmul.f32 v29, v30  }
0x9a: {  	v36 =	vld [tilespmem:s31+$0x500];
	[tilespmem:s31+$0x490] =	vst v3;
	v3 =	vmul.f32 v31, v30  }
0x9b: {  	v37 =	vld [tilespmem:s31+$0x510];
	[tilespmem:s31+$0x4A0] =	vst v2;
	v2 =	vmul.f32 v32, v30  }
0x9c: {  	v38 =	vld [tilespmem:s31+$0x520];
	[tilespmem:s31+$0x4B0] =	vst v3;
	v3 =	vmul.f32 v33, v30  }
0x9d: {  	v39 =	vbroadcast v1, $0x7;
	v40 =	vld [tilespmem:s31+$0x530];
	[tilespmem:s31+$0x4C0] =	vst v2;
	v2 =	vmul.f32 v34, v30  }
0x9e: {  	v41 =	vld [tilespmem:s31+$0x540];
	[tilespmem:s31+$0x4D0] =	vst v3;
	v3 =	vmul.f32 v35, v30  }
0x9f: {  	v42 =	vld [tilespmem:s31+$0x550];
	[tilespmem:s31+$0x4E0] =	vst v2;
	v2 =	vmul.f32 v36, v39  }
0xa0: {  	v43 =	vld [tilespmem:s31+$0x560];
	[tilespmem:s31+$0x4F0] =	vst v3;
	v3 =	vmul.f32 v37, v39  }
0xa1: {  	v44 =	vld [tilespmem:s31+$0x570];
	[tilespmem:s31+$0x500] =	vst v2;
	v2 =	vmul.f32 v38, v39  }
0xa2: {  	v45 =	vld [tilespmem:s31+$0x580];
	[tilespmem:s31+$0x510] =	vst v3;
	v3 =	vmul.f32 v40, v39  }
0xa3: {  	v46 =	vld [tilespmem:s31+$0x590];
	[tilespmem:s31+$0x520] =	vst v2;
	v2 =	vmul.f32 v41, v39  }
0xa4: {  	v47 =	vld [tilespmem:s31+$0x5A0];
	[tilespmem:s31+$0x530] =	vst v3;
	v3 =	vmul.f32 v42, v39  }
0xa5: {  	v48 =	vbroadcast v1, $0x8;
	v49 =	vld [tilespmem:s31+$0x5B0];
	[tilespmem:s31+$0x540] =	vst v2;
	v2 =	vmul.f32 v43, v39  }
0xa6: {  	v50 =	vld [tilespmem:s31+$0x5C0];
	[tilespmem:s31+$0x550] =	vst v3;
	v3 =	vmul.f32 v44, v39  }
0xa7: {  	v51 =	vld [tilespmem:s31+$0x5D0];
	[tilespmem:s31+$0x560] =	vst v2;
	v2 =	vmul.f32 v45, v48  }
0xa8: {  	v52 =	vld [tilespmem:s31+$0x5E0];
	[tilespmem:s31+$0x570] =	vst v3;
	v3 =	vmul.f32 v46, v48  }
0xa9: {  	v53 =	vld [tilespmem:s31+$0x5F0];
	[tilespmem:s31+$0x580] =	vst v2;
	v2 =	vmul.f32 v47, v48  }
0xaa: {  	v54 =	vld [tilespmem:s31+$0x600];
	[tilespmem:s31+$0x590] =	vst v3;
	v3 =	vmul.f32 v49, v48  }
0xab: {  	v55 =	vld [tilespmem:s31+$0x610];
	[tilespmem:s31+$0x5A0] =	vst v2;
	v2 =	vmul.f32 v50, v48  }
0xac: {  	v56 =	vld [tilespmem:s31+$0x620];
	[tilespmem:s31+$0x5B0] =	vst v3;
	v3 =	vmul.f32 v51, v48  }
0xad: {  	v57 =	vbroadcast v1, $0x9;
	v58 =	vld [tilespmem:s31+$0x630];
	[tilespmem:s31+$0x5C0] =	vst v2;
	v2 =	vmul.f32 v52, v48  }
0xae: {  	v59 =	vld [tilespmem:s31+$0x640];
	[tilespmem:s31+$0x5D0] =	vst v3;
	v3 =	vmul.f32 v53, v48  }
0xaf: {  	v60 =	vld [tilespmem:s31+$0x650];
	[tilespmem:s31+$0x5E0] =	vst v2;
	v2 =	vmul.f32 v54, v57  }
0xb0: {  	v61 =	vld [tilespmem:s31+$0x660];
	[tilespmem:s31+$0x5F0] =	vst v3;
	v3 =	vmul.f32 v55, v57  }
0xb1: {  	v62 =	vld [tilespmem:s31+$0x670];
	[tilespmem:s31+$0x600] =	vst v2;
	v2 =	vmul.f32 v56, v57  }
0xb2: {  	v63 =	vld [tilespmem:s31+$0x680];
	[tilespmem:s31+$0x610] =	vst v3;
	v3 =	vmul.f32 v58, v57  }
0xb3: {  	v12 =	vld [tilespmem:s31+$0x690];
	[tilespmem:s31+$0x620] =	vst v2;
	v2 =	vmul.f32 v59, v57  }
0xb4: {  	v13 =	vld [tilespmem:s31+$0x6A0];
	[tilespmem:s31+$0x630] =	vst v3;
	v3 =	vmul.f32 v60, v57  }
0xb5: {  	v14 =	vbroadcast v1, $0xA;
	v15 =	vld [tilespmem:s31+$0x6B0];
	[tilespmem:s31+$0x640] =	vst v2;
	v2 =	vmul.f32 v61, v57  }
0xb6: {  	v16 =	vld [tilespmem:s31+$0x6C0];
	[tilespmem:s31+$0x650] =	vst v3;
	v3 =	vmul.f32 v62, v57  }
0xb7: {  	v17 =	vld [tilespmem:s31+$0x6D0];
	[tilespmem:s31+$0x660] =	vst v2;
	v2 =	vmul.f32 v63, v14  }
0xb8: {  	v18 =	vld [tilespmem:s31+$0x6E0];
	[tilespmem:s31+$0x670] =	vst v3;
	v3 =	vmul.f32 v12, v14  }
0xb9: {  	v19 =	vld [tilespmem:s31+$0x6F0];
	[tilespmem:s31+$0x680] =	vst v2;
	v2 =	vmul.f32 v13, v14  }
0xba: {  	v20 =	vld [tilespmem:s31+$0x700];
	[tilespmem:s31+$0x690] =	vst v3;
	v3 =	vmul.f32 v15, v14  }
0xbb: {  	v21 =	vld [tilespmem:s31+$0x710];
	[tilespmem:s31+$0x6A0] =	vst v2;
	v2 =	vmul.f32 v16, v14  }
0xbc: {  	v22 =	vld [tilespmem:s31+$0x720];
	[tilespmem:s31+$0x6B0] =	vst v3;
	v3 =	vmul.f32 v17, v14  }
0xbd: {  	v23 =	vbroadcast v1, $0xB;
	v24 =	vld [tilespmem:s31+$0x730];
	[tilespmem:s31+$0x6C0] =	vst v2;
	v2 =	vmul.f32 v18, v14  }
0xbe: {  	v25 =	vld [tilespmem:s31+$0x740];
	[tilespmem:s31+$0x6D0] =	vst v3;
	v3 =	vmul.f32 v19, v14  }
0xbf: {  	v26 =	vld [tilespmem:s31+$0x750];
	[tilespmem:s31+$0x6E0] =	vst v2;
	v2 =	vmul.f32 v20, v23  }
0xc0: {  	v27 =	vld [tilespmem:s31+$0x760];
	[tilespmem:s31+$0x6F0] =	vst v3;
	v3 =	vmul.f32 v21, v23  }
0xc1: {  	v28 =	vld [tilespmem:s31+$0x770];
	[tilespmem:s31+$0x700] =	vst v2;
	v2 =	vmul.f32 v22, v23  }
0xc2: {  	v29 =	vld [tilespmem:s31+$0x780];
	[tilespmem:s31+$0x710] =	vst v3;
	v3 =	vmul.f32 v24, v23  }
0xc3: {  	v30 =	vld [tilespmem:s31+$0x790];
	[tilespmem:s31+$0x720] =	vst v2;
	v2 =	vmul.f32 v25, v23  }
0xc4: {  	v31 =	vld [tilespmem:s31+$0x7A0];
	[tilespmem:s31+$0x730] =	vst v3;
	v3 =	vmul.f32 v26, v23  }
0xc5: {  	v32 =	vbroadcast v1, $0xC;
	v33 =	vld [tilespmem:s31+$0x7B0];
	[tilespmem:s31+$0x740] =	vst v2;
	v2 =	vmul.f32 v27, v23  }
0xc6: {  	v34 =	vld [tilespmem:s31+$0x7C0];
	[tilespmem:s31+$0x750] =	vst v3;
	v3 =	vmul.f32 v28, v23  }
0xc7: {  	v35 =	vld [tilespmem:s31+$0x7D0];
	[tilespmem:s31+$0x760] =	vst v2;
	v2 =	vmul.f32 v29, v32  }
0xc8: {  	v36 =	vld [tilespmem:s31+$0x7E0];
	[tilespmem:s31+$0x770] =	vst v3;
	v3 =	vmul.f32 v30, v32  }
0xc9: {  	v37 =	vld [tilespmem:s31+$0x7F0];
	[tilespmem:s31+$0x780] =	vst v2;
	v2 =	vmul.f32 v31, v32  }
0xca: {  	v38 =	vld [tilespmem:s31+$0x800];
	[tilespmem:s31+$0x790] =	vst v3;
	v3 =	vmul.f32 v33, v32  }
0xcb: {  	v39 =	vld [tilespmem:s31+$0x810];
	[tilespmem:s31+$0x7A0] =	vst v2;
	v2 =	vmul.f32 v34, v32  }
0xcc: {  	v40 =	vld [tilespmem:s31+$0x820];
	[tilespmem:s31+$0x7B0] =	vst v3;
	v3 =	vmul.f32 v35, v32  }
0xcd: {  	v41 =	vbroadcast v1, $0xD;
	v42 =	vld [tilespmem:s31+$0x830];
	[tilespmem:s31+$0x7C0] =	vst v2;
	v2 =	vmul.f32 v36, v32  }
0xce: {  	v43 =	vld [tilespmem:s31+$0x840];
	[tilespmem:s31+$0x7D0] =	vst v3;
	v3 =	vmul.f32 v37, v32  }
0xcf: {  	v44 =	vld [tilespmem:s31+$0x850];
	[tilespmem:s31+$0x7E0] =	vst v2;
	v2 =	vmul.f32 v38, v41  }
0xd0: {  	v45 =	vld [tilespmem:s31+$0x860];
	[tilespmem:s31+$0x7F0] =	vst v3;
	v3 =	vmul.f32 v39, v41  }
0xd1: {  	v46 =	vld [tilespmem:s31+$0x870];
	[tilespmem:s31+$0x800] =	vst v2;
	v2 =	vmul.f32 v40, v41  }
0xd2: {  	v47 =	vld [tilespmem:s31+$0x880];
	[tilespmem:s31+$0x810] =	vst v3;
	v3 =	vmul.f32 v42, v41  }
0xd3: {  	v48 =	vld [tilespmem:s31+$0x890];
	[tilespmem:s31+$0x820] =	vst v2;
	v2 =	vmul.f32 v43, v41  }
0xd4: {  	v49 =	vld [tilespmem:s31+$0x8A0];
	[tilespmem:s31+$0x830] =	vst v3;
	v3 =	vmul.f32 v44, v41  }
0xd5: {  	v50 =	vbroadcast v1, $0xE;
	v51 =	vld [tilespmem:s31+$0x8B0];
	[tilespmem:s31+$0x840] =	vst v2;
	v2 =	vmul.f32 v45, v41  }
0xd6: {  	v52 =	vld [tilespmem:s31+$0x8C0];
	[tilespmem:s31+$0x850] =	vst v3;
	v3 =	vmul.f32 v46, v41  }
0xd7: {  	v53 =	vld [tilespmem:s31+$0x8D0];
	[tilespmem:s31+$0x860] =	vst v2;
	v2 =	vmul.f32 v47, v50  }
0xd8: {  	v54 =	vld [tilespmem:s31+$0x8E0];
	[tilespmem:s31+$0x870] =	vst v3;
	v3 =	vmul.f32 v48, v50  }
0xd9: {  	v55 =	vld [tilespmem:s31+$0x8F0];
	[tilespmem:s31+$0x880] =	vst v2;
	v2 =	vmul.f32 v49, v50  }
0xda: {  	v56 =	vld [tilespmem:s31+$0x900];
	[tilespmem:s31+$0x890] =	vst v3;
	v3 =	vmul.f32 v51, v50  }
0xdb: {  	v57 =	vld [tilespmem:s31+$0x910];
	[tilespmem:s31+$0x8A0] =	vst v2;
	v2 =	vmul.f32 v52, v50  }
0xdc: {  	v58 =	vld [tilespmem:s31+$0x920];
	[tilespmem:s31+$0x8B0] =	vst v3;
	v3 =	vmul.f32 v53, v50  }
0xdd: {  	v1 =	vbroadcast v1, $0xF;
	v59 =	vld [tilespmem:s31+$0x930];
	[tilespmem:s31+$0x8C0] =	vst v2;
	v2 =	vmul.f32 v54, v50  }
0xde: {  	v60 =	vld [tilespmem:s31+$0x940];
	[tilespmem:s31+$0x8D0] =	vst v3;
	v3 =	vmul.f32 v55, v50  }
0xdf: {  	v61 =	vld [tilespmem:s31+$0x950];
	[tilespmem:s31+$0x8E0] =	vst v2;
	v2 =	vmul.f32 v56, v1  }
0xe0: {  	v62 =	vld [tilespmem:s31+$0x960];
	[tilespmem:s31+$0x8F0] =	vst v3;
	v3 =	vmul.f32 v57, v1  }
0xe1: {  	v63 =	vld [tilespmem:s31+$0x970];
	[tilespmem:s31+$0x900] =	vst v2;
	v2 =	vmul.f32 v58, v1  }
0xe2: {  	[tilespmem:s31+$0x910] =	vst v3;
	v3 =	vmul.f32 v59, v1  }
0xe3: {  	p0 =	sne.s32 s30, $0x7;
	[tilespmem:s31+$0x920] =	vst v2;
	v2 =	vmul.f32 v60, v1  }
.Ltmp1:
0xe4: {  	[tilespmem:s31+$0x930] =	vst v3;
	v3 =	vmul.f32 v61, v1;
	(pc) =	sbr.rel @p0 .LBB2_5-.Ltmp1, $4  }
0xe5: {  	[tilespmem:s31+$0x940] =	vst v2;
	v2 =	vmul.f32 v62, v1  }
0xe6: {  	[tilespmem:s31+$0x950] =	vst v3;
	v1 =	vmul.f32 v63, v1  }
0xe7: {  	[tilespmem:s31+$0x960] =	vst v2  }
0xe8: {  	s30 =	sadd.s32 $0x1, s30;
	[tilespmem:s31+$0x970] =	vst v1  }
0xe9: {  	s29 =	sadd.s32 $0x1, s29  }
0xea: {  	p0 =	sne.s32 s29, $0x4F  }
.Ltmp2:
0xeb: {  	_ = 	snop;
	(pc) =	sbr.rel @p0 .LBB2_4-.Ltmp2, $4  }
0xec: {  	[spmem:s3] =	stream.indirect.scatter.add.f32 [tilespmem:s25], [sflag:$0x2], $0x80, s23, s23, $0xb8;
	[tilespmem:$0x1A180] =	vst v63  }
0xed: {  	_ =	swait.ge [sflag:s22], $0x4000  }
0xee: {  	[sflag:s22] =	ssyncset.done $0x0  }
0xef: {  	[sflag:s22] =	ssyncadd.s32 $0xFFFFC000  }
0xf0: {  	s4 =	sadd.s32 $0x1, s4  }
0xf1: {  	s28 =	sshll.u32 s1, $0x6;
	[bflag:$0x0] =	sbarrier.arrive $0xFFFF;
	p0 =	sne.s32 s4, s11  }
.Ltmp3:
0xf2: {  	s29 =	sshrl.u32 s8, $0x3;
	s28 =	sor.u32 $0x1C02, s28;
	(pc) =	sbr.rel @p0 .LBB2_1-.Ltmp3, $4  }
0xf3: {  	[hbm:s10], [sflag:s28] =	dma.local [spmem:s29], $0x2800  }
0xf4: {  	_ =	swait.ge [sflag:s22], $0x2800  }
0xf5: {  	[sflag:s22] =	ssyncset.done $0x0  }
0xf6: {  	[sflag:s22] =	ssyncadd.s32 $0xFFFFD800  }
0xf7: {  	_ =	sfence.sel $0x180000  }
0xf8: {  	[bflag:$0x0] =	sbarrier.arrive $0xFFFF  }
0xf9: {  	p0 =	sne.s32 s1, $0x0;
	_ =	strace $0x9000004A  }
0xfa: {  	s0 =	sadd.s32 @!p0 $0x100000, s0;
	[bflag:$0x2] =	sbarrier.arrive $0xFFFF  }
0xfb: {  	[sflag:s0] =	ssyncadd.tile.s32 @!p0 $0x1;
	_ =	shalt  }
.Lfunc_end2:
_tile_overlayer_lowered:
.L_overlay_start_2:
0xfc: {  	(tag) =	ssettag $0x2  }
0xfd: {  	s0 =	rddreg [dreg:$0x0];
	s2 =	stileid.u32  }
0xfe: {  	s1 =	rddreg [dreg:$0x1];
	p0 =	sne.s32 s2, $0x0  }
0xff: {  	s3 =	rddreg [dreg:$0x2];
	[bflag:$0x3] =	sbarrier.arrive $0xFFFF;
	s2 =	simm.s32 @!p0 $0x1C02  }
0x100: {  	[timem:s3], [sflag:s2] =	dma.local @!p0 [hbm:s0], s1  }
0x101: {  	s0 =	simm.s32 @!p0 $0x2  }
0x102: {  	_ =	swait.ge @!p0 [sflag:s0], s1  }
0x103: {  	s1 =	ssub.s32 @!p0 $0x0, s1;
	[sflag:s0] =	ssyncset.done @!p0 $0x0  }
0x104: {  	[sflag:s0] =	ssyncadd.s32 @!p0 s1  }
0x105: {  	[bflag:$0x3] =	sbarrier.arrive $0xFFFF  }
0x106: {  	_ =	shalt  }

// kernel: kernel.14.cloned.1.call-start
scs
__scs_entry_jumppad:
0x0: {  	(pc) =	sbr.rel $0x88, $3  }
0x1: {  	(tag) =	ssettag $0x0;
	lr =	simm.s32 $0x1  }
0x2: {  	[smem:$0x3F9A] =	sst lr;
	_ =	strace $0xD0000000  }
0x3: {  	_ = 	snop  }
0x4: {  	_ = 	snop  }
0x5: {  	_ = 	snop  }
0x6: {  	_ = 	snop  }
0x7: {  	_ = 	snop  }
__scs_overlays_trampoline_lowered:
0x8: {  	[smem:$0x3FA9] =	sst s0  }
0x9: {  	[smem:$0x3FAA] =	sst s1  }
0xa: {  	[smem:$0x3FAB] =	sst s2  }
0xb: {  	[smem:$0x3FAC] =	sst s3  }
0xc: {  	[smem:$0x3FAD] =	sst s4  }
0xd: {  	[smem:$0x3FAE] =	sst s5  }
0xe: {  	[smem:$0x3FAF] =	sst s6  }
0xf: {  	[smem:$0x3FB0] =	sst s7  }
0x10: {  	[smem:$0x3FB1] =	sst s8  }
0x11: {  	[smem:$0x3FB2] =	sst s9;
	s0 =	simm.s32 @!p0 $0x0  }
0x12: {  	s1 =	sld [smem:$0x3F98];
	s0 =	simm.s32 @p0 $0x1  }
0x13: {  	[smem:$0x3FB3] =	sst s0;
	s0 =	simm.s32 @!p1 $0x0  }
0x14: {  	s2 =	sld [smem:$0x3F97];
	s0 =	simm.s32 @p1 $0x1  }
0x15: {  	[smem:$0x3FB4] =	sst s0;
	s0 =	simm.s32 @!p2 $0x0  }
0x16: {  	s3 =	sld [smem:$0x3FDB];
	s0 =	simm.s32 @p2 $0x1  }
0x17: {  	s4 =	simm.s32 $0x1BF5;
	[smem:$0x3FB6] =	sst s0  }
0x18: {  	s0 =	sld [smem:$0x3F99];
	_ =	swait.ge [sflag:s4], $0x0  }
0x19: {  	s7 =	sld [smem:$0x3F9A]  }
0x1a: {  	s8 =	sadd.s32 $0xFFFFE003, lr  }
0x1b: {  	s9 =	sadd.s32 $0xFFFFFEF7, lr;
	s5 =	simm.s32 $0xFFFFFFFF;
	p2 =	slt.u32 s8, $0xFFFFF086  }
0x1c: {  	p1 =	slt.u32 s9, $0xF7A;
	s5 =	simm.s32 @!p2 $0x0  }
0x1d: {  	s5 =	simm.s32 @p1 $0x1;
	p0 =	seq.s32 s7, s2  }
0x1e: {  	s7 =	smul.u32 @!p0 $0xF7A, s2;
	p2 =	seq.s32 @!p0 s5, $0x0  }
0x1f: {  	s9 =	smul.u32 $0xF7A, s1;
	s8 =	simm.s32 @!p0 $0x1BF5;
	p2 =	por !p2, p0  }
0x20: {  	[sflag:s8] =	ssyncset.s32 @!p0 $0xFFFFF086;
	s6 =	sadd.s32 @!p0 s3, s7;
	s7 =	simm.s32 @!p0 $0x108  }
0x21: {  	s3 =	sadd.s32 s3, s9;
	s6 =	sadd.s32 @!p0 $0x88, s6;
	s7 =	simm.s32 @p2 $0x1082  }
0x22: {  	[simem:s7], [sflag:s8] =	dma.local @!p0 [hbm:s6], $0xF7A  }
0x23: {  	s9 =	sor.u32 $0xD0000000, s2;
	s6 =	simm.s32 $0x108;
	_ =	swait.ge @!p0 [sflag:s8], $0x0  }
0x24: {  	s3 =	sadd.s32 $0x88, s3;
	s6 =	simm.s32 @!p1 $0x1082;
	[sflag:s4] =	ssyncset.s32 $0xFFFFF086  }
0x25: {  	[simem:s6], [sflag:s4] =	dma.local [hbm:s3], $0xF7A  }
0x26: {  	[smem:$0x3F9A] =	sst s1;
	(tag) =	ssettag s2;
	_ =	strace s9  }
0x27: {  	s1 =	sld [smem:$0x3FAA]  }
0x28: {  	s2 =	sld [smem:$0x3FAB]  }
0x29: {  	s4 =	sld [smem:$0x3FAD]  }
0x2a: {  	p0 =	seq.s32 s5, $0x0;
	s5 =	sld [smem:$0x3FAE]  }
0x2b: {  	s6 =	sld [smem:$0x3FAF]  }
0x2c: {  	s7 =	sld [smem:$0x3FB0]  }
0x2d: {  	s3 =	simm.s32 $0x108;
	s8 =	sld [smem:$0x3FB1]  }
0x2e: {  	s3 =	simm.s32 @!p0 $0x1082;
	s9 =	sld [smem:$0x3FB2]  }
0x2f: {  	lr =	sadd.s32 s0, s3;
	s0 =	sld [smem:$0x3FA9]  }
0x30: {  	s3 =	sld [smem:$0x3FAC]  }
0x31: {  	[smem:$0x3FB5] =	sst s10  }
0x32: {  	s10 =	sld [smem:$0x3FB3];
	_ =	sdelay $0x3  }
0x33: {  	p0 =	seq.s32 s10, $0x1;
	s10 =	sld [smem:$0x3FB5];
	_ =	sdelay $0x3  }
0x34: {  	[smem:$0x3FB5] =	sst s10  }
0x35: {  	s10 =	sld [smem:$0x3FB4];
	_ =	sdelay $0x3  }
0x36: {  	p1 =	seq.s32 s10, $0x1;
	s10 =	sld [smem:$0x3FB5];
	_ =	sdelay $0x3  }
0x37: {  	[smem:$0x3FB5] =	sst s10  }
0x38: {  	s10 =	sld [smem:$0x3FB6]  }
0x39: {  	_ = 	snop;
	(pc) =	sbr.ind lr, $3  }
0x3a: {  	_ = 	snop  }
0x3b: {  	_ = 	snop  }
0x3c: {  	p2 =	seq.s32 s10, $0x1;
	s10 =	sld [smem:$0x3FB5]  }
0x3d: {  	_ =	shalt  }
0x3e: {  	_ =	shalt  }
0x3f: {  	_ =	shalt  }
0x40: {  	_ =	shalt  }
0x41: {  	_ =	shalt  }
0x42: {  	_ =	shalt  }
0x43: {  	_ =	shalt  }
0x44: {  	_ =	shalt  }
0x45: {  	_ =	shalt  }
0x46: {  	_ =	shalt  }
0x47: {  	_ =	shalt  }
0x48: {  	_ =	shalt  }
0x49: {  	_ =	shalt  }
0x4a: {  	_ =	shalt  }
0x4b: {  	_ =	shalt  }
0x4c: {  	_ =	shalt  }
0x4d: {  	_ =	shalt  }
0x4e: {  	_ =	shalt  }
0x4f: {  	_ =	shalt  }
0x50: {  	_ =	shalt  }
0x51: {  	_ =	shalt  }
0x52: {  	_ =	shalt  }
0x53: {  	_ =	shalt  }
0x54: {  	_ =	shalt  }
0x55: {  	_ =	shalt  }
0x56: {  	_ =	shalt  }
0x57: {  	_ =	shalt  }
0x58: {  	_ =	shalt  }
0x59: {  	_ =	shalt  }
0x5a: {  	_ =	shalt  }
0x5b: {  	_ =	shalt  }
0x5c: {  	_ =	shalt  }
0x5d: {  	_ =	shalt  }
0x5e: {  	_ =	shalt  }
0x5f: {  	_ =	shalt  }
0x60: {  	_ =	shalt  }
0x61: {  	_ =	shalt  }
0x62: {  	_ =	shalt  }
0x63: {  	_ =	shalt  }
0x64: {  	_ =	shalt  }
0x65: {  	_ =	shalt  }
0x66: {  	_ =	shalt  }
0x67: {  	_ =	shalt  }
0x68: {  	_ =	shalt  }
0x69: {  	_ =	shalt  }
0x6a: {  	_ =	shalt  }
0x6b: {  	_ =	shalt  }
0x6c: {  	_ =	shalt  }
0x6d: {  	_ =	shalt  }
0x6e: {  	_ =	shalt  }
0x6f: {  	_ =	shalt  }
0x70: {  	_ =	shalt  }
0x71: {  	_ =	shalt  }
0x72: {  	_ =	shalt  }
0x73: {  	_ =	shalt  }
0x74: {  	_ =	shalt  }
0x75: {  	_ =	shalt  }
0x76: {  	_ =	shalt  }
0x77: {  	_ =	shalt  }
0x78: {  	_ =	shalt  }
0x79: {  	_ =	shalt  }
0x7a: {  	_ =	shalt  }
0x7b: {  	_ =	shalt  }
0x7c: {  	_ =	shalt  }
0x7d: {  	_ =	shalt  }
0x7e: {  	_ =	shalt  }
0x7f: {  	_ =	shalt  }
0x80: {  	_ =	shalt  }
0x81: {  	_ =	shalt  }
0x82: {  	_ =	shalt  }
0x83: {  	_ =	shalt  }
0x84: {  	_ =	shalt  }
0x85: {  	_ =	shalt  }
0x86: {  	_ =	shalt  }
0x87: {  	_ =	shalt  }
.Lfunc_end0:
.L_simem_size_0:
called_computation.2_lowered:
.L_overlay_start_0:
0x88: {  	s2 =	sld [smem:$0x3FD9]  }
0x89: {  	s3 =	sld [smem:$0x3FFE];
	_ =	sdelay $0x1  }
0x8a: {  	s1 =	srdreg.scid  }
0x8b: {  	s0 =	sand.u32 $0x1, s1  }
0x8c: {  	s17 =	sshll.u32 s0, $0xA;
	s2 =	sadd.s32 s3, s2  }
0x8d: {  	s2 =	sadd.s32 s2, s17  }
0x8e: {  	[smem:$0x3FC1] =	sst s2  }
0x8f: {  	_ = 	snop  }
0x90: {  	s2 =	sld [smem:$0x3FD0];
	(tm) =	ssettm $0x1  }
0x91: {  	s18 =	sld [smem:$0x3FFB];
	_ =	sdelay $0x3  }
0x92: {  	_ =	strace s18  }
0x93: {  	s3 =	sld [smem:$0x3FFC];
	_ =	sdelay $0x3  }
0x94: {  	_ =	strace s3  }
0x95: {  	s3 =	sld [smem:$0x3FFD];
	_ =	sdelay $0x3  }
0x96: {  	_ =	strace s3  }
0x97: {  	_ =	strace $0x8FFFFFFF  }
0x98: {  	s19 =	sld [smem:$0x3FDB];
	_ =	sdelay $0x1  }
0x99: {  	s4 =	simm.s32 $_scs_section_size  }
0x9a: {  	s5 =	simm.s32 $_size__tile_overlayer_lowered;
	s6 =	simm.s32 $_tile_overlayer_lowered  }
0x9b: {  	s22 =	simm.s32 $0x1BFF;
	s21 =	sshll.u32 s6, $0x1;
	s3 =	sadd.s32 s4, s19  }
0x9c: {  	s7 =	simm.s32 $0x0;
	s20 =	sshll.u32 s5, $0x1;
	s5 =	sadd.s32 s21, s3  }
0x9d: {  	[timem:s7], [sflag:s22] =	dma.local [hbm:s5], s20  }
0x9e: {  	_ =	swait.ge [sflag:s22], s20  }
0x9f: {  	s4 =	ssub.s32 $0x0, s20;
	[sflag:s22] =	ssyncset.done $0x0  }
0xa0: {  	[sflag:s22] =	ssyncadd.s32 s4;
	_ =	sdelay $0x1  }
0xa1: {  	s23 =	simm.s32 $0x1B8B  }
0xa2: {  	_ =	swait.ge [sflag:s23], $0x1  }
0xa3: {  	[sflag:s23] =	ssyncset.done $0x0  }
0xa4: {  	s25 =	simm.s32 $0x1B8E;
	s24 =	sld [smem:$0x3FFE];
	[sflag:s23] =	ssyncadd.s32 $0xFFFFFFFF  }
0xa5: {  	s26 =	simm.s32 $execute0_lowered;
	[smem:$0x3FD2] =	sst s25  }
0xa6: {  	s5 =	sshll.u32 s26, $0x1;
	_ =	strace $0x8000004C;
	[dreg:$0x1] =	wrdreg $0xFFFFFFFF  }
0xa7: {  	s28 =	simm.s32 $_size_execute0_lowered;
	s3 =	sadd.s32 s3, s5;
	[dreg:$0x0] =	wrdreg $0x0  }
0xa8: {  	s5 =	sshll.u32 s28, $0x1;
	[dreg:$0x2] =	wrdreg s3  }
0xa9: {  	[dreg:$0x3] =	wrdreg s5  }
0xaa: {  	[dreg:$0x4] =	wrdreg $0xC0  }
0xab: {  	_ =	task [dreg:s7], $0x5FFFF  }
0xac: {  	[dreg:$0x1] =	wrdreg $0xFFFFFFFF  }
0xad: {  	[dreg:$0x0] =	wrdreg $0x60  }
0xae: {  	[dreg:$0x2] =	wrdreg s24  }
0xaf: {  	[dreg:$0x3] =	wrdreg s2  }
0xb0: {  	[dreg:$0x4] =	wrdreg $0x61800  }
0xb1: {  	[dreg:$0x5] =	wrdreg $0x9  }
0xb2: {  	_ =	task.clear_ibuf [dreg:s7], $0x6FFFF;
	_ =	strace $0x9000004C  }
0xb3: {  	s29 =	simm.s32 $0x9;
	_ =	strace $0x8000004E  }
0xb4: {  	_ =	swait.ge [sflag:s29], $0x1  }
0xb5: {  	[sflag:s29] =	ssyncadd.s32 $0xFFFFFFFF  }
0xb6: {  	_ =	strace $0x9000004E  }
0xb7: {  	_ =	sfence  }
0xb8: {  	s30 =	sld [smem:$0x0];
	_ =	sdelay $0x2  }
0xb9: {  	s31 =	sshll.u32 s1, $0xD;
	s1 =	sshrl.u32 s1, $0x2  }
0xba: {  	s3 =	sand.u32 $0x4000, s31;
	s1 =	sadd.s32 s1, s30  }
0xbb: {  	s0 =	sor.u32 s3, s0;
	s1 =	sshll.u32 s1, $0x11  }
0xbc: {  	s0 =	sor.u32 s1, s0  }
0xbd: {  	s0 =	sadd.s32 $0x8F2B, s0  }
0xbe: {  	[sflag:s0] =	ssyncadd.remote.s32 $0x1  }
0xbf: {  	_ =	sfence.sel $0xFFFF  }
0xc0: {  	[dreg:$0x0] =	wrdreg $0xFFFFFFFF;
	(pc) =	sbr.abs _section_cstart, $3  }
0xc1: {  	[dreg:$0x1] =	wrdreg $0xFFFFFFFF  }
0xc2: {  	_ =	task.clear_ibuf [dreg:s7], $0x2FFFF;
	_ =	strace $0x9FFFFFFF  }
0xc3: {  	(tm) =	ssettm $0x7FFFFFFF  }
tec
execute0_lowered:
.L_overlay_start_1:
0x0: {  	(tag) =	ssettag $0x1  }
0x1: {  	s8 =	rddreg [dreg:$0x0]  }
0x2: {  	s2 =	rddreg [dreg:$0x1];
	s0 =	srdreg.scid  }
0x3: {  	s3 =	rddreg [dreg:$0x2];
	s1 =	stileid.u32  }
0x4: {  	s4 =	simm.s32 $0x0;
	s21 =	simm.s32 $0x4180;
	s22 =	simm.s32 $0x2  }
0x5: {  	s23 =	simm.s32 $0x80;
	s24 =	simm.s32 $0x100;
	s25 =	simm.s32 $0x180  }
0x6: {  	s9 =	sand.u32 $0x1, s0;
	s0 =	rddreg [dreg:$0x3];
	s7 =	smul.u32 $0x14000, s1  }
0x7: {  	s26 =	simm.s32 $0x1;
	[smem:$0x7FF] =	sst s4;
	s11 =	smul.u32 $0x50000, s1  }
0x8: {  	s5 =	sadd.s32 $0x16A00, s8;
	s13 =	sshll.u32 s1, $0x1;
	s6 =	smul.u32 $0x140000, s9  }
0x9: {  	_ =	strace $0x8000004D;
	s31 =	ssub.s32 $0x2, s9;
	s9 =	sor.u32 s9, s13  }
0xa: {  	s12 =	sshrl.u32 s31, $0x1;
	s11 =	sshrl.u32 s11, $0x2;
	s7 =	sadd.s32 s7, s6  }
0xb: {  	s9 =	smul.u32 $0x4F, s9;
	s6 =	sadd.s32 $0xCC00, s8;
	s10 =	sshrl.u32 s7, $0x3  }
0xc: {  	s12 =	ssub.s32 s31, s12;
	s7 =	sadd.s32 $0x2400, s8;
	s10 =	sadd.s32 s10, s8  }
0xd: {  	s8 =	sadd.s32 s11, s3;
	s11 =	smax.u32 s12, $0x1;
	s10 =	sadd.s32 $0x3EA00, s10  }
0xe: {  	s12 =	sadd.s32 $0x2000, s8;
	s13 =	sadd.s32 $0x4000, s8;
	s14 =	sadd.s32 $0x6000, s8  }
0xf: {  	s15 =	sadd.s32 $0x8000, s8;
	s16 =	sadd.s32 $0xA000, s8;
	s17 =	sadd.s32 $0xC000, s8  }
0x10: {  	v0 =	vimm.f32 $0.0e+00;
	s18 =	sadd.s32 $0xE000, s8;
	s19 =	sadd.s32 $0x10000, s8;
	s20 =	sadd.s32 $0x12000, s8  }
.LBB2_1:
0x11: {  	s28 =	simm.s32 $0x0;
	s29 =	simm.s32 $0x200  }
.LBB2_2:
0x12: {  	p0 =	sne.s32 s29, $0x7E00;
	[tilespmem:s28+$0x41F0] =	vst v0  }
0x13: {  	[tilespmem:s28+$0x4180] =	vst v0  }
0x14: {  	[tilespmem:s28+$0x4190] =	vst v0  }
.Ltmp0:
0x15: {  	[tilespmem:s28+$0x41A0] =	vst v0;
	(pc) =	sbr.rel @p0 .LBB2_2-.Ltmp0, $4  }
0x16: {  	[tilespmem:s28+$0x41B0] =	vst v0  }
0x17: {  	[tilespmem:s28+$0x41C0] =	vst v0  }
0x18: {  	[tilespmem:s28+$0x41D0] =	vst v0  }
0x19: {  	[tilespmem:s28+$0x41E0] =	vst v0;
	s28 =	sshra.s32 s29, $0x2;
	s29 =	sadd.s32 $0x200, s29  }
0x1a: {  	[tilespmem:s28+$0x41F0] =	vst v0  }
0x1b: {  	[tilespmem:s28+$0x4180] =	vst v0  }
0x1c: {  	[tilespmem:s28+$0x4190] =	vst v0  }
0x1d: {  	[tilespmem:s28+$0x41A0] =	vst v0  }
0x1e: {  	[tilespmem:s28+$0x41B0] =	vst v0  }
0x1f: {  	[tilespmem:s28+$0x41C0] =	vst v0  }
0x20: {  	[tilespmem:s28+$0x41D0] =	vst v0  }
0x21: {  	[tilespmem:s28+$0x41E0] =	vst v0  }
0x22: {  	[spmem:s8] =	stream.linear.scatter [tilespmem:s21], [sflag:$0x2], $0x2000, $0x38;
	[tilespmem:$0x1A180] =	vst v63  }
0x23: {  	_ =	swait.ge [sflag:s22], $0x2000  }
0x24: {  	[sflag:s22] =	ssyncset.done $0x0  }
0x25: {  	[sflag:s22] =	ssyncadd.s32 $0xFFFFE000  }
0x26: {  	[spmem:s12] =	stream.linear.scatter [tilespmem:s21], [sflag:$0x2], $0x2000, $0x38;
	[tilespmem:$0x1A180] =	vst v63  }
0x27: {  	_ =	swait.ge [sflag:s22], $0x2000  }
0x28: {  	[sflag:s22] =	ssyncset.done $0x0  }
0x29: {  	[sflag:s22] =	ssyncadd.s32 $0xFFFFE000  }
0x2a: {  	[spmem:s13] =	stream.linear.scatter [tilespmem:s21], [sflag:$0x2], $0x2000, $0x38;
	[tilespmem:$0x1A180] =	vst v63  }
0x2b: {  	_ =	swait.ge [sflag:s22], $0x2000  }
0x2c: {  	[sflag:s22] =	ssyncset.done $0x0  }
0x2d: {  	[sflag:s22] =	ssyncadd.s32 $0xFFFFE000  }
0x2e: {  	[spmem:s14] =	stream.linear.scatter [tilespmem:s21], [sflag:$0x2], $0x2000, $0x38;
	[tilespmem:$0x1A180] =	vst v63  }
0x2f: {  	_ =	swait.ge [sflag:s22], $0x2000  }
0x30: {  	[sflag:s22] =	ssyncset.done $0x0  }
0x31: {  	[sflag:s22] =	ssyncadd.s32 $0xFFFFE000  }
0x32: {  	[spmem:s15] =	stream.linear.scatter [tilespmem:s21], [sflag:$0x2], $0x2000, $0x38;
	[tilespmem:$0x1A180] =	vst v63  }
0x33: {  	_ =	swait.ge [sflag:s22], $0x2000  }
0x34: {  	[sflag:s22] =	ssyncset.done $0x0  }
0x35: {  	[sflag:s22] =	ssyncadd.s32 $0xFFFFE000  }
0x36: {  	[spmem:s16] =	stream.linear.scatter [tilespmem:s21], [sflag:$0x2], $0x2000, $0x38;
	[tilespmem:$0x1A180] =	vst v63  }
0x37: {  	_ =	swait.ge [sflag:s22], $0x2000  }
0x38: {  	[sflag:s22] =	ssyncset.done $0x0  }
0x39: {  	[sflag:s22] =	ssyncadd.s32 $0xFFFFE000  }
0x3a: {  	[spmem:s17] =	stream.linear.scatter [tilespmem:s21], [sflag:$0x2], $0x2000, $0x38;
	[tilespmem:$0x1A180] =	vst v63  }
0x3b: {  	_ =	swait.ge [sflag:s22], $0x2000  }
0x3c: {  	[sflag:s22] =	ssyncset.done $0x0  }
0x3d: {  	[sflag:s22] =	ssyncadd.s32 $0xFFFFE000  }
0x3e: {  	[spmem:s18] =	stream.linear.scatter [tilespmem:s21], [sflag:$0x2], $0x2000, $0x38;
	[tilespmem:$0x1A180] =	vst v63  }
0x3f: {  	_ =	swait.ge [sflag:s22], $0x2000  }
0x40: {  	[sflag:s22] =	ssyncset.done $0x0  }
0x41: {  	[sflag:s22] =	ssyncadd.s32 $0xFFFFE000  }
0x42: {  	[spmem:s19] =	stream.linear.scatter [tilespmem:s21], [sflag:$0x2], $0x2000, $0x38;
	[tilespmem:$0x1A180] =	vst v63  }
0x43: {  	_ =	swait.ge [sflag:s22], $0x2000  }
0x44: {  	[sflag:s22] =	ssyncset.done $0x0  }
0x45: {  	[sflag:s22] =	ssyncadd.s32 $0xFFFFE000  }
0x46: {  	[spmem:s20] =	stream.linear.scatter [tilespmem:s21], [sflag:$0x2], $0x2000, $0x38;
	[tilespmem:$0x1A180] =	vst v63  }
0x47: {  	_ =	swait.ge [sflag:s22], $0x2000  }
0x48: {  	[sflag:s22] =	ssyncset.done $0x0  }
0x49: {  	[sflag:s22] =	ssyncadd.s32 $0xFFFFE000  }
0x4a: {  	s28 =	simm.s32 $0x0;
	s29 =	simm.s32 $0x0;
	[bflag:$0x0] =	sbarrier.arrive $0xFFFF  }
.LBB2_4:
0x4b: {  	s30 =	sadd.s32 s9, s29  }
0x4c: {  	s30 =	sshll.u32 s30, $0x4  }
0x4d: {  	s31 =	sadd.s32 s6, s30  }
0x4e: {  	[tilespmem:s28], [sflag:$0x2] =	stream.linear.gather [hbm4b:s31+s28], $0x80, $0x38;
	[tilespmem:$0x1A180] =	vst v63  }
0x4f: {  	_ =	swait.ge [sflag:s22], $0x80  }
0x50: {  	[sflag:s22] =	ssyncset.done $0x0  }
0x51: {  	s31 =	sadd.s32 s2, s30;
	[sflag:s22] =	ssyncadd.s32 $0xFFFFFF80  }
0x52: {  	[tilespmem:s23], [sflag:$0x2] =	stream.linear.gather [hbm4b:s31+s28], $0x80, $0x38;
	[tilespmem:$0x1A180] =	vst v63  }
0x53: {  	_ =	swait.ge [sflag:s22], $0x80  }
0x54: {  	[sflag:s22] =	ssyncset.done $0x0  }
0x55: {  	s30 =	sadd.s32 s7, s30;
	[sflag:s22] =	ssyncadd.s32 $0xFFFFFF80  }
0x56: {  	[tilespmem:s24], [sflag:$0x2] =	stream.linear.gather [hbm4b:s30+s28], $0x80, $0x38;
	[tilespmem:$0x1A180] =	vst v63  }
0x57: {  	_ =	swait.ge [sflag:s22], $0x80  }
0x58: {  	[sflag:s22] =	ssyncset.done $0x0  }
0x59: {  	[sflag:s22] =	ssyncadd.s32 $0xFFFFFF80  }
0x5a: {  	[tilespmem:s25], [sflag:$0x1] =	stream.indirect.gather [hbm4b:s5+s23], $0x80, s28, s23, $0xb8;
	[tilespmem:$0x1A180] =	vst v63  }
0x5b: {  	_ =	swait.ge [sflag:s26], $0x4000  }
0x5c: {  	[sflag:s26] =	ssyncset.done $0x0  }
0x5d: {  	s30 =	simm.s32 $0x0;
	[sflag:s26] =	ssyncadd.s32 $0xFFFFC000  }
.LBB2_5:
0x5e: {  	s31 =	sshll.u32 s30, $0x4  }
0x5f: {  	s31 =	sand.u32 $0x3FFFFFF0, s31  }
0x60: {  	v1 =	vld [tilespmem:s31+$0x100];
	s31 =	sshll.u32 s30, $0xB  }
0x61: {  	s31 =	sand.u32 $0x3FFFF800, s31  }
0x62: {  	v2 =	vld [tilespmem:s31+$0x180]  }
0x63: {  	v3 =	vld [tilespmem:s31+$0x190]  }
0x64: {  	v4 =	vld [tilespmem:s31+$0x1A0]  }
0x65: {  	v6 =	vld [tilespmem:s31+$0x1B0];
	v5 =	vbroadcast v1, $0x0  }
0x66: {  	v7 =	vld [tilespmem:s31+$0x1C0]  }
0x67: {  	v8 =	vld [tilespmem:s31+$0x1D0];
	v2 =	vmul.f32 v5, v2  }
0x68: {  	v9 =	vld [tilespmem:s31+$0x1E0];
	v3 =	vmul.f32 v3, v5  }
0x69: {  	v34 =	vld [tilespmem:s31+$0x1F0];
	[tilespmem:s31+$0x180] =	vst v2;
	v2 =	vmul.f32 v4, v5  }
0x6a: {  	v35 =	vld [tilespmem:s31+$0x200];
	[tilespmem:s31+$0x190] =	vst v3;
	v3 =	vmul.f32 v6, v5  }
0x6b: {  	v36 =	vld [tilespmem:s31+$0x210];
	[tilespmem:s31+$0x1A0] =	vst v2;
	v2 =	vmul.f32 v7, v5  }
0x6c: {  	v37 =	vld [tilespmem:s31+$0x220];
	[tilespmem:s31+$0x1B0] =	vst v3;
	v3 =	vmul.f32 v8, v5  }
0x6d: {  	v10 =	vld [tilespmem:s31+$0x230];
	v38 =	vbroadcast v1, $0x1;
	[tilespmem:s31+$0x1C0] =	vst v2;
	v2 =	vmul.f32 v9, v5  }
0x6e: {  	v39 =	vld [tilespmem:s31+$0x240];
	[tilespmem:s31+$0x1D0] =	vst v3;
	v3 =	vmul.f32 v34, v5  }
0x6f: {  	v40 =	vld [tilespmem:s31+$0x250];
	[tilespmem:s31+$0x1E0] =	vst v2;
	v2 =	vmul.f32 v35, v38  }
0x70: {  	v41 =	vld [tilespmem:s31+$0x260];
	[tilespmem:s31+$0x1F0] =	vst v3;
	v3 =	vmul.f32 v36, v38  }
0x71: {  	v42 =	vld [tilespmem:s31+$0x270];
	[tilespmem:s31+$0x200] =	vst v2;
	v2 =	vmul.f32 v37, v38  }
0x72: {  	v43 =	vld [tilespmem:s31+$0x280];
	[tilespmem:s31+$0x210] =	vst v3;
	v3 =	vmul.f32 v10, v38  }
0x73: {  	v44 =	vld [tilespmem:s31+$0x290];
	[tilespmem:s31+$0x220] =	vst v2;
	v2 =	vmul.f32 v39, v38  }
0x74: {  	v45 =	vld [tilespmem:s31+$0x2A0];
	[tilespmem:s31+$0x230] =	vst v3;
	v3 =	vmul.f32 v40, v38  }
0x75: {  	v47 =	vld [tilespmem:s31+$0x2B0];
	v46 =	vbroadcast v1, $0x2;
	[tilespmem:s31+$0x240] =	vst v2;
	v2 =	vmul.f32 v41, v38  }
0x76: {  	v48 =	vld [tilespmem:s31+$0x2C0];
	[tilespmem:s31+$0x250] =	vst v3;
	v3 =	vmul.f32 v42, v38  }
0x77: {  	v49 =	vld [tilespmem:s31+$0x2D0];
	[tilespmem:s31+$0x260] =	vst v2;
	v2 =	vmul.f32 v43, v46  }
0x78: {  	v50 =	vld [tilespmem:s31+$0x2E0];
	[tilespmem:s31+$0x270] =	vst v3;
	v3 =	vmul.f32 v44, v46  }
0x79: {  	v51 =	vld [tilespmem:s31+$0x2F0];
	[tilespmem:s31+$0x280] =	vst v2;
	v2 =	vmul.f32 v45, v46  }
0x7a: {  	v52 =	vld [tilespmem:s31+$0x300];
	[tilespmem:s31+$0x290] =	vst v3;
	v3 =	vmul.f32 v47, v46  }
0x7b: {  	v53 =	vld [tilespmem:s31+$0x310];
	[tilespmem:s31+$0x2A0] =	vst v2;
	v2 =	vmul.f32 v48, v46  }
0x7c: {  	v54 =	vld [tilespmem:s31+$0x320];
	[tilespmem:s31+$0x2B0] =	vst v3;
	v3 =	vmul.f32 v49, v46  }
0x7d: {  	v56 =	vld [tilespmem:s31+$0x330];
	v55 =	vbroadcast v1, $0x3;
	[tilespmem:s31+$0x2C0] =	vst v2;
	v2 =	vmul.f32 v50, v46  }
0x7e: {  	v57 =	vld [tilespmem:s31+$0x340];
	[tilespmem:s31+$0x2D0] =	vst v3;
	v3 =	vmul.f32 v51, v46  }
0x7f: {  	v58 =	vld [tilespmem:s31+$0x350];
	[tilespmem:s31+$0x2E0] =	vst v2;
	v2 =	vmul.f32 v52, v55  }
0x80: {  	v59 =	vld [tilespmem:s31+$0x360];
	[tilespmem:s31+$0x2F0] =	vst v3;
	v3 =	vmul.f32 v53, v55  }
0x81: {  	v60 =	vld [tilespmem:s31+$0x370];
	[tilespmem:s31+$0x300] =	vst v2;
	v2 =	vmul.f32 v54, v55  }
0x82: {  	v61 =	vld [tilespmem:s31+$0x380];
	[tilespmem:s31+$0x310] =	vst v3;
	v3 =	vmul.f32 v56, v55  }
0x83: {  	v62 =	vld [tilespmem:s31+$0x390];
	[tilespmem:s31+$0x320] =	vst v2;
	v2 =	vmul.f32 v57, v55  }
0x84: {  	v63 =	vld [tilespmem:s31+$0x3A0];
	[tilespmem:s31+$0x330] =	vst v3;
	v3 =	vmul.f32 v58, v55  }
0x85: {  	v13 =	vld [tilespmem:s31+$0x3B0];
	v12 =	vbroadcast v1, $0x4;
	[tilespmem:s31+$0x340] =	vst v2;
	v2 =	vmul.f32 v59, v55  }
0x86: {  	v14 =	vld [tilespmem:s31+$0x3C0];
	[tilespmem:s31+$0x350] =	vst v3;
	v3 =	vmul.f32 v60, v55  }
0x87: {  	v15 =	vld [tilespmem:s31+$0x3D0];
	[tilespmem:s31+$0x360] =	vst v2;
	v2 =	vmul.f32 v61, v12  }
0x88: {  	v16 =	vld [tilespmem:s31+$0x3E0];
	[tilespmem:s31+$0x370] =	vst v3;
	v3 =	vmul.f32 v62, v12  }
0x89: {  	v17 =	vld [tilespmem:s31+$0x3F0];
	[tilespmem:s31+$0x380] =	vst v2;
	v2 =	vmul.f32 v63, v12  }
0x8a: {  	v18 =	vld [tilespmem:s31+$0x400];
	[tilespmem:s31+$0x390] =	vst v3;
	v3 =	vmul.f32 v13, v12  }
0x8b: {  	v19 =	vld [tilespmem:s31+$0x410];
	[tilespmem:s31+$0x3A0] =	vst v2;
	v2 =	vmul.f32 v14, v12  }
0x8c: {  	v20 =	vld [tilespmem:s31+$0x420];
	[tilespmem:s31+$0x3B0] =	vst v3;
	v3 =	vmul.f32 v15, v12  }
0x8d: {  	v22 =	vld [tilespmem:s31+$0x430];
	v21 =	vbroadcast v1, $0x5;
	[tilespmem:s31+$0x3C0] =	vst v2;
	v2 =	vmul.f32 v16, v12  }
0x8e: {  	v23 =	vld [tilespmem:s31+$0x440];
	[tilespmem:s31+$0x3D0] =	vst v3;
	v3 =	vmul.f32 v17, v12  }
0x8f: {  	v24 =	vld [tilespmem:s31+$0x450];
	[tilespmem:s31+$0x3E0] =	vst v2;
	v2 =	vmul.f32 v18, v21  }
0x90: {  	v25 =	vld [tilespmem:s31+$0x460];
	[tilespmem:s31+$0x3F0] =	vst v3;
	v3 =	vmul.f32 v19, v21  }
0x91: {  	v26 =	vld [tilespmem:s31+$0x470];
	[tilespmem:s31+$0x400] =	vst v2;
	v2 =	vmul.f32 v20, v21  }
0x92: {  	v27 =	vld [tilespmem:s31+$0x480];
	[tilespmem:s31+$0x410] =	vst v3;
	v3 =	vmul.f32 v22, v21  }
0x93: {  	v28 =	vld [tilespmem:s31+$0x490];
	[tilespmem:s31+$0x420] =	vst v2;
	v2 =	vmul.f32 v23, v21  }
0x94: {  	v29 =	vld [tilespmem:s31+$0x4A0];
	[tilespmem:s31+$0x430] =	vst v3;
	v3 =	vmul.f32 v24, v21  }
0x95: {  	v31 =	vld [tilespmem:s31+$0x4B0];
	v30 =	vbroadcast v1, $0x6;
	[tilespmem:s31+$0x440] =	vst v2;
	v2 =	vmul.f32 v25, v21  }
0x96: {  	v32 =	vld [tilespmem:s31+$0x4C0];
	[tilespmem:s31+$0x450] =	vst v3;
	v3 =	vmul.f32 v26, v21  }
0x97: {  	v33 =	vld [tilespmem:s31+$0x4D0];
	[tilespmem:s31+$0x460] =	vst v2;
	v2 =	vmul.f32 v27, v30  }
0x98: {  	v34 =	vld [tilespmem:s31+$0x4E0];
	[tilespmem:s31+$0x470] =	vst v3;
	v3 =	vmul.f32 v28, v30  }
0x99: {  	v35 =	vld [tilespmem:s31+$0x4F0];
	[tilespmem:s31+$0x480] =	vst v2;
	v2 =	vmul.f32 v29, v30  }
0x9a: {  	v36 =	vld [tilespmem:s31+$0x500];
	[tilespmem:s31+$0x490] =	vst v3;
	v3 =	vmul.f32 v31, v30  }
0x9b: {  	v37 =	vld [tilespmem:s31+$0x510];
	[tilespmem:s31+$0x4A0] =	vst v2;
	v2 =	vmul.f32 v32, v30  }
0x9c: {  	v38 =	vld [tilespmem:s31+$0x520];
	[tilespmem:s31+$0x4B0] =	vst v3;
	v3 =	vmul.f32 v33, v30  }
0x9d: {  	v39 =	vbroadcast v1, $0x7;
	v40 =	vld [tilespmem:s31+$0x530];
	[tilespmem:s31+$0x4C0] =	vst v2;
	v2 =	vmul.f32 v34, v30  }
0x9e: {  	v41 =	vld [tilespmem:s31+$0x540];
	[tilespmem:s31+$0x4D0] =	vst v3;
	v3 =	vmul.f32 v35, v30  }
0x9f: {  	v42 =	vld [tilespmem:s31+$0x550];
	[tilespmem:s31+$0x4E0] =	vst v2;
	v2 =	vmul.f32 v36, v39  }
0xa0: {  	v43 =	vld [tilespmem:s31+$0x560];
	[tilespmem:s31+$0x4F0] =	vst v3;
	v3 =	vmul.f32 v37, v39  }
0xa1: {  	v44 =	vld [tilespmem:s31+$0x570];
	[tilespmem:s31+$0x500] =	vst v2;
	v2 =	vmul.f32 v38, v39  }
0xa2: {  	v45 =	vld [tilespmem:s31+$0x580];
	[tilespmem:s31+$0x510] =	vst v3;
	v3 =	vmul.f32 v40, v39  }
0xa3: {  	v46 =	vld [tilespmem:s31+$0x590];
	[tilespmem:s31+$0x520] =	vst v2;
	v2 =	vmul.f32 v41, v39  }
0xa4: {  	v47 =	vld [tilespmem:s31+$0x5A0];
	[tilespmem:s31+$0x530] =	vst v3;
	v3 =	vmul.f32 v42, v39  }
0xa5: {  	v48 =	vbroadcast v1, $0x8;
	v49 =	vld [tilespmem:s31+$0x5B0];
	[tilespmem:s31+$0x540] =	vst v2;
	v2 =	vmul.f32 v43, v39  }
0xa6: {  	v50 =	vld [tilespmem:s31+$0x5C0];
	[tilespmem:s31+$0x550] =	vst v3;
	v3 =	vmul.f32 v44, v39  }
0xa7: {  	v51 =	vld [tilespmem:s31+$0x5D0];
	[tilespmem:s31+$0x560] =	vst v2;
	v2 =	vmul.f32 v45, v48  }
0xa8: {  	v52 =	vld [tilespmem:s31+$0x5E0];
	[tilespmem:s31+$0x570] =	vst v3;
	v3 =	vmul.f32 v46, v48  }
0xa9: {  	v53 =	vld [tilespmem:s31+$0x5F0];
	[tilespmem:s31+$0x580] =	vst v2;
	v2 =	vmul.f32 v47, v48  }
0xaa: {  	v54 =	vld [tilespmem:s31+$0x600];
	[tilespmem:s31+$0x590] =	vst v3;
	v3 =	vmul.f32 v49, v48  }
0xab: {  	v55 =	vld [tilespmem:s31+$0x610];
	[tilespmem:s31+$0x5A0] =	vst v2;
	v2 =	vmul.f32 v50, v48  }
0xac: {  	v56 =	vld [tilespmem:s31+$0x620];
	[tilespmem:s31+$0x5B0] =	vst v3;
	v3 =	vmul.f32 v51, v48  }
0xad: {  	v57 =	vbroadcast v1, $0x9;
	v58 =	vld [tilespmem:s31+$0x630];
	[tilespmem:s31+$0x5C0] =	vst v2;
	v2 =	vmul.f32 v52, v48  }
0xae: {  	v59 =	vld [tilespmem:s31+$0x640];
	[tilespmem:s31+$0x5D0] =	vst v3;
	v3 =	vmul.f32 v53, v48  }
0xaf: {  	v60 =	vld [tilespmem:s31+$0x650];
	[tilespmem:s31+$0x5E0] =	vst v2;
	v2 =	vmul.f32 v54, v57  }
0xb0: {  	v61 =	vld [tilespmem:s31+$0x660];
	[tilespmem:s31+$0x5F0] =	vst v3;
	v3 =	vmul.f32 v55, v57  }
0xb1: {  	v62 =	vld [tilespmem:s31+$0x670];
	[tilespmem:s31+$0x600] =	vst v2;
	v2 =	vmul.f32 v56, v57  }
0xb2: {  	v63 =	vld [tilespmem:s31+$0x680];
	[tilespmem:s31+$0x610] =	vst v3;
	v3 =	vmul.f32 v58, v57  }
0xb3: {  	v12 =	vld [tilespmem:s31+$0x690];
	[tilespmem:s31+$0x620] =	vst v2;
	v2 =	vmul.f32 v59, v57  }
0xb4: {  	v13 =	vld [tilespmem:s31+$0x6A0];
	[tilespmem:s31+$0x630] =	vst v3;
	v3 =	vmul.f32 v60, v57  }
0xb5: {  	v14 =	vbroadcast v1, $0xA;
	v15 =	vld [tilespmem:s31+$0x6B0];
	[tilespmem:s31+$0x640] =	vst v2;
	v2 =	vmul.f32 v61, v57  }
0xb6: {  	v16 =	vld [tilespmem:s31+$0x6C0];
	[tilespmem:s31+$0x650] =	vst v3;
	v3 =	vmul.f32 v62, v57  }
0xb7: {  	v17 =	vld [tilespmem:s31+$0x6D0];
	[tilespmem:s31+$0x660] =	vst v2;
	v2 =	vmul.f32 v63, v14  }
0xb8: {  	v18 =	vld [tilespmem:s31+$0x6E0];
	[tilespmem:s31+$0x670] =	vst v3;
	v3 =	vmul.f32 v12, v14  }
0xb9: {  	v19 =	vld [tilespmem:s31+$0x6F0];
	[tilespmem:s31+$0x680] =	vst v2;
	v2 =	vmul.f32 v13, v14  }
0xba: {  	v20 =	vld [tilespmem:s31+$0x700];
	[tilespmem:s31+$0x690] =	vst v3;
	v3 =	vmul.f32 v15, v14  }
0xbb: {  	v21 =	vld [tilespmem:s31+$0x710];
	[tilespmem:s31+$0x6A0] =	vst v2;
	v2 =	vmul.f32 v16, v14  }
0xbc: {  	v22 =	vld [tilespmem:s31+$0x720];
	[tilespmem:s31+$0x6B0] =	vst v3;
	v3 =	vmul.f32 v17, v14  }
0xbd: {  	v23 =	vbroadcast v1, $0xB;
	v24 =	vld [tilespmem:s31+$0x730];
	[tilespmem:s31+$0x6C0] =	vst v2;
	v2 =	vmul.f32 v18, v14  }
0xbe: {  	v25 =	vld [tilespmem:s31+$0x740];
	[tilespmem:s31+$0x6D0] =	vst v3;
	v3 =	vmul.f32 v19, v14  }
0xbf: {  	v26 =	vld [tilespmem:s31+$0x750];
	[tilespmem:s31+$0x6E0] =	vst v2;
	v2 =	vmul.f32 v20, v23  }
0xc0: {  	v27 =	vld [tilespmem:s31+$0x760];
	[tilespmem:s31+$0x6F0] =	vst v3;
	v3 =	vmul.f32 v21, v23  }
0xc1: {  	v28 =	vld [tilespmem:s31+$0x770];
	[tilespmem:s31+$0x700] =	vst v2;
	v2 =	vmul.f32 v22, v23  }
0xc2: {  	v29 =	vld [tilespmem:s31+$0x780];
	[tilespmem:s31+$0x710] =	vst v3;
	v3 =	vmul.f32 v24, v23  }
0xc3: {  	v30 =	vld [tilespmem:s31+$0x790];
	[tilespmem:s31+$0x720] =	vst v2;
	v2 =	vmul.f32 v25, v23  }
0xc4: {  	v31 =	vld [tilespmem:s31+$0x7A0];
	[tilespmem:s31+$0x730] =	vst v3;
	v3 =	vmul.f32 v26, v23  }
0xc5: {  	v32 =	vbroadcast v1, $0xC;
	v33 =	vld [tilespmem:s31+$0x7B0];
	[tilespmem:s31+$0x740] =	vst v2;
	v2 =	vmul.f32 v27, v23  }
0xc6: {  	v34 =	vld [tilespmem:s31+$0x7C0];
	[tilespmem:s31+$0x750] =	vst v3;
	v3 =	vmul.f32 v28, v23  }
0xc7: {  	v35 =	vld [tilespmem:s31+$0x7D0];
	[tilespmem:s31+$0x760] =	vst v2;
	v2 =	vmul.f32 v29, v32  }
0xc8: {  	v36 =	vld [tilespmem:s31+$0x7E0];
	[tilespmem:s31+$0x770] =	vst v3;
	v3 =	vmul.f32 v30, v32  }
0xc9: {  	v37 =	vld [tilespmem:s31+$0x7F0];
	[tilespmem:s31+$0x780] =	vst v2;
	v2 =	vmul.f32 v31, v32  }
0xca: {  	v38 =	vld [tilespmem:s31+$0x800];
	[tilespmem:s31+$0x790] =	vst v3;
	v3 =	vmul.f32 v33, v32  }
0xcb: {  	v39 =	vld [tilespmem:s31+$0x810];
	[tilespmem:s31+$0x7A0] =	vst v2;
	v2 =	vmul.f32 v34, v32  }
0xcc: {  	v40 =	vld [tilespmem:s31+$0x820];
	[tilespmem:s31+$0x7B0] =	vst v3;
	v3 =	vmul.f32 v35, v32  }
0xcd: {  	v41 =	vbroadcast v1, $0xD;
	v42 =	vld [tilespmem:s31+$0x830];
	[tilespmem:s31+$0x7C0] =	vst v2;
	v2 =	vmul.f32 v36, v32  }
0xce: {  	v43 =	vld [tilespmem:s31+$0x840];
	[tilespmem:s31+$0x7D0] =	vst v3;
	v3 =	vmul.f32 v37, v32  }
0xcf: {  	v44 =	vld [tilespmem:s31+$0x850];
	[tilespmem:s31+$0x7E0] =	vst v2;
	v2 =	vmul.f32 v38, v41  }
0xd0: {  	v45 =	vld [tilespmem:s31+$0x860];
	[tilespmem:s31+$0x7F0] =	vst v3;
	v3 =	vmul.f32 v39, v41  }
0xd1: {  	v46 =	vld [tilespmem:s31+$0x870];
	[tilespmem:s31+$0x800] =	vst v2;
	v2 =	vmul.f32 v40, v41  }
0xd2: {  	v47 =	vld [tilespmem:s31+$0x880];
	[tilespmem:s31+$0x810] =	vst v3;
	v3 =	vmul.f32 v42, v41  }
0xd3: {  	v48 =	vld [tilespmem:s31+$0x890];
	[tilespmem:s31+$0x820] =	vst v2;
	v2 =	vmul.f32 v43, v41  }
0xd4: {  	v49 =	vld [tilespmem:s31+$0x8A0];
	[tilespmem:s31+$0x830] =	vst v3;
	v3 =	vmul.f32 v44, v41  }
0xd5: {  	v50 =	vbroadcast v1, $0xE;
	v51 =	vld [tilespmem:s31+$0x8B0];
	[tilespmem:s31+$0x840] =	vst v2;
	v2 =	vmul.f32 v45, v41  }
0xd6: {  	v52 =	vld [tilespmem:s31+$0x8C0];
	[tilespmem:s31+$0x850] =	vst v3;
	v3 =	vmul.f32 v46, v41  }
0xd7: {  	v53 =	vld [tilespmem:s31+$0x8D0];
	[tilespmem:s31+$0x860] =	vst v2;
	v2 =	vmul.f32 v47, v50  }
0xd8: {  	v54 =	vld [tilespmem:s31+$0x8E0];
	[tilespmem:s31+$0x870] =	vst v3;
	v3 =	vmul.f32 v48, v50  }
0xd9: {  	v55 =	vld [tilespmem:s31+$0x8F0];
	[tilespmem:s31+$0x880] =	vst v2;
	v2 =	vmul.f32 v49, v50  }
0xda: {  	v56 =	vld [tilespmem:s31+$0x900];
	[tilespmem:s31+$0x890] =	vst v3;
	v3 =	vmul.f32 v51, v50  }
0xdb: {  	v57 =	vld [tilespmem:s31+$0x910];
	[tilespmem:s31+$0x8A0] =	vst v2;
	v2 =	vmul.f32 v52, v50  }
0xdc: {  	v58 =	vld [tilespmem:s31+$0x920];
	[tilespmem:s31+$0x8B0] =	vst v3;
	v3 =	vmul.f32 v53, v50  }
0xdd: {  	v1 =	vbroadcast v1, $0xF;
	v59 =	vld [tilespmem:s31+$0x930];
	[tilespmem:s31+$0x8C0] =	vst v2;
	v2 =	vmul.f32 v54, v50  }
0xde: {  	v60 =	vld [tilespmem:s31+$0x940];
	[tilespmem:s31+$0x8D0] =	vst v3;
	v3 =	vmul.f32 v55, v50  }
0xdf: {  	v61 =	vld [tilespmem:s31+$0x950];
	[tilespmem:s31+$0x8E0] =	vst v2;
	v2 =	vmul.f32 v56, v1  }
0xe0: {  	v62 =	vld [tilespmem:s31+$0x960];
	[tilespmem:s31+$0x8F0] =	vst v3;
	v3 =	vmul.f32 v57, v1  }
0xe1: {  	v63 =	vld [tilespmem:s31+$0x970];
	[tilespmem:s31+$0x900] =	vst v2;
	v2 =	vmul.f32 v58, v1  }
0xe2: {  	[tilespmem:s31+$0x910] =	vst v3;
	v3 =	vmul.f32 v59, v1  }
0xe3: {  	p0 =	sne.s32 s30, $0x7;
	[tilespmem:s31+$0x920] =	vst v2;
	v2 =	vmul.f32 v60, v1  }
.Ltmp1:
0xe4: {  	[tilespmem:s31+$0x930] =	vst v3;
	v3 =	vmul.f32 v61, v1;
	(pc) =	sbr.rel @p0 .LBB2_5-.Ltmp1, $4  }
0xe5: {  	[tilespmem:s31+$0x940] =	vst v2;
	v2 =	vmul.f32 v62, v1  }
0xe6: {  	[tilespmem:s31+$0x950] =	vst v3;
	v1 =	vmul.f32 v63, v1  }
0xe7: {  	[tilespmem:s31+$0x960] =	vst v2  }
0xe8: {  	s30 =	sadd.s32 $0x1, s30;
	[tilespmem:s31+$0x970] =	vst v1  }
0xe9: {  	s29 =	sadd.s32 $0x1, s29  }
0xea: {  	p0 =	sne.s32 s29, $0x4F  }
.Ltmp2:
0xeb: {  	_ = 	snop;
	(pc) =	sbr.rel @p0 .LBB2_4-.Ltmp2, $4  }
0xec: {  	[spmem:s3] =	stream.indirect.scatter.add.f32 [tilespmem:s25], [sflag:$0x2], $0x80, s23, s23, $0xb8;
	[tilespmem:$0x1A180] =	vst v63  }
0xed: {  	_ =	swait.ge [sflag:s22], $0x4000  }
0xee: {  	[sflag:s22] =	ssyncset.done $0x0  }
0xef: {  	[sflag:s22] =	ssyncadd.s32 $0xFFFFC000  }
0xf0: {  	s4 =	sadd.s32 $0x1, s4  }
0xf1: {  	s28 =	sshll.u32 s1, $0x6;
	[bflag:$0x0] =	sbarrier.arrive $0xFFFF;
	p0 =	sne.s32 s4, s11  }
.Ltmp3:
0xf2: {  	s29 =	sshrl.u32 s8, $0x3;
	s28 =	sor.u32 $0x1C02, s28;
	(pc) =	sbr.rel @p0 .LBB2_1-.Ltmp3, $4  }
0xf3: {  	[hbm:s10], [sflag:s28] =	dma.local [spmem:s29], $0x2800  }
0xf4: {  	_ =	swait.ge [sflag:s22], $0x2800  }
0xf5: {  	[sflag:s22] =	ssyncset.done $0x0  }
0xf6: {  	[sflag:s22] =	ssyncadd.s32 $0xFFFFD800  }
0xf7: {  	_ =	sfence.sel $0x180000  }
0xf8: {  	[bflag:$0x0] =	sbarrier.arrive $0xFFFF  }
0xf9: {  	p0 =	sne.s32 s1, $0x0;
	_ =	strace $0x9000004D  }
0xfa: {  	s0 =	sadd.s32 @!p0 $0x100000, s0;
	[bflag:$0x2] =	sbarrier.arrive $0xFFFF  }
0xfb: {  	[sflag:s0] =	ssyncadd.tile.s32 @!p0 $0x1;
	_ =	shalt  }
.Lfunc_end2:
_tile_overlayer_lowered:
.L_overlay_start_2:
0xfc: {  	(tag) =	ssettag $0x2  }
0xfd: {  	s0 =	rddreg [dreg:$0x0];
	s2 =	stileid.u32  }
0xfe: {  	s1 =	rddreg [dreg:$0x1];
	p0 =	sne.s32 s2, $0x0  }
0xff: {  	s3 =	rddreg [dreg:$0x2];
	[bflag:$0x3] =	sbarrier.arrive $0xFFFF;
	s2 =	simm.s32 @!p0 $0x1C02  }
0x100: {  	[timem:s3], [sflag:s2] =	dma.local @!p0 [hbm:s0], s1  }
0x101: {  	s0 =	simm.s32 @!p0 $0x2  }
0x102: {  	_ =	swait.ge @!p0 [sflag:s0], s1  }
0x103: {  	s1 =	ssub.s32 @!p0 $0x0, s1;
	[sflag:s0] =	ssyncset.done @!p0 $0x0  }
0x104: {  	[sflag:s0] =	ssyncadd.s32 @!p0 s1  }
0x105: {  	[bflag:$0x3] =	sbarrier.arrive $0xFFFF  }
0x106: {  	_ =	shalt  }

// kernel: kernel.8.cloned.1.call-start
scs
__scs_entry_jumppad:
0x0: {  	(pc) =	sbr.rel $0x88, $3  }
0x1: {  	(tag) =	ssettag $0x0;
	lr =	simm.s32 $0x1  }
0x2: {  	[smem:$0x3F9A] =	sst lr;
	_ =	strace $0xD0000000  }
0x3: {  	_ = 	snop  }
0x4: {  	_ = 	snop  }
0x5: {  	_ = 	snop  }
0x6: {  	_ = 	snop  }
0x7: {  	_ = 	snop  }
__scs_overlays_trampoline_lowered:
0x8: {  	[smem:$0x3FA9] =	sst s0  }
0x9: {  	[smem:$0x3FAA] =	sst s1  }
0xa: {  	[smem:$0x3FAB] =	sst s2  }
0xb: {  	[smem:$0x3FAC] =	sst s3  }
0xc: {  	[smem:$0x3FAD] =	sst s4  }
0xd: {  	[smem:$0x3FAE] =	sst s5  }
0xe: {  	[smem:$0x3FAF] =	sst s6  }
0xf: {  	[smem:$0x3FB0] =	sst s7  }
0x10: {  	[smem:$0x3FB1] =	sst s8  }
0x11: {  	[smem:$0x3FB2] =	sst s9;
	s0 =	simm.s32 @!p0 $0x0  }
0x12: {  	s1 =	sld [smem:$0x3F98];
	s0 =	simm.s32 @p0 $0x1  }
0x13: {  	[smem:$0x3FB3] =	sst s0;
	s0 =	simm.s32 @!p1 $0x0  }
0x14: {  	s2 =	sld [smem:$0x3F97];
	s0 =	simm.s32 @p1 $0x1  }
0x15: {  	[smem:$0x3FB4] =	sst s0;
	s0 =	simm.s32 @!p2 $0x0  }
0x16: {  	s3 =	sld [smem:$0x3FDB];
	s0 =	simm.s32 @p2 $0x1  }
0x17: {  	s4 =	simm.s32 $0x1BF5;
	[smem:$0x3FB6] =	sst s0  }
0x18: {  	s0 =	sld [smem:$0x3F99];
	_ =	swait.ge [sflag:s4], $0x0  }
0x19: {  	s7 =	sld [smem:$0x3F9A]  }
0x1a: {  	s8 =	sadd.s32 $0xFFFFE003, lr  }
0x1b: {  	s9 =	sadd.s32 $0xFFFFFEF7, lr;
	s5 =	simm.s32 $0xFFFFFFFF;
	p2 =	slt.u32 s8, $0xFFFFF086  }
0x1c: {  	p1 =	slt.u32 s9, $0xF7A;
	s5 =	simm.s32 @!p2 $0x0  }
0x1d: {  	s5 =	simm.s32 @p1 $0x1;
	p0 =	seq.s32 s7, s2  }
0x1e: {  	s7 =	smul.u32 @!p0 $0xF7A, s2;
	p2 =	seq.s32 @!p0 s5, $0x0  }
0x1f: {  	s9 =	smul.u32 $0xF7A, s1;
	s8 =	simm.s32 @!p0 $0x1BF5;
	p2 =	por !p2, p0  }
0x20: {  	[sflag:s8] =	ssyncset.s32 @!p0 $0xFFFFF086;
	s6 =	sadd.s32 @!p0 s3, s7;
	s7 =	simm.s32 @!p0 $0x108  }
0x21: {  	s3 =	sadd.s32 s3, s9;
	s6 =	sadd.s32 @!p0 $0x88, s6;
	s7 =	simm.s32 @p2 $0x1082  }
0x22: {  	[simem:s7], [sflag:s8] =	dma.local @!p0 [hbm:s6], $0xF7A  }
0x23: {  	s9 =	sor.u32 $0xD0000000, s2;
	s6 =	simm.s32 $0x108;
	_ =	swait.ge @!p0 [sflag:s8], $0x0  }
0x24: {  	s3 =	sadd.s32 $0x88, s3;
	s6 =	simm.s32 @!p1 $0x1082;
	[sflag:s4] =	ssyncset.s32 $0xFFFFF086  }
0x25: {  	[simem:s6], [sflag:s4] =	dma.local [hbm:s3], $0xF7A  }
0x26: {  	[smem:$0x3F9A] =	sst s1;
	(tag) =	ssettag s2;
	_ =	strace s9  }
0x27: {  	s1 =	sld [smem:$0x3FAA]  }
0x28: {  	s2 =	sld [smem:$0x3FAB]  }
0x29: {  	s4 =	sld [smem:$0x3FAD]  }
0x2a: {  	p0 =	seq.s32 s5, $0x0;
	s5 =	sld [smem:$0x3FAE]  }
0x2b: {  	s6 =	sld [smem:$0x3FAF]  }
0x2c: {  	s7 =	sld [smem:$0x3FB0]  }
0x2d: {  	s3 =	simm.s32 $0x108;
	s8 =	sld [smem:$0x3FB1]  }
0x2e: {  	s3 =	simm.s32 @!p0 $0x1082;
	s9 =	sld [smem:$0x3FB2]  }
0x2f: {  	lr =	sadd.s32 s0, s3;
	s0 =	sld [smem:$0x3FA9]  }
0x30: {  	s3 =	sld [smem:$0x3FAC]  }
0x31: {  	[smem:$0x3FB5] =	sst s10  }
0x32: {  	s10 =	sld [smem:$0x3FB3];
	_ =	sdelay $0x3  }
0x33: {  	p0 =	seq.s32 s10, $0x1;
	s10 =	sld [smem:$0x3FB5];
	_ =	sdelay $0x3  }
0x34: {  	[smem:$0x3FB5] =	sst s10  }
0x35: {  	s10 =	sld [smem:$0x3FB4];
	_ =	sdelay $0x3  }
0x36: {  	p1 =	seq.s32 s10, $0x1;
	s10 =	sld [smem:$0x3FB5];
	_ =	sdelay $0x3  }
0x37: {  	[smem:$0x3FB5] =	sst s10  }
0x38: {  	s10 =	sld [smem:$0x3FB6]  }
0x39: {  	_ = 	snop;
	(pc) =	sbr.ind lr, $3  }
0x3a: {  	_ = 	snop  }
0x3b: {  	_ = 	snop  }
0x3c: {  	p2 =	seq.s32 s10, $0x1;
	s10 =	sld [smem:$0x3FB5]  }
0x3d: {  	_ =	shalt  }
0x3e: {  	_ =	shalt  }
0x3f: {  	_ =	shalt  }
0x40: {  	_ =	shalt  }
0x41: {  	_ =	shalt  }
0x42: {  	_ =	shalt  }
0x43: {  	_ =	shalt  }
0x44: {  	_ =	shalt  }
0x45: {  	_ =	shalt  }
0x46: {  	_ =	shalt  }
0x47: {  	_ =	shalt  }
0x48: {  	_ =	shalt  }
0x49: {  	_ =	shalt  }
0x4a: {  	_ =	shalt  }
0x4b: {  	_ =	shalt  }
0x4c: {  	_ =	shalt  }
0x4d: {  	_ =	shalt  }
0x4e: {  	_ =	shalt  }
0x4f: {  	_ =	shalt  }
0x50: {  	_ =	shalt  }
0x51: {  	_ =	shalt  }
0x52: {  	_ =	shalt  }
0x53: {  	_ =	shalt  }
0x54: {  	_ =	shalt  }
0x55: {  	_ =	shalt  }
0x56: {  	_ =	shalt  }
0x57: {  	_ =	shalt  }
0x58: {  	_ =	shalt  }
0x59: {  	_ =	shalt  }
0x5a: {  	_ =	shalt  }
0x5b: {  	_ =	shalt  }
0x5c: {  	_ =	shalt  }
0x5d: {  	_ =	shalt  }
0x5e: {  	_ =	shalt  }
0x5f: {  	_ =	shalt  }
0x60: {  	_ =	shalt  }
0x61: {  	_ =	shalt  }
0x62: {  	_ =	shalt  }
0x63: {  	_ =	shalt  }
0x64: {  	_ =	shalt  }
0x65: {  	_ =	shalt  }
0x66: {  	_ =	shalt  }
0x67: {  	_ =	shalt  }
0x68: {  	_ =	shalt  }
0x69: {  	_ =	shalt  }
0x6a: {  	_ =	shalt  }
0x6b: {  	_ =	shalt  }
0x6c: {  	_ =	shalt  }
0x6d: {  	_ =	shalt  }
0x6e: {  	_ =	shalt  }
0x6f: {  	_ =	shalt  }
0x70: {  	_ =	shalt  }
0x71: {  	_ =	shalt  }
0x72: {  	_ =	shalt  }
0x73: {  	_ =	shalt  }
0x74: {  	_ =	shalt  }
0x75: {  	_ =	shalt  }
0x76: {  	_ =	shalt  }
0x77: {  	_ =	shalt  }
0x78: {  	_ =	shalt  }
0x79: {  	_ =	shalt  }
0x7a: {  	_ =	shalt  }
0x7b: {  	_ =	shalt  }
0x7c: {  	_ =	shalt  }
0x7d: {  	_ =	shalt  }
0x7e: {  	_ =	shalt  }
0x7f: {  	_ =	shalt  }
0x80: {  	_ =	shalt  }
0x81: {  	_ =	shalt  }
0x82: {  	_ =	shalt  }
0x83: {  	_ =	shalt  }
0x84: {  	_ =	shalt  }
0x85: {  	_ =	shalt  }
0x86: {  	_ =	shalt  }
0x87: {  	_ =	shalt  }
.Lfunc_end0:
.L_simem_size_0:
called_computation_lowered:
.L_overlay_start_0:
0x88: {  	s2 =	sld [smem:$0x3FD9]  }
0x89: {  	s3 =	sld [smem:$0x3FFE];
	_ =	sdelay $0x1  }
0x8a: {  	s1 =	srdreg.scid  }
0x8b: {  	s0 =	sand.u32 $0x1, s1  }
0x8c: {  	s17 =	sshll.u32 s0, $0xA;
	s2 =	sadd.s32 s3, s2  }
0x8d: {  	s2 =	sadd.s32 s2, s17  }
0x8e: {  	[smem:$0x3FC1] =	sst s2  }
0x8f: {  	_ = 	snop  }
0x90: {  	s2 =	sld [smem:$0x3FD0];
	(tm) =	ssettm $0x1  }
0x91: {  	s18 =	sld [smem:$0x3FFB];
	_ =	sdelay $0x3  }
0x92: {  	_ =	strace s18  }
0x93: {  	s3 =	sld [smem:$0x3FFC];
	_ =	sdelay $0x3  }
0x94: {  	_ =	strace s3  }
0x95: {  	s3 =	sld [smem:$0x3FFD];
	_ =	sdelay $0x3  }
0x96: {  	_ =	strace s3  }
0x97: {  	_ =	strace $0x8FFFFFFF  }
0x98: {  	s19 =	sld [smem:$0x3FDB];
	_ =	sdelay $0x1  }
0x99: {  	s4 =	simm.s32 $_scs_section_size  }
0x9a: {  	s5 =	simm.s32 $_size__tile_overlayer_lowered;
	s6 =	simm.s32 $_tile_overlayer_lowered  }
0x9b: {  	s22 =	simm.s32 $0x1BFF;
	s21 =	sshll.u32 s6, $0x1;
	s3 =	sadd.s32 s4, s19  }
0x9c: {  	s7 =	simm.s32 $0x0;
	s20 =	sshll.u32 s5, $0x1;
	s5 =	sadd.s32 s21, s3  }
0x9d: {  	[timem:s7], [sflag:s22] =	dma.local [hbm:s5], s20  }
0x9e: {  	_ =	swait.ge [sflag:s22], s20  }
0x9f: {  	s4 =	ssub.s32 $0x0, s20;
	[sflag:s22] =	ssyncset.done $0x0  }
0xa0: {  	[sflag:s22] =	ssyncadd.s32 s4;
	_ =	sdelay $0x1  }
0xa1: {  	s23 =	simm.s32 $0x1B8B  }
0xa2: {  	_ =	swait.ge [sflag:s23], $0x1  }
0xa3: {  	[sflag:s23] =	ssyncset.done $0x0  }
0xa4: {  	s25 =	simm.s32 $0x1B8E;
	s24 =	sld [smem:$0x3FFE];
	[sflag:s23] =	ssyncadd.s32 $0xFFFFFFFF  }
0xa5: {  	s26 =	simm.s32 $execute0_lowered;
	[smem:$0x3FD2] =	sst s25  }
0xa6: {  	s5 =	sshll.u32 s26, $0x1;
	_ =	strace $0x80000046;
	[dreg:$0x1] =	wrdreg $0xFFFFFFFF  }
0xa7: {  	s28 =	simm.s32 $_size_execute0_lowered;
	s3 =	sadd.s32 s3, s5;
	[dreg:$0x0] =	wrdreg $0x0  }
0xa8: {  	s5 =	sshll.u32 s28, $0x1;
	[dreg:$0x2] =	wrdreg s3  }
0xa9: {  	[dreg:$0x3] =	wrdreg s5  }
0xaa: {  	[dreg:$0x4] =	wrdreg $0xC0  }
0xab: {  	_ =	task [dreg:s7], $0x5FFFF  }
0xac: {  	[dreg:$0x1] =	wrdreg $0xFFFFFFFF  }
0xad: {  	[dreg:$0x0] =	wrdreg $0x60  }
0xae: {  	[dreg:$0x2] =	wrdreg s2  }
0xaf: {  	[dreg:$0x3] =	wrdreg s24  }
0xb0: {  	[dreg:$0x4] =	wrdreg $0x3800  }
0xb1: {  	[dreg:$0x5] =	wrdreg $0x9  }
0xb2: {  	_ =	task.clear_ibuf [dreg:s7], $0x6FFFF;
	_ =	strace $0x90000046  }
0xb3: {  	s29 =	simm.s32 $0x9;
	_ =	strace $0x80000048  }
0xb4: {  	_ =	swait.ge [sflag:s29], $0x1  }
0xb5: {  	[sflag:s29] =	ssyncadd.s32 $0xFFFFFFFF  }
0xb6: {  	_ =	strace $0x90000048  }
0xb7: {  	_ =	sfence  }
0xb8: {  	s30 =	sld [smem:$0x0];
	_ =	sdelay $0x2  }
0xb9: {  	s31 =	sshll.u32 s1, $0xD;
	s1 =	sshrl.u32 s1, $0x2  }
0xba: {  	s3 =	sand.u32 $0x4000, s31;
	s1 =	sadd.s32 s1, s30  }
0xbb: {  	s0 =	sor.u32 s3, s0;
	s1 =	sshll.u32 s1, $0x11  }
0xbc: {  	s0 =	sor.u32 s1, s0  }
0xbd: {  	s0 =	sadd.s32 $0x8F2B, s0  }
0xbe: {  	[sflag:s0] =	ssyncadd.remote.s32 $0x1  }
0xbf: {  	_ =	sfence.sel $0xFFFF  }
0xc0: {  	[dreg:$0x0] =	wrdreg $0xFFFFFFFF;
	(pc) =	sbr.abs _section_cstart, $3  }
0xc1: {  	[dreg:$0x1] =	wrdreg $0xFFFFFFFF  }
0xc2: {  	_ =	task.clear_ibuf [dreg:s7], $0x2FFFF;
	_ =	strace $0x9FFFFFFF  }
0xc3: {  	(tm) =	ssettm $0x7FFFFFFF  }
tec
execute0_lowered:
.L_overlay_start_1:
0x0: {  	(tag) =	ssettag $0x1  }
0x1: {  	s6 =	rddreg [dreg:$0x0]  }
0x2: {  	s4 =	rddreg [dreg:$0x1]  }
0x3: {  	s2 =	rddreg [dreg:$0x2]  }
0x4: {  	s0 =	rddreg [dreg:$0x3]  }
0x5: {  	s1 =	stileid.u32;
	s5 =	srdreg.scid  }
0x6: {  	s3 =	simm.s32 $0x0;
	s14 =	simm.s32 $0x20;
	s7 =	smul.u32 $0x500, s1  }
0x7: {  	s15 =	simm.s32 $0x10;
	s16 =	simm.s32 $0x0;
	s8 =	smul.u32 $0x9E0, s1  }
0x8: {  	s5 =	sand.u32 $0x1, s5;
	[smem:$0x7FF] =	sst s3;
	s26 =	smul.u32 $0xA00, s1  }
0x9: {  	s31 =	sshll.u32 s1, $0x6;
	s9 =	sshll.u32 s5, $0x7;
	_ =	strace $0x80000047  }
0xa: {  	s11 =	ssub.s32 $0x2, s5;
	s13 =	smul.u32 $0x4F0, s5;
	s7 =	sor.u32 s9, s7  }
0xb: {  	s10 =	sadd.s32 s8, s4;
	s12 =	sshrl.u32 s11, $0x1;
	s9 =	sshrl.u32 s26, $0x2  }
0xc: {  	s8 =	sadd.s32 s8, s6;
	s7 =	sshrl.u32 s7, $0x3;
	s29 =	ssub.s32 s11, s12  }
0xd: {  	s30 =	sadd.s32 s13, s10;
	s8 =	sadd.s32 s13, s8;
	s10 =	simm.s32 $0x1  }
0xe: {  	s11 =	simm.s32 $0x80;
	s12 =	sor.u32 $0x1C01, s31;
	s28 =	sadd.s32 s7, s4  }
0xf: {  	s4 =	sadd.s32 s9, s2;
	s6 =	smax.u32 s29, $0x1;
	s7 =	sadd.s32 $0x2400, s30  }
0x10: {  	v0 =	vimm.f32 $0.0e+00;
	s9 =	simm.s32 $0x100;
	s5 =	sadd.s32 $0xC200, s28;
	s13 =	sshrl.u32 s4, $0x3  }
.LBB2_1:
0x11: {  	[tilespmem:$0x100] =	vst v0  }
0x12: {  	[tilespmem:$0x110] =	vst v0  }
0x13: {  	[tilespmem:$0x120] =	vst v0  }
0x14: {  	[tilespmem:$0x130] =	vst v0  }
0x15: {  	[tilespmem:$0x140] =	vst v0  }
0x16: {  	[tilespmem:$0x150] =	vst v0  }
0x17: {  	[tilespmem:$0x160] =	vst v0  }
0x18: {  	[tilespmem:$0x170] =	vst v0  }
0x19: {  	[tilespmem:$0x180] =	vst v0  }
0x1a: {  	[tilespmem:$0x190] =	vst v0  }
0x1b: {  	[tilespmem:$0x1A0] =	vst v0  }
0x1c: {  	[tilespmem:$0x1B0] =	vst v0  }
0x1d: {  	[tilespmem:$0x1C0] =	vst v0  }
0x1e: {  	[tilespmem:$0x1D0] =	vst v0  }
0x1f: {  	[tilespmem:$0x1E0] =	vst v0  }
0x20: {  	[tilespmem:$0x1F0] =	vst v0  }
0x21: {  	[tilespmem:$0x200] =	vst v0  }
0x22: {  	[tilespmem:$0x210] =	vst v0  }
0x23: {  	[tilespmem:$0x220] =	vst v0  }
0x24: {  	[tilespmem:$0x230] =	vst v0  }
0x25: {  	[tilespmem:$0x240] =	vst v0  }
0x26: {  	[tilespmem:$0x250] =	vst v0  }
0x27: {  	[tilespmem:$0x260] =	vst v0  }
0x28: {  	[tilespmem:$0x270] =	vst v0  }
0x29: {  	[tilespmem:$0x280] =	vst v0  }
0x2a: {  	[tilespmem:$0x290] =	vst v0  }
0x2b: {  	[tilespmem:$0x2A0] =	vst v0  }
0x2c: {  	[tilespmem:$0x2B0] =	vst v0  }
0x2d: {  	[tilespmem:$0x2C0] =	vst v0  }
0x2e: {  	[tilespmem:$0x2D0] =	vst v0  }
0x2f: {  	[tilespmem:$0x2E0] =	vst v0  }
0x30: {  	[tilespmem:$0x2F0] =	vst v0  }
0x31: {  	[tilespmem:$0x300] =	vst v0  }
0x32: {  	[tilespmem:$0x310] =	vst v0  }
0x33: {  	[tilespmem:$0x320] =	vst v0  }
0x34: {  	[tilespmem:$0x330] =	vst v0  }
0x35: {  	[tilespmem:$0x340] =	vst v0  }
0x36: {  	[tilespmem:$0x350] =	vst v0  }
0x37: {  	[tilespmem:$0x360] =	vst v0  }
0x38: {  	[tilespmem:$0x370] =	vst v0  }
0x39: {  	[spmem:s4] =	stream.linear.scatter [tilespmem:s9], [sflag:$0x1], $0x280, $0x38;
	[tilespmem:$0x600] =	vst v63  }
0x3a: {  	_ =	swait.ge [sflag:s10], $0x280  }
0x3b: {  	[sflag:s10] =	ssyncset.done $0x0  }
0x3c: {  	[sflag:s10] =	ssyncadd.s32 $0xFFFFFD80  }
0x3d: {  	s17 =	sadd.s32 $0x0, s8;
	[bflag:$0x0] =	sbarrier.arrive $0xFFFF  }
0x3e: {  	[tilespmem:s3], [sflag:$0x1] =	stream.linear.gather [hbm4b:s17+s3], $0x80, $0x38;
	[tilespmem:$0x600] =	vst v63  }
0x3f: {  	_ =	swait.ge [sflag:s10], $0x80  }
0x40: {  	[sflag:s10] =	ssyncset.done $0x0  }
0x41: {  	s31 =	sadd.s32 $0x0, s7;
	[sflag:s10] =	ssyncadd.s32 $0xFFFFFF80  }
0x42: {  	[tilespmem:s11], [sflag:$0x1] =	stream.linear.gather [hbm4b:s31+s3], $0x80, $0x38;
	[tilespmem:$0x600] =	vst v63  }
0x43: {  	_ =	swait.ge [sflag:s10], $0x80  }
0x44: {  	[sflag:s10] =	ssyncset.done $0x0  }
0x45: {  	[sflag:s10] =	ssyncadd.s32 $0xFFFFFF80  }
0x46: {  	[spmem:s2] =	stream.indirect.scatter.add.f32 [tilespmem:s11], [sflag:$0x1], $0x1, s3, s11, $0xb8;
	[tilespmem:$0x600] =	vst v63  }
0x47: {  	_ =	swait.ge [sflag:s10], $0x80  }
0x48: {  	s18 =	simm.s32 $0x20;
	s17 =	simm.s32 $0x10;
	[sflag:s10] =	ssyncset.done $0x0  }
.LBB2_2:
0x49: {  	s19 =	sadd.s32 s17, s8  }
0x4a: {  	[sflag:s10] =	ssyncadd.s32 $0xFFFFFF80;
	s20 =	smov.u32 s18;
	s21 =	sadd.s32 $0x10, s18  }
0x4b: {  	[tilespmem:s3], [sflag:$0x1] =	stream.linear.gather [hbm4b:s19+s3], $0x80, $0x38;
	[tilespmem:$0x600] =	vst v63  }
0x4c: {  	p0 =	sne.s32 s18, $0x4E0;
	_ =	swait.ge [sflag:s10], $0x80  }
0x4d: {  	[sflag:s10] =	ssyncset.done $0x0  }
0x4e: {  	s18 =	sadd.s32 s17, s7;
	s17 =	smov.u32 s20;
	[sflag:s10] =	ssyncadd.s32 $0xFFFFFF80  }
0x4f: {  	[tilespmem:s11], [sflag:$0x1] =	stream.linear.gather [hbm4b:s18+s3], $0x80, $0x38;
	[tilespmem:$0x600] =	vst v63  }
0x50: {  	_ =	swait.ge [sflag:s10], $0x80  }
.Ltmp0:
0x51: {  	[sflag:s10] =	ssyncset.done $0x0;
	(pc) =	sbr.rel @p0 .LBB2_2-.Ltmp0, $4  }
0x52: {  	[sflag:s10] =	ssyncadd.s32 $0xFFFFFF80  }
0x53: {  	[spmem:s2] =	stream.indirect.scatter.add.f32 [tilespmem:s11], [sflag:$0x1], $0x1, s3, s11, $0xb8;
	[tilespmem:$0x600] =	vst v63  }
0x54: {  	_ =	swait.ge [sflag:s10], $0x80  }
0x55: {  	s18 =	smov.u32 s21;
	[sflag:s10] =	ssyncset.done $0x0  }
0x56: {  	s18 =	sadd.s32 s17, s8;
	[sflag:s10] =	ssyncadd.s32 $0xFFFFFF80  }
0x57: {  	[tilespmem:s3], [sflag:$0x1] =	stream.linear.gather [hbm4b:s18+s3], $0x80, $0x38;
	[tilespmem:$0x600] =	vst v63  }
0x58: {  	_ =	swait.ge [sflag:s10], $0x80  }
0x59: {  	[sflag:s10] =	ssyncset.done $0x0  }
0x5a: {  	s31 =	sadd.s32 s17, s7;
	[sflag:s10] =	ssyncadd.s32 $0xFFFFFF80  }
0x5b: {  	[tilespmem:s11], [sflag:$0x1] =	stream.linear.gather [hbm4b:s31+s3], $0x80, $0x38;
	[tilespmem:$0x600] =	vst v63  }
0x5c: {  	_ =	swait.ge [sflag:s10], $0x80  }
0x5d: {  	[sflag:s10] =	ssyncset.done $0x0  }
0x5e: {  	[sflag:s10] =	ssyncadd.s32 $0xFFFFFF80  }
0x5f: {  	[spmem:s2] =	stream.indirect.scatter.add.f32 [tilespmem:s11], [sflag:$0x1], $0x1, s3, s11, $0xb8;
	[tilespmem:$0x600] =	vst v63  }
0x60: {  	_ =	swait.ge [sflag:s10], $0x80  }
0x61: {  	s16 =	sadd.s32 $0x1, s16;
	[sflag:s10] =	ssyncset.done $0x0  }
0x62: {  	p0 =	sne.s32 s16, s6;
	[sflag:s10] =	ssyncadd.s32 $0xFFFFFF80  }
.Ltmp1:
0x63: {  	[bflag:$0x0] =	sbarrier.arrive $0xFFFF;
	(pc) =	sbr.rel @p0 .LBB2_1-.Ltmp1, $4  }
0x64: {  	[hbm:s5@s14], [sflag:s12] =	dma.strided [spmem:s13@s15], $0x50, s10, $0x10   }
0x65: {  	_ =	swait.ge [sflag:s10], $0x50  }
0x66: {  	[sflag:s10] =	ssyncset.done $0x0  }
0x67: {  	[sflag:s10] =	ssyncadd.s32 $0xFFFFFFB0  }
0x68: {  	_ =	sfence.sel $0x180000  }
0x69: {  	[bflag:$0x0] =	sbarrier.arrive $0xFFFF  }
0x6a: {  	p0 =	sne.s32 s1, $0x0;
	_ =	strace $0x90000047  }
0x6b: {  	s0 =	sadd.s32 @!p0 $0x100000, s0;
	[bflag:$0x2] =	sbarrier.arrive $0xFFFF  }
0x6c: {  	[sflag:s0] =	ssyncadd.tile.s32 @!p0 $0x1;
	_ =	shalt  }
.Lfunc_end2:
_tile_overlayer_lowered:
.L_overlay_start_2:
0x6d: {  	(tag) =	ssettag $0x2  }
0x6e: {  	s0 =	rddreg [dreg:$0x0];
	s2 =	stileid.u32  }
0x6f: {  	s1 =	rddreg [dreg:$0x1];
	p0 =	sne.s32 s2, $0x0  }
0x70: {  	s3 =	rddreg [dreg:$0x2];
	[bflag:$0x3] =	sbarrier.arrive $0xFFFF;
	s2 =	simm.s32 @!p0 $0x1C01  }
0x71: {  	[timem:s3], [sflag:s2] =	dma.local @!p0 [hbm:s0], s1  }
0x72: {  	s0 =	simm.s32 @!p0 $0x1  }
0x73: {  	_ =	swait.ge @!p0 [sflag:s0], s1  }
0x74: {  	s1 =	ssub.s32 @!p0 $0x0, s1;
	[sflag:s0] =	ssyncset.done @!p0 $0x0  }
0x75: {  	[sflag:s0] =	ssyncadd.s32 @!p0 s1  }
0x76: {  	[bflag:$0x3] =	sbarrier.arrive $0xFFFF  }
0x77: {  	_ =	shalt  }

</sc_bundles>
